<compile_context>
chip_gen: v7x
topology: tpu7x:2x2x1
jax: 0.10.2.dev20260603
libtpu: 0.0.44.dev20260713+nightly
codegen_flags: <defaults>
</compile_context>

<pallas_src>
import functools

import jax
import jax.numpy as jnp
from jax import lax
from jax.experimental import pallas as pl
from jax.experimental.pallas import tpu as pltpu
from jax.experimental.pallas import tpu_sc as plsc

N = 50000
E = 800000
NT = 32
NO = 8
NQ = 4
ES = E // NQ
C = 4000
NCHUNK = ES // C
NPAIR = NCHUNK // 2
E_PAD = 819200
EB = 8192

SEGC = 12544
SEGD = 1664

_SC_PARAMS = pltpu.CompilerParams(needs_layout_passes=False)


def _elu16(h):
    return jnp.where(h > 0, h, jnp.exp(jnp.minimum(h, 0.0)) - 1.0)



def _phase_a_body(pt_ref, mt_ref, *bt_refs):
    pt = pt_ref[...]
    v = pt * 4.0
    io8 = lax.broadcasted_iota(jnp.int32, (8, EB), 0).astype(jnp.float32)

    def cdim(d):
        return jnp.maximum(1.0 - jnp.abs(io8 - v[d:d + 1]), 0.0)

    c0 = cdim(0)
    c1 = cdim(1)
    c2 = cdim(2)
    c12 = (c2[:, None, :] * c1[None, :, :]).reshape(64, EB)
    dt = jax.lax.dot_general(mt_ref[...], c12, (((1,), (0,)), ((), ())),
                             preferred_element_type=jnp.float32)
    acc = dt[0:16] * c0[0:1]
    for i in range(1, 5):
        acc = acc + dt[i * 16:(i + 1) * 16] * c0[i:i + 1]
    for r in range(16):
        bt_refs[r][...] = acc[r]


def _phase_a(pseudo_t, mth):
    return pl.pallas_call(
        _phase_a_body,
        grid=(E_PAD // EB,),
        in_specs=[pl.BlockSpec((3, EB), lambda i: (0, i)),
                  pl.BlockSpec((80, 64), lambda i: (0, 0))],
        out_specs=[pl.BlockSpec((EB,), lambda i: (i,)) for _ in range(16)],
        out_shape=[jax.ShapeDtypeStruct((E_PAD,), jnp.float32)
                   for _ in range(16)],
    )(pseudo_t, mth)



def _make_sc_layer(table_rows):
    mesh = plsc.VectorSubcoreMesh(core_axis_name="c", subcore_axis_name="s")

    @functools.partial(
        pl.kernel,
        mesh=mesh,
        compiler_params=_SC_PARAMS,
        out_type=jax.ShapeDtypeStruct((NT * N,), jnp.float32),
        scratch_types=[
            pltpu.VMEM((N,), jnp.float32),
            pltpu.VMEM((N,), jnp.float32),
            pltpu.VMEM((C,), jnp.int32),
            pltpu.VMEM((C,), jnp.int32),
            pltpu.VMEM((C,), jnp.float32),
            pltpu.VMEM((C,), jnp.int32),
            pltpu.VMEM((C,), jnp.int32),
            pltpu.VMEM((C,), jnp.float32),
            pltpu.SemaphoreType.DMA,
            pltpu.SemaphoreType.DMA,
        ],
    )
    def sc_layer(table_hbm, src_hbm, dst_hbm, b0, b1, b2, b3, b4, b5, b6, b7,
                 out_hbm, tab_v, agg_v, sA, dA, bA, sB, dB, bB, semA, semB):
        brows = (b0, b1, b2, b3, b4, b5, b6, b7)
        wid = lax.axis_index("s") * 2 + lax.axis_index("c")
        o = wid % NO
        q = wid // NO
        if table_rows == NO:
            pltpu.sync_copy(table_hbm.at[pl.ds(o * N, N)], tab_v)
        else:
            pltpu.sync_copy(table_hbm, tab_v)
        zeros16 = jnp.zeros((16,), jnp.float32)

        @plsc.parallel_loop(0, N, step=16, unroll=8)
        def _zero(i):
            agg_v[pl.ds(i, 16)] = zeros16

        ebase = q * ES

        def fire(sv, dv, bv, sem, off):
            pltpu.async_copy(src_hbm.at[pl.ds(off, C)], sv, sem)
            pltpu.async_copy(dst_hbm.at[pl.ds(off, C)], dv, sem)
            for r in range(NO):
                @pl.when(o == r)
                def _(_r=r):
                    pltpu.async_copy(brows[_r].at[pl.ds(off, C)], bv, sem)

        def wait(sv, dv, bv, sem):
            pltpu.make_async_copy(src_hbm.at[pl.ds(0, C)], sv, sem).wait()
            pltpu.make_async_copy(dst_hbm.at[pl.ds(0, C)], dv, sem).wait()
            pltpu.make_async_copy(b0.at[pl.ds(0, C)], bv, sem).wait()

        def compute(sv, dv, bv):
            @plsc.parallel_loop(0, C, step=16, unroll=5)
            def _inner(j):
                sl = pl.ds(j, 16)
                si = sv[sl]
                xs = plsc.load_gather(tab_v, [si])
                msg = xs * bv[sl]
                di = dv[sl]
                plsc.addupdate_scatter(agg_v, [di], msg)

        fire(sA, dA, bA, semA, pl.multiple_of(ebase, 8))

        def pair(k, carry):
            fire(sB, dB, bB, semB,
                 pl.multiple_of(ebase + (2 * k + 1) * C, 8))
            wait(sA, dA, bA, semA)
            compute(sA, dA, bA)

            @pl.when(k < NPAIR - 1)
            def _():
                fire(sA, dA, bA, semA,
                     pl.multiple_of(ebase + (2 * k + 2) * C, 8))

            wait(sB, dB, bB, semB)
            compute(sB, dB, bB)
            return carry

        lax.fori_loop(0, NPAIR, pair, 0)
        pltpu.sync_copy(agg_v, out_hbm.at[pl.ds(wid * N, N)])

    return sc_layer


_sc_layer1 = _make_sc_layer(1)
_sc_layer2 = _make_sc_layer(NO)



def _make_sc_combine1():
    mesh = plsc.VectorSubcoreMesh(core_axis_name="c", subcore_axis_name="s")

    @functools.partial(
        pl.kernel,
        mesh=mesh,
        compiler_params=_SC_PARAMS,
        out_type=jax.ShapeDtypeStruct((NO * N,), jnp.float32),
        scratch_types=[
            pltpu.VMEM(((NQ + 1) * SEGC,), jnp.float32),
            pltpu.VMEM((SEGC,), jnp.float32),
            pltpu.VMEM((16,), jnp.float32),
            pltpu.VMEM((16,), jnp.float32),
            pltpu.SemaphoreType.DMA,
        ],
    )
    def sc_c(p_hbm, x_hbm, rb_hbm, bb_hbm, out_hbm, buf_v, out_v, r_v, b_v,
             sem):
        wid = lax.axis_index("s") * 2 + lax.axis_index("c")
        o = wid % NO
        q = wid // NO
        start = pl.multiple_of(
            jnp.minimum(q * SEGC, N - SEGC).astype(jnp.int32), 16)
        pltpu.sync_copy(rb_hbm.at[pl.ds(o * 16, 16)], r_v)
        pltpu.sync_copy(bb_hbm.at[pl.ds(o * 16, 16)], b_v)
        cps = []
        for j in range(NQ):
            cps.append(pltpu.async_copy(
                p_hbm.at[pl.ds((j * NO + o) * N + start, SEGC)],
                buf_v.at[pl.ds(j * SEGC, SEGC)], sem))
        cps.append(pltpu.async_copy(x_hbm.at[pl.ds(start, SEGC)],
                                    buf_v.at[pl.ds(NQ * SEGC, SEGC)], sem))
        for cp in cps:
            cp.wait()
        rv = r_v[...]
        bv = b_v[...]

        def fbody(k, carry):
            s = buf_v[pl.ds(k * 16, 16)]
            for j in range(1, NQ):
                s = s + buf_v[pl.ds(j * SEGC + k * 16, 16)]
            h = s + buf_v[pl.ds(NQ * SEGC + k * 16, 16)] * rv + bv
            out_v[pl.ds(k * 16, 16)] = _elu16(h)
            return carry

        lax.fori_loop(0, SEGC // 16, fbody, 0, unroll=4)
        pltpu.sync_copy(out_v, out_hbm.at[pl.ds(o * N + start, SEGC)])

    return sc_c


_sc_combine1 = _make_sc_combine1()



def _make_sc_combine2():
    mesh = plsc.VectorSubcoreMesh(core_axis_name="c", subcore_axis_name="s")

    @functools.partial(
        pl.kernel,
        mesh=mesh,
        compiler_params=_SC_PARAMS,
        out_type=jax.ShapeDtypeStruct((N,), jnp.float32),
        scratch_types=[
            pltpu.VMEM(((NT + NO) * SEGD,), jnp.float32),
            pltpu.VMEM((SEGD,), jnp.float32),
            pltpu.VMEM((128,), jnp.float32),
            pltpu.VMEM((16,), jnp.float32),
            pltpu.SemaphoreType.DMA,
        ],
    )
    def sc_d(p_hbm, h_hbm, rb_hbm, bb_hbm, out_hbm, buf_v, acc_v, r_v, b_v,
             sem):
        wid = lax.axis_index("s") * 2 + lax.axis_index("c")
        start = pl.multiple_of(
            jnp.minimum(wid * SEGD, N - SEGD).astype(jnp.int32), 16)
        pltpu.sync_copy(rb_hbm, r_v)
        pltpu.sync_copy(bb_hbm, b_v)
        cps = []
        for j in range(NT):
            cps.append(pltpu.async_copy(
                p_hbm.at[pl.ds(j * N + start, SEGD)],
                buf_v.at[pl.ds(j * SEGD, SEGD)], sem))
        for o2 in range(NO):
            cps.append(pltpu.async_copy(
                h_hbm.at[pl.ds(o2 * N + start, SEGD)],
                buf_v.at[pl.ds((NT + o2) * SEGD, SEGD)], sem))
        for cp in cps:
            cp.wait()
        rv = [r_v[pl.ds(o2 * 16, 16)] for o2 in range(NO)]
        bv = b_v[...]

        def fbody(k, carry):
            s = buf_v[pl.ds(k * 16, 16)]
            for j in range(1, NT):
                s = s + buf_v[pl.ds(j * SEGD + k * 16, 16)]
            for o2 in range(NO):
                s = s + buf_v[pl.ds((NT + o2) * SEGD + k * 16, 16)] * rv[o2]
            acc_v[pl.ds(k * 16, 16)] = _elu16(s + bv)
            return carry

        lax.fori_loop(0, SEGD // 16, fbody, 0)
        pltpu.sync_copy(acc_v, out_hbm.at[pl.ds(start, SEGD)])

    return sc_d


_sc_combine2 = _make_sc_combine2()



def kernel(x, edge_index, pseudo, W1, root1, bias1, W2, root2, bias2):
    src = edge_index[0].astype(jnp.int32)
    dst = edge_index[1].astype(jnp.int32)
    pseudo_t = jnp.pad(pseudo.T, ((0, 0), (0, E_PAD - E)))
    wcat = jnp.concatenate([W1[:, 0, :], W2[:, :, 0]], axis=1)
    mt25 = wcat.reshape(5, 5, 5, 16).reshape(25, 80).T
    cols = jnp.array([8 * (m // 5) + m % 5 for m in range(25)], jnp.int32)
    mt = jnp.zeros((80, 64), jnp.float32).at[:, cols].set(mt25)
    xf = x.reshape(-1)
    rb1 = jnp.tile(root1.reshape(NO, 1), (1, 16)).reshape(-1)
    bb1 = jnp.tile(bias1.reshape(NO, 1), (1, 16)).reshape(-1)
    rb2 = jnp.tile(root2.reshape(NO, 1), (1, 16)).reshape(-1)
    bb2 = jnp.broadcast_to(bias2, (16,)).astype(jnp.float32)

    bt = _phase_a(pseudo_t, mt)
    p1 = _sc_layer1(xf, src, dst, *bt[0:8])
    htf = _sc_combine1(p1, xf, rb1, bb1)
    p2 = _sc_layer2(htf, src, dst, *bt[8:16])
    return _sc_combine2(p2, htf, rb2, bb2)

# --- scband reference (transcript-rebuilt; emitter-appended) ---
"""Pipeline reference for scband-net-3393024164211 (READ-ONLY COPY).

The authoritative reference and input builder live on the scoring server;
editing this copy changes nothing except your own understanding.
"""

import jax, jax.numpy as jnp
import numpy as np

K = 5        # kernel_size per dim
DEGREE = 1   # default B-spline degree in SplineConv
DIM = 3      # pseudo-coordinate dimensionality


def spline_basis(pseudo):
    # Open B-spline basis of degree 1 over [0,1]^DIM (torch_spline_conv semantics).
    E = pseudo.shape[0]
    v = pseudo * (K - DEGREE)
    fl = jnp.floor(v)
    frac = v - fl
    k0 = jnp.clip(fl.astype(jnp.int32), 0, K - 1 - DEGREE)  # [E, DIM]
    S = (DEGREE + 1) ** DIM  # 8 contributing kernel weights per edge
    bits = np.stack(np.meshgrid(*([np.arange(DEGREE + 1)] * DIM), indexing='ij'), -1).reshape(S, DIM)
    basis = jnp.ones((E, S), dtype=pseudo.dtype)
    wi = jnp.zeros((E, S), dtype=jnp.int32)
    for d in range(DIM):
        b = bits[:, d]              # [S]
        f = frac[:, d:d + 1]        # [E,1]
        bd = jnp.where(b[None, :] == 0, 1.0 - f, f)  # degree-1 basis per dim
        basis = basis * bd
        wi = wi + (k0[:, d:d + 1] + b[None, :]) * (K ** d)
    return basis, wi


def spline_conv(x, edge_index, basis, wi, W, root, bias):
    # norm=False in old SplineConv => plain sum aggregation (no degree normalization)
    src = edge_index[0]
    dst = edge_index[1]
    xj = x[src]  # gather source-node features  [E, in]
    S = basis.shape[1]
    msg = jnp.zeros((xj.shape[0], W.shape[2]), dtype=x.dtype)
    for s in range(S):
        Ws = W[wi[:, s]]  # gather kernel weights [E, in, out]
        msg = msg + basis[:, s:s + 1] * jnp.einsum('ei,eio->eo', xj, Ws)
    agg = jax.ops.segment_sum(msg, dst, num_segments=x.shape[0])  # scatter-add to dst nodes
    return agg + x @ root + bias


def setup_inputs(seed: int = 0):
    key = jax.random.key(seed)
    ks = jax.random.split(key, 8)
    N = 50000
    E = 800000
    KP = K ** DIM  # 125
    x = jax.random.normal(ks[0], (N, 1), dtype=jnp.float32)
    # int64 requested; without x64 this silently stays int32, which is fine for indexing
    edge_index = jax.random.randint(ks[1], (2, E), 0, N).astype(jnp.int64)
    pseudo = jax.random.uniform(ks[2], (E, DIM), dtype=jnp.float32)
    W1 = jax.random.normal(ks[3], (KP, 1, 8), dtype=jnp.float32) * 0.1
    root1 = jax.random.normal(ks[4], (1, 8), dtype=jnp.float32) * 0.1
    bias1 = jnp.zeros((8,), dtype=jnp.float32)
    W2 = jax.random.normal(ks[5], (KP, 8, 1), dtype=jnp.float32) * 0.1
    root2 = jax.random.normal(ks[6], (8, 1), dtype=jnp.float32) * 0.1
    bias2 = jnp.zeros((1,), dtype=jnp.float32)
    return {"x": x, "edge_index": edge_index, "pseudo": pseudo,
            "W1": W1, "root1": root1, "bias1": bias1,
            "W2": W2, "root2": root2, "bias2": bias2}


def reference(x, edge_index, pseudo, W1, root1, bias1, W2, root2, bias2):
    basis, wi = spline_basis(pseudo)
    h = jax.nn.elu(spline_conv(x, edge_index, basis, wi, W1, root1, bias1))
    out = jax.nn.elu(spline_conv(h, edge_index, basis, wi, W2, root2, bias2)).reshape(-1)
    return out

if __name__ == "__main__":
    import jax
    _d = setup_inputs()
    print(jax.jit(kernel)(*tuple(_d.values())))

</pallas_src>

<mosaic_0001>
#map = affine_map<(d0, d1) -> (0)>
module attributes {stable_mosaic.version = 14 : i64} {
  func.func @sc_layer(%arg0: i32, %arg1: i32, %arg2: memref<400000xf32, #tpu.memory_space<hbm>>, %arg3: memref<800000xi32, #tpu.memory_space<hbm>>, %arg4: memref<800000xi32, #tpu.memory_space<hbm>>, %arg5: memref<819200xf32, #tpu.memory_space<hbm>>, %arg6: memref<819200xf32, #tpu.memory_space<hbm>>, %arg7: memref<819200xf32, #tpu.memory_space<hbm>>, %arg8: memref<819200xf32, #tpu.memory_space<hbm>>, %arg9: memref<819200xf32, #tpu.memory_space<hbm>>, %arg10: memref<819200xf32, #tpu.memory_space<hbm>>, %arg11: memref<819200xf32, #tpu.memory_space<hbm>>, %arg12: memref<819200xf32, #tpu.memory_space<hbm>>, %arg13: memref<1600000xf32, #tpu.memory_space<hbm>>, %arg14: memref<50000xf32, #tpu.memory_space<vmem>>, %arg15: memref<50000xf32, #tpu.memory_space<vmem>>, %arg16: memref<4000xi32, #tpu.memory_space<vmem>>, %arg17: memref<4000xi32, #tpu.memory_space<vmem>>, %arg18: memref<4000xf32, #tpu.memory_space<vmem>>, %arg19: memref<4000xi32, #tpu.memory_space<vmem>>, %arg20: memref<4000xi32, #tpu.memory_space<vmem>>, %arg21: memref<4000xf32, #tpu.memory_space<vmem>>, %arg22: memref<!tpu.dma_semaphore, #tpu.memory_space<semaphore_mem>>, %arg23: memref<!tpu.dma_semaphore, #tpu.memory_space<semaphore_mem>>) attributes {dimension_semantics = [#tpu.dimension_semantics<core_parallel>, #tpu.dimension_semantics<subcore_parallel>], iteration_bounds = array<i64: 2, 16>, scalar_prefetch = 0 : i64, scratch_operands = 10 : i64, tpu.core_type = #tpu.core_type<sc_vector_subcore>, window_params = [{transform_indices = #map}, {transform_indices = #map}, {transform_indices = #map}, {transform_indices = #map}, {transform_indices = #map}, {transform_indices = #map}, {transform_indices = #map}, {transform_indices = #map}, {transform_indices = #map}, {transform_indices = #map}, {transform_indices = #map}, {transform_indices = #map}]} {
    %mul3A = arith.constant 2 : i32
    %mul3A_0 = arith.muli %arg1, %mul3A : i32
    %add3A = arith.addi %mul3A_0, %arg0 : i32
    %jit3A = arith.constant 8 : i32
    %eq3A = arith.constant 0 : i32
    %eq3A_1 = arith.cmpi eq, %jit3A, %eq3A : i32
    %jit3A_2 = arith.constant 1 : i32
    %select_n3A = arith.select %eq3A_1, %jit3A_2, %jit3A : i32
    %rem3A = arith.remsi %add3A, %select_n3A : i32
    %ne3A = arith.constant 0 : i32
    %ne3A_3 = arith.cmpi ne, %rem3A, %ne3A : i32
    %lt3A = arith.constant 0 : i32
    %lt3A_4 = arith.cmpi slt, %rem3A, %lt3A : i32
    %lt3A_5 = arith.constant 0 : i32
    %lt3A_6 = arith.cmpi slt, %select_n3A, %lt3A_5 : i32
    %ne3A_7 = arith.xori %lt3A_4, %lt3A_6 : i1
    %and3A = arith.andi %ne3A_7, %ne3A_3 : i1
    %add3A_8 = arith.addi %rem3A, %select_n3A : i32
    %select_n3A_9 = arith.select %and3A, %add3A_8, %rem3A : i32
    %jit3A_10 = arith.constant 8 : i32
    %div3A = arith.divsi %add3A, %jit3A_10 : i32
    %sign3A = arith.constant 0 : i32
    %sign3A_11 = arith.cmpi sgt, %add3A, %sign3A : i32
    %sign3A_12 = arith.extui %sign3A_11 : i1 to i32
    %sign3A_13 = arith.constant 0 : i32
    %sign3A_14 = arith.cmpi slt, %add3A, %sign3A_13 : i32
    %sign3A_15 = arith.extui %sign3A_14 : i1 to i32
    %sign3A_16 = arith.subi %sign3A_12, %sign3A_15 : i32
    %sign3A_17 = arith.constant 0 : i32
    %sign3A_18 = arith.cmpi sgt, %jit3A_10, %sign3A_17 : i32
    %sign3A_19 = arith.extui %sign3A_18 : i1 to i32
    %sign3A_20 = arith.constant 0 : i32
    %sign3A_21 = arith.cmpi slt, %jit3A_10, %sign3A_20 : i32
    %sign3A_22 = arith.extui %sign3A_21 : i1 to i32
    %sign3A_23 = arith.subi %sign3A_19, %sign3A_22 : i32
    %ne3A_24 = arith.cmpi ne, %sign3A_16, %sign3A_23 : i32
    %rem3A_25 = arith.remsi %add3A, %jit3A_10 : i32
    %ne3A_26 = arith.constant 0 : i32
    %ne3A_27 = arith.cmpi ne, %rem3A_25, %ne3A_26 : i32
    %and3A_28 = arith.andi %ne3A_24, %ne3A_27 : i1
    %sub3A = arith.constant 1 : i32
    %sub3A_29 = arith.subi %div3A, %sub3A : i32
    %select_n3A_30 = arith.select %and3A_28, %sub3A_29, %div3A : i32
    %mul3A_31 = arith.constant 50000 : i32
    %mul3A_32 = arith.muli %select_n3A_9, %mul3A_31 : i32
    "tpu.region"() ({
      %run_scoped3A = tpu.sem_alloc : memref<!tpu.dma_semaphore, #tpu.memory_space<semaphore_mem>>
      %dma_start3A_86 = tpu.memref_slice %arg2[%mul3A_32] : memref<400000xf32, #tpu.memory_space<hbm>> -> memref<50000xf32, #tpu.memory_space<hbm>>
      %dma_start3A_87 = tpu.memref_slice %arg2[%mul3A_32] : memref<400000xf32, #tpu.memory_space<hbm>> -> memref<50000xf32, #tpu.memory_space<hbm>>
      tpu.enqueue_dma source(%dma_start3A_87 : memref<50000xf32, #tpu.memory_space<hbm>>) target(%arg14 : memref<50000xf32, #tpu.memory_space<vmem>>) target_semaphore(%run_scoped3A : memref<!tpu.dma_semaphore, #tpu.memory_space<semaphore_mem>>)
      %dma_wait3A = tpu.memref_slice %arg2[%mul3A_32] : memref<400000xf32, #tpu.memory_space<hbm>> -> memref<50000xf32, #tpu.memory_space<hbm>>
      %dma_wait3A_88 = tpu.memref_slice %arg2[%mul3A_32] : memref<400000xf32, #tpu.memory_space<hbm>> -> memref<50000xf32, #tpu.memory_space<hbm>>
      tpu.wait_dma2 semaphore(%run_scoped3A : memref<!tpu.dma_semaphore, #tpu.memory_space<semaphore_mem>>) src(%dma_wait3A_88 : memref<50000xf32, #tpu.memory_space<hbm>>) dst(%arg14 : memref<50000xf32, #tpu.memory_space<vmem>>)
      tpu.yield
    }) : () -> ()
    %broadcast_in_dim3A = arith.constant 0.000000e+00 : f32
    %broadcast_in_dim3A_33 = vector.broadcast %broadcast_in_dim3A : f32 to vector<16xf32>
    %parallel_loop3A = arith.constant 0 : i32
    %parallel_loop3A_34 = arith.constant 50000 : i32
    %parallel_loop3A_35 = arith.constant 16 : i32
    scf.for %parallel_loop3A_86 = %parallel_loop3A to %parallel_loop3A_34 step %parallel_loop3A_35  : i32 {
      %parallel_loop3A_87 = arith.index_cast %parallel_loop3A_86 : i32 to index
      %parallel_loop3A_88 = tpu.vector_load %arg15[%parallel_loop3A_87] {strides = array<i32>} : memref<50000xf32, #tpu.memory_space<vmem>>, vector<16xf32>,
      tpu.vector_store %arg15[%parallel_loop3A_87], %broadcast_in_dim3A_33 {strides = array<i32>} : memref<50000xf32, #tpu.memory_space<vmem>>, vector<16xf32>,
    } {sc.loop_unroll_factor = 8 : i64, sc.parallel_access}
    %mul3A_36 = arith.constant 200000 : i32
    %mul3A_37 = arith.muli %select_n3A_30, %mul3A_36 : i32
    %multiple_of3A = tpu.assume_multiple %mul3A_37, 8 : i32
    %dma_start3A = tpu.memref_slice %arg3[%multiple_of3A] : memref<800000xi32, #tpu.memory_space<hbm>> -> memref<4000xi32, #tpu.memory_space<hbm>>
    %dma_start3A_38 = tpu.memref_slice %arg3[%multiple_of3A] : memref<800000xi32, #tpu.memory_space<hbm>> -> memref<4000xi32, #tpu.memory_space<hbm>>
    tpu.enqueue_dma source(%dma_start3A_38 : memref<4000xi32, #tpu.memory_space<hbm>>) target(%arg16 : memref<4000xi32, #tpu.memory_space<vmem>>) target_semaphore(%arg22 : memref<!tpu.dma_semaphore, #tpu.memory_space<semaphore_mem>>)
    %dma_start3A_39 = tpu.memref_slice %arg4[%multiple_of3A] : memref<800000xi32, #tpu.memory_space<hbm>> -> memref<4000xi32, #tpu.memory_space<hbm>>
    %dma_start3A_40 = tpu.memref_slice %arg4[%multiple_of3A] : memref<800000xi32, #tpu.memory_space<hbm>> -> memref<4000xi32, #tpu.memory_space<hbm>>
    tpu.enqueue_dma source(%dma_start3A_40 : memref<4000xi32, #tpu.memory_space<hbm>>) target(%arg17 : memref<4000xi32, #tpu.memory_space<vmem>>) target_semaphore(%arg22 : memref<!tpu.dma_semaphore, #tpu.memory_space<semaphore_mem>>)
    %eq3A_41 = arith.constant 0 : i32
    %eq3A_42 = arith.cmpi eq, %select_n3A_9, %eq3A_41 : i32
    %convert_element_type3A = arith.extui %eq3A_42 : i1 to i32
    %cond3A = arith.constant 0 : i32
    %cond3A_43 = arith.cmpi ne, %convert_element_type3A, %cond3A : i32
    scf.if %cond3A_43 {
      %dma_start3A_86 = tpu.memref_slice %arg5[%multiple_of3A] : memref<819200xf32, #tpu.memory_space<hbm>> -> memref<4000xf32, #tpu.memory_space<hbm>>
      %dma_start3A_87 = tpu.memref_slice %arg5[%multiple_of3A] : memref<819200xf32, #tpu.memory_space<hbm>> -> memref<4000xf32, #tpu.memory_space<hbm>>
      tpu.enqueue_dma source(%dma_start3A_87 : memref<4000xf32, #tpu.memory_space<hbm>>) target(%arg18 : memref<4000xf32, #tpu.memory_space<vmem>>) target_semaphore(%arg22 : memref<!tpu.dma_semaphore, #tpu.memory_space<semaphore_mem>>)
    } else {
    }
    %eq3A_44 = arith.constant 1 : i32
    %eq3A_45 = arith.cmpi eq, %select_n3A_9, %eq3A_44 : i32
    %convert_element_type3A_46 = arith.extui %eq3A_45 : i1 to i32
    %cond3A_47 = arith.constant 0 : i32
    %cond3A_48 = arith.cmpi ne, %convert_element_type3A_46, %cond3A_47 : i32
    scf.if %cond3A_48 {
      %dma_start3A_86 = tpu.memref_slice %arg6[%multiple_of3A] : memref<819200xf32, #tpu.memory_space<hbm>> -> memref<4000xf32, #tpu.memory_space<hbm>>
      %dma_start3A_87 = tpu.memref_slice %arg6[%multiple_of3A] : memref<819200xf32, #tpu.memory_space<hbm>> -> memref<4000xf32, #tpu.memory_space<hbm>>
      tpu.enqueue_dma source(%dma_start3A_87 : memref<4000xf32, #tpu.memory_space<hbm>>) target(%arg18 : memref<4000xf32, #tpu.memory_space<vmem>>) target_semaphore(%arg22 : memref<!tpu.dma_semaphore, #tpu.memory_space<semaphore_mem>>)
    } else {
    }
    %eq3A_49 = arith.constant 2 : i32
    %eq3A_50 = arith.cmpi eq, %select_n3A_9, %eq3A_49 : i32
    %convert_element_type3A_51 = arith.extui %eq3A_50 : i1 to i32
    %cond3A_52 = arith.constant 0 : i32
    %cond3A_53 = arith.cmpi ne, %convert_element_type3A_51, %cond3A_52 : i32
    scf.if %cond3A_53 {
      %dma_start3A_86 = tpu.memref_slice %arg7[%multiple_of3A] : memref<819200xf32, #tpu.memory_space<hbm>> -> memref<4000xf32, #tpu.memory_space<hbm>>
      %dma_start3A_87 = tpu.memref_slice %arg7[%multiple_of3A] : memref<819200xf32, #tpu.memory_space<hbm>> -> memref<4000xf32, #tpu.memory_space<hbm>>
      tpu.enqueue_dma source(%dma_start3A_87 : memref<4000xf32, #tpu.memory_space<hbm>>) target(%arg18 : memref<4000xf32, #tpu.memory_space<vmem>>) target_semaphore(%arg22 : memref<!tpu.dma_semaphore, #tpu.memory_space<semaphore_mem>>)
    } else {
    }
    %eq3A_54 = arith.constant 3 : i32
    %eq3A_55 = arith.cmpi eq, %select_n3A_9, %eq3A_54 : i32
    %convert_element_type3A_56 = arith.extui %eq3A_55 : i1 to i32
    %cond3A_57 = arith.constant 0 : i32
    %cond3A_58 = arith.cmpi ne, %convert_element_type3A_56, %cond3A_57 : i32
    scf.if %cond3A_58 {
      %dma_start3A_86 = tpu.memref_slice %arg8[%multiple_of3A] : memref<819200xf32, #tpu.memory_space<hbm>> -> memref<4000xf32, #tpu.memory_space<hbm>>
      %dma_start3A_87 = tpu.memref_slice %arg8[%multiple_of3A] : memref<819200xf32, #tpu.memory_space<hbm>> -> memref<4000xf32, #tpu.memory_space<hbm>>
      tpu.enqueue_dma source(%dma_start3A_87 : memref<4000xf32, #tpu.memory_space<hbm>>) target(%arg18 : memref<4000xf32, #tpu.memory_space<vmem>>) target_semaphore(%arg22 : memref<!tpu.dma_semaphore, #tpu.memory_space<semaphore_mem>>)
    } else {
    }
    %eq3A_59 = arith.constant 4 : i32
    %eq3A_60 = arith.cmpi eq, %select_n3A_9, %eq3A_59 : i32
    %convert_element_type3A_61 = arith.extui %eq3A_60 : i1 to i32
    %cond3A_62 = arith.constant 0 : i32
    %cond3A_63 = arith.cmpi ne, %convert_element_type3A_61, %cond3A_62 : i32
    scf.if %cond3A_63 {
      %dma_start3A_86 = tpu.memref_slice %arg9[%multiple_of3A] : memref<819200xf32, #tpu.memory_space<hbm>> -> memref<4000xf32, #tpu.memory_space<hbm>>
      %dma_start3A_87 = tpu.memref_slice %arg9[%multiple_of3A] : memref<819200xf32, #tpu.memory_space<hbm>> -> memref<4000xf32, #tpu.memory_space<hbm>>
      tpu.enqueue_dma source(%dma_start3A_87 : memref<4000xf32, #tpu.memory_space<hbm>>) target(%arg18 : memref<4000xf32, #tpu.memory_space<vmem>>) target_semaphore(%arg22 : memref<!tpu.dma_semaphore, #tpu.memory_space<semaphore_mem>>)
    } else {
    }
    %eq3A_64 = arith.constant 5 : i32
    %eq3A_65 = arith.cmpi eq, %select_n3A_9, %eq3A_64 : i32
    %convert_element_type3A_66 = arith.extui %eq3A_65 : i1 to i32
    %cond3A_67 = arith.constant 0 : i32
    %cond3A_68 = arith.cmpi ne, %convert_element_type3A_66, %cond3A_67 : i32
    scf.if %cond3A_68 {
      %dma_start3A_86 = tpu.memref_slice %arg10[%multiple_of3A] : memref<819200xf32, #tpu.memory_space<hbm>> -> memref<4000xf32, #tpu.memory_space<hbm>>
      %dma_start3A_87 = tpu.memref_slice %arg10[%multiple_of3A] : memref<819200xf32, #tpu.memory_space<hbm>> -> memref<4000xf32, #tpu.memory_space<hbm>>
      tpu.enqueue_dma source(%dma_start3A_87 : memref<4000xf32, #tpu.memory_space<hbm>>) target(%arg18 : memref<4000xf32, #tpu.memory_space<vmem>>) target_semaphore(%arg22 : memref<!tpu.dma_semaphore, #tpu.memory_space<semaphore_mem>>)
    } else {
    }
    %eq3A_69 = arith.constant 6 : i32
    %eq3A_70 = arith.cmpi eq, %select_n3A_9, %eq3A_69 : i32
    %convert_element_type3A_71 = arith.extui %eq3A_70 : i1 to i32
    %cond3A_72 = arith.constant 0 : i32
    %cond3A_73 = arith.cmpi ne, %convert_element_type3A_71, %cond3A_72 : i32
    scf.if %cond3A_73 {
      %dma_start3A_86 = tpu.memref_slice %arg11[%multiple_of3A] : memref<819200xf32, #tpu.memory_space<hbm>> -> memref<4000xf32, #tpu.memory_space<hbm>>
      %dma_start3A_87 = tpu.memref_slice %arg11[%multiple_of3A] : memref<819200xf32, #tpu.memory_space<hbm>> -> memref<4000xf32, #tpu.memory_space<hbm>>
      tpu.enqueue_dma source(%dma_start3A_87 : memref<4000xf32, #tpu.memory_space<hbm>>) target(%arg18 : memref<4000xf32, #tpu.memory_space<vmem>>) target_semaphore(%arg22 : memref<!tpu.dma_semaphore, #tpu.memory_space<semaphore_mem>>)
    } else {
    }
    %eq3A_74 = arith.constant 7 : i32
    %eq3A_75 = arith.cmpi eq, %select_n3A_9, %eq3A_74 : i32
    %convert_element_type3A_76 = arith.extui %eq3A_75 : i1 to i32
    %cond3A_77 = arith.constant 0 : i32
    %cond3A_78 = arith.cmpi ne, %convert_element_type3A_76, %cond3A_77 : i32
    scf.if %cond3A_78 {
      %dma_start3A_86 = tpu.memref_slice %arg12[%multiple_of3A] : memref<819200xf32, #tpu.memory_space<hbm>> -> memref<4000xf32, #tpu.memory_space<hbm>>
      %dma_start3A_87 = tpu.memref_slice %arg12[%multiple_of3A] : memref<819200xf32, #tpu.memory_space<hbm>> -> memref<4000xf32, #tpu.memory_space<hbm>>
      tpu.enqueue_dma source(%dma_start3A_87 : memref<4000xf32, #tpu.memory_space<hbm>>) target(%arg18 : memref<4000xf32, #tpu.memory_space<vmem>>) target_semaphore(%arg22 : memref<!tpu.dma_semaphore, #tpu.memory_space<semaphore_mem>>)
    } else {
    }
    %scan3A = arith.constant 0 : i32
    %scan3A_79 = arith.constant 0 : i32
    %scan3A_80 = arith.constant 25 : i32
    %scan3A_81 = arith.addi %scan3A_79, %scan3A_80 : i32
    %scan3A_82 = arith.constant 1 : i32
    scf.for %scan3A_86 = %scan3A_79 to %scan3A_81 step %scan3A_82  : i32 {
      %mul3A_87 = arith.constant 2 : i32
      %mul3A_88 = arith.muli %mul3A_87, %scan3A_86 : i32
      %add3A_89 = arith.constant 1 : i32
      %add3A_90 = arith.addi %mul3A_88, %add3A_89 : i32
      %mul3A_91 = arith.constant 4000 : i32
      %mul3A_92 = arith.muli %add3A_90, %mul3A_91 : i32
      %add3A_93 = arith.addi %mul3A_37, %mul3A_92 : i32
      %multiple_of3A_94 = tpu.assume_multiple %add3A_93, 8 : i32
      %dma_start3A_95 = tpu.memref_slice %arg3[%multiple_of3A_94] : memref<800000xi32, #tpu.memory_space<hbm>> -> memref<4000xi32, #tpu.memory_space<hbm>>
      %dma_start3A_96 = tpu.memref_slice %arg3[%multiple_of3A_94] : memref<800000xi32, #tpu.memory_space<hbm>> -> memref<4000xi32, #tpu.memory_space<hbm>>
      tpu.enqueue_dma source(%dma_start3A_96 : memref<4000xi32, #tpu.memory_space<hbm>>) target(%arg19 : memref<4000xi32, #tpu.memory_space<vmem>>) target_semaphore(%arg23 : memref<!tpu.dma_semaphore, #tpu.memory_space<semaphore_mem>>)
      %dma_start3A_97 = tpu.memref_slice %arg4[%multiple_of3A_94] : memref<800000xi32, #tpu.memory_space<hbm>> -> memref<4000xi32, #tpu.memory_space<hbm>>
      %dma_start3A_98 = tpu.memref_slice %arg4[%multiple_of3A_94] : memref<800000xi32, #tpu.memory_space<hbm>> -> memref<4000xi32, #tpu.memory_space<hbm>>
      tpu.enqueue_dma source(%dma_start3A_98 : memref<4000xi32, #tpu.memory_space<hbm>>) target(%arg20 : memref<4000xi32, #tpu.memory_space<vmem>>) target_semaphore(%arg23 : memref<!tpu.dma_semaphore, #tpu.memory_space<semaphore_mem>>)
      %eq3A_99 = arith.constant 0 : i32
      %eq3A_100 = arith.cmpi eq, %select_n3A_9, %eq3A_99 : i32
      %convert_element_type3A_101 = arith.extui %eq3A_100 : i1 to i32
      %cond3A_102 = arith.constant 0 : i32
      %cond3A_103 = arith.cmpi ne, %convert_element_type3A_101, %cond3A_102 : i32
      scf.if %cond3A_103 {
        %dma_start3A_173 = tpu.memref_slice %arg5[%multiple_of3A_94] : memref<819200xf32, #tpu.memory_space<hbm>> -> memref<4000xf32, #tpu.memory_space<hbm>>
        %dma_start3A_174 = tpu.memref_slice %arg5[%multiple_of3A_94] : memref<819200xf32, #tpu.memory_space<hbm>> -> memref<4000xf32, #tpu.memory_space<hbm>>
        tpu.enqueue_dma source(%dma_start3A_174 : memref<4000xf32, #tpu.memory_space<hbm>>) target(%arg21 : memref<4000xf32, #tpu.memory_space<vmem>>) target_semaphore(%arg23 : memref<!tpu.dma_semaphore, #tpu.memory_space<semaphore_mem>>)
      } else {
      }
      %eq3A_104 = arith.constant 1 : i32
      %eq3A_105 = arith.cmpi eq, %select_n3A_9, %eq3A_104 : i32
      %convert_element_type3A_106 = arith.extui %eq3A_105 : i1 to i32
      %cond3A_107 = arith.constant 0 : i32
      %cond3A_108 = arith.cmpi ne, %convert_element_type3A_106, %cond3A_107 : i32
      scf.if %cond3A_108 {
        %dma_start3A_173 = tpu.memref_slice %arg6[%multiple_of3A_94] : memref<819200xf32, #tpu.memory_space<hbm>> -> memref<4000xf32, #tpu.memory_space<hbm>>
        %dma_start3A_174 = tpu.memref_slice %arg6[%multiple_of3A_94] : memref<819200xf32, #tpu.memory_space<hbm>> -> memref<4000xf32, #tpu.memory_space<hbm>>
        tpu.enqueue_dma source(%dma_start3A_174 : memref<4000xf32, #tpu.memory_space<hbm>>) target(%arg21 : memref<4000xf32, #tpu.memory_space<vmem>>) target_semaphore(%arg23 : memref<!tpu.dma_semaphore, #tpu.memory_space<semaphore_mem>>)
      } else {
      }
      %eq3A_109 = arith.constant 2 : i32
      %eq3A_110 = arith.cmpi eq, %select_n3A_9, %eq3A_109 : i32
      %convert_element_type3A_111 = arith.extui %eq3A_110 : i1 to i32
      %cond3A_112 = arith.constant 0 : i32
      %cond3A_113 = arith.cmpi ne, %convert_element_type3A_111, %cond3A_112 : i32
      scf.if %cond3A_113 {
        %dma_start3A_173 = tpu.memref_slice %arg7[%multiple_of3A_94] : memref<819200xf32, #tpu.memory_space<hbm>> -> memref<4000xf32, #tpu.memory_space<hbm>>
        %dma_start3A_174 = tpu.memref_slice %arg7[%multiple_of3A_94] : memref<819200xf32, #tpu.memory_space<hbm>> -> memref<4000xf32, #tpu.memory_space<hbm>>
        tpu.enqueue_dma source(%dma_start3A_174 : memref<4000xf32, #tpu.memory_space<hbm>>) target(%arg21 : memref<4000xf32, #tpu.memory_space<vmem>>) target_semaphore(%arg23 : memref<!tpu.dma_semaphore, #tpu.memory_space<semaphore_mem>>)
      } else {
      }
      %eq3A_114 = arith.constant 3 : i32
      %eq3A_115 = arith.cmpi eq, %select_n3A_9, %eq3A_114 : i32
      %convert_element_type3A_116 = arith.extui %eq3A_115 : i1 to i32
      %cond3A_117 = arith.constant 0 : i32
      %cond3A_118 = arith.cmpi ne, %convert_element_type3A_116, %cond3A_117 : i32
      scf.if %cond3A_118 {
        %dma_start3A_173 = tpu.memref_slice %arg8[%multiple_of3A_94] : memref<819200xf32, #tpu.memory_space<hbm>> -> memref<4000xf32, #tpu.memory_space<hbm>>
        %dma_start3A_174 = tpu.memref_slice %arg8[%multiple_of3A_94] : memref<819200xf32, #tpu.memory_space<hbm>> -> memref<4000xf32, #tpu.memory_space<hbm>>
        tpu.enqueue_dma source(%dma_start3A_174 : memref<4000xf32, #tpu.memory_space<hbm>>) target(%arg21 : memref<4000xf32, #tpu.memory_space<vmem>>) target_semaphore(%arg23 : memref<!tpu.dma_semaphore, #tpu.memory_space<semaphore_mem>>)
      } else {
      }
      %eq3A_119 = arith.constant 4 : i32
      %eq3A_120 = arith.cmpi eq, %select_n3A_9, %eq3A_119 : i32
      %convert_element_type3A_121 = arith.extui %eq3A_120 : i1 to i32
      %cond3A_122 = arith.constant 0 : i32
      %cond3A_123 = arith.cmpi ne, %convert_element_type3A_121, %cond3A_122 : i32
      scf.if %cond3A_123 {
        %dma_start3A_173 = tpu.memref_slice %arg9[%multiple_of3A_94] : memref<819200xf32, #tpu.memory_space<hbm>> -> memref<4000xf32, #tpu.memory_space<hbm>>
        %dma_start3A_174 = tpu.memref_slice %arg9[%multiple_of3A_94] : memref<819200xf32, #tpu.memory_space<hbm>> -> memref<4000xf32, #tpu.memory_space<hbm>>
        tpu.enqueue_dma source(%dma_start3A_174 : memref<4000xf32, #tpu.memory_space<hbm>>) target(%arg21 : memref<4000xf32, #tpu.memory_space<vmem>>) target_semaphore(%arg23 : memref<!tpu.dma_semaphore, #tpu.memory_space<semaphore_mem>>)
      } else {
      }
      %eq3A_124 = arith.constant 5 : i32
      %eq3A_125 = arith.cmpi eq, %select_n3A_9, %eq3A_124 : i32
      %convert_element_type3A_126 = arith.extui %eq3A_125 : i1 to i32
      %cond3A_127 = arith.constant 0 : i32
      %cond3A_128 = arith.cmpi ne, %convert_element_type3A_126, %cond3A_127 : i32
      scf.if %cond3A_128 {
        %dma_start3A_173 = tpu.memref_slice %arg10[%multiple_of3A_94] : memref<819200xf32, #tpu.memory_space<hbm>> -> memref<4000xf32, #tpu.memory_space<hbm>>
        %dma_start3A_174 = tpu.memref_slice %arg10[%multiple_of3A_94] : memref<819200xf32, #tpu.memory_space<hbm>> -> memref<4000xf32, #tpu.memory_space<hbm>>
        tpu.enqueue_dma source(%dma_start3A_174 : memref<4000xf32, #tpu.memory_space<hbm>>) target(%arg21 : memref<4000xf32, #tpu.memory_space<vmem>>) target_semaphore(%arg23 : memref<!tpu.dma_semaphore, #tpu.memory_space<semaphore_mem>>)
      } else {
      }
      %eq3A_129 = arith.constant 6 : i32
      %eq3A_130 = arith.cmpi eq, %select_n3A_9, %eq3A_129 : i32
      %convert_element_type3A_131 = arith.extui %eq3A_130 : i1 to i32
      %cond3A_132 = arith.constant 0 : i32
      %cond3A_133 = arith.cmpi ne, %convert_element_type3A_131, %cond3A_132 : i32
      scf.if %cond3A_133 {
        %dma_start3A_173 = tpu.memref_slice %arg11[%multiple_of3A_94] : memref<819200xf32, #tpu.memory_space<hbm>> -> memref<4000xf32, #tpu.memory_space<hbm>>
        %dma_start3A_174 = tpu.memref_slice %arg11[%multiple_of3A_94] : memref<819200xf32, #tpu.memory_space<hbm>> -> memref<4000xf32, #tpu.memory_space<hbm>>
        tpu.enqueue_dma source(%dma_start3A_174 : memref<4000xf32, #tpu.memory_space<hbm>>) target(%arg21 : memref<4000xf32, #tpu.memory_space<vmem>>) target_semaphore(%arg23 : memref<!tpu.dma_semaphore, #tpu.memory_space<semaphore_mem>>)
      } else {
      }
      %eq3A_134 = arith.constant 7 : i32
      %eq3A_135 = arith.cmpi eq, %select_n3A_9, %eq3A_134 : i32
      %convert_element_type3A_136 = arith.extui %eq3A_135 : i1 to i32
      %cond3A_137 = arith.constant 0 : i32
      %cond3A_138 = arith.cmpi ne, %convert_element_type3A_136, %cond3A_137 : i32
      scf.if %cond3A_138 {
        %dma_start3A_173 = tpu.memref_slice %arg12[%multiple_of3A_94] : memref<819200xf32, #tpu.memory_space<hbm>> -> memref<4000xf32, #tpu.memory_space<hbm>>
        %dma_start3A_174 = tpu.memref_slice %arg12[%multiple_of3A_94] : memref<819200xf32, #tpu.memory_space<hbm>> -> memref<4000xf32, #tpu.memory_space<hbm>>
        tpu.enqueue_dma source(%dma_start3A_174 : memref<4000xf32, #tpu.memory_space<hbm>>) target(%arg21 : memref<4000xf32, #tpu.memory_space<vmem>>) target_semaphore(%arg23 : memref<!tpu.dma_semaphore, #tpu.memory_space<semaphore_mem>>)
      } else {
      }
      %dma_wait3A = arith.constant 0 : i32
      %dma_wait3A_139 = tpu.memref_slice %arg3[%dma_wait3A] : memref<800000xi32, #tpu.memory_space<hbm>> -> memref<4000xi32, #tpu.memory_space<hbm>>
      %dma_wait3A_140 = arith.constant 0 : i32
      %dma_wait3A_141 = tpu.memref_slice %arg3[%dma_wait3A_140] : memref<800000xi32, #tpu.memory_space<hbm>> -> memref<4000xi32, #tpu.memory_space<hbm>>
      tpu.wait_dma2 semaphore(%arg22 : memref<!tpu.dma_semaphore, #tpu.memory_space<semaphore_mem>>) src(%dma_wait3A_141 : memref<4000xi32, #tpu.memory_space<hbm>>) dst(%arg16 : memref<4000xi32, #tpu.memory_space<vmem>>)
      %dma_wait3A_142 = arith.constant 0 : i32
      %dma_wait3A_143 = tpu.memref_slice %arg4[%dma_wait3A_142] : memref<800000xi32, #tpu.memory_space<hbm>> -> memref<4000xi32, #tpu.memory_space<hbm>>
      %dma_wait3A_144 = arith.constant 0 : i32
      %dma_wait3A_145 = tpu.memref_slice %arg4[%dma_wait3A_144] : memref<800000xi32, #tpu.memory_space<hbm>> -> memref<4000xi32, #tpu.memory_space<hbm>>
      tpu.wait_dma2 semaphore(%arg22 : memref<!tpu.dma_semaphore, #tpu.memory_space<semaphore_mem>>) src(%dma_wait3A_145 : memref<4000xi32, #tpu.memory_space<hbm>>) dst(%arg17 : memref<4000xi32, #tpu.memory_space<vmem>>)
      %dma_wait3A_146 = arith.constant 0 : i32
      %dma_wait3A_147 = tpu.memref_slice %arg5[%dma_wait3A_146] : memref<819200xf32, #tpu.memory_space<hbm>> -> memref<4000xf32, #tpu.memory_space<hbm>>
      %dma_wait3A_148 = arith.constant 0 : i32
      %dma_wait3A_149 = tpu.memref_slice %arg5[%dma_wait3A_148] : memref<819200xf32, #tpu.memory_space<hbm>> -> memref<4000xf32, #tpu.memory_space<hbm>>
      tpu.wait_dma2 semaphore(%arg22 : memref<!tpu.dma_semaphore, #tpu.memory_space<semaphore_mem>>) src(%dma_wait3A_149 : memref<4000xf32, #tpu.memory_space<hbm>>) dst(%arg18 : memref<4000xf32, #tpu.memory_space<vmem>>)
      %parallel_loop3A_150 = arith.constant 0 : i32
      %parallel_loop3A_151 = arith.constant 4000 : i32
      %parallel_loop3A_152 = arith.constant 16 : i32
      scf.for %parallel_loop3A_173 = %parallel_loop3A_150 to %parallel_loop3A_151 step %parallel_loop3A_152  : i32 {
        %parallel_loop3A_174 = arith.index_cast %parallel_loop3A_173 : i32 to index
        %parallel_loop3A_175 = tpu.vector_load %arg16[%parallel_loop3A_174] {strides = array<i32>} : memref<4000xi32, #tpu.memory_space<vmem>>, vector<16xi32>,
        %parallel_loop3A_176 = tpu.vector_load_idx %arg14[%parallel_loop3A_175] : memref<50000xf32, #tpu.memory_space<vmem>>[vector<16xi32>], vector<16xf32>,
        %parallel_loop3A_177 = arith.index_cast %parallel_loop3A_173 : i32 to index
        %parallel_loop3A_178 = tpu.vector_load %arg18[%parallel_loop3A_177] {strides = array<i32>} : memref<4000xf32, #tpu.memory_space<vmem>>, vector<16xf32>,
        %parallel_loop3A_179 = arith.mulf %parallel_loop3A_176, %parallel_loop3A_178 : vector<16xf32>
        %parallel_loop3A_180 = arith.index_cast %parallel_loop3A_173 : i32 to index
        %parallel_loop3A_181 = tpu.vector_load %arg17[%parallel_loop3A_180] {strides = array<i32>} : memref<4000xi32, #tpu.memory_space<vmem>>, vector<16xi32>,
        tpu.vector_store_idx %arg15[%parallel_loop3A_181], %parallel_loop3A_179 {add = true} : memref<50000xf32, #tpu.memory_space<vmem>>[vector<16xi32>], vector<16xf32>,
      } {sc.loop_unroll_factor = 5 : i64, sc.parallel_access}
      %lt3A_153 = arith.constant 24 : i32
      %lt3A_154 = arith.cmpi slt, %scan3A_86, %lt3A_153 : i32
      %convert_element_type3A_155 = arith.extui %lt3A_154 : i1 to i32
      %cond3A_156 = arith.constant 0 : i32
      %cond3A_157 = arith.cmpi ne, %convert_element_type3A_155, %cond3A_156 : i32
      scf.if %cond3A_157 {
        %mul3A_173 = arith.constant 2 : i32
        %mul3A_174 = arith.muli %mul3A_173, %scan3A_86 : i32
        %add3A_175 = arith.constant 2 : i32
        %add3A_176 = arith.addi %mul3A_174, %add3A_175 : i32
        %mul3A_177 = arith.constant 4000 : i32
        %mul3A_178 = arith.muli %add3A_176, %mul3A_177 : i32
        %add3A_179 = arith.addi %mul3A_37, %mul3A_178 : i32
        %multiple_of3A_180 = tpu.assume_multiple %add3A_179, 8 : i32
        %dma_start3A_181 = tpu.memref_slice %arg3[%multiple_of3A_180] : memref<800000xi32, #tpu.memory_space<hbm>> -> memref<4000xi32, #tpu.memory_space<hbm>>
        %dma_start3A_182 = tpu.memref_slice %arg3[%multiple_of3A_180] : memref<800000xi32, #tpu.memory_space<hbm>> -> memref<4000xi32, #tpu.memory_space<hbm>>
        tpu.enqueue_dma source(%dma_start3A_182 : memref<4000xi32, #tpu.memory_space<hbm>>) target(%arg16 : memref<4000xi32, #tpu.memory_space<vmem>>) target_semaphore(%arg22 : memref<!tpu.dma_semaphore, #tpu.memory_space<semaphore_mem>>)
        %dma_start3A_183 = tpu.memref_slice %arg4[%multiple_of3A_180] : memref<800000xi32, #tpu.memory_space<hbm>> -> memref<4000xi32, #tpu.memory_space<hbm>>
        %dma_start3A_184 = tpu.memref_slice %arg4[%multiple_of3A_180] : memref<800000xi32, #tpu.memory_space<hbm>> -> memref<4000xi32, #tpu.memory_space<hbm>>
        tpu.enqueue_dma source(%dma_start3A_184 : memref<4000xi32, #tpu.memory_space<hbm>>) target(%arg17 : memref<4000xi32, #tpu.memory_space<vmem>>) target_semaphore(%arg22 : memref<!tpu.dma_semaphore, #tpu.memory_space<semaphore_mem>>)
        %eq3A_185 = arith.constant 0 : i32
        %eq3A_186 = arith.cmpi eq, %select_n3A_9, %eq3A_185 : i32
        %convert_element_type3A_187 = arith.extui %eq3A_186 : i1 to i32
        %cond3A_188 = arith.constant 0 : i32
        %cond3A_189 = arith.cmpi ne, %convert_element_type3A_187, %cond3A_188 : i32
        scf.if %cond3A_189 {
          %dma_start3A_225 = tpu.memref_slice %arg5[%multiple_of3A_180] : memref<819200xf32, #tpu.memory_space<hbm>> -> memref<4000xf32, #tpu.memory_space<hbm>>
          %dma_start3A_226 = tpu.memref_slice %arg5[%multiple_of3A_180] : memref<819200xf32, #tpu.memory_space<hbm>> -> memref<4000xf32, #tpu.memory_space<hbm>>
          tpu.enqueue_dma source(%dma_start3A_226 : memref<4000xf32, #tpu.memory_space<hbm>>) target(%arg18 : memref<4000xf32, #tpu.memory_space<vmem>>) target_semaphore(%arg22 : memref<!tpu.dma_semaphore, #tpu.memory_space<semaphore_mem>>)
        } else {
        }
        %eq3A_190 = arith.constant 1 : i32
        %eq3A_191 = arith.cmpi eq, %select_n3A_9, %eq3A_190 : i32
        %convert_element_type3A_192 = arith.extui %eq3A_191 : i1 to i32
        %cond3A_193 = arith.constant 0 : i32
        %cond3A_194 = arith.cmpi ne, %convert_element_type3A_192, %cond3A_193 : i32
        scf.if %cond3A_194 {
          %dma_start3A_225 = tpu.memref_slice %arg6[%multiple_of3A_180] : memref<819200xf32, #tpu.memory_space<hbm>> -> memref<4000xf32, #tpu.memory_space<hbm>>
          %dma_start3A_226 = tpu.memref_slice %arg6[%multiple_of3A_180] : memref<819200xf32, #tpu.memory_space<hbm>> -> memref<4000xf32, #tpu.memory_space<hbm>>
          tpu.enqueue_dma source(%dma_start3A_226 : memref<4000xf32, #tpu.memory_space<hbm>>) target(%arg18 : memref<4000xf32, #tpu.memory_space<vmem>>) target_semaphore(%arg22 : memref<!tpu.dma_semaphore, #tpu.memory_space<semaphore_mem>>)
        } else {
        }
        %eq3A_195 = arith.constant 2 : i32
        %eq3A_196 = arith.cmpi eq, %select_n3A_9, %eq3A_195 : i32
        %convert_element_type3A_197 = arith.extui %eq3A_196 : i1 to i32
        %cond3A_198 = arith.constant 0 : i32
        %cond3A_199 = arith.cmpi ne, %convert_element_type3A_197, %cond3A_198 : i32
        scf.if %cond3A_199 {
          %dma_start3A_225 = tpu.memref_slice %arg7[%multiple_of3A_180] : memref<819200xf32, #tpu.memory_space<hbm>> -> memref<4000xf32, #tpu.memory_space<hbm>>
          %dma_start3A_226 = tpu.memref_slice %arg7[%multiple_of3A_180] : memref<819200xf32, #tpu.memory_space<hbm>> -> memref<4000xf32, #tpu.memory_space<hbm>>
          tpu.enqueue_dma source(%dma_start3A_226 : memref<4000xf32, #tpu.memory_space<hbm>>) target(%arg18 : memref<4000xf32, #tpu.memory_space<vmem>>) target_semaphore(%arg22 : memref<!tpu.dma_semaphore, #tpu.memory_space<semaphore_mem>>)
        } else {
        }
        %eq3A_200 = arith.constant 3 : i32
        %eq3A_201 = arith.cmpi eq, %select_n3A_9, %eq3A_200 : i32
        %convert_element_type3A_202 = arith.extui %eq3A_201 : i1 to i32
        %cond3A_203 = arith.constant 0 : i32
        %cond3A_204 = arith.cmpi ne, %convert_element_type3A_202, %cond3A_203 : i32
        scf.if %cond3A_204 {
          %dma_start3A_225 = tpu.memref_slice %arg8[%multiple_of3A_180] : memref<819200xf32, #tpu.memory_space<hbm>> -> memref<4000xf32, #tpu.memory_space<hbm>>
          %dma_start3A_226 = tpu.memref_slice %arg8[%multiple_of3A_180] : memref<819200xf32, #tpu.memory_space<hbm>> -> memref<4000xf32, #tpu.memory_space<hbm>>
          tpu.enqueue_dma source(%dma_start3A_226 : memref<4000xf32, #tpu.memory_space<hbm>>) target(%arg18 : memref<4000xf32, #tpu.memory_space<vmem>>) target_semaphore(%arg22 : memref<!tpu.dma_semaphore, #tpu.memory_space<semaphore_mem>>)
        } else {
        }
        %eq3A_205 = arith.constant 4 : i32
        %eq3A_206 = arith.cmpi eq, %select_n3A_9, %eq3A_205 : i32
        %convert_element_type3A_207 = arith.extui %eq3A_206 : i1 to i32
        %cond3A_208 = arith.constant 0 : i32
        %cond3A_209 = arith.cmpi ne, %convert_element_type3A_207, %cond3A_208 : i32
        scf.if %cond3A_209 {
          %dma_start3A_225 = tpu.memref_slice %arg9[%multiple_of3A_180] : memref<819200xf32, #tpu.memory_space<hbm>> -> memref<4000xf32, #tpu.memory_space<hbm>>
          %dma_start3A_226 = tpu.memref_slice %arg9[%multiple_of3A_180] : memref<819200xf32, #tpu.memory_space<hbm>> -> memref<4000xf32, #tpu.memory_space<hbm>>
          tpu.enqueue_dma source(%dma_start3A_226 : memref<4000xf32, #tpu.memory_space<hbm>>) target(%arg18 : memref<4000xf32, #tpu.memory_space<vmem>>) target_semaphore(%arg22 : memref<!tpu.dma_semaphore, #tpu.memory_space<semaphore_mem>>)
        } else {
        }
        %eq3A_210 = arith.constant 5 : i32
        %eq3A_211 = arith.cmpi eq, %select_n3A_9, %eq3A_210 : i32
        %convert_element_type3A_212 = arith.extui %eq3A_211 : i1 to i32
        %cond3A_213 = arith.constant 0 : i32
        %cond3A_214 = arith.cmpi ne, %convert_element_type3A_212, %cond3A_213 : i32
        scf.if %cond3A_214 {
          %dma_start3A_225 = tpu.memref_slice %arg10[%multiple_of3A_180] : memref<819200xf32, #tpu.memory_space<hbm>> -> memref<4000xf32, #tpu.memory_space<hbm>>
          %dma_start3A_226 = tpu.memref_slice %arg10[%multiple_of3A_180] : memref<819200xf32, #tpu.memory_space<hbm>> -> memref<4000xf32, #tpu.memory_space<hbm>>
          tpu.enqueue_dma source(%dma_start3A_226 : memref<4000xf32, #tpu.memory_space<hbm>>) target(%arg18 : memref<4000xf32, #tpu.memory_space<vmem>>) target_semaphore(%arg22 : memref<!tpu.dma_semaphore, #tpu.memory_space<semaphore_mem>>)
        } else {
        }
        %eq3A_215 = arith.constant 6 : i32
        %eq3A_216 = arith.cmpi eq, %select_n3A_9, %eq3A_215 : i32
        %convert_element_type3A_217 = arith.extui %eq3A_216 : i1 to i32
        %cond3A_218 = arith.constant 0 : i32
        %cond3A_219 = arith.cmpi ne, %convert_element_type3A_217, %cond3A_218 : i32
        scf.if %cond3A_219 {
          %dma_start3A_225 = tpu.memref_slice %arg11[%multiple_of3A_180] : memref<819200xf32, #tpu.memory_space<hbm>> -> memref<4000xf32, #tpu.memory_space<hbm>>
          %dma_start3A_226 = tpu.memref_slice %arg11[%multiple_of3A_180] : memref<819200xf32, #tpu.memory_space<hbm>> -> memref<4000xf32, #tpu.memory_space<hbm>>
          tpu.enqueue_dma source(%dma_start3A_226 : memref<4000xf32, #tpu.memory_space<hbm>>) target(%arg18 : memref<4000xf32, #tpu.memory_space<vmem>>) target_semaphore(%arg22 : memref<!tpu.dma_semaphore, #tpu.memory_space<semaphore_mem>>)
        } else {
        }
        %eq3A_220 = arith.constant 7 : i32
        %eq3A_221 = arith.cmpi eq, %select_n3A_9, %eq3A_220 : i32
        %convert_element_type3A_222 = arith.extui %eq3A_221 : i1 to i32
        %cond3A_223 = arith.constant 0 : i32
        %cond3A_224 = arith.cmpi ne, %convert_element_type3A_222, %cond3A_223 : i32
        scf.if %cond3A_224 {
          %dma_start3A_225 = tpu.memref_slice %arg12[%multiple_of3A_180] : memref<819200xf32, #tpu.memory_space<hbm>> -> memref<4000xf32, #tpu.memory_space<hbm>>
          %dma_start3A_226 = tpu.memref_slice %arg12[%multiple_of3A_180] : memref<819200xf32, #tpu.memory_space<hbm>> -> memref<4000xf32, #tpu.memory_space<hbm>>
          tpu.enqueue_dma source(%dma_start3A_226 : memref<4000xf32, #tpu.memory_space<hbm>>) target(%arg18 : memref<4000xf32, #tpu.memory_space<vmem>>) target_semaphore(%arg22 : memref<!tpu.dma_semaphore, #tpu.memory_space<semaphore_mem>>)
        } else {
        }
      } else {
      }
      %dma_wait3A_158 = arith.constant 0 : i32
      %dma_wait3A_159 = tpu.memref_slice %arg3[%dma_wait3A_158] : memref<800000xi32, #tpu.memory_space<hbm>> -> memref<4000xi32, #tpu.memory_space<hbm>>
      %dma_wait3A_160 = arith.constant 0 : i32
      %dma_wait3A_161 = tpu.memref_slice %arg3[%dma_wait3A_160] : memref<800000xi32, #tpu.memory_space<hbm>> -> memref<4000xi32, #tpu.memory_space<hbm>>
      tpu.wait_dma2 semaphore(%arg23 : memref<!tpu.dma_semaphore, #tpu.memory_space<semaphore_mem>>) src(%dma_wait3A_161 : memref<4000xi32, #tpu.memory_space<hbm>>) dst(%arg19 : memref<4000xi32, #tpu.memory_space<vmem>>)
      %dma_wait3A_162 = arith.constant 0 : i32
      %dma_wait3A_163 = tpu.memref_slice %arg4[%dma_wait3A_162] : memref<800000xi32, #tpu.memory_space<hbm>> -> memref<4000xi32, #tpu.memory_space<hbm>>
      %dma_wait3A_164 = arith.constant 0 : i32
      %dma_wait3A_165 = tpu.memref_slice %arg4[%dma_wait3A_164] : memref<800000xi32, #tpu.memory_space<hbm>> -> memref<4000xi32, #tpu.memory_space<hbm>>
      tpu.wait_dma2 semaphore(%arg23 : memref<!tpu.dma_semaphore, #tpu.memory_space<semaphore_mem>>) src(%dma_wait3A_165 : memref<4000xi32, #tpu.memory_space<hbm>>) dst(%arg20 : memref<4000xi32, #tpu.memory_space<vmem>>)
      %dma_wait3A_166 = arith.constant 0 : i32
      %dma_wait3A_167 = tpu.memref_slice %arg5[%dma_wait3A_166] : memref<819200xf32, #tpu.memory_space<hbm>> -> memref<4000xf32, #tpu.memory_space<hbm>>
      %dma_wait3A_168 = arith.constant 0 : i32
      %dma_wait3A_169 = tpu.memref_slice %arg5[%dma_wait3A_168] : memref<819200xf32, #tpu.memory_space<hbm>> -> memref<4000xf32, #tpu.memory_space<hbm>>
      tpu.wait_dma2 semaphore(%arg23 : memref<!tpu.dma_semaphore, #tpu.memory_space<semaphore_mem>>) src(%dma_wait3A_169 : memref<4000xf32, #tpu.memory_space<hbm>>) dst(%arg21 : memref<4000xf32, #tpu.memory_space<vmem>>)
      %parallel_loop3A_170 = arith.constant 0 : i32
      %parallel_loop3A_171 = arith.constant 4000 : i32
      %parallel_loop3A_172 = arith.constant 16 : i32
      scf.for %parallel_loop3A_173 = %parallel_loop3A_170 to %parallel_loop3A_171 step %parallel_loop3A_172  : i32 {
        %parallel_loop3A_174 = arith.index_cast %parallel_loop3A_173 : i32 to index
        %parallel_loop3A_175 = tpu.vector_load %arg19[%parallel_loop3A_174] {strides = array<i32>} : memref<4000xi32, #tpu.memory_space<vmem>>, vector<16xi32>,
        %parallel_loop3A_176 = tpu.vector_load_idx %arg14[%parallel_loop3A_175] : memref<50000xf32, #tpu.memory_space<vmem>>[vector<16xi32>], vector<16xf32>,
        %parallel_loop3A_177 = arith.index_cast %parallel_loop3A_173 : i32 to index
        %parallel_loop3A_178 = tpu.vector_load %arg21[%parallel_loop3A_177] {strides = array<i32>} : memref<4000xf32, #tpu.memory_space<vmem>>, vector<16xf32>,
        %parallel_loop3A_179 = arith.mulf %parallel_loop3A_176, %parallel_loop3A_178 : vector<16xf32>
        %parallel_loop3A_180 = arith.index_cast %parallel_loop3A_173 : i32 to index
        %parallel_loop3A_181 = tpu.vector_load %arg20[%parallel_loop3A_180] {strides = array<i32>} : memref<4000xi32, #tpu.memory_space<vmem>>, vector<16xi32>,
        tpu.vector_store_idx %arg15[%parallel_loop3A_181], %parallel_loop3A_179 {add = true} : memref<50000xf32, #tpu.memory_space<vmem>>[vector<16xi32>], vector<16xf32>,
      } {sc.loop_unroll_factor = 5 : i64, sc.parallel_access}
    }
    %scan3A_83 = arith.constant 25 : i32
    %mul3A_84 = arith.constant 50000 : i32
    %mul3A_85 = arith.muli %add3A, %mul3A_84 : i32
    "tpu.region"() ({
      %run_scoped3A = tpu.sem_alloc : memref<!tpu.dma_semaphore, #tpu.memory_space<semaphore_mem>>
      %dma_start3A_86 = tpu.memref_slice %arg13[%mul3A_85] : memref<1600000xf32, #tpu.memory_space<hbm>> -> memref<50000xf32, #tpu.memory_space<hbm>>
      %dma_start3A_87 = tpu.memref_slice %arg13[%mul3A_85] : memref<1600000xf32, #tpu.memory_space<hbm>> -> memref<50000xf32, #tpu.memory_space<hbm>>
      tpu.enqueue_dma source(%arg15 : memref<50000xf32, #tpu.memory_space<vmem>>) target(%dma_start3A_87 : memref<50000xf32, #tpu.memory_space<hbm>>) target_semaphore(%run_scoped3A : memref<!tpu.dma_semaphore, #tpu.memory_space<semaphore_mem>>)
      %dma_wait3A = tpu.memref_slice %arg13[%mul3A_85] : memref<1600000xf32, #tpu.memory_space<hbm>> -> memref<50000xf32, #tpu.memory_space<hbm>>
      %dma_wait3A_88 = tpu.memref_slice %arg13[%mul3A_85] : memref<1600000xf32, #tpu.memory_space<hbm>> -> memref<50000xf32, #tpu.memory_space<hbm>>
      tpu.wait_dma2 semaphore(%run_scoped3A : memref<!tpu.dma_semaphore, #tpu.memory_space<semaphore_mem>>) src(%arg15 : memref<50000xf32, #tpu.memory_space<vmem>>) dst(%dma_wait3A_88 : memref<50000xf32, #tpu.memory_space<hbm>>)
      tpu.yield
    }) : () -> ()
    return
  }
}

#map = affine_map<(d0, d1) -> (0)>
module attributes {stable_mosaic.version = 14 : i64} {
  func.func @sc_layer(%arg0: i32, %arg1: i32, %arg2: memref<50000xf32, #tpu.memory_space<hbm>>, %arg3: memref<800000xi32, #tpu.memory_space<hbm>>, %arg4: memref<800000xi32, #tpu.memory_space<hbm>>, %arg5: memref<819200xf32, #tpu.memory_space<hbm>>, %arg6: memref<819200xf32, #tpu.memory_space<hbm>>, %arg7: memref<819200xf32, #tpu.memory_space<hbm>>, %arg8: memref<819200xf32, #tpu.memory_space<hbm>>, %arg9: memref<819200xf32, #tpu.memory_space<hbm>>, %arg10: memref<819200xf32, #tpu.memory_space<hbm>>, %arg11: memref<819200xf32, #tpu.memory_space<hbm>>, %arg12: memref<819200xf32, #tpu.memory_space<hbm>>, %arg13: memref<1600000xf32, #tpu.memory_space<hbm>>, %arg14: memref<50000xf32, #tpu.memory_space<vmem>>, %arg15: memref<50000xf32, #tpu.memory_space<vmem>>, %arg16: memref<4000xi32, #tpu.memory_space<vmem>>, %arg17: memref<4000xi32, #tpu.memory_space<vmem>>, %arg18: memref<4000xf32, #tpu.memory_space<vmem>>, %arg19: memref<4000xi32, #tpu.memory_space<vmem>>, %arg20: memref<4000xi32, #tpu.memory_space<vmem>>, %arg21: memref<4000xf32, #tpu.memory_space<vmem>>, %arg22: memref<!tpu.dma_semaphore, #tpu.memory_space<semaphore_mem>>, %arg23: memref<!tpu.dma_semaphore, #tpu.memory_space<semaphore_mem>>) attributes {dimension_semantics = [#tpu.dimension_semantics<core_parallel>, #tpu.dimension_semantics<subcore_parallel>], iteration_bounds = array<i64: 2, 16>, scalar_prefetch = 0 : i64, scratch_operands = 10 : i64, tpu.core_type = #tpu.core_type<sc_vector_subcore>, window_params = [{transform_indices = #map}, {transform_indices = #map}, {transform_indices = #map}, {transform_indices = #map}, {transform_indices = #map}, {transform_indices = #map}, {transform_indices = #map}, {transform_indices = #map}, {transform_indices = #map}, {transform_indices = #map}, {transform_indices = #map}, {transform_indices = #map}]} {
    %mul3A = arith.constant 2 : i32
    %mul3A_0 = arith.muli %arg1, %mul3A : i32
    %add3A = arith.addi %mul3A_0, %arg0 : i32
    %jit3A = arith.constant 8 : i32
    %eq3A = arith.constant 0 : i32
    %eq3A_1 = arith.cmpi eq, %jit3A, %eq3A : i32
    %jit3A_2 = arith.constant 1 : i32
    %select_n3A = arith.select %eq3A_1, %jit3A_2, %jit3A : i32
    %rem3A = arith.remsi %add3A, %select_n3A : i32
    %ne3A = arith.constant 0 : i32
    %ne3A_3 = arith.cmpi ne, %rem3A, %ne3A : i32
    %lt3A = arith.constant 0 : i32
    %lt3A_4 = arith.cmpi slt, %rem3A, %lt3A : i32
    %lt3A_5 = arith.constant 0 : i32
    %lt3A_6 = arith.cmpi slt, %select_n3A, %lt3A_5 : i32
    %ne3A_7 = arith.xori %lt3A_4, %lt3A_6 : i1
    %and3A = arith.andi %ne3A_7, %ne3A_3 : i1
    %add3A_8 = arith.addi %rem3A, %select_n3A : i32
    %select_n3A_9 = arith.select %and3A, %add3A_8, %rem3A : i32
    %jit3A_10 = arith.constant 8 : i32
    %div3A = arith.divsi %add3A, %jit3A_10 : i32
    %sign3A = arith.constant 0 : i32
    %sign3A_11 = arith.cmpi sgt, %add3A, %sign3A : i32
    %sign3A_12 = arith.extui %sign3A_11 : i1 to i32
    %sign3A_13 = arith.constant 0 : i32
    %sign3A_14 = arith.cmpi slt, %add3A, %sign3A_13 : i32
    %sign3A_15 = arith.extui %sign3A_14 : i1 to i32
    %sign3A_16 = arith.subi %sign3A_12, %sign3A_15 : i32
    %sign3A_17 = arith.constant 0 : i32
    %sign3A_18 = arith.cmpi sgt, %jit3A_10, %sign3A_17 : i32
    %sign3A_19 = arith.extui %sign3A_18 : i1 to i32
    %sign3A_20 = arith.constant 0 : i32
    %sign3A_21 = arith.cmpi slt, %jit3A_10, %sign3A_20 : i32
    %sign3A_22 = arith.extui %sign3A_21 : i1 to i32
    %sign3A_23 = arith.subi %sign3A_19, %sign3A_22 : i32
    %ne3A_24 = arith.cmpi ne, %sign3A_16, %sign3A_23 : i32
    %rem3A_25 = arith.remsi %add3A, %jit3A_10 : i32
    %ne3A_26 = arith.constant 0 : i32
    %ne3A_27 = arith.cmpi ne, %rem3A_25, %ne3A_26 : i32
    %and3A_28 = arith.andi %ne3A_24, %ne3A_27 : i1
    %sub3A = arith.constant 1 : i32
    %sub3A_29 = arith.subi %div3A, %sub3A : i32
    %select_n3A_30 = arith.select %and3A_28, %sub3A_29, %div3A : i32
    "tpu.region"() ({
      %run_scoped3A = tpu.sem_alloc : memref<!tpu.dma_semaphore, #tpu.memory_space<semaphore_mem>>
      tpu.enqueue_dma source(%arg2 : memref<50000xf32, #tpu.memory_space<hbm>>) target(%arg14 : memref<50000xf32, #tpu.memory_space<vmem>>) target_semaphore(%run_scoped3A : memref<!tpu.dma_semaphore, #tpu.memory_space<semaphore_mem>>)
      tpu.wait_dma2 semaphore(%run_scoped3A : memref<!tpu.dma_semaphore, #tpu.memory_space<semaphore_mem>>) src(%arg2 : memref<50000xf32, #tpu.memory_space<hbm>>) dst(%arg14 : memref<50000xf32, #tpu.memory_space<vmem>>)
      tpu.yield
    }) : () -> ()
    %broadcast_in_dim3A = arith.constant 0.000000e+00 : f32
    %broadcast_in_dim3A_31 = vector.broadcast %broadcast_in_dim3A : f32 to vector<16xf32>
    %parallel_loop3A = arith.constant 0 : i32
    %parallel_loop3A_32 = arith.constant 50000 : i32
    %parallel_loop3A_33 = arith.constant 16 : i32
    scf.for %parallel_loop3A_84 = %parallel_loop3A to %parallel_loop3A_32 step %parallel_loop3A_33  : i32 {
      %parallel_loop3A_85 = arith.index_cast %parallel_loop3A_84 : i32 to index
      %parallel_loop3A_86 = tpu.vector_load %arg15[%parallel_loop3A_85] {strides = array<i32>} : memref<50000xf32, #tpu.memory_space<vmem>>, vector<16xf32>,
      tpu.vector_store %arg15[%parallel_loop3A_85], %broadcast_in_dim3A_31 {strides = array<i32>} : memref<50000xf32, #tpu.memory_space<vmem>>, vector<16xf32>,
    } {sc.loop_unroll_factor = 8 : i64, sc.parallel_access}
    %mul3A_34 = arith.constant 200000 : i32
    %mul3A_35 = arith.muli %select_n3A_30, %mul3A_34 : i32
    %multiple_of3A = tpu.assume_multiple %mul3A_35, 8 : i32
    %dma_start3A = tpu.memref_slice %arg3[%multiple_of3A] : memref<800000xi32, #tpu.memory_space<hbm>> -> memref<4000xi32, #tpu.memory_space<hbm>>
    %dma_start3A_36 = tpu.memref_slice %arg3[%multiple_of3A] : memref<800000xi32, #tpu.memory_space<hbm>> -> memref<4000xi32, #tpu.memory_space<hbm>>
    tpu.enqueue_dma source(%dma_start3A_36 : memref<4000xi32, #tpu.memory_space<hbm>>) target(%arg16 : memref<4000xi32, #tpu.memory_space<vmem>>) target_semaphore(%arg22 : memref<!tpu.dma_semaphore, #tpu.memory_space<semaphore_mem>>)
    %dma_start3A_37 = tpu.memref_slice %arg4[%multiple_of3A] : memref<800000xi32, #tpu.memory_space<hbm>> -> memref<4000xi32, #tpu.memory_space<hbm>>
    %dma_start3A_38 = tpu.memref_slice %arg4[%multiple_of3A] : memref<800000xi32, #tpu.memory_space<hbm>> -> memref<4000xi32, #tpu.memory_space<hbm>>
    tpu.enqueue_dma source(%dma_start3A_38 : memref<4000xi32, #tpu.memory_space<hbm>>) target(%arg17 : memref<4000xi32, #tpu.memory_space<vmem>>) target_semaphore(%arg22 : memref<!tpu.dma_semaphore, #tpu.memory_space<semaphore_mem>>)
    %eq3A_39 = arith.constant 0 : i32
    %eq3A_40 = arith.cmpi eq, %select_n3A_9, %eq3A_39 : i32
    %convert_element_type3A = arith.extui %eq3A_40 : i1 to i32
    %cond3A = arith.constant 0 : i32
    %cond3A_41 = arith.cmpi ne, %convert_element_type3A, %cond3A : i32
    scf.if %cond3A_41 {
      %dma_start3A_84 = tpu.memref_slice %arg5[%multiple_of3A] : memref<819200xf32, #tpu.memory_space<hbm>> -> memref<4000xf32, #tpu.memory_space<hbm>>
      %dma_start3A_85 = tpu.memref_slice %arg5[%multiple_of3A] : memref<819200xf32, #tpu.memory_space<hbm>> -> memref<4000xf32, #tpu.memory_space<hbm>>
      tpu.enqueue_dma source(%dma_start3A_85 : memref<4000xf32, #tpu.memory_space<hbm>>) target(%arg18 : memref<4000xf32, #tpu.memory_space<vmem>>) target_semaphore(%arg22 : memref<!tpu.dma_semaphore, #tpu.memory_space<semaphore_mem>>)
    } else {
    }
    %eq3A_42 = arith.constant 1 : i32
    %eq3A_43 = arith.cmpi eq, %select_n3A_9, %eq3A_42 : i32
    %convert_element_type3A_44 = arith.extui %eq3A_43 : i1 to i32
    %cond3A_45 = arith.constant 0 : i32
    %cond3A_46 = arith.cmpi ne, %convert_element_type3A_44, %cond3A_45 : i32
    scf.if %cond3A_46 {
      %dma_start3A_84 = tpu.memref_slice %arg6[%multiple_of3A] : memref<819200xf32, #tpu.memory_space<hbm>> -> memref<4000xf32, #tpu.memory_space<hbm>>
      %dma_start3A_85 = tpu.memref_slice %arg6[%multiple_of3A] : memref<819200xf32, #tpu.memory_space<hbm>> -> memref<4000xf32, #tpu.memory_space<hbm>>
      tpu.enqueue_dma source(%dma_start3A_85 : memref<4000xf32, #tpu.memory_space<hbm>>) target(%arg18 : memref<4000xf32, #tpu.memory_space<vmem>>) target_semaphore(%arg22 : memref<!tpu.dma_semaphore, #tpu.memory_space<semaphore_mem>>)
    } else {
    }
    %eq3A_47 = arith.constant 2 : i32
    %eq3A_48 = arith.cmpi eq, %select_n3A_9, %eq3A_47 : i32
    %convert_element_type3A_49 = arith.extui %eq3A_48 : i1 to i32
    %cond3A_50 = arith.constant 0 : i32
    %cond3A_51 = arith.cmpi ne, %convert_element_type3A_49, %cond3A_50 : i32
    scf.if %cond3A_51 {
      %dma_start3A_84 = tpu.memref_slice %arg7[%multiple_of3A] : memref<819200xf32, #tpu.memory_space<hbm>> -> memref<4000xf32, #tpu.memory_space<hbm>>
      %dma_start3A_85 = tpu.memref_slice %arg7[%multiple_of3A] : memref<819200xf32, #tpu.memory_space<hbm>> -> memref<4000xf32, #tpu.memory_space<hbm>>
      tpu.enqueue_dma source(%dma_start3A_85 : memref<4000xf32, #tpu.memory_space<hbm>>) target(%arg18 : memref<4000xf32, #tpu.memory_space<vmem>>) target_semaphore(%arg22 : memref<!tpu.dma_semaphore, #tpu.memory_space<semaphore_mem>>)
    } else {
    }
    %eq3A_52 = arith.constant 3 : i32
    %eq3A_53 = arith.cmpi eq, %select_n3A_9, %eq3A_52 : i32
    %convert_element_type3A_54 = arith.extui %eq3A_53 : i1 to i32
    %cond3A_55 = arith.constant 0 : i32
    %cond3A_56 = arith.cmpi ne, %convert_element_type3A_54, %cond3A_55 : i32
    scf.if %cond3A_56 {
      %dma_start3A_84 = tpu.memref_slice %arg8[%multiple_of3A] : memref<819200xf32, #tpu.memory_space<hbm>> -> memref<4000xf32, #tpu.memory_space<hbm>>
      %dma_start3A_85 = tpu.memref_slice %arg8[%multiple_of3A] : memref<819200xf32, #tpu.memory_space<hbm>> -> memref<4000xf32, #tpu.memory_space<hbm>>
      tpu.enqueue_dma source(%dma_start3A_85 : memref<4000xf32, #tpu.memory_space<hbm>>) target(%arg18 : memref<4000xf32, #tpu.memory_space<vmem>>) target_semaphore(%arg22 : memref<!tpu.dma_semaphore, #tpu.memory_space<semaphore_mem>>)
    } else {
    }
    %eq3A_57 = arith.constant 4 : i32
    %eq3A_58 = arith.cmpi eq, %select_n3A_9, %eq3A_57 : i32
    %convert_element_type3A_59 = arith.extui %eq3A_58 : i1 to i32
    %cond3A_60 = arith.constant 0 : i32
    %cond3A_61 = arith.cmpi ne, %convert_element_type3A_59, %cond3A_60 : i32
    scf.if %cond3A_61 {
      %dma_start3A_84 = tpu.memref_slice %arg9[%multiple_of3A] : memref<819200xf32, #tpu.memory_space<hbm>> -> memref<4000xf32, #tpu.memory_space<hbm>>
      %dma_start3A_85 = tpu.memref_slice %arg9[%multiple_of3A] : memref<819200xf32, #tpu.memory_space<hbm>> -> memref<4000xf32, #tpu.memory_space<hbm>>
      tpu.enqueue_dma source(%dma_start3A_85 : memref<4000xf32, #tpu.memory_space<hbm>>) target(%arg18 : memref<4000xf32, #tpu.memory_space<vmem>>) target_semaphore(%arg22 : memref<!tpu.dma_semaphore, #tpu.memory_space<semaphore_mem>>)
    } else {
    }
    %eq3A_62 = arith.constant 5 : i32
    %eq3A_63 = arith.cmpi eq, %select_n3A_9, %eq3A_62 : i32
    %convert_element_type3A_64 = arith.extui %eq3A_63 : i1 to i32
    %cond3A_65 = arith.constant 0 : i32
    %cond3A_66 = arith.cmpi ne, %convert_element_type3A_64, %cond3A_65 : i32
    scf.if %cond3A_66 {
      %dma_start3A_84 = tpu.memref_slice %arg10[%multiple_of3A] : memref<819200xf32, #tpu.memory_space<hbm>> -> memref<4000xf32, #tpu.memory_space<hbm>>
      %dma_start3A_85 = tpu.memref_slice %arg10[%multiple_of3A] : memref<819200xf32, #tpu.memory_space<hbm>> -> memref<4000xf32, #tpu.memory_space<hbm>>
      tpu.enqueue_dma source(%dma_start3A_85 : memref<4000xf32, #tpu.memory_space<hbm>>) target(%arg18 : memref<4000xf32, #tpu.memory_space<vmem>>) target_semaphore(%arg22 : memref<!tpu.dma_semaphore, #tpu.memory_space<semaphore_mem>>)
    } else {
    }
    %eq3A_67 = arith.constant 6 : i32
    %eq3A_68 = arith.cmpi eq, %select_n3A_9, %eq3A_67 : i32
    %convert_element_type3A_69 = arith.extui %eq3A_68 : i1 to i32
    %cond3A_70 = arith.constant 0 : i32
    %cond3A_71 = arith.cmpi ne, %convert_element_type3A_69, %cond3A_70 : i32
    scf.if %cond3A_71 {
      %dma_start3A_84 = tpu.memref_slice %arg11[%multiple_of3A] : memref<819200xf32, #tpu.memory_space<hbm>> -> memref<4000xf32, #tpu.memory_space<hbm>>
      %dma_start3A_85 = tpu.memref_slice %arg11[%multiple_of3A] : memref<819200xf32, #tpu.memory_space<hbm>> -> memref<4000xf32, #tpu.memory_space<hbm>>
      tpu.enqueue_dma source(%dma_start3A_85 : memref<4000xf32, #tpu.memory_space<hbm>>) target(%arg18 : memref<4000xf32, #tpu.memory_space<vmem>>) target_semaphore(%arg22 : memref<!tpu.dma_semaphore, #tpu.memory_space<semaphore_mem>>)
    } else {
    }
    %eq3A_72 = arith.constant 7 : i32
    %eq3A_73 = arith.cmpi eq, %select_n3A_9, %eq3A_72 : i32
    %convert_element_type3A_74 = arith.extui %eq3A_73 : i1 to i32
    %cond3A_75 = arith.constant 0 : i32
    %cond3A_76 = arith.cmpi ne, %convert_element_type3A_74, %cond3A_75 : i32
    scf.if %cond3A_76 {
      %dma_start3A_84 = tpu.memref_slice %arg12[%multiple_of3A] : memref<819200xf32, #tpu.memory_space<hbm>> -> memref<4000xf32, #tpu.memory_space<hbm>>
      %dma_start3A_85 = tpu.memref_slice %arg12[%multiple_of3A] : memref<819200xf32, #tpu.memory_space<hbm>> -> memref<4000xf32, #tpu.memory_space<hbm>>
      tpu.enqueue_dma source(%dma_start3A_85 : memref<4000xf32, #tpu.memory_space<hbm>>) target(%arg18 : memref<4000xf32, #tpu.memory_space<vmem>>) target_semaphore(%arg22 : memref<!tpu.dma_semaphore, #tpu.memory_space<semaphore_mem>>)
    } else {
    }
    %scan3A = arith.constant 0 : i32
    %scan3A_77 = arith.constant 0 : i32
    %scan3A_78 = arith.constant 25 : i32
    %scan3A_79 = arith.addi %scan3A_77, %scan3A_78 : i32
    %scan3A_80 = arith.constant 1 : i32
    scf.for %scan3A_84 = %scan3A_77 to %scan3A_79 step %scan3A_80  : i32 {
      %mul3A_85 = arith.constant 2 : i32
      %mul3A_86 = arith.muli %mul3A_85, %scan3A_84 : i32
      %add3A_87 = arith.constant 1 : i32
      %add3A_88 = arith.addi %mul3A_86, %add3A_87 : i32
      %mul3A_89 = arith.constant 4000 : i32
      %mul3A_90 = arith.muli %add3A_88, %mul3A_89 : i32
      %add3A_91 = arith.addi %mul3A_35, %mul3A_90 : i32
      %multiple_of3A_92 = tpu.assume_multiple %add3A_91, 8 : i32
      %dma_start3A_93 = tpu.memref_slice %arg3[%multiple_of3A_92] : memref<800000xi32, #tpu.memory_space<hbm>> -> memref<4000xi32, #tpu.memory_space<hbm>>
      %dma_start3A_94 = tpu.memref_slice %arg3[%multiple_of3A_92] : memref<800000xi32, #tpu.memory_space<hbm>> -> memref<4000xi32, #tpu.memory_space<hbm>>
      tpu.enqueue_dma source(%dma_start3A_94 : memref<4000xi32, #tpu.memory_space<hbm>>) target(%arg19 : memref<4000xi32, #tpu.memory_space<vmem>>) target_semaphore(%arg23 : memref<!tpu.dma_semaphore, #tpu.memory_space<semaphore_mem>>)
      %dma_start3A_95 = tpu.memref_slice %arg4[%multiple_of3A_92] : memref<800000xi32, #tpu.memory_space<hbm>> -> memref<4000xi32, #tpu.memory_space<hbm>>
      %dma_start3A_96 = tpu.memref_slice %arg4[%multiple_of3A_92] : memref<800000xi32, #tpu.memory_space<hbm>> -> memref<4000xi32, #tpu.memory_space<hbm>>
      tpu.enqueue_dma source(%dma_start3A_96 : memref<4000xi32, #tpu.memory_space<hbm>>) target(%arg20 : memref<4000xi32, #tpu.memory_space<vmem>>) target_semaphore(%arg23 : memref<!tpu.dma_semaphore, #tpu.memory_space<semaphore_mem>>)
      %eq3A_97 = arith.constant 0 : i32
      %eq3A_98 = arith.cmpi eq, %select_n3A_9, %eq3A_97 : i32
      %convert_element_type3A_99 = arith.extui %eq3A_98 : i1 to i32
      %cond3A_100 = arith.constant 0 : i32
      %cond3A_101 = arith.cmpi ne, %convert_element_type3A_99, %cond3A_100 : i32
      scf.if %cond3A_101 {
        %dma_start3A_171 = tpu.memref_slice %arg5[%multiple_of3A_92] : memref<819200xf32, #tpu.memory_space<hbm>> -> memref<4000xf32, #tpu.memory_space<hbm>>
        %dma_start3A_172 = tpu.memref_slice %arg5[%multiple_of3A_92] : memref<819200xf32, #tpu.memory_space<hbm>> -> memref<4000xf32, #tpu.memory_space<hbm>>
        tpu.enqueue_dma source(%dma_start3A_172 : memref<4000xf32, #tpu.memory_space<hbm>>) target(%arg21 : memref<4000xf32, #tpu.memory_space<vmem>>) target_semaphore(%arg23 : memref<!tpu.dma_semaphore, #tpu.memory_space<semaphore_mem>>)
      } else {
      }
      %eq3A_102 = arith.constant 1 : i32
      %eq3A_103 = arith.cmpi eq, %select_n3A_9, %eq3A_102 : i32
      %convert_element_type3A_104 = arith.extui %eq3A_103 : i1 to i32
      %cond3A_105 = arith.constant 0 : i32
      %cond3A_106 = arith.cmpi ne, %convert_element_type3A_104, %cond3A_105 : i32
      scf.if %cond3A_106 {
        %dma_start3A_171 = tpu.memref_slice %arg6[%multiple_of3A_92] : memref<819200xf32, #tpu.memory_space<hbm>> -> memref<4000xf32, #tpu.memory_space<hbm>>
        %dma_start3A_172 = tpu.memref_slice %arg6[%multiple_of3A_92] : memref<819200xf32, #tpu.memory_space<hbm>> -> memref<4000xf32, #tpu.memory_space<hbm>>
        tpu.enqueue_dma source(%dma_start3A_172 : memref<4000xf32, #tpu.memory_space<hbm>>) target(%arg21 : memref<4000xf32, #tpu.memory_space<vmem>>) target_semaphore(%arg23 : memref<!tpu.dma_semaphore, #tpu.memory_space<semaphore_mem>>)
      } else {
      }
      %eq3A_107 = arith.constant 2 : i32
      %eq3A_108 = arith.cmpi eq, %select_n3A_9, %eq3A_107 : i32
      %convert_element_type3A_109 = arith.extui %eq3A_108 : i1 to i32
      %cond3A_110 = arith.constant 0 : i32
      %cond3A_111 = arith.cmpi ne, %convert_element_type3A_109, %cond3A_110 : i32
      scf.if %cond3A_111 {
        %dma_start3A_171 = tpu.memref_slice %arg7[%multiple_of3A_92] : memref<819200xf32, #tpu.memory_space<hbm>> -> memref<4000xf32, #tpu.memory_space<hbm>>
        %dma_start3A_172 = tpu.memref_slice %arg7[%multiple_of3A_92] : memref<819200xf32, #tpu.memory_space<hbm>> -> memref<4000xf32, #tpu.memory_space<hbm>>
        tpu.enqueue_dma source(%dma_start3A_172 : memref<4000xf32, #tpu.memory_space<hbm>>) target(%arg21 : memref<4000xf32, #tpu.memory_space<vmem>>) target_semaphore(%arg23 : memref<!tpu.dma_semaphore, #tpu.memory_space<semaphore_mem>>)
      } else {
      }
      %eq3A_112 = arith.constant 3 : i32
      %eq3A_113 = arith.cmpi eq, %select_n3A_9, %eq3A_112 : i32
      %convert_element_type3A_114 = arith.extui %eq3A_113 : i1 to i32
      %cond3A_115 = arith.constant 0 : i32
      %cond3A_116 = arith.cmpi ne, %convert_element_type3A_114, %cond3A_115 : i32
      scf.if %cond3A_116 {
        %dma_start3A_171 = tpu.memref_slice %arg8[%multiple_of3A_92] : memref<819200xf32, #tpu.memory_space<hbm>> -> memref<4000xf32, #tpu.memory_space<hbm>>
        %dma_start3A_172 = tpu.memref_slice %arg8[%multiple_of3A_92] : memref<819200xf32, #tpu.memory_space<hbm>> -> memref<4000xf32, #tpu.memory_space<hbm>>
        tpu.enqueue_dma source(%dma_start3A_172 : memref<4000xf32, #tpu.memory_space<hbm>>) target(%arg21 : memref<4000xf32, #tpu.memory_space<vmem>>) target_semaphore(%arg23 : memref<!tpu.dma_semaphore, #tpu.memory_space<semaphore_mem>>)
      } else {
      }
      %eq3A_117 = arith.constant 4 : i32
      %eq3A_118 = arith.cmpi eq, %select_n3A_9, %eq3A_117 : i32
      %convert_element_type3A_119 = arith.extui %eq3A_118 : i1 to i32
      %cond3A_120 = arith.constant 0 : i32
      %cond3A_121 = arith.cmpi ne, %convert_element_type3A_119, %cond3A_120 : i32
      scf.if %cond3A_121 {
        %dma_start3A_171 = tpu.memref_slice %arg9[%multiple_of3A_92] : memref<819200xf32, #tpu.memory_space<hbm>> -> memref<4000xf32, #tpu.memory_space<hbm>>
        %dma_start3A_172 = tpu.memref_slice %arg9[%multiple_of3A_92] : memref<819200xf32, #tpu.memory_space<hbm>> -> memref<4000xf32, #tpu.memory_space<hbm>>
        tpu.enqueue_dma source(%dma_start3A_172 : memref<4000xf32, #tpu.memory_space<hbm>>) target(%arg21 : memref<4000xf32, #tpu.memory_space<vmem>>) target_semaphore(%arg23 : memref<!tpu.dma_semaphore, #tpu.memory_space<semaphore_mem>>)
      } else {
      }
      %eq3A_122 = arith.constant 5 : i32
      %eq3A_123 = arith.cmpi eq, %select_n3A_9, %eq3A_122 : i32
      %convert_element_type3A_124 = arith.extui %eq3A_123 : i1 to i32
      %cond3A_125 = arith.constant 0 : i32
      %cond3A_126 = arith.cmpi ne, %convert_element_type3A_124, %cond3A_125 : i32
      scf.if %cond3A_126 {
        %dma_start3A_171 = tpu.memref_slice %arg10[%multiple_of3A_92] : memref<819200xf32, #tpu.memory_space<hbm>> -> memref<4000xf32, #tpu.memory_space<hbm>>
        %dma_start3A_172 = tpu.memref_slice %arg10[%multiple_of3A_92] : memref<819200xf32, #tpu.memory_space<hbm>> -> memref<4000xf32, #tpu.memory_space<hbm>>
        tpu.enqueue_dma source(%dma_start3A_172 : memref<4000xf32, #tpu.memory_space<hbm>>) target(%arg21 : memref<4000xf32, #tpu.memory_space<vmem>>) target_semaphore(%arg23 : memref<!tpu.dma_semaphore, #tpu.memory_space<semaphore_mem>>)
      } else {
      }
      %eq3A_127 = arith.constant 6 : i32
      %eq3A_128 = arith.cmpi eq, %select_n3A_9, %eq3A_127 : i32
      %convert_element_type3A_129 = arith.extui %eq3A_128 : i1 to i32
      %cond3A_130 = arith.constant 0 : i32
      %cond3A_131 = arith.cmpi ne, %convert_element_type3A_129, %cond3A_130 : i32
      scf.if %cond3A_131 {
        %dma_start3A_171 = tpu.memref_slice %arg11[%multiple_of3A_92] : memref<819200xf32, #tpu.memory_space<hbm>> -> memref<4000xf32, #tpu.memory_space<hbm>>
        %dma_start3A_172 = tpu.memref_slice %arg11[%multiple_of3A_92] : memref<819200xf32, #tpu.memory_space<hbm>> -> memref<4000xf32, #tpu.memory_space<hbm>>
        tpu.enqueue_dma source(%dma_start3A_172 : memref<4000xf32, #tpu.memory_space<hbm>>) target(%arg21 : memref<4000xf32, #tpu.memory_space<vmem>>) target_semaphore(%arg23 : memref<!tpu.dma_semaphore, #tpu.memory_space<semaphore_mem>>)
      } else {
      }
      %eq3A_132 = arith.constant 7 : i32
      %eq3A_133 = arith.cmpi eq, %select_n3A_9, %eq3A_132 : i32
      %convert_element_type3A_134 = arith.extui %eq3A_133 : i1 to i32
      %cond3A_135 = arith.constant 0 : i32
      %cond3A_136 = arith.cmpi ne, %convert_element_type3A_134, %cond3A_135 : i32
      scf.if %cond3A_136 {
        %dma_start3A_171 = tpu.memref_slice %arg12[%multiple_of3A_92] : memref<819200xf32, #tpu.memory_space<hbm>> -> memref<4000xf32, #tpu.memory_space<hbm>>
        %dma_start3A_172 = tpu.memref_slice %arg12[%multiple_of3A_92] : memref<819200xf32, #tpu.memory_space<hbm>> -> memref<4000xf32, #tpu.memory_space<hbm>>
        tpu.enqueue_dma source(%dma_start3A_172 : memref<4000xf32, #tpu.memory_space<hbm>>) target(%arg21 : memref<4000xf32, #tpu.memory_space<vmem>>) target_semaphore(%arg23 : memref<!tpu.dma_semaphore, #tpu.memory_space<semaphore_mem>>)
      } else {
      }
      %dma_wait3A = arith.constant 0 : i32
      %dma_wait3A_137 = tpu.memref_slice %arg3[%dma_wait3A] : memref<800000xi32, #tpu.memory_space<hbm>> -> memref<4000xi32, #tpu.memory_space<hbm>>
      %dma_wait3A_138 = arith.constant 0 : i32
      %dma_wait3A_139 = tpu.memref_slice %arg3[%dma_wait3A_138] : memref<800000xi32, #tpu.memory_space<hbm>> -> memref<4000xi32, #tpu.memory_space<hbm>>
      tpu.wait_dma2 semaphore(%arg22 : memref<!tpu.dma_semaphore, #tpu.memory_space<semaphore_mem>>) src(%dma_wait3A_139 : memref<4000xi32, #tpu.memory_space<hbm>>) dst(%arg16 : memref<4000xi32, #tpu.memory_space<vmem>>)
      %dma_wait3A_140 = arith.constant 0 : i32
      %dma_wait3A_141 = tpu.memref_slice %arg4[%dma_wait3A_140] : memref<800000xi32, #tpu.memory_space<hbm>> -> memref<4000xi32, #tpu.memory_space<hbm>>
      %dma_wait3A_142 = arith.constant 0 : i32
      %dma_wait3A_143 = tpu.memref_slice %arg4[%dma_wait3A_142] : memref<800000xi32, #tpu.memory_space<hbm>> -> memref<4000xi32, #tpu.memory_space<hbm>>
      tpu.wait_dma2 semaphore(%arg22 : memref<!tpu.dma_semaphore, #tpu.memory_space<semaphore_mem>>) src(%dma_wait3A_143 : memref<4000xi32, #tpu.memory_space<hbm>>) dst(%arg17 : memref<4000xi32, #tpu.memory_space<vmem>>)
      %dma_wait3A_144 = arith.constant 0 : i32
      %dma_wait3A_145 = tpu.memref_slice %arg5[%dma_wait3A_144] : memref<819200xf32, #tpu.memory_space<hbm>> -> memref<4000xf32, #tpu.memory_space<hbm>>
      %dma_wait3A_146 = arith.constant 0 : i32
      %dma_wait3A_147 = tpu.memref_slice %arg5[%dma_wait3A_146] : memref<819200xf32, #tpu.memory_space<hbm>> -> memref<4000xf32, #tpu.memory_space<hbm>>
      tpu.wait_dma2 semaphore(%arg22 : memref<!tpu.dma_semaphore, #tpu.memory_space<semaphore_mem>>) src(%dma_wait3A_147 : memref<4000xf32, #tpu.memory_space<hbm>>) dst(%arg18 : memref<4000xf32, #tpu.memory_space<vmem>>)
      %parallel_loop3A_148 = arith.constant 0 : i32
      %parallel_loop3A_149 = arith.constant 4000 : i32
      %parallel_loop3A_150 = arith.constant 16 : i32
      scf.for %parallel_loop3A_171 = %parallel_loop3A_148 to %parallel_loop3A_149 step %parallel_loop3A_150  : i32 {
        %parallel_loop3A_172 = arith.index_cast %parallel_loop3A_171 : i32 to index
        %parallel_loop3A_173 = tpu.vector_load %arg16[%parallel_loop3A_172] {strides = array<i32>} : memref<4000xi32, #tpu.memory_space<vmem>>, vector<16xi32>,
        %parallel_loop3A_174 = tpu.vector_load_idx %arg14[%parallel_loop3A_173] : memref<50000xf32, #tpu.memory_space<vmem>>[vector<16xi32>], vector<16xf32>,
        %parallel_loop3A_175 = arith.index_cast %parallel_loop3A_171 : i32 to index
        %parallel_loop3A_176 = tpu.vector_load %arg18[%parallel_loop3A_175] {strides = array<i32>} : memref<4000xf32, #tpu.memory_space<vmem>>, vector<16xf32>,
        %parallel_loop3A_177 = arith.mulf %parallel_loop3A_174, %parallel_loop3A_176 : vector<16xf32>
        %parallel_loop3A_178 = arith.index_cast %parallel_loop3A_171 : i32 to index
        %parallel_loop3A_179 = tpu.vector_load %arg17[%parallel_loop3A_178] {strides = array<i32>} : memref<4000xi32, #tpu.memory_space<vmem>>, vector<16xi32>,
        tpu.vector_store_idx %arg15[%parallel_loop3A_179], %parallel_loop3A_177 {add = true} : memref<50000xf32, #tpu.memory_space<vmem>>[vector<16xi32>], vector<16xf32>,
      } {sc.loop_unroll_factor = 5 : i64, sc.parallel_access}
      %lt3A_151 = arith.constant 24 : i32
      %lt3A_152 = arith.cmpi slt, %scan3A_84, %lt3A_151 : i32
      %convert_element_type3A_153 = arith.extui %lt3A_152 : i1 to i32
      %cond3A_154 = arith.constant 0 : i32
      %cond3A_155 = arith.cmpi ne, %convert_element_type3A_153, %cond3A_154 : i32
      scf.if %cond3A_155 {
        %mul3A_171 = arith.constant 2 : i32
        %mul3A_172 = arith.muli %mul3A_171, %scan3A_84 : i32
        %add3A_173 = arith.constant 2 : i32
        %add3A_174 = arith.addi %mul3A_172, %add3A_173 : i32
        %mul3A_175 = arith.constant 4000 : i32
        %mul3A_176 = arith.muli %add3A_174, %mul3A_175 : i32
        %add3A_177 = arith.addi %mul3A_35, %mul3A_176 : i32
        %multiple_of3A_178 = tpu.assume_multiple %add3A_177, 8 : i32
        %dma_start3A_179 = tpu.memref_slice %arg3[%multiple_of3A_178] : memref<800000xi32, #tpu.memory_space<hbm>> -> memref<4000xi32, #tpu.memory_space<hbm>>
        %dma_start3A_180 = tpu.memref_slice %arg3[%multiple_of3A_178] : memref<800000xi32, #tpu.memory_space<hbm>> -> memref<4000xi32, #tpu.memory_space<hbm>>
        tpu.enqueue_dma source(%dma_start3A_180 : memref<4000xi32, #tpu.memory_space<hbm>>) target(%arg16 : memref<4000xi32, #tpu.memory_space<vmem>>) target_semaphore(%arg22 : memref<!tpu.dma_semaphore, #tpu.memory_space<semaphore_mem>>)
        %dma_start3A_181 = tpu.memref_slice %arg4[%multiple_of3A_178] : memref<800000xi32, #tpu.memory_space<hbm>> -> memref<4000xi32, #tpu.memory_space<hbm>>
        %dma_start3A_182 = tpu.memref_slice %arg4[%multiple_of3A_178] : memref<800000xi32, #tpu.memory_space<hbm>> -> memref<4000xi32, #tpu.memory_space<hbm>>
        tpu.enqueue_dma source(%dma_start3A_182 : memref<4000xi32, #tpu.memory_space<hbm>>) target(%arg17 : memref<4000xi32, #tpu.memory_space<vmem>>) target_semaphore(%arg22 : memref<!tpu.dma_semaphore, #tpu.memory_space<semaphore_mem>>)
        %eq3A_183 = arith.constant 0 : i32
        %eq3A_184 = arith.cmpi eq, %select_n3A_9, %eq3A_183 : i32
        %convert_element_type3A_185 = arith.extui %eq3A_184 : i1 to i32
        %cond3A_186 = arith.constant 0 : i32
        %cond3A_187 = arith.cmpi ne, %convert_element_type3A_185, %cond3A_186 : i32
        scf.if %cond3A_187 {
          %dma_start3A_223 = tpu.memref_slice %arg5[%multiple_of3A_178] : memref<819200xf32, #tpu.memory_space<hbm>> -> memref<4000xf32, #tpu.memory_space<hbm>>
          %dma_start3A_224 = tpu.memref_slice %arg5[%multiple_of3A_178] : memref<819200xf32, #tpu.memory_space<hbm>> -> memref<4000xf32, #tpu.memory_space<hbm>>
          tpu.enqueue_dma source(%dma_start3A_224 : memref<4000xf32, #tpu.memory_space<hbm>>) target(%arg18 : memref<4000xf32, #tpu.memory_space<vmem>>) target_semaphore(%arg22 : memref<!tpu.dma_semaphore, #tpu.memory_space<semaphore_mem>>)
        } else {
        }
        %eq3A_188 = arith.constant 1 : i32
        %eq3A_189 = arith.cmpi eq, %select_n3A_9, %eq3A_188 : i32
        %convert_element_type3A_190 = arith.extui %eq3A_189 : i1 to i32
        %cond3A_191 = arith.constant 0 : i32
        %cond3A_192 = arith.cmpi ne, %convert_element_type3A_190, %cond3A_191 : i32
        scf.if %cond3A_192 {
          %dma_start3A_223 = tpu.memref_slice %arg6[%multiple_of3A_178] : memref<819200xf32, #tpu.memory_space<hbm>> -> memref<4000xf32, #tpu.memory_space<hbm>>
          %dma_start3A_224 = tpu.memref_slice %arg6[%multiple_of3A_178] : memref<819200xf32, #tpu.memory_space<hbm>> -> memref<4000xf32, #tpu.memory_space<hbm>>
          tpu.enqueue_dma source(%dma_start3A_224 : memref<4000xf32, #tpu.memory_space<hbm>>) target(%arg18 : memref<4000xf32, #tpu.memory_space<vmem>>) target_semaphore(%arg22 : memref<!tpu.dma_semaphore, #tpu.memory_space<semaphore_mem>>)
        } else {
        }
        %eq3A_193 = arith.constant 2 : i32
        %eq3A_194 = arith.cmpi eq, %select_n3A_9, %eq3A_193 : i32
        %convert_element_type3A_195 = arith.extui %eq3A_194 : i1 to i32
        %cond3A_196 = arith.constant 0 : i32
        %cond3A_197 = arith.cmpi ne, %convert_element_type3A_195, %cond3A_196 : i32
        scf.if %cond3A_197 {
          %dma_start3A_223 = tpu.memref_slice %arg7[%multiple_of3A_178] : memref<819200xf32, #tpu.memory_space<hbm>> -> memref<4000xf32, #tpu.memory_space<hbm>>
          %dma_start3A_224 = tpu.memref_slice %arg7[%multiple_of3A_178] : memref<819200xf32, #tpu.memory_space<hbm>> -> memref<4000xf32, #tpu.memory_space<hbm>>
          tpu.enqueue_dma source(%dma_start3A_224 : memref<4000xf32, #tpu.memory_space<hbm>>) target(%arg18 : memref<4000xf32, #tpu.memory_space<vmem>>) target_semaphore(%arg22 : memref<!tpu.dma_semaphore, #tpu.memory_space<semaphore_mem>>)
        } else {
        }
        %eq3A_198 = arith.constant 3 : i32
        %eq3A_199 = arith.cmpi eq, %select_n3A_9, %eq3A_198 : i32
        %convert_element_type3A_200 = arith.extui %eq3A_199 : i1 to i32
        %cond3A_201 = arith.constant 0 : i32
        %cond3A_202 = arith.cmpi ne, %convert_element_type3A_200, %cond3A_201 : i32
        scf.if %cond3A_202 {
          %dma_start3A_223 = tpu.memref_slice %arg8[%multiple_of3A_178] : memref<819200xf32, #tpu.memory_space<hbm>> -> memref<4000xf32, #tpu.memory_space<hbm>>
          %dma_start3A_224 = tpu.memref_slice %arg8[%multiple_of3A_178] : memref<819200xf32, #tpu.memory_space<hbm>> -> memref<4000xf32, #tpu.memory_space<hbm>>
          tpu.enqueue_dma source(%dma_start3A_224 : memref<4000xf32, #tpu.memory_space<hbm>>) target(%arg18 : memref<4000xf32, #tpu.memory_space<vmem>>) target_semaphore(%arg22 : memref<!tpu.dma_semaphore, #tpu.memory_space<semaphore_mem>>)
        } else {
        }
        %eq3A_203 = arith.constant 4 : i32
        %eq3A_204 = arith.cmpi eq, %select_n3A_9, %eq3A_203 : i32
        %convert_element_type3A_205 = arith.extui %eq3A_204 : i1 to i32
        %cond3A_206 = arith.constant 0 : i32
        %cond3A_207 = arith.cmpi ne, %convert_element_type3A_205, %cond3A_206 : i32
        scf.if %cond3A_207 {
          %dma_start3A_223 = tpu.memref_slice %arg9[%multiple_of3A_178] : memref<819200xf32, #tpu.memory_space<hbm>> -> memref<4000xf32, #tpu.memory_space<hbm>>
          %dma_start3A_224 = tpu.memref_slice %arg9[%multiple_of3A_178] : memref<819200xf32, #tpu.memory_space<hbm>> -> memref<4000xf32, #tpu.memory_space<hbm>>
          tpu.enqueue_dma source(%dma_start3A_224 : memref<4000xf32, #tpu.memory_space<hbm>>) target(%arg18 : memref<4000xf32, #tpu.memory_space<vmem>>) target_semaphore(%arg22 : memref<!tpu.dma_semaphore, #tpu.memory_space<semaphore_mem>>)
        } else {
        }
        %eq3A_208 = arith.constant 5 : i32
        %eq3A_209 = arith.cmpi eq, %select_n3A_9, %eq3A_208 : i32
        %convert_element_type3A_210 = arith.extui %eq3A_209 : i1 to i32
        %cond3A_211 = arith.constant 0 : i32
        %cond3A_212 = arith.cmpi ne, %convert_element_type3A_210, %cond3A_211 : i32
        scf.if %cond3A_212 {
          %dma_start3A_223 = tpu.memref_slice %arg10[%multiple_of3A_178] : memref<819200xf32, #tpu.memory_space<hbm>> -> memref<4000xf32, #tpu.memory_space<hbm>>
          %dma_start3A_224 = tpu.memref_slice %arg10[%multiple_of3A_178] : memref<819200xf32, #tpu.memory_space<hbm>> -> memref<4000xf32, #tpu.memory_space<hbm>>
          tpu.enqueue_dma source(%dma_start3A_224 : memref<4000xf32, #tpu.memory_space<hbm>>) target(%arg18 : memref<4000xf32, #tpu.memory_space<vmem>>) target_semaphore(%arg22 : memref<!tpu.dma_semaphore, #tpu.memory_space<semaphore_mem>>)
        } else {
        }
        %eq3A_213 = arith.constant 6 : i32
        %eq3A_214 = arith.cmpi eq, %select_n3A_9, %eq3A_213 : i32
        %convert_element_type3A_215 = arith.extui %eq3A_214 : i1 to i32
        %cond3A_216 = arith.constant 0 : i32
        %cond3A_217 = arith.cmpi ne, %convert_element_type3A_215, %cond3A_216 : i32
        scf.if %cond3A_217 {
          %dma_start3A_223 = tpu.memref_slice %arg11[%multiple_of3A_178] : memref<819200xf32, #tpu.memory_space<hbm>> -> memref<4000xf32, #tpu.memory_space<hbm>>
          %dma_start3A_224 = tpu.memref_slice %arg11[%multiple_of3A_178] : memref<819200xf32, #tpu.memory_space<hbm>> -> memref<4000xf32, #tpu.memory_space<hbm>>
          tpu.enqueue_dma source(%dma_start3A_224 : memref<4000xf32, #tpu.memory_space<hbm>>) target(%arg18 : memref<4000xf32, #tpu.memory_space<vmem>>) target_semaphore(%arg22 : memref<!tpu.dma_semaphore, #tpu.memory_space<semaphore_mem>>)
        } else {
        }
        %eq3A_218 = arith.constant 7 : i32
        %eq3A_219 = arith.cmpi eq, %select_n3A_9, %eq3A_218 : i32
        %convert_element_type3A_220 = arith.extui %eq3A_219 : i1 to i32
        %cond3A_221 = arith.constant 0 : i32
        %cond3A_222 = arith.cmpi ne, %convert_element_type3A_220, %cond3A_221 : i32
        scf.if %cond3A_222 {
          %dma_start3A_223 = tpu.memref_slice %arg12[%multiple_of3A_178] : memref<819200xf32, #tpu.memory_space<hbm>> -> memref<4000xf32, #tpu.memory_space<hbm>>
          %dma_start3A_224 = tpu.memref_slice %arg12[%multiple_of3A_178] : memref<819200xf32, #tpu.memory_space<hbm>> -> memref<4000xf32, #tpu.memory_space<hbm>>
          tpu.enqueue_dma source(%dma_start3A_224 : memref<4000xf32, #tpu.memory_space<hbm>>) target(%arg18 : memref<4000xf32, #tpu.memory_space<vmem>>) target_semaphore(%arg22 : memref<!tpu.dma_semaphore, #tpu.memory_space<semaphore_mem>>)
        } else {
        }
      } else {
      }
      %dma_wait3A_156 = arith.constant 0 : i32
      %dma_wait3A_157 = tpu.memref_slice %arg3[%dma_wait3A_156] : memref<800000xi32, #tpu.memory_space<hbm>> -> memref<4000xi32, #tpu.memory_space<hbm>>
      %dma_wait3A_158 = arith.constant 0 : i32
      %dma_wait3A_159 = tpu.memref_slice %arg3[%dma_wait3A_158] : memref<800000xi32, #tpu.memory_space<hbm>> -> memref<4000xi32, #tpu.memory_space<hbm>>
      tpu.wait_dma2 semaphore(%arg23 : memref<!tpu.dma_semaphore, #tpu.memory_space<semaphore_mem>>) src(%dma_wait3A_159 : memref<4000xi32, #tpu.memory_space<hbm>>) dst(%arg19 : memref<4000xi32, #tpu.memory_space<vmem>>)
      %dma_wait3A_160 = arith.constant 0 : i32
      %dma_wait3A_161 = tpu.memref_slice %arg4[%dma_wait3A_160] : memref<800000xi32, #tpu.memory_space<hbm>> -> memref<4000xi32, #tpu.memory_space<hbm>>
      %dma_wait3A_162 = arith.constant 0 : i32
      %dma_wait3A_163 = tpu.memref_slice %arg4[%dma_wait3A_162] : memref<800000xi32, #tpu.memory_space<hbm>> -> memref<4000xi32, #tpu.memory_space<hbm>>
      tpu.wait_dma2 semaphore(%arg23 : memref<!tpu.dma_semaphore, #tpu.memory_space<semaphore_mem>>) src(%dma_wait3A_163 : memref<4000xi32, #tpu.memory_space<hbm>>) dst(%arg20 : memref<4000xi32, #tpu.memory_space<vmem>>)
      %dma_wait3A_164 = arith.constant 0 : i32
      %dma_wait3A_165 = tpu.memref_slice %arg5[%dma_wait3A_164] : memref<819200xf32, #tpu.memory_space<hbm>> -> memref<4000xf32, #tpu.memory_space<hbm>>
      %dma_wait3A_166 = arith.constant 0 : i32
      %dma_wait3A_167 = tpu.memref_slice %arg5[%dma_wait3A_166] : memref<819200xf32, #tpu.memory_space<hbm>> -> memref<4000xf32, #tpu.memory_space<hbm>>
      tpu.wait_dma2 semaphore(%arg23 : memref<!tpu.dma_semaphore, #tpu.memory_space<semaphore_mem>>) src(%dma_wait3A_167 : memref<4000xf32, #tpu.memory_space<hbm>>) dst(%arg21 : memref<4000xf32, #tpu.memory_space<vmem>>)
      %parallel_loop3A_168 = arith.constant 0 : i32
      %parallel_loop3A_169 = arith.constant 4000 : i32
      %parallel_loop3A_170 = arith.constant 16 : i32
      scf.for %parallel_loop3A_171 = %parallel_loop3A_168 to %parallel_loop3A_169 step %parallel_loop3A_170  : i32 {
        %parallel_loop3A_172 = arith.index_cast %parallel_loop3A_171 : i32 to index
        %parallel_loop3A_173 = tpu.vector_load %arg19[%parallel_loop3A_172] {strides = array<i32>} : memref<4000xi32, #tpu.memory_space<vmem>>, vector<16xi32>,
        %parallel_loop3A_174 = tpu.vector_load_idx %arg14[%parallel_loop3A_173] : memref<50000xf32, #tpu.memory_space<vmem>>[vector<16xi32>], vector<16xf32>,
        %parallel_loop3A_175 = arith.index_cast %parallel_loop3A_171 : i32 to index
        %parallel_loop3A_176 = tpu.vector_load %arg21[%parallel_loop3A_175] {strides = array<i32>} : memref<4000xf32, #tpu.memory_space<vmem>>, vector<16xf32>,
        %parallel_loop3A_177 = arith.mulf %parallel_loop3A_174, %parallel_loop3A_176 : vector<16xf32>
        %parallel_loop3A_178 = arith.index_cast %parallel_loop3A_171 : i32 to index
        %parallel_loop3A_179 = tpu.vector_load %arg20[%parallel_loop3A_178] {strides = array<i32>} : memref<4000xi32, #tpu.memory_space<vmem>>, vector<16xi32>,
        tpu.vector_store_idx %arg15[%parallel_loop3A_179], %parallel_loop3A_177 {add = true} : memref<50000xf32, #tpu.memory_space<vmem>>[vector<16xi32>], vector<16xf32>,
      } {sc.loop_unroll_factor = 5 : i64, sc.parallel_access}
    }
    %scan3A_81 = arith.constant 25 : i32
    %mul3A_82 = arith.constant 50000 : i32
    %mul3A_83 = arith.muli %add3A, %mul3A_82 : i32
    "tpu.region"() ({
      %run_scoped3A = tpu.sem_alloc : memref<!tpu.dma_semaphore, #tpu.memory_space<semaphore_mem>>
      %dma_start3A_84 = tpu.memref_slice %arg13[%mul3A_83] : memref<1600000xf32, #tpu.memory_space<hbm>> -> memref<50000xf32, #tpu.memory_space<hbm>>
      %dma_start3A_85 = tpu.memref_slice %arg13[%mul3A_83] : memref<1600000xf32, #tpu.memory_space<hbm>> -> memref<50000xf32, #tpu.memory_space<hbm>>
      tpu.enqueue_dma source(%arg15 : memref<50000xf32, #tpu.memory_space<vmem>>) target(%dma_start3A_85 : memref<50000xf32, #tpu.memory_space<hbm>>) target_semaphore(%run_scoped3A : memref<!tpu.dma_semaphore, #tpu.memory_space<semaphore_mem>>)
      %dma_wait3A = tpu.memref_slice %arg13[%mul3A_83] : memref<1600000xf32, #tpu.memory_space<hbm>> -> memref<50000xf32, #tpu.memory_space<hbm>>
      %dma_wait3A_86 = tpu.memref_slice %arg13[%mul3A_83] : memref<1600000xf32, #tpu.memory_space<hbm>> -> memref<50000xf32, #tpu.memory_space<hbm>>
      tpu.wait_dma2 semaphore(%run_scoped3A : memref<!tpu.dma_semaphore, #tpu.memory_space<semaphore_mem>>) src(%arg15 : memref<50000xf32, #tpu.memory_space<vmem>>) dst(%dma_wait3A_86 : memref<50000xf32, #tpu.memory_space<hbm>>)
      tpu.yield
    }) : () -> ()
    return
  }
}

#map = affine_map<(d0, d1) -> (0)>
module attributes {stable_mosaic.version = 14 : i64} {
  func.func @sc_c(%arg0: i32, %arg1: i32, %arg2: memref<1600000xf32, #tpu.memory_space<hbm>>, %arg3: memref<50000xf32, #tpu.memory_space<hbm>>, %arg4: memref<128xf32, #tpu.memory_space<hbm>>, %arg5: memref<128xf32, #tpu.memory_space<hbm>>, %arg6: memref<400000xf32, #tpu.memory_space<hbm>>, %arg7: memref<62720xf32, #tpu.memory_space<vmem>>, %arg8: memref<12544xf32, #tpu.memory_space<vmem>>, %arg9: memref<16xf32, #tpu.memory_space<vmem>>, %arg10: memref<16xf32, #tpu.memory_space<vmem>>, %arg11: memref<!tpu.dma_semaphore, #tpu.memory_space<semaphore_mem>>) attributes {dimension_semantics = [#tpu.dimension_semantics<core_parallel>, #tpu.dimension_semantics<subcore_parallel>], iteration_bounds = array<i64: 2, 16>, scalar_prefetch = 0 : i64, scratch_operands = 5 : i64, tpu.core_type = #tpu.core_type<sc_vector_subcore>, window_params = [{transform_indices = #map}, {transform_indices = #map}, {transform_indices = #map}, {transform_indices = #map}, {transform_indices = #map}]} {
    %mul3A = arith.constant 2 : i32
    %mul3A_0 = arith.muli %arg1, %mul3A : i32
    %add3A = arith.addi %mul3A_0, %arg0 : i32
    %jit3A = arith.constant 8 : i32
    %eq3A = arith.constant 0 : i32
    %eq3A_1 = arith.cmpi eq, %jit3A, %eq3A : i32
    %jit3A_2 = arith.constant 1 : i32
    %select_n3A = arith.select %eq3A_1, %jit3A_2, %jit3A : i32
    %rem3A = arith.remsi %add3A, %select_n3A : i32
    %ne3A = arith.constant 0 : i32
    %ne3A_3 = arith.cmpi ne, %rem3A, %ne3A : i32
    %lt3A = arith.constant 0 : i32
    %lt3A_4 = arith.cmpi slt, %rem3A, %lt3A : i32
    %lt3A_5 = arith.constant 0 : i32
    %lt3A_6 = arith.cmpi slt, %select_n3A, %lt3A_5 : i32
    %ne3A_7 = arith.xori %lt3A_4, %lt3A_6 : i1
    %and3A = arith.andi %ne3A_7, %ne3A_3 : i1
    %add3A_8 = arith.addi %rem3A, %select_n3A : i32
    %select_n3A_9 = arith.select %and3A, %add3A_8, %rem3A : i32
    %jit3A_10 = arith.constant 8 : i32
    %div3A = arith.divsi %add3A, %jit3A_10 : i32
    %sign3A = arith.constant 0 : i32
    %sign3A_11 = arith.cmpi sgt, %add3A, %sign3A : i32
    %sign3A_12 = arith.extui %sign3A_11 : i1 to i32
    %sign3A_13 = arith.constant 0 : i32
    %sign3A_14 = arith.cmpi slt, %add3A, %sign3A_13 : i32
    %sign3A_15 = arith.extui %sign3A_14 : i1 to i32
    %sign3A_16 = arith.subi %sign3A_12, %sign3A_15 : i32
    %sign3A_17 = arith.constant 0 : i32
    %sign3A_18 = arith.cmpi sgt, %jit3A_10, %sign3A_17 : i32
    %sign3A_19 = arith.extui %sign3A_18 : i1 to i32
    %sign3A_20 = arith.constant 0 : i32
    %sign3A_21 = arith.cmpi slt, %jit3A_10, %sign3A_20 : i32
    %sign3A_22 = arith.extui %sign3A_21 : i1 to i32
    %sign3A_23 = arith.subi %sign3A_19, %sign3A_22 : i32
    %ne3A_24 = arith.cmpi ne, %sign3A_16, %sign3A_23 : i32
    %rem3A_25 = arith.remsi %add3A, %jit3A_10 : i32
    %ne3A_26 = arith.constant 0 : i32
    %ne3A_27 = arith.cmpi ne, %rem3A_25, %ne3A_26 : i32
    %and3A_28 = arith.andi %ne3A_24, %ne3A_27 : i1
    %sub3A = arith.constant 1 : i32
    %sub3A_29 = arith.subi %div3A, %sub3A : i32
    %select_n3A_30 = arith.select %and3A_28, %sub3A_29, %div3A : i32
    %mul3A_31 = arith.constant 12544 : i32
    %mul3A_32 = arith.muli %select_n3A_30, %mul3A_31 : i32
    %min3A = arith.constant 37456 : i32
    %min3A_33 = arith.minsi %mul3A_32, %min3A : i32
    %multiple_of3A = tpu.assume_multiple %min3A_33, 16 : i32
    %mul3A_34 = arith.constant 16 : i32
    %mul3A_35 = arith.muli %select_n3A_9, %mul3A_34 : i32
    "tpu.region"() ({
      %run_scoped3A = tpu.sem_alloc : memref<!tpu.dma_semaphore, #tpu.memory_space<semaphore_mem>>
      %dma_start3A_127 = tpu.memref_slice %arg4[%mul3A_35] : memref<128xf32, #tpu.memory_space<hbm>> -> memref<16xf32, #tpu.memory_space<hbm>>
      %dma_start3A_128 = tpu.memref_slice %arg4[%mul3A_35] : memref<128xf32, #tpu.memory_space<hbm>> -> memref<16xf32, #tpu.memory_space<hbm>>
      tpu.enqueue_dma source(%dma_start3A_128 : memref<16xf32, #tpu.memory_space<hbm>>) target(%arg9 : memref<16xf32, #tpu.memory_space<vmem>>) target_semaphore(%run_scoped3A : memref<!tpu.dma_semaphore, #tpu.memory_space<semaphore_mem>>)
      %dma_wait3A_129 = tpu.memref_slice %arg4[%mul3A_35] : memref<128xf32, #tpu.memory_space<hbm>> -> memref<16xf32, #tpu.memory_space<hbm>>
      %dma_wait3A_130 = tpu.memref_slice %arg4[%mul3A_35] : memref<128xf32, #tpu.memory_space<hbm>> -> memref<16xf32, #tpu.memory_space<hbm>>
      tpu.wait_dma2 semaphore(%run_scoped3A : memref<!tpu.dma_semaphore, #tpu.memory_space<semaphore_mem>>) src(%dma_wait3A_130 : memref<16xf32, #tpu.memory_space<hbm>>) dst(%arg9 : memref<16xf32, #tpu.memory_space<vmem>>)
      tpu.yield
    }) : () -> ()
    %mul3A_36 = arith.constant 16 : i32
    %mul3A_37 = arith.muli %select_n3A_9, %mul3A_36 : i32
    "tpu.region"() ({
      %run_scoped3A = tpu.sem_alloc : memref<!tpu.dma_semaphore, #tpu.memory_space<semaphore_mem>>
      %dma_start3A_127 = tpu.memref_slice %arg5[%mul3A_37] : memref<128xf32, #tpu.memory_space<hbm>> -> memref<16xf32, #tpu.memory_space<hbm>>
      %dma_start3A_128 = tpu.memref_slice %arg5[%mul3A_37] : memref<128xf32, #tpu.memory_space<hbm>> -> memref<16xf32, #tpu.memory_space<hbm>>
      tpu.enqueue_dma source(%dma_start3A_128 : memref<16xf32, #tpu.memory_space<hbm>>) target(%arg10 : memref<16xf32, #tpu.memory_space<vmem>>) target_semaphore(%run_scoped3A : memref<!tpu.dma_semaphore, #tpu.memory_space<semaphore_mem>>)
      %dma_wait3A_129 = tpu.memref_slice %arg5[%mul3A_37] : memref<128xf32, #tpu.memory_space<hbm>> -> memref<16xf32, #tpu.memory_space<hbm>>
      %dma_wait3A_130 = tpu.memref_slice %arg5[%mul3A_37] : memref<128xf32, #tpu.memory_space<hbm>> -> memref<16xf32, #tpu.memory_space<hbm>>
      tpu.wait_dma2 semaphore(%run_scoped3A : memref<!tpu.dma_semaphore, #tpu.memory_space<semaphore_mem>>) src(%dma_wait3A_130 : memref<16xf32, #tpu.memory_space<hbm>>) dst(%arg10 : memref<16xf32, #tpu.memory_space<vmem>>)
      tpu.yield
    }) : () -> ()
    %add3A_38 = arith.constant 0 : i32
    %add3A_39 = arith.addi %add3A_38, %select_n3A_9 : i32
    %mul3A_40 = arith.constant 50000 : i32
    %mul3A_41 = arith.muli %add3A_39, %mul3A_40 : i32
    %add3A_42 = arith.addi %mul3A_41, %multiple_of3A : i32
    %dma_start3A = arith.constant 0 : i32
    %dma_start3A_43 = tpu.memref_slice %arg7[%dma_start3A] : memref<62720xf32, #tpu.memory_space<vmem>> -> memref<12544xf32, #tpu.memory_space<vmem>>
    %dma_start3A_44 = tpu.memref_slice %arg2[%add3A_42] : memref<1600000xf32, #tpu.memory_space<hbm>> -> memref<12544xf32, #tpu.memory_space<hbm>>
    %dma_start3A_45 = arith.constant 0 : i32
    %dma_start3A_46 = tpu.memref_slice %arg7[%dma_start3A_45] : memref<62720xf32, #tpu.memory_space<vmem>> -> memref<12544xf32, #tpu.memory_space<vmem>>
    %dma_start3A_47 = tpu.memref_slice %arg2[%add3A_42] : memref<1600000xf32, #tpu.memory_space<hbm>> -> memref<12544xf32, #tpu.memory_space<hbm>>
    tpu.enqueue_dma source(%dma_start3A_47 : memref<12544xf32, #tpu.memory_space<hbm>>) target(%dma_start3A_46 : memref<12544xf32, #tpu.memory_space<vmem>>) target_semaphore(%arg11 : memref<!tpu.dma_semaphore, #tpu.memory_space<semaphore_mem>>)
    %add3A_48 = arith.constant 8 : i32
    %add3A_49 = arith.addi %add3A_48, %select_n3A_9 : i32
    %mul3A_50 = arith.constant 50000 : i32
    %mul3A_51 = arith.muli %add3A_49, %mul3A_50 : i32
    %add3A_52 = arith.addi %mul3A_51, %multiple_of3A : i32
    %dma_start3A_53 = arith.constant 12544 : i32
    %dma_start3A_54 = tpu.memref_slice %arg7[%dma_start3A_53] : memref<62720xf32, #tpu.memory_space<vmem>> -> memref<12544xf32, #tpu.memory_space<vmem>>
    %dma_start3A_55 = tpu.memref_slice %arg2[%add3A_52] : memref<1600000xf32, #tpu.memory_space<hbm>> -> memref<12544xf32, #tpu.memory_space<hbm>>
    %dma_start3A_56 = arith.constant 12544 : i32
    %dma_start3A_57 = tpu.memref_slice %arg7[%dma_start3A_56] : memref<62720xf32, #tpu.memory_space<vmem>> -> memref<12544xf32, #tpu.memory_space<vmem>>
    %dma_start3A_58 = tpu.memref_slice %arg2[%add3A_52] : memref<1600000xf32, #tpu.memory_space<hbm>> -> memref<12544xf32, #tpu.memory_space<hbm>>
    tpu.enqueue_dma source(%dma_start3A_58 : memref<12544xf32, #tpu.memory_space<hbm>>) target(%dma_start3A_57 : memref<12544xf32, #tpu.memory_space<vmem>>) target_semaphore(%arg11 : memref<!tpu.dma_semaphore, #tpu.memory_space<semaphore_mem>>)
    %add3A_59 = arith.constant 16 : i32
    %add3A_60 = arith.addi %add3A_59, %select_n3A_9 : i32
    %mul3A_61 = arith.constant 50000 : i32
    %mul3A_62 = arith.muli %add3A_60, %mul3A_61 : i32
    %add3A_63 = arith.addi %mul3A_62, %multiple_of3A : i32
    %dma_start3A_64 = arith.constant 25088 : i32
    %dma_start3A_65 = tpu.memref_slice %arg7[%dma_start3A_64] : memref<62720xf32, #tpu.memory_space<vmem>> -> memref<12544xf32, #tpu.memory_space<vmem>>
    %dma_start3A_66 = tpu.memref_slice %arg2[%add3A_63] : memref<1600000xf32, #tpu.memory_space<hbm>> -> memref<12544xf32, #tpu.memory_space<hbm>>
    %dma_start3A_67 = arith.constant 25088 : i32
    %dma_start3A_68 = tpu.memref_slice %arg7[%dma_start3A_67] : memref<62720xf32, #tpu.memory_space<vmem>> -> memref<12544xf32, #tpu.memory_space<vmem>>
    %dma_start3A_69 = tpu.memref_slice %arg2[%add3A_63] : memref<1600000xf32, #tpu.memory_space<hbm>> -> memref<12544xf32, #tpu.memory_space<hbm>>
    tpu.enqueue_dma source(%dma_start3A_69 : memref<12544xf32, #tpu.memory_space<hbm>>) target(%dma_start3A_68 : memref<12544xf32, #tpu.memory_space<vmem>>) target_semaphore(%arg11 : memref<!tpu.dma_semaphore, #tpu.memory_space<semaphore_mem>>)
    %add3A_70 = arith.constant 24 : i32
    %add3A_71 = arith.addi %add3A_70, %select_n3A_9 : i32
    %mul3A_72 = arith.constant 50000 : i32
    %mul3A_73 = arith.muli %add3A_71, %mul3A_72 : i32
    %add3A_74 = arith.addi %mul3A_73, %multiple_of3A : i32
    %dma_start3A_75 = arith.constant 37632 : i32
    %dma_start3A_76 = tpu.memref_slice %arg7[%dma_start3A_75] : memref<62720xf32, #tpu.memory_space<vmem>> -> memref<12544xf32, #tpu.memory_space<vmem>>
    %dma_start3A_77 = tpu.memref_slice %arg2[%add3A_74] : memref<1600000xf32, #tpu.memory_space<hbm>> -> memref<12544xf32, #tpu.memory_space<hbm>>
    %dma_start3A_78 = arith.constant 37632 : i32
    %dma_start3A_79 = tpu.memref_slice %arg7[%dma_start3A_78] : memref<62720xf32, #tpu.memory_space<vmem>> -> memref<12544xf32, #tpu.memory_space<vmem>>
    %dma_start3A_80 = tpu.memref_slice %arg2[%add3A_74] : memref<1600000xf32, #tpu.memory_space<hbm>> -> memref<12544xf32, #tpu.memory_space<hbm>>
    tpu.enqueue_dma source(%dma_start3A_80 : memref<12544xf32, #tpu.memory_space<hbm>>) target(%dma_start3A_79 : memref<12544xf32, #tpu.memory_space<vmem>>) target_semaphore(%arg11 : memref<!tpu.dma_semaphore, #tpu.memory_space<semaphore_mem>>)
    %dma_start3A_81 = arith.constant 50176 : i32
    %dma_start3A_82 = tpu.memref_slice %arg7[%dma_start3A_81] : memref<62720xf32, #tpu.memory_space<vmem>> -> memref<12544xf32, #tpu.memory_space<vmem>>
    %dma_start3A_83 = tpu.memref_slice %arg3[%multiple_of3A] : memref<50000xf32, #tpu.memory_space<hbm>> -> memref<12544xf32, #tpu.memory_space<hbm>>
    %dma_start3A_84 = arith.constant 50176 : i32
    %dma_start3A_85 = tpu.memref_slice %arg7[%dma_start3A_84] : memref<62720xf32, #tpu.memory_space<vmem>> -> memref<12544xf32, #tpu.memory_space<vmem>>
    %dma_start3A_86 = tpu.memref_slice %arg3[%multiple_of3A] : memref<50000xf32, #tpu.memory_space<hbm>> -> memref<12544xf32, #tpu.memory_space<hbm>>
    tpu.enqueue_dma source(%dma_start3A_86 : memref<12544xf32, #tpu.memory_space<hbm>>) target(%dma_start3A_85 : memref<12544xf32, #tpu.memory_space<vmem>>) target_semaphore(%arg11 : memref<!tpu.dma_semaphore, #tpu.memory_space<semaphore_mem>>)
    %dma_wait3A = arith.constant 0 : i32
    %dma_wait3A_87 = tpu.memref_slice %arg7[%dma_wait3A] : memref<62720xf32, #tpu.memory_space<vmem>> -> memref<12544xf32, #tpu.memory_space<vmem>>
    %dma_wait3A_88 = tpu.memref_slice %arg2[%add3A_42] : memref<1600000xf32, #tpu.memory_space<hbm>> -> memref<12544xf32, #tpu.memory_space<hbm>>
    %dma_wait3A_89 = arith.constant 0 : i32
    %dma_wait3A_90 = tpu.memref_slice %arg7[%dma_wait3A_89] : memref<62720xf32, #tpu.memory_space<vmem>> -> memref<12544xf32, #tpu.memory_space<vmem>>
    %dma_wait3A_91 = tpu.memref_slice %arg2[%add3A_42] : memref<1600000xf32, #tpu.memory_space<hbm>> -> memref<12544xf32, #tpu.memory_space<hbm>>
    tpu.wait_dma2 semaphore(%arg11 : memref<!tpu.dma_semaphore, #tpu.memory_space<semaphore_mem>>) src(%dma_wait3A_91 : memref<12544xf32, #tpu.memory_space<hbm>>) dst(%dma_wait3A_90 : memref<12544xf32, #tpu.memory_space<vmem>>)
    %dma_wait3A_92 = arith.constant 12544 : i32
    %dma_wait3A_93 = tpu.memref_slice %arg7[%dma_wait3A_92] : memref<62720xf32, #tpu.memory_space<vmem>> -> memref<12544xf32, #tpu.memory_space<vmem>>
    %dma_wait3A_94 = tpu.memref_slice %arg2[%add3A_52] : memref<1600000xf32, #tpu.memory_space<hbm>> -> memref<12544xf32, #tpu.memory_space<hbm>>
    %dma_wait3A_95 = arith.constant 12544 : i32
    %dma_wait3A_96 = tpu.memref_slice %arg7[%dma_wait3A_95] : memref<62720xf32, #tpu.memory_space<vmem>> -> memref<12544xf32, #tpu.memory_space<vmem>>
    %dma_wait3A_97 = tpu.memref_slice %arg2[%add3A_52] : memref<1600000xf32, #tpu.memory_space<hbm>> -> memref<12544xf32, #tpu.memory_space<hbm>>
    tpu.wait_dma2 semaphore(%arg11 : memref<!tpu.dma_semaphore, #tpu.memory_space<semaphore_mem>>) src(%dma_wait3A_97 : memref<12544xf32, #tpu.memory_space<hbm>>) dst(%dma_wait3A_96 : memref<12544xf32, #tpu.memory_space<vmem>>)
    %dma_wait3A_98 = arith.constant 25088 : i32
    %dma_wait3A_99 = tpu.memref_slice %arg7[%dma_wait3A_98] : memref<62720xf32, #tpu.memory_space<vmem>> -> memref<12544xf32, #tpu.memory_space<vmem>>
    %dma_wait3A_100 = tpu.memref_slice %arg2[%add3A_63] : memref<1600000xf32, #tpu.memory_space<hbm>> -> memref<12544xf32, #tpu.memory_space<hbm>>
    %dma_wait3A_101 = arith.constant 25088 : i32
    %dma_wait3A_102 = tpu.memref_slice %arg7[%dma_wait3A_101] : memref<62720xf32, #tpu.memory_space<vmem>> -> memref<12544xf32, #tpu.memory_space<vmem>>
    %dma_wait3A_103 = tpu.memref_slice %arg2[%add3A_63] : memref<1600000xf32, #tpu.memory_space<hbm>> -> memref<12544xf32, #tpu.memory_space<hbm>>
    tpu.wait_dma2 semaphore(%arg11 : memref<!tpu.dma_semaphore, #tpu.memory_space<semaphore_mem>>) src(%dma_wait3A_103 : memref<12544xf32, #tpu.memory_space<hbm>>) dst(%dma_wait3A_102 : memref<12544xf32, #tpu.memory_space<vmem>>)
    %dma_wait3A_104 = arith.constant 37632 : i32
    %dma_wait3A_105 = tpu.memref_slice %arg7[%dma_wait3A_104] : memref<62720xf32, #tpu.memory_space<vmem>> -> memref<12544xf32, #tpu.memory_space<vmem>>
    %dma_wait3A_106 = tpu.memref_slice %arg2[%add3A_74] : memref<1600000xf32, #tpu.memory_space<hbm>> -> memref<12544xf32, #tpu.memory_space<hbm>>
    %dma_wait3A_107 = arith.constant 37632 : i32
    %dma_wait3A_108 = tpu.memref_slice %arg7[%dma_wait3A_107] : memref<62720xf32, #tpu.memory_space<vmem>> -> memref<12544xf32, #tpu.memory_space<vmem>>
    %dma_wait3A_109 = tpu.memref_slice %arg2[%add3A_74] : memref<1600000xf32, #tpu.memory_space<hbm>> -> memref<12544xf32, #tpu.memory_space<hbm>>
    tpu.wait_dma2 semaphore(%arg11 : memref<!tpu.dma_semaphore, #tpu.memory_space<semaphore_mem>>) src(%dma_wait3A_109 : memref<12544xf32, #tpu.memory_space<hbm>>) dst(%dma_wait3A_108 : memref<12544xf32, #tpu.memory_space<vmem>>)
    %dma_wait3A_110 = arith.constant 50176 : i32
    %dma_wait3A_111 = tpu.memref_slice %arg7[%dma_wait3A_110] : memref<62720xf32, #tpu.memory_space<vmem>> -> memref<12544xf32, #tpu.memory_space<vmem>>
    %dma_wait3A_112 = tpu.memref_slice %arg3[%multiple_of3A] : memref<50000xf32, #tpu.memory_space<hbm>> -> memref<12544xf32, #tpu.memory_space<hbm>>
    %dma_wait3A_113 = arith.constant 50176 : i32
    %dma_wait3A_114 = tpu.memref_slice %arg7[%dma_wait3A_113] : memref<62720xf32, #tpu.memory_space<vmem>> -> memref<12544xf32, #tpu.memory_space<vmem>>
    %dma_wait3A_115 = tpu.memref_slice %arg3[%multiple_of3A] : memref<50000xf32, #tpu.memory_space<hbm>> -> memref<12544xf32, #tpu.memory_space<hbm>>
    tpu.wait_dma2 semaphore(%arg11 : memref<!tpu.dma_semaphore, #tpu.memory_space<semaphore_mem>>) src(%dma_wait3A_115 : memref<12544xf32, #tpu.memory_space<hbm>>) dst(%dma_wait3A_114 : memref<12544xf32, #tpu.memory_space<vmem>>)
    %get3A = arith.constant 0 : index
    %get3A_116 = tpu.vector_load %arg9[%get3A] {strides = array<i32>} : memref<16xf32, #tpu.memory_space<vmem>>, vector<16xf32>,
    %get3A_117 = arith.constant 0 : index
    %get3A_118 = tpu.vector_load %arg10[%get3A_117] {strides = array<i32>} : memref<16xf32, #tpu.memory_space<vmem>>, vector<16xf32>,
    %scan3A = arith.constant 0 : i32
    %scan3A_119 = arith.constant 0 : i32
    %scan3A_120 = arith.constant 784 : i32
    %scan3A_121 = arith.addi %scan3A_119, %scan3A_120 : i32
    %scan3A_122 = arith.constant 4 : i32
    scf.for %scan3A_127 = %scan3A_119 to %scan3A_121 step %scan3A_122  : i32 {
      %mul3A_128 = arith.constant 16 : i32
      %mul3A_129 = arith.muli %scan3A_127, %mul3A_128 : i32
      %get3A_130 = arith.index_cast %mul3A_129 : i32 to index
      %get3A_131 = tpu.vector_load %arg7[%get3A_130] {strides = array<i32>} : memref<62720xf32, #tpu.memory_space<vmem>>, vector<16xf32>,
      %mul3A_132 = arith.constant 16 : i32
      %mul3A_133 = arith.muli %scan3A_127, %mul3A_132 : i32
      %add3A_134 = arith.constant 12544 : i32
      %add3A_135 = arith.addi %add3A_134, %mul3A_133 : i32
      %get3A_136 = arith.index_cast %add3A_135 : i32 to index
      %get3A_137 = tpu.vector_load %arg7[%get3A_136] {strides = array<i32>} : memref<62720xf32, #tpu.memory_space<vmem>>, vector<16xf32>,
      %add3A_138 = arith.addf %get3A_131, %get3A_137 : vector<16xf32>
      %mul3A_139 = arith.constant 16 : i32
      %mul3A_140 = arith.muli %scan3A_127, %mul3A_139 : i32
      %add3A_141 = arith.constant 25088 : i32
      %add3A_142 = arith.addi %add3A_141, %mul3A_140 : i32
      %get3A_143 = arith.index_cast %add3A_142 : i32 to index
      %get3A_144 = tpu.vector_load %arg7[%get3A_143] {strides = array<i32>} : memref<62720xf32, #tpu.memory_space<vmem>>, vector<16xf32>,
      %add3A_145 = arith.addf %add3A_138, %get3A_144 : vector<16xf32>
      %mul3A_146 = arith.constant 16 : i32
      %mul3A_147 = arith.muli %scan3A_127, %mul3A_146 : i32
      %add3A_148 = arith.constant 37632 : i32
      %add3A_149 = arith.addi %add3A_148, %mul3A_147 : i32
      %get3A_150 = arith.index_cast %add3A_149 : i32 to index
      %get3A_151 = tpu.vector_load %arg7[%get3A_150] {strides = array<i32>} : memref<62720xf32, #tpu.memory_space<vmem>>, vector<16xf32>,
      %add3A_152 = arith.addf %add3A_145, %get3A_151 : vector<16xf32>
      %mul3A_153 = arith.constant 16 : i32
      %mul3A_154 = arith.muli %scan3A_127, %mul3A_153 : i32
      %add3A_155 = arith.constant 50176 : i32
      %add3A_156 = arith.addi %add3A_155, %mul3A_154 : i32
      %get3A_157 = arith.index_cast %add3A_156 : i32 to index
      %get3A_158 = tpu.vector_load %arg7[%get3A_157] {strides = array<i32>} : memref<62720xf32, #tpu.memory_space<vmem>>, vector<16xf32>,
      %mul3A_159 = arith.mulf %get3A_158, %get3A_116 : vector<16xf32>
      %add3A_160 = arith.addf %add3A_152, %mul3A_159 : vector<16xf32>
      %add3A_161 = arith.addf %add3A_160, %get3A_118 : vector<16xf32>
      %gt3A = arith.constant 0.000000e+00 : f32
      %gt3A_162 = vector.broadcast %gt3A : f32 to vector<16xf32>
      %gt3A_163 = arith.cmpf ogt, %add3A_161, %gt3A_162 : vector<16xf32>
      %min3A_164 = arith.constant 0.000000e+00 : f32
      %min3A_165 = vector.broadcast %min3A_164 : f32 to vector<16xf32>
      %min3A_166 = arith.minimumf %add3A_161, %min3A_165 : vector<16xf32>
      %exp3A = math.exp %min3A_166 : vector<16xf32>
      %sub3A_167 = arith.constant 1.000000e+00 : f32
      %sub3A_168 = vector.broadcast %sub3A_167 : f32 to vector<16xf32>
      %sub3A_169 = arith.subf %exp3A, %sub3A_168 : vector<16xf32>
      %select_n3A_170 = arith.select %gt3A_163, %add3A_161, %sub3A_169 : vector<16xi1>, vector<16xf32>
      %mul3A_171 = arith.constant 16 : i32
      %mul3A_172 = arith.muli %scan3A_127, %mul3A_171 : i32
      %swap3A = arith.index_cast %mul3A_172 : i32 to index
      %swap3A_173 = tpu.vector_load %arg8[%swap3A] {strides = array<i32>} : memref<12544xf32, #tpu.memory_space<vmem>>, vector<16xf32>,
      tpu.vector_store %arg8[%swap3A], %select_n3A_170 {strides = array<i32>} : memref<12544xf32, #tpu.memory_space<vmem>>, vector<16xf32>,
      %scan3A_174 = arith.constant 1 : i32
      %scan3A_175 = arith.addi %scan3A_127, %scan3A_174 : i32
      %mul3A_176 = arith.constant 16 : i32
      %mul3A_177 = arith.muli %scan3A_175, %mul3A_176 : i32
      %get3A_178 = arith.index_cast %mul3A_177 : i32 to index
      %get3A_179 = tpu.vector_load %arg7[%get3A_178] {strides = array<i32>} : memref<62720xf32, #tpu.memory_space<vmem>>, vector<16xf32>,
      %mul3A_180 = arith.constant 16 : i32
      %mul3A_181 = arith.muli %scan3A_175, %mul3A_180 : i32
      %add3A_182 = arith.constant 12544 : i32
      %add3A_183 = arith.addi %add3A_182, %mul3A_181 : i32
      %get3A_184 = arith.index_cast %add3A_183 : i32 to index
      %get3A_185 = tpu.vector_load %arg7[%get3A_184] {strides = array<i32>} : memref<62720xf32, #tpu.memory_space<vmem>>, vector<16xf32>,
      %add3A_186 = arith.addf %get3A_179, %get3A_185 : vector<16xf32>
      %mul3A_187 = arith.constant 16 : i32
      %mul3A_188 = arith.muli %scan3A_175, %mul3A_187 : i32
      %add3A_189 = arith.constant 25088 : i32
      %add3A_190 = arith.addi %add3A_189, %mul3A_188 : i32
      %get3A_191 = arith.index_cast %add3A_190 : i32 to index
      %get3A_192 = tpu.vector_load %arg7[%get3A_191] {strides = array<i32>} : memref<62720xf32, #tpu.memory_space<vmem>>, vector<16xf32>,
      %add3A_193 = arith.addf %add3A_186, %get3A_192 : vector<16xf32>
      %mul3A_194 = arith.constant 16 : i32
      %mul3A_195 = arith.muli %scan3A_175, %mul3A_194 : i32
      %add3A_196 = arith.constant 37632 : i32
      %add3A_197 = arith.addi %add3A_196, %mul3A_195 : i32
      %get3A_198 = arith.index_cast %add3A_197 : i32 to index
      %get3A_199 = tpu.vector_load %arg7[%get3A_198] {strides = array<i32>} : memref<62720xf32, #tpu.memory_space<vmem>>, vector<16xf32>,
      %add3A_200 = arith.addf %add3A_193, %get3A_199 : vector<16xf32>
      %mul3A_201 = arith.constant 16 : i32
      %mul3A_202 = arith.muli %scan3A_175, %mul3A_201 : i32
      %add3A_203 = arith.constant 50176 : i32
      %add3A_204 = arith.addi %add3A_203, %mul3A_202 : i32
      %get3A_205 = arith.index_cast %add3A_204 : i32 to index
      %get3A_206 = tpu.vector_load %arg7[%get3A_205] {strides = array<i32>} : memref<62720xf32, #tpu.memory_space<vmem>>, vector<16xf32>,
      %mul3A_207 = arith.mulf %get3A_206, %get3A_116 : vector<16xf32>
      %add3A_208 = arith.addf %add3A_200, %mul3A_207 : vector<16xf32>
      %add3A_209 = arith.addf %add3A_208, %get3A_118 : vector<16xf32>
      %gt3A_210 = arith.constant 0.000000e+00 : f32
      %gt3A_211 = vector.broadcast %gt3A_210 : f32 to vector<16xf32>
      %gt3A_212 = arith.cmpf ogt, %add3A_209, %gt3A_211 : vector<16xf32>
      %min3A_213 = arith.constant 0.000000e+00 : f32
      %min3A_214 = vector.broadcast %min3A_213 : f32 to vector<16xf32>
      %min3A_215 = arith.minimumf %add3A_209, %min3A_214 : vector<16xf32>
      %exp3A_216 = math.exp %min3A_215 : vector<16xf32>
      %sub3A_217 = arith.constant 1.000000e+00 : f32
      %sub3A_218 = vector.broadcast %sub3A_217 : f32 to vector<16xf32>
      %sub3A_219 = arith.subf %exp3A_216, %sub3A_218 : vector<16xf32>
      %select_n3A_220 = arith.select %gt3A_212, %add3A_209, %sub3A_219 : vector<16xi1>, vector<16xf32>
      %mul3A_221 = arith.constant 16 : i32
      %mul3A_222 = arith.muli %scan3A_175, %mul3A_221 : i32
      %swap3A_223 = arith.index_cast %mul3A_222 : i32 to index
      %swap3A_224 = tpu.vector_load %arg8[%swap3A_223] {strides = array<i32>} : memref<12544xf32, #tpu.memory_space<vmem>>, vector<16xf32>,
      tpu.vector_store %arg8[%swap3A_223], %select_n3A_220 {strides = array<i32>} : memref<12544xf32, #tpu.memory_space<vmem>>, vector<16xf32>,
      %scan3A_225 = arith.constant 2 : i32
      %scan3A_226 = arith.addi %scan3A_127, %scan3A_225 : i32
      %mul3A_227 = arith.constant 16 : i32
      %mul3A_228 = arith.muli %scan3A_226, %mul3A_227 : i32
      %get3A_229 = arith.index_cast %mul3A_228 : i32 to index
      %get3A_230 = tpu.vector_load %arg7[%get3A_229] {strides = array<i32>} : memref<62720xf32, #tpu.memory_space<vmem>>, vector<16xf32>,
      %mul3A_231 = arith.constant 16 : i32
      %mul3A_232 = arith.muli %scan3A_226, %mul3A_231 : i32
      %add3A_233 = arith.constant 12544 : i32
      %add3A_234 = arith.addi %add3A_233, %mul3A_232 : i32
      %get3A_235 = arith.index_cast %add3A_234 : i32 to index
      %get3A_236 = tpu.vector_load %arg7[%get3A_235] {strides = array<i32>} : memref<62720xf32, #tpu.memory_space<vmem>>, vector<16xf32>,
      %add3A_237 = arith.addf %get3A_230, %get3A_236 : vector<16xf32>
      %mul3A_238 = arith.constant 16 : i32
      %mul3A_239 = arith.muli %scan3A_226, %mul3A_238 : i32
      %add3A_240 = arith.constant 25088 : i32
      %add3A_241 = arith.addi %add3A_240, %mul3A_239 : i32
      %get3A_242 = arith.index_cast %add3A_241 : i32 to index
      %get3A_243 = tpu.vector_load %arg7[%get3A_242] {strides = array<i32>} : memref<62720xf32, #tpu.memory_space<vmem>>, vector<16xf32>,
      %add3A_244 = arith.addf %add3A_237, %get3A_243 : vector<16xf32>
      %mul3A_245 = arith.constant 16 : i32
      %mul3A_246 = arith.muli %scan3A_226, %mul3A_245 : i32
      %add3A_247 = arith.constant 37632 : i32
      %add3A_248 = arith.addi %add3A_247, %mul3A_246 : i32
      %get3A_249 = arith.index_cast %add3A_248 : i32 to index
      %get3A_250 = tpu.vector_load %arg7[%get3A_249] {strides = array<i32>} : memref<62720xf32, #tpu.memory_space<vmem>>, vector<16xf32>,
      %add3A_251 = arith.addf %add3A_244, %get3A_250 : vector<16xf32>
      %mul3A_252 = arith.constant 16 : i32
      %mul3A_253 = arith.muli %scan3A_226, %mul3A_252 : i32
      %add3A_254 = arith.constant 50176 : i32
      %add3A_255 = arith.addi %add3A_254, %mul3A_253 : i32
      %get3A_256 = arith.index_cast %add3A_255 : i32 to index
      %get3A_257 = tpu.vector_load %arg7[%get3A_256] {strides = array<i32>} : memref<62720xf32, #tpu.memory_space<vmem>>, vector<16xf32>,
      %mul3A_258 = arith.mulf %get3A_257, %get3A_116 : vector<16xf32>
      %add3A_259 = arith.addf %add3A_251, %mul3A_258 : vector<16xf32>
      %add3A_260 = arith.addf %add3A_259, %get3A_118 : vector<16xf32>
      %gt3A_261 = arith.constant 0.000000e+00 : f32
      %gt3A_262 = vector.broadcast %gt3A_261 : f32 to vector<16xf32>
      %gt3A_263 = arith.cmpf ogt, %add3A_260, %gt3A_262 : vector<16xf32>
      %min3A_264 = arith.constant 0.000000e+00 : f32
      %min3A_265 = vector.broadcast %min3A_264 : f32 to vector<16xf32>
      %min3A_266 = arith.minimumf %add3A_260, %min3A_265 : vector<16xf32>
      %exp3A_267 = math.exp %min3A_266 : vector<16xf32>
      %sub3A_268 = arith.constant 1.000000e+00 : f32
      %sub3A_269 = vector.broadcast %sub3A_268 : f32 to vector<16xf32>
      %sub3A_270 = arith.subf %exp3A_267, %sub3A_269 : vector<16xf32>
      %select_n3A_271 = arith.select %gt3A_263, %add3A_260, %sub3A_270 : vector<16xi1>, vector<16xf32>
      %mul3A_272 = arith.constant 16 : i32
      %mul3A_273 = arith.muli %scan3A_226, %mul3A_272 : i32
      %swap3A_274 = arith.index_cast %mul3A_273 : i32 to index
      %swap3A_275 = tpu.vector_load %arg8[%swap3A_274] {strides = array<i32>} : memref<12544xf32, #tpu.memory_space<vmem>>, vector<16xf32>,
      tpu.vector_store %arg8[%swap3A_274], %select_n3A_271 {strides = array<i32>} : memref<12544xf32, #tpu.memory_space<vmem>>, vector<16xf32>,
      %scan3A_276 = arith.constant 3 : i32
      %scan3A_277 = arith.addi %scan3A_127, %scan3A_276 : i32
      %mul3A_278 = arith.constant 16 : i32
      %mul3A_279 = arith.muli %scan3A_277, %mul3A_278 : i32
      %get3A_280 = arith.index_cast %mul3A_279 : i32 to index
      %get3A_281 = tpu.vector_load %arg7[%get3A_280] {strides = array<i32>} : memref<62720xf32, #tpu.memory_space<vmem>>, vector<16xf32>,
      %mul3A_282 = arith.constant 16 : i32
      %mul3A_283 = arith.muli %scan3A_277, %mul3A_282 : i32
      %add3A_284 = arith.constant 12544 : i32
      %add3A_285 = arith.addi %add3A_284, %mul3A_283 : i32
      %get3A_286 = arith.index_cast %add3A_285 : i32 to index
      %get3A_287 = tpu.vector_load %arg7[%get3A_286] {strides = array<i32>} : memref<62720xf32, #tpu.memory_space<vmem>>, vector<16xf32>,
      %add3A_288 = arith.addf %get3A_281, %get3A_287 : vector<16xf32>
      %mul3A_289 = arith.constant 16 : i32
      %mul3A_290 = arith.muli %scan3A_277, %mul3A_289 : i32
      %add3A_291 = arith.constant 25088 : i32
      %add3A_292 = arith.addi %add3A_291, %mul3A_290 : i32
      %get3A_293 = arith.index_cast %add3A_292 : i32 to index
      %get3A_294 = tpu.vector_load %arg7[%get3A_293] {strides = array<i32>} : memref<62720xf32, #tpu.memory_space<vmem>>, vector<16xf32>,
      %add3A_295 = arith.addf %add3A_288, %get3A_294 : vector<16xf32>
      %mul3A_296 = arith.constant 16 : i32
      %mul3A_297 = arith.muli %scan3A_277, %mul3A_296 : i32
      %add3A_298 = arith.constant 37632 : i32
      %add3A_299 = arith.addi %add3A_298, %mul3A_297 : i32
      %get3A_300 = arith.index_cast %add3A_299 : i32 to index
      %get3A_301 = tpu.vector_load %arg7[%get3A_300] {strides = array<i32>} : memref<62720xf32, #tpu.memory_space<vmem>>, vector<16xf32>,
      %add3A_302 = arith.addf %add3A_295, %get3A_301 : vector<16xf32>
      %mul3A_303 = arith.constant 16 : i32
      %mul3A_304 = arith.muli %scan3A_277, %mul3A_303 : i32
      %add3A_305 = arith.constant 50176 : i32
      %add3A_306 = arith.addi %add3A_305, %mul3A_304 : i32
      %get3A_307 = arith.index_cast %add3A_306 : i32 to index
      %get3A_308 = tpu.vector_load %arg7[%get3A_307] {strides = array<i32>} : memref<62720xf32, #tpu.memory_space<vmem>>, vector<16xf32>,
      %mul3A_309 = arith.mulf %get3A_308, %get3A_116 : vector<16xf32>
      %add3A_310 = arith.addf %add3A_302, %mul3A_309 : vector<16xf32>
      %add3A_311 = arith.addf %add3A_310, %get3A_118 : vector<16xf32>
      %gt3A_312 = arith.constant 0.000000e+00 : f32
      %gt3A_313 = vector.broadcast %gt3A_312 : f32 to vector<16xf32>
      %gt3A_314 = arith.cmpf ogt, %add3A_311, %gt3A_313 : vector<16xf32>
      %min3A_315 = arith.constant 0.000000e+00 : f32
      %min3A_316 = vector.broadcast %min3A_315 : f32 to vector<16xf32>
      %min3A_317 = arith.minimumf %add3A_311, %min3A_316 : vector<16xf32>
      %exp3A_318 = math.exp %min3A_317 : vector<16xf32>
      %sub3A_319 = arith.constant 1.000000e+00 : f32
      %sub3A_320 = vector.broadcast %sub3A_319 : f32 to vector<16xf32>
      %sub3A_321 = arith.subf %exp3A_318, %sub3A_320 : vector<16xf32>
      %select_n3A_322 = arith.select %gt3A_314, %add3A_311, %sub3A_321 : vector<16xi1>, vector<16xf32>
      %mul3A_323 = arith.constant 16 : i32
      %mul3A_324 = arith.muli %scan3A_277, %mul3A_323 : i32
      %swap3A_325 = arith.index_cast %mul3A_324 : i32 to index
      %swap3A_326 = tpu.vector_load %arg8[%swap3A_325] {strides = array<i32>} : memref<12544xf32, #tpu.memory_space<vmem>>, vector<16xf32>,
      tpu.vector_store %arg8[%swap3A_325], %select_n3A_322 {strides = array<i32>} : memref<12544xf32, #tpu.memory_space<vmem>>, vector<16xf32>,
    }
    %scan3A_123 = arith.constant 784 : i32
    %mul3A_124 = arith.constant 50000 : i32
    %mul3A_125 = arith.muli %select_n3A_9, %mul3A_124 : i32
    %add3A_126 = arith.addi %mul3A_125, %multiple_of3A : i32
    "tpu.region"() ({
      %run_scoped3A = tpu.sem_alloc : memref<!tpu.dma_semaphore, #tpu.memory_space<semaphore_mem>>
      %dma_start3A_127 = tpu.memref_slice %arg6[%add3A_126] : memref<400000xf32, #tpu.memory_space<hbm>> -> memref<12544xf32, #tpu.memory_space<hbm>>
      %dma_start3A_128 = tpu.memref_slice %arg6[%add3A_126] : memref<400000xf32, #tpu.memory_space<hbm>> -> memref<12544xf32, #tpu.memory_space<hbm>>
      tpu.enqueue_dma source(%arg8 : memref<12544xf32, #tpu.memory_space<vmem>>) target(%dma_start3A_128 : memref<12544xf32, #tpu.memory_space<hbm>>) target_semaphore(%run_scoped3A : memref<!tpu.dma_semaphore, #tpu.memory_space<semaphore_mem>>)
      %dma_wait3A_129 = tpu.memref_slice %arg6[%add3A_126] : memref<400000xf32, #tpu.memory_space<hbm>> -> memref<12544xf32, #tpu.memory_space<hbm>>
      %dma_wait3A_130 = tpu.memref_slice %arg6[%add3A_126] : memref<400000xf32, #tpu.memory_space<hbm>> -> memref<12544xf32, #tpu.memory_space<hbm>>
      tpu.wait_dma2 semaphore(%run_scoped3A : memref<!tpu.dma_semaphore, #tpu.memory_space<semaphore_mem>>) src(%arg8 : memref<12544xf32, #tpu.memory_space<vmem>>) dst(%dma_wait3A_130 : memref<12544xf32, #tpu.memory_space<hbm>>)
      tpu.yield
    }) : () -> ()
    return
  }
}

#map = affine_map<(d0, d1) -> (0)>
module attributes {stable_mosaic.version = 14 : i64} {
  func.func @sc_d(%arg0: i32, %arg1: i32, %arg2: memref<1600000xf32, #tpu.memory_space<hbm>>, %arg3: memref<400000xf32, #tpu.memory_space<hbm>>, %arg4: memref<128xf32, #tpu.memory_space<hbm>>, %arg5: memref<16xf32, #tpu.memory_space<hbm>>, %arg6: memref<50000xf32, #tpu.memory_space<hbm>>, %arg7: memref<66560xf32, #tpu.memory_space<vmem>>, %arg8: memref<1664xf32, #tpu.memory_space<vmem>>, %arg9: memref<128xf32, #tpu.memory_space<vmem>>, %arg10: memref<16xf32, #tpu.memory_space<vmem>>, %arg11: memref<!tpu.dma_semaphore, #tpu.memory_space<semaphore_mem>>) attributes {dimension_semantics = [#tpu.dimension_semantics<core_parallel>, #tpu.dimension_semantics<subcore_parallel>], iteration_bounds = array<i64: 2, 16>, scalar_prefetch = 0 : i64, scratch_operands = 5 : i64, tpu.core_type = #tpu.core_type<sc_vector_subcore>, window_params = [{transform_indices = #map}, {transform_indices = #map}, {transform_indices = #map}, {transform_indices = #map}, {transform_indices = #map}]} {
    %mul3A = arith.constant 2 : i32
    %mul3A_0 = arith.muli %arg1, %mul3A : i32
    %add3A = arith.addi %mul3A_0, %arg0 : i32
    %mul3A_1 = arith.constant 1664 : i32
    %mul3A_2 = arith.muli %add3A, %mul3A_1 : i32
    %min3A = arith.constant 48336 : i32
    %min3A_3 = arith.minsi %mul3A_2, %min3A : i32
    %multiple_of3A = tpu.assume_multiple %min3A_3, 16 : i32
    "tpu.region"() ({
      %run_scoped3A = tpu.sem_alloc : memref<!tpu.dma_semaphore, #tpu.memory_space<semaphore_mem>>
      tpu.enqueue_dma source(%arg4 : memref<128xf32, #tpu.memory_space<hbm>>) target(%arg9 : memref<128xf32, #tpu.memory_space<vmem>>) target_semaphore(%run_scoped3A : memref<!tpu.dma_semaphore, #tpu.memory_space<semaphore_mem>>)
      tpu.wait_dma2 semaphore(%run_scoped3A : memref<!tpu.dma_semaphore, #tpu.memory_space<semaphore_mem>>) src(%arg4 : memref<128xf32, #tpu.memory_space<hbm>>) dst(%arg9 : memref<128xf32, #tpu.memory_space<vmem>>)
      tpu.yield
    }) : () -> ()
    "tpu.region"() ({
      %run_scoped3A = tpu.sem_alloc : memref<!tpu.dma_semaphore, #tpu.memory_space<semaphore_mem>>
      tpu.enqueue_dma source(%arg5 : memref<16xf32, #tpu.memory_space<hbm>>) target(%arg10 : memref<16xf32, #tpu.memory_space<vmem>>) target_semaphore(%run_scoped3A : memref<!tpu.dma_semaphore, #tpu.memory_space<semaphore_mem>>)
      tpu.wait_dma2 semaphore(%run_scoped3A : memref<!tpu.dma_semaphore, #tpu.memory_space<semaphore_mem>>) src(%arg5 : memref<16xf32, #tpu.memory_space<hbm>>) dst(%arg10 : memref<16xf32, #tpu.memory_space<vmem>>)
      tpu.yield
    }) : () -> ()
    %add3A_4 = arith.constant 0 : i32
    %add3A_5 = arith.addi %add3A_4, %multiple_of3A : i32
    %dma_start3A = arith.constant 0 : i32
    %dma_start3A_6 = tpu.memref_slice %arg7[%dma_start3A] : memref<66560xf32, #tpu.memory_space<vmem>> -> memref<1664xf32, #tpu.memory_space<vmem>>
    %dma_start3A_7 = tpu.memref_slice %arg2[%add3A_5] : memref<1600000xf32, #tpu.memory_space<hbm>> -> memref<1664xf32, #tpu.memory_space<hbm>>
    %dma_start3A_8 = arith.constant 0 : i32
    %dma_start3A_9 = tpu.memref_slice %arg7[%dma_start3A_8] : memref<66560xf32, #tpu.memory_space<vmem>> -> memref<1664xf32, #tpu.memory_space<vmem>>
    %dma_start3A_10 = tpu.memref_slice %arg2[%add3A_5] : memref<1600000xf32, #tpu.memory_space<hbm>> -> memref<1664xf32, #tpu.memory_space<hbm>>
    tpu.enqueue_dma source(%dma_start3A_10 : memref<1664xf32, #tpu.memory_space<hbm>>) target(%dma_start3A_9 : memref<1664xf32, #tpu.memory_space<vmem>>) target_semaphore(%arg11 : memref<!tpu.dma_semaphore, #tpu.memory_space<semaphore_mem>>)
    %add3A_11 = arith.constant 50000 : i32
    %add3A_12 = arith.addi %add3A_11, %multiple_of3A : i32
    %dma_start3A_13 = arith.constant 1664 : i32
    %dma_start3A_14 = tpu.memref_slice %arg7[%dma_start3A_13] : memref<66560xf32, #tpu.memory_space<vmem>> -> memref<1664xf32, #tpu.memory_space<vmem>>
    %dma_start3A_15 = tpu.memref_slice %arg2[%add3A_12] : memref<1600000xf32, #tpu.memory_space<hbm>> -> memref<1664xf32, #tpu.memory_space<hbm>>
    %dma_start3A_16 = arith.constant 1664 : i32
    %dma_start3A_17 = tpu.memref_slice %arg7[%dma_start3A_16] : memref<66560xf32, #tpu.memory_space<vmem>> -> memref<1664xf32, #tpu.memory_space<vmem>>
    %dma_start3A_18 = tpu.memref_slice %arg2[%add3A_12] : memref<1600000xf32, #tpu.memory_space<hbm>> -> memref<1664xf32, #tpu.memory_space<hbm>>
    tpu.enqueue_dma source(%dma_start3A_18 : memref<1664xf32, #tpu.memory_space<hbm>>) target(%dma_start3A_17 : memref<1664xf32, #tpu.memory_space<vmem>>) target_semaphore(%arg11 : memref<!tpu.dma_semaphore, #tpu.memory_space<semaphore_mem>>)
    %add3A_19 = arith.constant 100000 : i32
    %add3A_20 = arith.addi %add3A_19, %multiple_of3A : i32
    %dma_start3A_21 = arith.constant 3328 : i32
    %dma_start3A_22 = tpu.memref_slice %arg7[%dma_start3A_21] : memref<66560xf32, #tpu.memory_space<vmem>> -> memref<1664xf32, #tpu.memory_space<vmem>>
    %dma_start3A_23 = tpu.memref_slice %arg2[%add3A_20] : memref<1600000xf32, #tpu.memory_space<hbm>> -> memref<1664xf32, #tpu.memory_space<hbm>>
    %dma_start3A_24 = arith.constant 3328 : i32
    %dma_start3A_25 = tpu.memref_slice %arg7[%dma_start3A_24] : memref<66560xf32, #tpu.memory_space<vmem>> -> memref<1664xf32, #tpu.memory_space<vmem>>
    %dma_start3A_26 = tpu.memref_slice %arg2[%add3A_20] : memref<1600000xf32, #tpu.memory_space<hbm>> -> memref<1664xf32, #tpu.memory_space<hbm>>
    tpu.enqueue_dma source(%dma_start3A_26 : memref<1664xf32, #tpu.memory_space<hbm>>) target(%dma_start3A_25 : memref<1664xf32, #tpu.memory_space<vmem>>) target_semaphore(%arg11 : memref<!tpu.dma_semaphore, #tpu.memory_space<semaphore_mem>>)
    %add3A_27 = arith.constant 150000 : i32
    %add3A_28 = arith.addi %add3A_27, %multiple_of3A : i32
    %dma_start3A_29 = arith.constant 4992 : i32
    %dma_start3A_30 = tpu.memref_slice %arg7[%dma_start3A_29] : memref<66560xf32, #tpu.memory_space<vmem>> -> memref<1664xf32, #tpu.memory_space<vmem>>
    %dma_start3A_31 = tpu.memref_slice %arg2[%add3A_28] : memref<1600000xf32, #tpu.memory_space<hbm>> -> memref<1664xf32, #tpu.memory_space<hbm>>
    %dma_start3A_32 = arith.constant 4992 : i32
    %dma_start3A_33 = tpu.memref_slice %arg7[%dma_start3A_32] : memref<66560xf32, #tpu.memory_space<vmem>> -> memref<1664xf32, #tpu.memory_space<vmem>>
    %dma_start3A_34 = tpu.memref_slice %arg2[%add3A_28] : memref<1600000xf32, #tpu.memory_space<hbm>> -> memref<1664xf32, #tpu.memory_space<hbm>>
    tpu.enqueue_dma source(%dma_start3A_34 : memref<1664xf32, #tpu.memory_space<hbm>>) target(%dma_start3A_33 : memref<1664xf32, #tpu.memory_space<vmem>>) target_semaphore(%arg11 : memref<!tpu.dma_semaphore, #tpu.memory_space<semaphore_mem>>)
    %add3A_35 = arith.constant 200000 : i32
    %add3A_36 = arith.addi %add3A_35, %multiple_of3A : i32
    %dma_start3A_37 = arith.constant 6656 : i32
    %dma_start3A_38 = tpu.memref_slice %arg7[%dma_start3A_37] : memref<66560xf32, #tpu.memory_space<vmem>> -> memref<1664xf32, #tpu.memory_space<vmem>>
    %dma_start3A_39 = tpu.memref_slice %arg2[%add3A_36] : memref<1600000xf32, #tpu.memory_space<hbm>> -> memref<1664xf32, #tpu.memory_space<hbm>>
    %dma_start3A_40 = arith.constant 6656 : i32
    %dma_start3A_41 = tpu.memref_slice %arg7[%dma_start3A_40] : memref<66560xf32, #tpu.memory_space<vmem>> -> memref<1664xf32, #tpu.memory_space<vmem>>
    %dma_start3A_42 = tpu.memref_slice %arg2[%add3A_36] : memref<1600000xf32, #tpu.memory_space<hbm>> -> memref<1664xf32, #tpu.memory_space<hbm>>
    tpu.enqueue_dma source(%dma_start3A_42 : memref<1664xf32, #tpu.memory_space<hbm>>) target(%dma_start3A_41 : memref<1664xf32, #tpu.memory_space<vmem>>) target_semaphore(%arg11 : memref<!tpu.dma_semaphore, #tpu.memory_space<semaphore_mem>>)
    %add3A_43 = arith.constant 250000 : i32
    %add3A_44 = arith.addi %add3A_43, %multiple_of3A : i32
    %dma_start3A_45 = arith.constant 8320 : i32
    %dma_start3A_46 = tpu.memref_slice %arg7[%dma_start3A_45] : memref<66560xf32, #tpu.memory_space<vmem>> -> memref<1664xf32, #tpu.memory_space<vmem>>
    %dma_start3A_47 = tpu.memref_slice %arg2[%add3A_44] : memref<1600000xf32, #tpu.memory_space<hbm>> -> memref<1664xf32, #tpu.memory_space<hbm>>
    %dma_start3A_48 = arith.constant 8320 : i32
    %dma_start3A_49 = tpu.memref_slice %arg7[%dma_start3A_48] : memref<66560xf32, #tpu.memory_space<vmem>> -> memref<1664xf32, #tpu.memory_space<vmem>>
    %dma_start3A_50 = tpu.memref_slice %arg2[%add3A_44] : memref<1600000xf32, #tpu.memory_space<hbm>> -> memref<1664xf32, #tpu.memory_space<hbm>>
    tpu.enqueue_dma source(%dma_start3A_50 : memref<1664xf32, #tpu.memory_space<hbm>>) target(%dma_start3A_49 : memref<1664xf32, #tpu.memory_space<vmem>>) target_semaphore(%arg11 : memref<!tpu.dma_semaphore, #tpu.memory_space<semaphore_mem>>)
    %add3A_51 = arith.constant 300000 : i32
    %add3A_52 = arith.addi %add3A_51, %multiple_of3A : i32
    %dma_start3A_53 = arith.constant 9984 : i32
    %dma_start3A_54 = tpu.memref_slice %arg7[%dma_start3A_53] : memref<66560xf32, #tpu.memory_space<vmem>> -> memref<1664xf32, #tpu.memory_space<vmem>>
    %dma_start3A_55 = tpu.memref_slice %arg2[%add3A_52] : memref<1600000xf32, #tpu.memory_space<hbm>> -> memref<1664xf32, #tpu.memory_space<hbm>>
    %dma_start3A_56 = arith.constant 9984 : i32
    %dma_start3A_57 = tpu.memref_slice %arg7[%dma_start3A_56] : memref<66560xf32, #tpu.memory_space<vmem>> -> memref<1664xf32, #tpu.memory_space<vmem>>
    %dma_start3A_58 = tpu.memref_slice %arg2[%add3A_52] : memref<1600000xf32, #tpu.memory_space<hbm>> -> memref<1664xf32, #tpu.memory_space<hbm>>
    tpu.enqueue_dma source(%dma_start3A_58 : memref<1664xf32, #tpu.memory_space<hbm>>) target(%dma_start3A_57 : memref<1664xf32, #tpu.memory_space<vmem>>) target_semaphore(%arg11 : memref<!tpu.dma_semaphore, #tpu.memory_space<semaphore_mem>>)
    %add3A_59 = arith.constant 350000 : i32
    %add3A_60 = arith.addi %add3A_59, %multiple_of3A : i32
    %dma_start3A_61 = arith.constant 11648 : i32
    %dma_start3A_62 = tpu.memref_slice %arg7[%dma_start3A_61] : memref<66560xf32, #tpu.memory_space<vmem>> -> memref<1664xf32, #tpu.memory_space<vmem>>
    %dma_start3A_63 = tpu.memref_slice %arg2[%add3A_60] : memref<1600000xf32, #tpu.memory_space<hbm>> -> memref<1664xf32, #tpu.memory_space<hbm>>
    %dma_start3A_64 = arith.constant 11648 : i32
    %dma_start3A_65 = tpu.memref_slice %arg7[%dma_start3A_64] : memref<66560xf32, #tpu.memory_space<vmem>> -> memref<1664xf32, #tpu.memory_space<vmem>>
    %dma_start3A_66 = tpu.memref_slice %arg2[%add3A_60] : memref<1600000xf32, #tpu.memory_space<hbm>> -> memref<1664xf32, #tpu.memory_space<hbm>>
    tpu.enqueue_dma source(%dma_start3A_66 : memref<1664xf32, #tpu.memory_space<hbm>>) target(%dma_start3A_65 : memref<1664xf32, #tpu.memory_space<vmem>>) target_semaphore(%arg11 : memref<!tpu.dma_semaphore, #tpu.memory_space<semaphore_mem>>)
    %add3A_67 = arith.constant 400000 : i32
    %add3A_68 = arith.addi %add3A_67, %multiple_of3A : i32
    %dma_start3A_69 = arith.constant 13312 : i32
    %dma_start3A_70 = tpu.memref_slice %arg7[%dma_start3A_69] : memref<66560xf32, #tpu.memory_space<vmem>> -> memref<1664xf32, #tpu.memory_space<vmem>>
    %dma_start3A_71 = tpu.memref_slice %arg2[%add3A_68] : memref<1600000xf32, #tpu.memory_space<hbm>> -> memref<1664xf32, #tpu.memory_space<hbm>>
    %dma_start3A_72 = arith.constant 13312 : i32
    %dma_start3A_73 = tpu.memref_slice %arg7[%dma_start3A_72] : memref<66560xf32, #tpu.memory_space<vmem>> -> memref<1664xf32, #tpu.memory_space<vmem>>
    %dma_start3A_74 = tpu.memref_slice %arg2[%add3A_68] : memref<1600000xf32, #tpu.memory_space<hbm>> -> memref<1664xf32, #tpu.memory_space<hbm>>
    tpu.enqueue_dma source(%dma_start3A_74 : memref<1664xf32, #tpu.memory_space<hbm>>) target(%dma_start3A_73 : memref<1664xf32, #tpu.memory_space<vmem>>) target_semaphore(%arg11 : memref<!tpu.dma_semaphore, #tpu.memory_space<semaphore_mem>>)
    %add3A_75 = arith.constant 450000 : i32
    %add3A_76 = arith.addi %add3A_75, %multiple_of3A : i32
    %dma_start3A_77 = arith.constant 14976 : i32
    %dma_start3A_78 = tpu.memref_slice %arg7[%dma_start3A_77] : memref<66560xf32, #tpu.memory_space<vmem>> -> memref<1664xf32, #tpu.memory_space<vmem>>
    %dma_start3A_79 = tpu.memref_slice %arg2[%add3A_76] : memref<1600000xf32, #tpu.memory_space<hbm>> -> memref<1664xf32, #tpu.memory_space<hbm>>
    %dma_start3A_80 = arith.constant 14976 : i32
    %dma_start3A_81 = tpu.memref_slice %arg7[%dma_start3A_80] : memref<66560xf32, #tpu.memory_space<vmem>> -> memref<1664xf32, #tpu.memory_space<vmem>>
    %dma_start3A_82 = tpu.memref_slice %arg2[%add3A_76] : memref<1600000xf32, #tpu.memory_space<hbm>> -> memref<1664xf32, #tpu.memory_space<hbm>>
    tpu.enqueue_dma source(%dma_start3A_82 : memref<1664xf32, #tpu.memory_space<hbm>>) target(%dma_start3A_81 : memref<1664xf32, #tpu.memory_space<vmem>>) target_semaphore(%arg11 : memref<!tpu.dma_semaphore, #tpu.memory_space<semaphore_mem>>)
    %add3A_83 = arith.constant 500000 : i32
    %add3A_84 = arith.addi %add3A_83, %multiple_of3A : i32
    %dma_start3A_85 = arith.constant 16640 : i32
    %dma_start3A_86 = tpu.memref_slice %arg7[%dma_start3A_85] : memref<66560xf32, #tpu.memory_space<vmem>> -> memref<1664xf32, #tpu.memory_space<vmem>>
    %dma_start3A_87 = tpu.memref_slice %arg2[%add3A_84] : memref<1600000xf32, #tpu.memory_space<hbm>> -> memref<1664xf32, #tpu.memory_space<hbm>>
    %dma_start3A_88 = arith.constant 16640 : i32
    %dma_start3A_89 = tpu.memref_slice %arg7[%dma_start3A_88] : memref<66560xf32, #tpu.memory_space<vmem>> -> memref<1664xf32, #tpu.memory_space<vmem>>
    %dma_start3A_90 = tpu.memref_slice %arg2[%add3A_84] : memref<1600000xf32, #tpu.memory_space<hbm>> -> memref<1664xf32, #tpu.memory_space<hbm>>
    tpu.enqueue_dma source(%dma_start3A_90 : memref<1664xf32, #tpu.memory_space<hbm>>) target(%dma_start3A_89 : memref<1664xf32, #tpu.memory_space<vmem>>) target_semaphore(%arg11 : memref<!tpu.dma_semaphore, #tpu.memory_space<semaphore_mem>>)
    %add3A_91 = arith.constant 550000 : i32
    %add3A_92 = arith.addi %add3A_91, %multiple_of3A : i32
    %dma_start3A_93 = arith.constant 18304 : i32
    %dma_start3A_94 = tpu.memref_slice %arg7[%dma_start3A_93] : memref<66560xf32, #tpu.memory_space<vmem>> -> memref<1664xf32, #tpu.memory_space<vmem>>
    %dma_start3A_95 = tpu.memref_slice %arg2[%add3A_92] : memref<1600000xf32, #tpu.memory_space<hbm>> -> memref<1664xf32, #tpu.memory_space<hbm>>
    %dma_start3A_96 = arith.constant 18304 : i32
    %dma_start3A_97 = tpu.memref_slice %arg7[%dma_start3A_96] : memref<66560xf32, #tpu.memory_space<vmem>> -> memref<1664xf32, #tpu.memory_space<vmem>>
    %dma_start3A_98 = tpu.memref_slice %arg2[%add3A_92] : memref<1600000xf32, #tpu.memory_space<hbm>> -> memref<1664xf32, #tpu.memory_space<hbm>>
    tpu.enqueue_dma source(%dma_start3A_98 : memref<1664xf32, #tpu.memory_space<hbm>>) target(%dma_start3A_97 : memref<1664xf32, #tpu.memory_space<vmem>>) target_semaphore(%arg11 : memref<!tpu.dma_semaphore, #tpu.memory_space<semaphore_mem>>)
    %add3A_99 = arith.constant 600000 : i32
    %add3A_100 = arith.addi %add3A_99, %multiple_of3A : i32
    %dma_start3A_101 = arith.constant 19968 : i32
    %dma_start3A_102 = tpu.memref_slice %arg7[%dma_start3A_101] : memref<66560xf32, #tpu.memory_space<vmem>> -> memref<1664xf32, #tpu.memory_space<vmem>>
    %dma_start3A_103 = tpu.memref_slice %arg2[%add3A_100] : memref<1600000xf32, #tpu.memory_space<hbm>> -> memref<1664xf32, #tpu.memory_space<hbm>>
    %dma_start3A_104 = arith.constant 19968 : i32
    %dma_start3A_105 = tpu.memref_slice %arg7[%dma_start3A_104] : memref<66560xf32, #tpu.memory_space<vmem>> -> memref<1664xf32, #tpu.memory_space<vmem>>
    %dma_start3A_106 = tpu.memref_slice %arg2[%add3A_100] : memref<1600000xf32, #tpu.memory_space<hbm>> -> memref<1664xf32, #tpu.memory_space<hbm>>
    tpu.enqueue_dma source(%dma_start3A_106 : memref<1664xf32, #tpu.memory_space<hbm>>) target(%dma_start3A_105 : memref<1664xf32, #tpu.memory_space<vmem>>) target_semaphore(%arg11 : memref<!tpu.dma_semaphore, #tpu.memory_space<semaphore_mem>>)
    %add3A_107 = arith.constant 650000 : i32
    %add3A_108 = arith.addi %add3A_107, %multiple_of3A : i32
    %dma_start3A_109 = arith.constant 21632 : i32
    %dma_start3A_110 = tpu.memref_slice %arg7[%dma_start3A_109] : memref<66560xf32, #tpu.memory_space<vmem>> -> memref<1664xf32, #tpu.memory_space<vmem>>
    %dma_start3A_111 = tpu.memref_slice %arg2[%add3A_108] : memref<1600000xf32, #tpu.memory_space<hbm>> -> memref<1664xf32, #tpu.memory_space<hbm>>
    %dma_start3A_112 = arith.constant 21632 : i32
    %dma_start3A_113 = tpu.memref_slice %arg7[%dma_start3A_112] : memref<66560xf32, #tpu.memory_space<vmem>> -> memref<1664xf32, #tpu.memory_space<vmem>>
    %dma_start3A_114 = tpu.memref_slice %arg2[%add3A_108] : memref<1600000xf32, #tpu.memory_space<hbm>> -> memref<1664xf32, #tpu.memory_space<hbm>>
    tpu.enqueue_dma source(%dma_start3A_114 : memref<1664xf32, #tpu.memory_space<hbm>>) target(%dma_start3A_113 : memref<1664xf32, #tpu.memory_space<vmem>>) target_semaphore(%arg11 : memref<!tpu.dma_semaphore, #tpu.memory_space<semaphore_mem>>)
    %add3A_115 = arith.constant 700000 : i32
    %add3A_116 = arith.addi %add3A_115, %multiple_of3A : i32
    %dma_start3A_117 = arith.constant 23296 : i32
    %dma_start3A_118 = tpu.memref_slice %arg7[%dma_start3A_117] : memref<66560xf32, #tpu.memory_space<vmem>> -> memref<1664xf32, #tpu.memory_space<vmem>>
    %dma_start3A_119 = tpu.memref_slice %arg2[%add3A_116] : memref<1600000xf32, #tpu.memory_space<hbm>> -> memref<1664xf32, #tpu.memory_space<hbm>>
    %dma_start3A_120 = arith.constant 23296 : i32
    %dma_start3A_121 = tpu.memref_slice %arg7[%dma_start3A_120] : memref<66560xf32, #tpu.memory_space<vmem>> -> memref<1664xf32, #tpu.memory_space<vmem>>
    %dma_start3A_122 = tpu.memref_slice %arg2[%add3A_116] : memref<1600000xf32, #tpu.memory_space<hbm>> -> memref<1664xf32, #tpu.memory_space<hbm>>
    tpu.enqueue_dma source(%dma_start3A_122 : memref<1664xf32, #tpu.memory_space<hbm>>) target(%dma_start3A_121 : memref<1664xf32, #tpu.memory_space<vmem>>) target_semaphore(%arg11 : memref<!tpu.dma_semaphore, #tpu.memory_space<semaphore_mem>>)
    %add3A_123 = arith.constant 750000 : i32
    %add3A_124 = arith.addi %add3A_123, %multiple_of3A : i32
    %dma_start3A_125 = arith.constant 24960 : i32
    %dma_start3A_126 = tpu.memref_slice %arg7[%dma_start3A_125] : memref<66560xf32, #tpu.memory_space<vmem>> -> memref<1664xf32, #tpu.memory_space<vmem>>
    %dma_start3A_127 = tpu.memref_slice %arg2[%add3A_124] : memref<1600000xf32, #tpu.memory_space<hbm>> -> memref<1664xf32, #tpu.memory_space<hbm>>
    %dma_start3A_128 = arith.constant 24960 : i32
    %dma_start3A_129 = tpu.memref_slice %arg7[%dma_start3A_128] : memref<66560xf32, #tpu.memory_space<vmem>> -> memref<1664xf32, #tpu.memory_space<vmem>>
    %dma_start3A_130 = tpu.memref_slice %arg2[%add3A_124] : memref<1600000xf32, #tpu.memory_space<hbm>> -> memref<1664xf32, #tpu.memory_space<hbm>>
    tpu.enqueue_dma source(%dma_start3A_130 : memref<1664xf32, #tpu.memory_space<hbm>>) target(%dma_start3A_129 : memref<1664xf32, #tpu.memory_space<vmem>>) target_semaphore(%arg11 : memref<!tpu.dma_semaphore, #tpu.memory_space<semaphore_mem>>)
    %add3A_131 = arith.constant 800000 : i32
    %add3A_132 = arith.addi %add3A_131, %multiple_of3A : i32
    %dma_start3A_133 = arith.constant 26624 : i32
    %dma_start3A_134 = tpu.memref_slice %arg7[%dma_start3A_133] : memref<66560xf32, #tpu.memory_space<vmem>> -> memref<1664xf32, #tpu.memory_space<vmem>>
    %dma_start3A_135 = tpu.memref_slice %arg2[%add3A_132] : memref<1600000xf32, #tpu.memory_space<hbm>> -> memref<1664xf32, #tpu.memory_space<hbm>>
    %dma_start3A_136 = arith.constant 26624 : i32
    %dma_start3A_137 = tpu.memref_slice %arg7[%dma_start3A_136] : memref<66560xf32, #tpu.memory_space<vmem>> -> memref<1664xf32, #tpu.memory_space<vmem>>
    %dma_start3A_138 = tpu.memref_slice %arg2[%add3A_132] : memref<1600000xf32, #tpu.memory_space<hbm>> -> memref<1664xf32, #tpu.memory_space<hbm>>
    tpu.enqueue_dma source(%dma_start3A_138 : memref<1664xf32, #tpu.memory_space<hbm>>) target(%dma_start3A_137 : memref<1664xf32, #tpu.memory_space<vmem>>) target_semaphore(%arg11 : memref<!tpu.dma_semaphore, #tpu.memory_space<semaphore_mem>>)
    %add3A_139 = arith.constant 850000 : i32
    %add3A_140 = arith.addi %add3A_139, %multiple_of3A : i32
    %dma_start3A_141 = arith.constant 28288 : i32
    %dma_start3A_142 = tpu.memref_slice %arg7[%dma_start3A_141] : memref<66560xf32, #tpu.memory_space<vmem>> -> memref<1664xf32, #tpu.memory_space<vmem>>
    %dma_start3A_143 = tpu.memref_slice %arg2[%add3A_140] : memref<1600000xf32, #tpu.memory_space<hbm>> -> memref<1664xf32, #tpu.memory_space<hbm>>
    %dma_start3A_144 = arith.constant 28288 : i32
    %dma_start3A_145 = tpu.memref_slice %arg7[%dma_start3A_144] : memref<66560xf32, #tpu.memory_space<vmem>> -> memref<1664xf32, #tpu.memory_space<vmem>>
    %dma_start3A_146 = tpu.memref_slice %arg2[%add3A_140] : memref<1600000xf32, #tpu.memory_space<hbm>> -> memref<1664xf32, #tpu.memory_space<hbm>>
    tpu.enqueue_dma source(%dma_start3A_146 : memref<1664xf32, #tpu.memory_space<hbm>>) target(%dma_start3A_145 : memref<1664xf32, #tpu.memory_space<vmem>>) target_semaphore(%arg11 : memref<!tpu.dma_semaphore, #tpu.memory_space<semaphore_mem>>)
    %add3A_147 = arith.constant 900000 : i32
    %add3A_148 = arith.addi %add3A_147, %multiple_of3A : i32
    %dma_start3A_149 = arith.constant 29952 : i32
    %dma_start3A_150 = tpu.memref_slice %arg7[%dma_start3A_149] : memref<66560xf32, #tpu.memory_space<vmem>> -> memref<1664xf32, #tpu.memory_space<vmem>>
    %dma_start3A_151 = tpu.memref_slice %arg2[%add3A_148] : memref<1600000xf32, #tpu.memory_space<hbm>> -> memref<1664xf32, #tpu.memory_space<hbm>>
    %dma_start3A_152 = arith.constant 29952 : i32
    %dma_start3A_153 = tpu.memref_slice %arg7[%dma_start3A_152] : memref<66560xf32, #tpu.memory_space<vmem>> -> memref<1664xf32, #tpu.memory_space<vmem>>
    %dma_start3A_154 = tpu.memref_slice %arg2[%add3A_148] : memref<1600000xf32, #tpu.memory_space<hbm>> -> memref<1664xf32, #tpu.memory_space<hbm>>
    tpu.enqueue_dma source(%dma_start3A_154 : memref<1664xf32, #tpu.memory_space<hbm>>) target(%dma_start3A_153 : memref<1664xf32, #tpu.memory_space<vmem>>) target_semaphore(%arg11 : memref<!tpu.dma_semaphore, #tpu.memory_space<semaphore_mem>>)
    %add3A_155 = arith.constant 950000 : i32
    %add3A_156 = arith.addi %add3A_155, %multiple_of3A : i32
    %dma_start3A_157 = arith.constant 31616 : i32
    %dma_start3A_158 = tpu.memref_slice %arg7[%dma_start3A_157] : memref<66560xf32, #tpu.memory_space<vmem>> -> memref<1664xf32, #tpu.memory_space<vmem>>
    %dma_start3A_159 = tpu.memref_slice %arg2[%add3A_156] : memref<1600000xf32, #tpu.memory_space<hbm>> -> memref<1664xf32, #tpu.memory_space<hbm>>
    %dma_start3A_160 = arith.constant 31616 : i32
    %dma_start3A_161 = tpu.memref_slice %arg7[%dma_start3A_160] : memref<66560xf32, #tpu.memory_space<vmem>> -> memref<1664xf32, #tpu.memory_space<vmem>>
    %dma_start3A_162 = tpu.memref_slice %arg2[%add3A_156] : memref<1600000xf32, #tpu.memory_space<hbm>> -> memref<1664xf32, #tpu.memory_space<hbm>>
    tpu.enqueue_dma source(%dma_start3A_162 : memref<1664xf32, #tpu.memory_space<hbm>>) target(%dma_start3A_161 : memref<1664xf32, #tpu.memory_space<vmem>>) target_semaphore(%arg11 : memref<!tpu.dma_semaphore, #tpu.memory_space<semaphore_mem>>)
    %add3A_163 = arith.constant 1000000 : i32
    %add3A_164 = arith.addi %add3A_163, %multiple_of3A : i32
    %dma_start3A_165 = arith.constant 33280 : i32
    %dma_start3A_166 = tpu.memref_slice %arg7[%dma_start3A_165] : memref<66560xf32, #tpu.memory_space<vmem>> -> memref<1664xf32, #tpu.memory_space<vmem>>
    %dma_start3A_167 = tpu.memref_slice %arg2[%add3A_164] : memref<1600000xf32, #tpu.memory_space<hbm>> -> memref<1664xf32, #tpu.memory_space<hbm>>
    %dma_start3A_168 = arith.constant 33280 : i32
    %dma_start3A_169 = tpu.memref_slice %arg7[%dma_start3A_168] : memref<66560xf32, #tpu.memory_space<vmem>> -> memref<1664xf32, #tpu.memory_space<vmem>>
    %dma_start3A_170 = tpu.memref_slice %arg2[%add3A_164] : memref<1600000xf32, #tpu.memory_space<hbm>> -> memref<1664xf32, #tpu.memory_space<hbm>>
    tpu.enqueue_dma source(%dma_start3A_170 : memref<1664xf32, #tpu.memory_space<hbm>>) target(%dma_start3A_169 : memref<1664xf32, #tpu.memory_space<vmem>>) target_semaphore(%arg11 : memref<!tpu.dma_semaphore, #tpu.memory_space<semaphore_mem>>)
    %add3A_171 = arith.constant 1050000 : i32
    %add3A_172 = arith.addi %add3A_171, %multiple_of3A : i32
    %dma_start3A_173 = arith.constant 34944 : i32
    %dma_start3A_174 = tpu.memref_slice %arg7[%dma_start3A_173] : memref<66560xf32, #tpu.memory_space<vmem>> -> memref<1664xf32, #tpu.memory_space<vmem>>
    %dma_start3A_175 = tpu.memref_slice %arg2[%add3A_172] : memref<1600000xf32, #tpu.memory_space<hbm>> -> memref<1664xf32, #tpu.memory_space<hbm>>
    %dma_start3A_176 = arith.constant 34944 : i32
    %dma_start3A_177 = tpu.memref_slice %arg7[%dma_start3A_176] : memref<66560xf32, #tpu.memory_space<vmem>> -> memref<1664xf32, #tpu.memory_space<vmem>>
    %dma_start3A_178 = tpu.memref_slice %arg2[%add3A_172] : memref<1600000xf32, #tpu.memory_space<hbm>> -> memref<1664xf32, #tpu.memory_space<hbm>>
    tpu.enqueue_dma source(%dma_start3A_178 : memref<1664xf32, #tpu.memory_space<hbm>>) target(%dma_start3A_177 : memref<1664xf32, #tpu.memory_space<vmem>>) target_semaphore(%arg11 : memref<!tpu.dma_semaphore, #tpu.memory_space<semaphore_mem>>)
    %add3A_179 = arith.constant 1100000 : i32
    %add3A_180 = arith.addi %add3A_179, %multiple_of3A : i32
    %dma_start3A_181 = arith.constant 36608 : i32
    %dma_start3A_182 = tpu.memref_slice %arg7[%dma_start3A_181] : memref<66560xf32, #tpu.memory_space<vmem>> -> memref<1664xf32, #tpu.memory_space<vmem>>
    %dma_start3A_183 = tpu.memref_slice %arg2[%add3A_180] : memref<1600000xf32, #tpu.memory_space<hbm>> -> memref<1664xf32, #tpu.memory_space<hbm>>
    %dma_start3A_184 = arith.constant 36608 : i32
    %dma_start3A_185 = tpu.memref_slice %arg7[%dma_start3A_184] : memref<66560xf32, #tpu.memory_space<vmem>> -> memref<1664xf32, #tpu.memory_space<vmem>>
    %dma_start3A_186 = tpu.memref_slice %arg2[%add3A_180] : memref<1600000xf32, #tpu.memory_space<hbm>> -> memref<1664xf32, #tpu.memory_space<hbm>>
    tpu.enqueue_dma source(%dma_start3A_186 : memref<1664xf32, #tpu.memory_space<hbm>>) target(%dma_start3A_185 : memref<1664xf32, #tpu.memory_space<vmem>>) target_semaphore(%arg11 : memref<!tpu.dma_semaphore, #tpu.memory_space<semaphore_mem>>)
    %add3A_187 = arith.constant 1150000 : i32
    %add3A_188 = arith.addi %add3A_187, %multiple_of3A : i32
    %dma_start3A_189 = arith.constant 38272 : i32
    %dma_start3A_190 = tpu.memref_slice %arg7[%dma_start3A_189] : memref<66560xf32, #tpu.memory_space<vmem>> -> memref<1664xf32, #tpu.memory_space<vmem>>
    %dma_start3A_191 = tpu.memref_slice %arg2[%add3A_188] : memref<1600000xf32, #tpu.memory_space<hbm>> -> memref<1664xf32, #tpu.memory_space<hbm>>
    %dma_start3A_192 = arith.constant 38272 : i32
    %dma_start3A_193 = tpu.memref_slice %arg7[%dma_start3A_192] : memref<66560xf32, #tpu.memory_space<vmem>> -> memref<1664xf32, #tpu.memory_space<vmem>>
    %dma_start3A_194 = tpu.memref_slice %arg2[%add3A_188] : memref<1600000xf32, #tpu.memory_space<hbm>> -> memref<1664xf32, #tpu.memory_space<hbm>>
    tpu.enqueue_dma source(%dma_start3A_194 : memref<1664xf32, #tpu.memory_space<hbm>>) target(%dma_start3A_193 : memref<1664xf32, #tpu.memory_space<vmem>>) target_semaphore(%arg11 : memref<!tpu.dma_semaphore, #tpu.memory_space<semaphore_mem>>)
    %add3A_195 = arith.constant 1200000 : i32
    %add3A_196 = arith.addi %add3A_195, %multiple_of3A : i32
    %dma_start3A_197 = arith.constant 39936 : i32
    %dma_start3A_198 = tpu.memref_slice %arg7[%dma_start3A_197] : memref<66560xf32, #tpu.memory_space<vmem>> -> memref<1664xf32, #tpu.memory_space<vmem>>
    %dma_start3A_199 = tpu.memref_slice %arg2[%add3A_196] : memref<1600000xf32, #tpu.memory_space<hbm>> -> memref<1664xf32, #tpu.memory_space<hbm>>
    %dma_start3A_200 = arith.constant 39936 : i32
    %dma_start3A_201 = tpu.memref_slice %arg7[%dma_start3A_200] : memref<66560xf32, #tpu.memory_space<vmem>> -> memref<1664xf32, #tpu.memory_space<vmem>>
    %dma_start3A_202 = tpu.memref_slice %arg2[%add3A_196] : memref<1600000xf32, #tpu.memory_space<hbm>> -> memref<1664xf32, #tpu.memory_space<hbm>>
    tpu.enqueue_dma source(%dma_start3A_202 : memref<1664xf32, #tpu.memory_space<hbm>>) target(%dma_start3A_201 : memref<1664xf32, #tpu.memory_space<vmem>>) target_semaphore(%arg11 : memref<!tpu.dma_semaphore, #tpu.memory_space<semaphore_mem>>)
    %add3A_203 = arith.constant 1250000 : i32
    %add3A_204 = arith.addi %add3A_203, %multiple_of3A : i32
    %dma_start3A_205 = arith.constant 41600 : i32
    %dma_start3A_206 = tpu.memref_slice %arg7[%dma_start3A_205] : memref<66560xf32, #tpu.memory_space<vmem>> -> memref<1664xf32, #tpu.memory_space<vmem>>
    %dma_start3A_207 = tpu.memref_slice %arg2[%add3A_204] : memref<1600000xf32, #tpu.memory_space<hbm>> -> memref<1664xf32, #tpu.memory_space<hbm>>
    %dma_start3A_208 = arith.constant 41600 : i32
    %dma_start3A_209 = tpu.memref_slice %arg7[%dma_start3A_208] : memref<66560xf32, #tpu.memory_space<vmem>> -> memref<1664xf32, #tpu.memory_space<vmem>>
    %dma_start3A_210 = tpu.memref_slice %arg2[%add3A_204] : memref<1600000xf32, #tpu.memory_space<hbm>> -> memref<1664xf32, #tpu.memory_space<hbm>>
    tpu.enqueue_dma source(%dma_start3A_210 : memref<1664xf32, #tpu.memory_space<hbm>>) target(%dma_start3A_209 : memref<1664xf32, #tpu.memory_space<vmem>>) target_semaphore(%arg11 : memref<!tpu.dma_semaphore, #tpu.memory_space<semaphore_mem>>)
    %add3A_211 = arith.constant 1300000 : i32
    %add3A_212 = arith.addi %add3A_211, %multiple_of3A : i32
    %dma_start3A_213 = arith.constant 43264 : i32
    %dma_start3A_214 = tpu.memref_slice %arg7[%dma_start3A_213] : memref<66560xf32, #tpu.memory_space<vmem>> -> memref<1664xf32, #tpu.memory_space<vmem>>
    %dma_start3A_215 = tpu.memref_slice %arg2[%add3A_212] : memref<1600000xf32, #tpu.memory_space<hbm>> -> memref<1664xf32, #tpu.memory_space<hbm>>
    %dma_start3A_216 = arith.constant 43264 : i32
    %dma_start3A_217 = tpu.memref_slice %arg7[%dma_start3A_216] : memref<66560xf32, #tpu.memory_space<vmem>> -> memref<1664xf32, #tpu.memory_space<vmem>>
    %dma_start3A_218 = tpu.memref_slice %arg2[%add3A_212] : memref<1600000xf32, #tpu.memory_space<hbm>> -> memref<1664xf32, #tpu.memory_space<hbm>>
    tpu.enqueue_dma source(%dma_start3A_218 : memref<1664xf32, #tpu.memory_space<hbm>>) target(%dma_start3A_217 : memref<1664xf32, #tpu.memory_space<vmem>>) target_semaphore(%arg11 : memref<!tpu.dma_semaphore, #tpu.memory_space<semaphore_mem>>)
    %add3A_219 = arith.constant 1350000 : i32
    %add3A_220 = arith.addi %add3A_219, %multiple_of3A : i32
    %dma_start3A_221 = arith.constant 44928 : i32
    %dma_start3A_222 = tpu.memref_slice %arg7[%dma_start3A_221] : memref<66560xf32, #tpu.memory_space<vmem>> -> memref<1664xf32, #tpu.memory_space<vmem>>
    %dma_start3A_223 = tpu.memref_slice %arg2[%add3A_220] : memref<1600000xf32, #tpu.memory_space<hbm>> -> memref<1664xf32, #tpu.memory_space<hbm>>
    %dma_start3A_224 = arith.constant 44928 : i32
    %dma_start3A_225 = tpu.memref_slice %arg7[%dma_start3A_224] : memref<66560xf32, #tpu.memory_space<vmem>> -> memref<1664xf32, #tpu.memory_space<vmem>>
    %dma_start3A_226 = tpu.memref_slice %arg2[%add3A_220] : memref<1600000xf32, #tpu.memory_space<hbm>> -> memref<1664xf32, #tpu.memory_space<hbm>>
    tpu.enqueue_dma source(%dma_start3A_226 : memref<1664xf32, #tpu.memory_space<hbm>>) target(%dma_start3A_225 : memref<1664xf32, #tpu.memory_space<vmem>>) target_semaphore(%arg11 : memref<!tpu.dma_semaphore, #tpu.memory_space<semaphore_mem>>)
    %add3A_227 = arith.constant 1400000 : i32
    %add3A_228 = arith.addi %add3A_227, %multiple_of3A : i32
    %dma_start3A_229 = arith.constant 46592 : i32
    %dma_start3A_230 = tpu.memref_slice %arg7[%dma_start3A_229] : memref<66560xf32, #tpu.memory_space<vmem>> -> memref<1664xf32, #tpu.memory_space<vmem>>
    %dma_start3A_231 = tpu.memref_slice %arg2[%add3A_228] : memref<1600000xf32, #tpu.memory_space<hbm>> -> memref<1664xf32, #tpu.memory_space<hbm>>
    %dma_start3A_232 = arith.constant 46592 : i32
    %dma_start3A_233 = tpu.memref_slice %arg7[%dma_start3A_232] : memref<66560xf32, #tpu.memory_space<vmem>> -> memref<1664xf32, #tpu.memory_space<vmem>>
    %dma_start3A_234 = tpu.memref_slice %arg2[%add3A_228] : memref<1600000xf32, #tpu.memory_space<hbm>> -> memref<1664xf32, #tpu.memory_space<hbm>>
    tpu.enqueue_dma source(%dma_start3A_234 : memref<1664xf32, #tpu.memory_space<hbm>>) target(%dma_start3A_233 : memref<1664xf32, #tpu.memory_space<vmem>>) target_semaphore(%arg11 : memref<!tpu.dma_semaphore, #tpu.memory_space<semaphore_mem>>)
    %add3A_235 = arith.constant 1450000 : i32
    %add3A_236 = arith.addi %add3A_235, %multiple_of3A : i32
    %dma_start3A_237 = arith.constant 48256 : i32
    %dma_start3A_238 = tpu.memref_slice %arg7[%dma_start3A_237] : memref<66560xf32, #tpu.memory_space<vmem>> -> memref<1664xf32, #tpu.memory_space<vmem>>
    %dma_start3A_239 = tpu.memref_slice %arg2[%add3A_236] : memref<1600000xf32, #tpu.memory_space<hbm>> -> memref<1664xf32, #tpu.memory_space<hbm>>
    %dma_start3A_240 = arith.constant 48256 : i32
    %dma_start3A_241 = tpu.memref_slice %arg7[%dma_start3A_240] : memref<66560xf32, #tpu.memory_space<vmem>> -> memref<1664xf32, #tpu.memory_space<vmem>>
    %dma_start3A_242 = tpu.memref_slice %arg2[%add3A_236] : memref<1600000xf32, #tpu.memory_space<hbm>> -> memref<1664xf32, #tpu.memory_space<hbm>>
    tpu.enqueue_dma source(%dma_start3A_242 : memref<1664xf32, #tpu.memory_space<hbm>>) target(%dma_start3A_241 : memref<1664xf32, #tpu.memory_space<vmem>>) target_semaphore(%arg11 : memref<!tpu.dma_semaphore, #tpu.memory_space<semaphore_mem>>)
    %add3A_243 = arith.constant 1500000 : i32
    %add3A_244 = arith.addi %add3A_243, %multiple_of3A : i32
    %dma_start3A_245 = arith.constant 49920 : i32
    %dma_start3A_246 = tpu.memref_slice %arg7[%dma_start3A_245] : memref<66560xf32, #tpu.memory_space<vmem>> -> memref<1664xf32, #tpu.memory_space<vmem>>
    %dma_start3A_247 = tpu.memref_slice %arg2[%add3A_244] : memref<1600000xf32, #tpu.memory_space<hbm>> -> memref<1664xf32, #tpu.memory_space<hbm>>
    %dma_start3A_248 = arith.constant 49920 : i32
    %dma_start3A_249 = tpu.memref_slice %arg7[%dma_start3A_248] : memref<66560xf32, #tpu.memory_space<vmem>> -> memref<1664xf32, #tpu.memory_space<vmem>>
    %dma_start3A_250 = tpu.memref_slice %arg2[%add3A_244] : memref<1600000xf32, #tpu.memory_space<hbm>> -> memref<1664xf32, #tpu.memory_space<hbm>>
    tpu.enqueue_dma source(%dma_start3A_250 : memref<1664xf32, #tpu.memory_space<hbm>>) target(%dma_start3A_249 : memref<1664xf32, #tpu.memory_space<vmem>>) target_semaphore(%arg11 : memref<!tpu.dma_semaphore, #tpu.memory_space<semaphore_mem>>)
    %add3A_251 = arith.constant 1550000 : i32
    %add3A_252 = arith.addi %add3A_251, %multiple_of3A : i32
    %dma_start3A_253 = arith.constant 51584 : i32
    %dma_start3A_254 = tpu.memref_slice %arg7[%dma_start3A_253] : memref<66560xf32, #tpu.memory_space<vmem>> -> memref<1664xf32, #tpu.memory_space<vmem>>
    %dma_start3A_255 = tpu.memref_slice %arg2[%add3A_252] : memref<1600000xf32, #tpu.memory_space<hbm>> -> memref<1664xf32, #tpu.memory_space<hbm>>
    %dma_start3A_256 = arith.constant 51584 : i32
    %dma_start3A_257 = tpu.memref_slice %arg7[%dma_start3A_256] : memref<66560xf32, #tpu.memory_space<vmem>> -> memref<1664xf32, #tpu.memory_space<vmem>>
    %dma_start3A_258 = tpu.memref_slice %arg2[%add3A_252] : memref<1600000xf32, #tpu.memory_space<hbm>> -> memref<1664xf32, #tpu.memory_space<hbm>>
    tpu.enqueue_dma source(%dma_start3A_258 : memref<1664xf32, #tpu.memory_space<hbm>>) target(%dma_start3A_257 : memref<1664xf32, #tpu.memory_space<vmem>>) target_semaphore(%arg11 : memref<!tpu.dma_semaphore, #tpu.memory_space<semaphore_mem>>)
    %add3A_259 = arith.constant 0 : i32
    %add3A_260 = arith.addi %add3A_259, %multiple_of3A : i32
    %dma_start3A_261 = arith.constant 53248 : i32
    %dma_start3A_262 = tpu.memref_slice %arg7[%dma_start3A_261] : memref<66560xf32, #tpu.memory_space<vmem>> -> memref<1664xf32, #tpu.memory_space<vmem>>
    %dma_start3A_263 = tpu.memref_slice %arg3[%add3A_260] : memref<400000xf32, #tpu.memory_space<hbm>> -> memref<1664xf32, #tpu.memory_space<hbm>>
    %dma_start3A_264 = arith.constant 53248 : i32
    %dma_start3A_265 = tpu.memref_slice %arg7[%dma_start3A_264] : memref<66560xf32, #tpu.memory_space<vmem>> -> memref<1664xf32, #tpu.memory_space<vmem>>
    %dma_start3A_266 = tpu.memref_slice %arg3[%add3A_260] : memref<400000xf32, #tpu.memory_space<hbm>> -> memref<1664xf32, #tpu.memory_space<hbm>>
    tpu.enqueue_dma source(%dma_start3A_266 : memref<1664xf32, #tpu.memory_space<hbm>>) target(%dma_start3A_265 : memref<1664xf32, #tpu.memory_space<vmem>>) target_semaphore(%arg11 : memref<!tpu.dma_semaphore, #tpu.memory_space<semaphore_mem>>)
    %add3A_267 = arith.constant 50000 : i32
    %add3A_268 = arith.addi %add3A_267, %multiple_of3A : i32
    %dma_start3A_269 = arith.constant 54912 : i32
    %dma_start3A_270 = tpu.memref_slice %arg7[%dma_start3A_269] : memref<66560xf32, #tpu.memory_space<vmem>> -> memref<1664xf32, #tpu.memory_space<vmem>>
    %dma_start3A_271 = tpu.memref_slice %arg3[%add3A_268] : memref<400000xf32, #tpu.memory_space<hbm>> -> memref<1664xf32, #tpu.memory_space<hbm>>
    %dma_start3A_272 = arith.constant 54912 : i32
    %dma_start3A_273 = tpu.memref_slice %arg7[%dma_start3A_272] : memref<66560xf32, #tpu.memory_space<vmem>> -> memref<1664xf32, #tpu.memory_space<vmem>>
    %dma_start3A_274 = tpu.memref_slice %arg3[%add3A_268] : memref<400000xf32, #tpu.memory_space<hbm>> -> memref<1664xf32, #tpu.memory_space<hbm>>
    tpu.enqueue_dma source(%dma_start3A_274 : memref<1664xf32, #tpu.memory_space<hbm>>) target(%dma_start3A_273 : memref<1664xf32, #tpu.memory_space<vmem>>) target_semaphore(%arg11 : memref<!tpu.dma_semaphore, #tpu.memory_space<semaphore_mem>>)
    %add3A_275 = arith.constant 100000 : i32
    %add3A_276 = arith.addi %add3A_275, %multiple_of3A : i32
    %dma_start3A_277 = arith.constant 56576 : i32
    %dma_start3A_278 = tpu.memref_slice %arg7[%dma_start3A_277] : memref<66560xf32, #tpu.memory_space<vmem>> -> memref<1664xf32, #tpu.memory_space<vmem>>
    %dma_start3A_279 = tpu.memref_slice %arg3[%add3A_276] : memref<400000xf32, #tpu.memory_space<hbm>> -> memref<1664xf32, #tpu.memory_space<hbm>>
    %dma_start3A_280 = arith.constant 56576 : i32
    %dma_start3A_281 = tpu.memref_slice %arg7[%dma_start3A_280] : memref<66560xf32, #tpu.memory_space<vmem>> -> memref<1664xf32, #tpu.memory_space<vmem>>
    %dma_start3A_282 = tpu.memref_slice %arg3[%add3A_276] : memref<400000xf32, #tpu.memory_space<hbm>> -> memref<1664xf32, #tpu.memory_space<hbm>>
    tpu.enqueue_dma source(%dma_start3A_282 : memref<1664xf32, #tpu.memory_space<hbm>>) target(%dma_start3A_281 : memref<1664xf32, #tpu.memory_space<vmem>>) target_semaphore(%arg11 : memref<!tpu.dma_semaphore, #tpu.memory_space<semaphore_mem>>)
    %add3A_283 = arith.constant 150000 : i32
    %add3A_284 = arith.addi %add3A_283, %multiple_of3A : i32
    %dma_start3A_285 = arith.constant 58240 : i32
    %dma_start3A_286 = tpu.memref_slice %arg7[%dma_start3A_285] : memref<66560xf32, #tpu.memory_space<vmem>> -> memref<1664xf32, #tpu.memory_space<vmem>>
    %dma_start3A_287 = tpu.memref_slice %arg3[%add3A_284] : memref<400000xf32, #tpu.memory_space<hbm>> -> memref<1664xf32, #tpu.memory_space<hbm>>
    %dma_start3A_288 = arith.constant 58240 : i32
    %dma_start3A_289 = tpu.memref_slice %arg7[%dma_start3A_288] : memref<66560xf32, #tpu.memory_space<vmem>> -> memref<1664xf32, #tpu.memory_space<vmem>>
    %dma_start3A_290 = tpu.memref_slice %arg3[%add3A_284] : memref<400000xf32, #tpu.memory_space<hbm>> -> memref<1664xf32, #tpu.memory_space<hbm>>
    tpu.enqueue_dma source(%dma_start3A_290 : memref<1664xf32, #tpu.memory_space<hbm>>) target(%dma_start3A_289 : memref<1664xf32, #tpu.memory_space<vmem>>) target_semaphore(%arg11 : memref<!tpu.dma_semaphore, #tpu.memory_space<semaphore_mem>>)
    %add3A_291 = arith.constant 200000 : i32
    %add3A_292 = arith.addi %add3A_291, %multiple_of3A : i32
    %dma_start3A_293 = arith.constant 59904 : i32
    %dma_start3A_294 = tpu.memref_slice %arg7[%dma_start3A_293] : memref<66560xf32, #tpu.memory_space<vmem>> -> memref<1664xf32, #tpu.memory_space<vmem>>
    %dma_start3A_295 = tpu.memref_slice %arg3[%add3A_292] : memref<400000xf32, #tpu.memory_space<hbm>> -> memref<1664xf32, #tpu.memory_space<hbm>>
    %dma_start3A_296 = arith.constant 59904 : i32
    %dma_start3A_297 = tpu.memref_slice %arg7[%dma_start3A_296] : memref<66560xf32, #tpu.memory_space<vmem>> -> memref<1664xf32, #tpu.memory_space<vmem>>
    %dma_start3A_298 = tpu.memref_slice %arg3[%add3A_292] : memref<400000xf32, #tpu.memory_space<hbm>> -> memref<1664xf32, #tpu.memory_space<hbm>>
    tpu.enqueue_dma source(%dma_start3A_298 : memref<1664xf32, #tpu.memory_space<hbm>>) target(%dma_start3A_297 : memref<1664xf32, #tpu.memory_space<vmem>>) target_semaphore(%arg11 : memref<!tpu.dma_semaphore, #tpu.memory_space<semaphore_mem>>)
    %add3A_299 = arith.constant 250000 : i32
    %add3A_300 = arith.addi %add3A_299, %multiple_of3A : i32
    %dma_start3A_301 = arith.constant 61568 : i32
    %dma_start3A_302 = tpu.memref_slice %arg7[%dma_start3A_301] : memref<66560xf32, #tpu.memory_space<vmem>> -> memref<1664xf32, #tpu.memory_space<vmem>>
    %dma_start3A_303 = tpu.memref_slice %arg3[%add3A_300] : memref<400000xf32, #tpu.memory_space<hbm>> -> memref<1664xf32, #tpu.memory_space<hbm>>
    %dma_start3A_304 = arith.constant 61568 : i32
    %dma_start3A_305 = tpu.memref_slice %arg7[%dma_start3A_304] : memref<66560xf32, #tpu.memory_space<vmem>> -> memref<1664xf32, #tpu.memory_space<vmem>>
    %dma_start3A_306 = tpu.memref_slice %arg3[%add3A_300] : memref<400000xf32, #tpu.memory_space<hbm>> -> memref<1664xf32, #tpu.memory_space<hbm>>
    tpu.enqueue_dma source(%dma_start3A_306 : memref<1664xf32, #tpu.memory_space<hbm>>) target(%dma_start3A_305 : memref<1664xf32, #tpu.memory_space<vmem>>) target_semaphore(%arg11 : memref<!tpu.dma_semaphore, #tpu.memory_space<semaphore_mem>>)
    %add3A_307 = arith.constant 300000 : i32
    %add3A_308 = arith.addi %add3A_307, %multiple_of3A : i32
    %dma_start3A_309 = arith.constant 63232 : i32
    %dma_start3A_310 = tpu.memref_slice %arg7[%dma_start3A_309] : memref<66560xf32, #tpu.memory_space<vmem>> -> memref<1664xf32, #tpu.memory_space<vmem>>
    %dma_start3A_311 = tpu.memref_slice %arg3[%add3A_308] : memref<400000xf32, #tpu.memory_space<hbm>> -> memref<1664xf32, #tpu.memory_space<hbm>>
    %dma_start3A_312 = arith.constant 63232 : i32
    %dma_start3A_313 = tpu.memref_slice %arg7[%dma_start3A_312] : memref<66560xf32, #tpu.memory_space<vmem>> -> memref<1664xf32, #tpu.memory_space<vmem>>
    %dma_start3A_314 = tpu.memref_slice %arg3[%add3A_308] : memref<400000xf32, #tpu.memory_space<hbm>> -> memref<1664xf32, #tpu.memory_space<hbm>>
    tpu.enqueue_dma source(%dma_start3A_314 : memref<1664xf32, #tpu.memory_space<hbm>>) target(%dma_start3A_313 : memref<1664xf32, #tpu.memory_space<vmem>>) target_semaphore(%arg11 : memref<!tpu.dma_semaphore, #tpu.memory_space<semaphore_mem>>)
    %add3A_315 = arith.constant 350000 : i32
    %add3A_316 = arith.addi %add3A_315, %multiple_of3A : i32
    %dma_start3A_317 = arith.constant 64896 : i32
    %dma_start3A_318 = tpu.memref_slice %arg7[%dma_start3A_317] : memref<66560xf32, #tpu.memory_space<vmem>> -> memref<1664xf32, #tpu.memory_space<vmem>>
    %dma_start3A_319 = tpu.memref_slice %arg3[%add3A_316] : memref<400000xf32, #tpu.memory_space<hbm>> -> memref<1664xf32, #tpu.memory_space<hbm>>
    %dma_start3A_320 = arith.constant 64896 : i32
    %dma_start3A_321 = tpu.memref_slice %arg7[%dma_start3A_320] : memref<66560xf32, #tpu.memory_space<vmem>> -> memref<1664xf32, #tpu.memory_space<vmem>>
    %dma_start3A_322 = tpu.memref_slice %arg3[%add3A_316] : memref<400000xf32, #tpu.memory_space<hbm>> -> memref<1664xf32, #tpu.memory_space<hbm>>
    tpu.enqueue_dma source(%dma_start3A_322 : memref<1664xf32, #tpu.memory_space<hbm>>) target(%dma_start3A_321 : memref<1664xf32, #tpu.memory_space<vmem>>) target_semaphore(%arg11 : memref<!tpu.dma_semaphore, #tpu.memory_space<semaphore_mem>>)
    %dma_wait3A = arith.constant 0 : i32
    %dma_wait3A_323 = tpu.memref_slice %arg7[%dma_wait3A] : memref<66560xf32, #tpu.memory_space<vmem>> -> memref<1664xf32, #tpu.memory_space<vmem>>
    %dma_wait3A_324 = tpu.memref_slice %arg2[%add3A_5] : memref<1600000xf32, #tpu.memory_space<hbm>> -> memref<1664xf32, #tpu.memory_space<hbm>>
    %dma_wait3A_325 = arith.constant 0 : i32
    %dma_wait3A_326 = tpu.memref_slice %arg7[%dma_wait3A_325] : memref<66560xf32, #tpu.memory_space<vmem>> -> memref<1664xf32, #tpu.memory_space<vmem>>
    %dma_wait3A_327 = tpu.memref_slice %arg2[%add3A_5] : memref<1600000xf32, #tpu.memory_space<hbm>> -> memref<1664xf32, #tpu.memory_space<hbm>>
    tpu.wait_dma2 semaphore(%arg11 : memref<!tpu.dma_semaphore, #tpu.memory_space<semaphore_mem>>) src(%dma_wait3A_327 : memref<1664xf32, #tpu.memory_space<hbm>>) dst(%dma_wait3A_326 : memref<1664xf32, #tpu.memory_space<vmem>>)
    %dma_wait3A_328 = arith.constant 1664 : i32
    %dma_wait3A_329 = tpu.memref_slice %arg7[%dma_wait3A_328] : memref<66560xf32, #tpu.memory_space<vmem>> -> memref<1664xf32, #tpu.memory_space<vmem>>
    %dma_wait3A_330 = tpu.memref_slice %arg2[%add3A_12] : memref<1600000xf32, #tpu.memory_space<hbm>> -> memref<1664xf32, #tpu.memory_space<hbm>>
    %dma_wait3A_331 = arith.constant 1664 : i32
    %dma_wait3A_332 = tpu.memref_slice %arg7[%dma_wait3A_331] : memref<66560xf32, #tpu.memory_space<vmem>> -> memref<1664xf32, #tpu.memory_space<vmem>>
    %dma_wait3A_333 = tpu.memref_slice %arg2[%add3A_12] : memref<1600000xf32, #tpu.memory_space<hbm>> -> memref<1664xf32, #tpu.memory_space<hbm>>
    tpu.wait_dma2 semaphore(%arg11 : memref<!tpu.dma_semaphore, #tpu.memory_space<semaphore_mem>>) src(%dma_wait3A_333 : memref<1664xf32, #tpu.memory_space<hbm>>) dst(%dma_wait3A_332 : memref<1664xf32, #tpu.memory_space<vmem>>)
    %dma_wait3A_334 = arith.constant 3328 : i32
    %dma_wait3A_335 = tpu.memref_slice %arg7[%dma_wait3A_334] : memref<66560xf32, #tpu.memory_space<vmem>> -> memref<1664xf32, #tpu.memory_space<vmem>>
    %dma_wait3A_336 = tpu.memref_slice %arg2[%add3A_20] : memref<1600000xf32, #tpu.memory_space<hbm>> -> memref<1664xf32, #tpu.memory_space<hbm>>
    %dma_wait3A_337 = arith.constant 3328 : i32
    %dma_wait3A_338 = tpu.memref_slice %arg7[%dma_wait3A_337] : memref<66560xf32, #tpu.memory_space<vmem>> -> memref<1664xf32, #tpu.memory_space<vmem>>
    %dma_wait3A_339 = tpu.memref_slice %arg2[%add3A_20] : memref<1600000xf32, #tpu.memory_space<hbm>> -> memref<1664xf32, #tpu.memory_space<hbm>>
    tpu.wait_dma2 semaphore(%arg11 : memref<!tpu.dma_semaphore, #tpu.memory_space<semaphore_mem>>) src(%dma_wait3A_339 : memref<1664xf32, #tpu.memory_space<hbm>>) dst(%dma_wait3A_338 : memref<1664xf32, #tpu.memory_space<vmem>>)
    %dma_wait3A_340 = arith.constant 4992 : i32
    %dma_wait3A_341 = tpu.memref_slice %arg7[%dma_wait3A_340] : memref<66560xf32, #tpu.memory_space<vmem>> -> memref<1664xf32, #tpu.memory_space<vmem>>
    %dma_wait3A_342 = tpu.memref_slice %arg2[%add3A_28] : memref<1600000xf32, #tpu.memory_space<hbm>> -> memref<1664xf32, #tpu.memory_space<hbm>>
    %dma_wait3A_343 = arith.constant 4992 : i32
    %dma_wait3A_344 = tpu.memref_slice %arg7[%dma_wait3A_343] : memref<66560xf32, #tpu.memory_space<vmem>> -> memref<1664xf32, #tpu.memory_space<vmem>>
    %dma_wait3A_345 = tpu.memref_slice %arg2[%add3A_28] : memref<1600000xf32, #tpu.memory_space<hbm>> -> memref<1664xf32, #tpu.memory_space<hbm>>
    tpu.wait_dma2 semaphore(%arg11 : memref<!tpu.dma_semaphore, #tpu.memory_space<semaphore_mem>>) src(%dma_wait3A_345 : memref<1664xf32, #tpu.memory_space<hbm>>) dst(%dma_wait3A_344 : memref<1664xf32, #tpu.memory_space<vmem>>)
    %dma_wait3A_346 = arith.constant 6656 : i32
    %dma_wait3A_347 = tpu.memref_slice %arg7[%dma_wait3A_346] : memref<66560xf32, #tpu.memory_space<vmem>> -> memref<1664xf32, #tpu.memory_space<vmem>>
    %dma_wait3A_348 = tpu.memref_slice %arg2[%add3A_36] : memref<1600000xf32, #tpu.memory_space<hbm>> -> memref<1664xf32, #tpu.memory_space<hbm>>
    %dma_wait3A_349 = arith.constant 6656 : i32
    %dma_wait3A_350 = tpu.memref_slice %arg7[%dma_wait3A_349] : memref<66560xf32, #tpu.memory_space<vmem>> -> memref<1664xf32, #tpu.memory_space<vmem>>
    %dma_wait3A_351 = tpu.memref_slice %arg2[%add3A_36] : memref<1600000xf32, #tpu.memory_space<hbm>> -> memref<1664xf32, #tpu.memory_space<hbm>>
    tpu.wait_dma2 semaphore(%arg11 : memref<!tpu.dma_semaphore, #tpu.memory_space<semaphore_mem>>) src(%dma_wait3A_351 : memref<1664xf32, #tpu.memory_space<hbm>>) dst(%dma_wait3A_350 : memref<1664xf32, #tpu.memory_space<vmem>>)
    %dma_wait3A_352 = arith.constant 8320 : i32
    %dma_wait3A_353 = tpu.memref_slice %arg7[%dma_wait3A_352] : memref<66560xf32, #tpu.memory_space<vmem>> -> memref<1664xf32, #tpu.memory_space<vmem>>
    %dma_wait3A_354 = tpu.memref_slice %arg2[%add3A_44] : memref<1600000xf32, #tpu.memory_space<hbm>> -> memref<1664xf32, #tpu.memory_space<hbm>>
    %dma_wait3A_355 = arith.constant 8320 : i32
    %dma_wait3A_356 = tpu.memref_slice %arg7[%dma_wait3A_355] : memref<66560xf32, #tpu.memory_space<vmem>> -> memref<1664xf32, #tpu.memory_space<vmem>>
    %dma_wait3A_357 = tpu.memref_slice %arg2[%add3A_44] : memref<1600000xf32, #tpu.memory_space<hbm>> -> memref<1664xf32, #tpu.memory_space<hbm>>
    tpu.wait_dma2 semaphore(%arg11 : memref<!tpu.dma_semaphore, #tpu.memory_space<semaphore_mem>>) src(%dma_wait3A_357 : memref<1664xf32, #tpu.memory_space<hbm>>) dst(%dma_wait3A_356 : memref<1664xf32, #tpu.memory_space<vmem>>)
    %dma_wait3A_358 = arith.constant 9984 : i32
    %dma_wait3A_359 = tpu.memref_slice %arg7[%dma_wait3A_358] : memref<66560xf32, #tpu.memory_space<vmem>> -> memref<1664xf32, #tpu.memory_space<vmem>>
    %dma_wait3A_360 = tpu.memref_slice %arg2[%add3A_52] : memref<1600000xf32, #tpu.memory_space<hbm>> -> memref<1664xf32, #tpu.memory_space<hbm>>
    %dma_wait3A_361 = arith.constant 9984 : i32
    %dma_wait3A_362 = tpu.memref_slice %arg7[%dma_wait3A_361] : memref<66560xf32, #tpu.memory_space<vmem>> -> memref<1664xf32, #tpu.memory_space<vmem>>
    %dma_wait3A_363 = tpu.memref_slice %arg2[%add3A_52] : memref<1600000xf32, #tpu.memory_space<hbm>> -> memref<1664xf32, #tpu.memory_space<hbm>>
    tpu.wait_dma2 semaphore(%arg11 : memref<!tpu.dma_semaphore, #tpu.memory_space<semaphore_mem>>) src(%dma_wait3A_363 : memref<1664xf32, #tpu.memory_space<hbm>>) dst(%dma_wait3A_362 : memref<1664xf32, #tpu.memory_space<vmem>>)
    %dma_wait3A_364 = arith.constant 11648 : i32
    %dma_wait3A_365 = tpu.memref_slice %arg7[%dma_wait3A_364] : memref<66560xf32, #tpu.memory_space<vmem>> -> memref<1664xf32, #tpu.memory_space<vmem>>
    %dma_wait3A_366 = tpu.memref_slice %arg2[%add3A_60] : memref<1600000xf32, #tpu.memory_space<hbm>> -> memref<1664xf32, #tpu.memory_space<hbm>>
    %dma_wait3A_367 = arith.constant 11648 : i32
    %dma_wait3A_368 = tpu.memref_slice %arg7[%dma_wait3A_367] : memref<66560xf32, #tpu.memory_space<vmem>> -> memref<1664xf32, #tpu.memory_space<vmem>>
    %dma_wait3A_369 = tpu.memref_slice %arg2[%add3A_60] : memref<1600000xf32, #tpu.memory_space<hbm>> -> memref<1664xf32, #tpu.memory_space<hbm>>
    tpu.wait_dma2 semaphore(%arg11 : memref<!tpu.dma_semaphore, #tpu.memory_space<semaphore_mem>>) src(%dma_wait3A_369 : memref<1664xf32, #tpu.memory_space<hbm>>) dst(%dma_wait3A_368 : memref<1664xf32, #tpu.memory_space<vmem>>)
    %dma_wait3A_370 = arith.constant 13312 : i32
    %dma_wait3A_371 = tpu.memref_slice %arg7[%dma_wait3A_370] : memref<66560xf32, #tpu.memory_space<vmem>> -> memref<1664xf32, #tpu.memory_space<vmem>>
    %dma_wait3A_372 = tpu.memref_slice %arg2[%add3A_68] : memref<1600000xf32, #tpu.memory_space<hbm>> -> memref<1664xf32, #tpu.memory_space<hbm>>
    %dma_wait3A_373 = arith.constant 13312 : i32
    %dma_wait3A_374 = tpu.memref_slice %arg7[%dma_wait3A_373] : memref<66560xf32, #tpu.memory_space<vmem>> -> memref<1664xf32, #tpu.memory_space<vmem>>
    %dma_wait3A_375 = tpu.memref_slice %arg2[%add3A_68] : memref<1600000xf32, #tpu.memory_space<hbm>> -> memref<1664xf32, #tpu.memory_space<hbm>>
    tpu.wait_dma2 semaphore(%arg11 : memref<!tpu.dma_semaphore, #tpu.memory_space<semaphore_mem>>) src(%dma_wait3A_375 : memref<1664xf32, #tpu.memory_space<hbm>>) dst(%dma_wait3A_374 : memref<1664xf32, #tpu.memory_space<vmem>>)
    %dma_wait3A_376 = arith.constant 14976 : i32
    %dma_wait3A_377 = tpu.memref_slice %arg7[%dma_wait3A_376] : memref<66560xf32, #tpu.memory_space<vmem>> -> memref<1664xf32, #tpu.memory_space<vmem>>
    %dma_wait3A_378 = tpu.memref_slice %arg2[%add3A_76] : memref<1600000xf32, #tpu.memory_space<hbm>> -> memref<1664xf32, #tpu.memory_space<hbm>>
    %dma_wait3A_379 = arith.constant 14976 : i32
    %dma_wait3A_380 = tpu.memref_slice %arg7[%dma_wait3A_379] : memref<66560xf32, #tpu.memory_space<vmem>> -> memref<1664xf32, #tpu.memory_space<vmem>>
    %dma_wait3A_381 = tpu.memref_slice %arg2[%add3A_76] : memref<1600000xf32, #tpu.memory_space<hbm>> -> memref<1664xf32, #tpu.memory_space<hbm>>
    tpu.wait_dma2 semaphore(%arg11 : memref<!tpu.dma_semaphore, #tpu.memory_space<semaphore_mem>>) src(%dma_wait3A_381 : memref<1664xf32, #tpu.memory_space<hbm>>) dst(%dma_wait3A_380 : memref<1664xf32, #tpu.memory_space<vmem>>)
    %dma_wait3A_382 = arith.constant 16640 : i32
    %dma_wait3A_383 = tpu.memref_slice %arg7[%dma_wait3A_382] : memref<66560xf32, #tpu.memory_space<vmem>> -> memref<1664xf32, #tpu.memory_space<vmem>>
    %dma_wait3A_384 = tpu.memref_slice %arg2[%add3A_84] : memref<1600000xf32, #tpu.memory_space<hbm>> -> memref<1664xf32, #tpu.memory_space<hbm>>
    %dma_wait3A_385 = arith.constant 16640 : i32
    %dma_wait3A_386 = tpu.memref_slice %arg7[%dma_wait3A_385] : memref<66560xf32, #tpu.memory_space<vmem>> -> memref<1664xf32, #tpu.memory_space<vmem>>
    %dma_wait3A_387 = tpu.memref_slice %arg2[%add3A_84] : memref<1600000xf32, #tpu.memory_space<hbm>> -> memref<1664xf32, #tpu.memory_space<hbm>>
    tpu.wait_dma2 semaphore(%arg11 : memref<!tpu.dma_semaphore, #tpu.memory_space<semaphore_mem>>) src(%dma_wait3A_387 : memref<1664xf32, #tpu.memory_space<hbm>>) dst(%dma_wait3A_386 : memref<1664xf32, #tpu.memory_space<vmem>>)
    %dma_wait3A_388 = arith.constant 18304 : i32
    %dma_wait3A_389 = tpu.memref_slice %arg7[%dma_wait3A_388] : memref<66560xf32, #tpu.memory_space<vmem>> -> memref<1664xf32, #tpu.memory_space<vmem>>
    %dma_wait3A_390 = tpu.memref_slice %arg2[%add3A_92] : memref<1600000xf32, #tpu.memory_space<hbm>> -> memref<1664xf32, #tpu.memory_space<hbm>>
    %dma_wait3A_391 = arith.constant 18304 : i32
    %dma_wait3A_392 = tpu.memref_slice %arg7[%dma_wait3A_391] : memref<66560xf32, #tpu.memory_space<vmem>> -> memref<1664xf32, #tpu.memory_space<vmem>>
    %dma_wait3A_393 = tpu.memref_slice %arg2[%add3A_92] : memref<1600000xf32, #tpu.memory_space<hbm>> -> memref<1664xf32, #tpu.memory_space<hbm>>
    tpu.wait_dma2 semaphore(%arg11 : memref<!tpu.dma_semaphore, #tpu.memory_space<semaphore_mem>>) src(%dma_wait3A_393 : memref<1664xf32, #tpu.memory_space<hbm>>) dst(%dma_wait3A_392 : memref<1664xf32, #tpu.memory_space<vmem>>)
    %dma_wait3A_394 = arith.constant 19968 : i32
    %dma_wait3A_395 = tpu.memref_slice %arg7[%dma_wait3A_394] : memref<66560xf32, #tpu.memory_space<vmem>> -> memref<1664xf32, #tpu.memory_space<vmem>>
    %dma_wait3A_396 = tpu.memref_slice %arg2[%add3A_100] : memref<1600000xf32, #tpu.memory_space<hbm>> -> memref<1664xf32, #tpu.memory_space<hbm>>
    %dma_wait3A_397 = arith.constant 19968 : i32
    %dma_wait3A_398 = tpu.memref_slice %arg7[%dma_wait3A_397] : memref<66560xf32, #tpu.memory_space<vmem>> -> memref<1664xf32, #tpu.memory_space<vmem>>
    %dma_wait3A_399 = tpu.memref_slice %arg2[%add3A_100] : memref<1600000xf32, #tpu.memory_space<hbm>> -> memref<1664xf32, #tpu.memory_space<hbm>>
    tpu.wait_dma2 semaphore(%arg11 : memref<!tpu.dma_semaphore, #tpu.memory_space<semaphore_mem>>) src(%dma_wait3A_399 : memref<1664xf32, #tpu.memory_space<hbm>>) dst(%dma_wait3A_398 : memref<1664xf32, #tpu.memory_space<vmem>>)
    %dma_wait3A_400 = arith.constant 21632 : i32
    %dma_wait3A_401 = tpu.memref_slice %arg7[%dma_wait3A_400] : memref<66560xf32, #tpu.memory_space<vmem>> -> memref<1664xf32, #tpu.memory_space<vmem>>
    %dma_wait3A_402 = tpu.memref_slice %arg2[%add3A_108] : memref<1600000xf32, #tpu.memory_space<hbm>> -> memref<1664xf32, #tpu.memory_space<hbm>>
    %dma_wait3A_403 = arith.constant 21632 : i32
    %dma_wait3A_404 = tpu.memref_slice %arg7[%dma_wait3A_403] : memref<66560xf32, #tpu.memory_space<vmem>> -> memref<1664xf32, #tpu.memory_space<vmem>>
    %dma_wait3A_405 = tpu.memref_slice %arg2[%add3A_108] : memref<1600000xf32, #tpu.memory_space<hbm>> -> memref<1664xf32, #tpu.memory_space<hbm>>
    tpu.wait_dma2 semaphore(%arg11 : memref<!tpu.dma_semaphore, #tpu.memory_space<semaphore_mem>>) src(%dma_wait3A_405 : memref<1664xf32, #tpu.memory_space<hbm>>) dst(%dma_wait3A_404 : memref<1664xf32, #tpu.memory_space<vmem>>)
    %dma_wait3A_406 = arith.constant 23296 : i32
    %dma_wait3A_407 = tpu.memref_slice %arg7[%dma_wait3A_406] : memref<66560xf32, #tpu.memory_space<vmem>> -> memref<1664xf32, #tpu.memory_space<vmem>>
    %dma_wait3A_408 = tpu.memref_slice %arg2[%add3A_116] : memref<1600000xf32, #tpu.memory_space<hbm>> -> memref<1664xf32, #tpu.memory_space<hbm>>
    %dma_wait3A_409 = arith.constant 23296 : i32
    %dma_wait3A_410 = tpu.memref_slice %arg7[%dma_wait3A_409] : memref<66560xf32, #tpu.memory_space<vmem>> -> memref<1664xf32, #tpu.memory_space<vmem>>
    %dma_wait3A_411 = tpu.memref_slice %arg2[%add3A_116] : memref<1600000xf32, #tpu.memory_space<hbm>> -> memref<1664xf32, #tpu.memory_space<hbm>>
    tpu.wait_dma2 semaphore(%arg11 : memref<!tpu.dma_semaphore, #tpu.memory_space<semaphore_mem>>) src(%dma_wait3A_411 : memref<1664xf32, #tpu.memory_space<hbm>>) dst(%dma_wait3A_410 : memref<1664xf32, #tpu.memory_space<vmem>>)
    %dma_wait3A_412 = arith.constant 24960 : i32
    %dma_wait3A_413 = tpu.memref_slice %arg7[%dma_wait3A_412] : memref<66560xf32, #tpu.memory_space<vmem>> -> memref<1664xf32, #tpu.memory_space<vmem>>
    %dma_wait3A_414 = tpu.memref_slice %arg2[%add3A_124] : memref<1600000xf32, #tpu.memory_space<hbm>> -> memref<1664xf32, #tpu.memory_space<hbm>>
    %dma_wait3A_415 = arith.constant 24960 : i32
    %dma_wait3A_416 = tpu.memref_slice %arg7[%dma_wait3A_415] : memref<66560xf32, #tpu.memory_space<vmem>> -> memref<1664xf32, #tpu.memory_space<vmem>>
    %dma_wait3A_417 = tpu.memref_slice %arg2[%add3A_124] : memref<1600000xf32, #tpu.memory_space<hbm>> -> memref<1664xf32, #tpu.memory_space<hbm>>
    tpu.wait_dma2 semaphore(%arg11 : memref<!tpu.dma_semaphore, #tpu.memory_space<semaphore_mem>>) src(%dma_wait3A_417 : memref<1664xf32, #tpu.memory_space<hbm>>) dst(%dma_wait3A_416 : memref<1664xf32, #tpu.memory_space<vmem>>)
    %dma_wait3A_418 = arith.constant 26624 : i32
    %dma_wait3A_419 = tpu.memref_slice %arg7[%dma_wait3A_418] : memref<66560xf32, #tpu.memory_space<vmem>> -> memref<1664xf32, #tpu.memory_space<vmem>>
    %dma_wait3A_420 = tpu.memref_slice %arg2[%add3A_132] : memref<1600000xf32, #tpu.memory_space<hbm>> -> memref<1664xf32, #tpu.memory_space<hbm>>
    %dma_wait3A_421 = arith.constant 26624 : i32
    %dma_wait3A_422 = tpu.memref_slice %arg7[%dma_wait3A_421] : memref<66560xf32, #tpu.memory_space<vmem>> -> memref<1664xf32, #tpu.memory_space<vmem>>
    %dma_wait3A_423 = tpu.memref_slice %arg2[%add3A_132] : memref<1600000xf32, #tpu.memory_space<hbm>> -> memref<1664xf32, #tpu.memory_space<hbm>>
    tpu.wait_dma2 semaphore(%arg11 : memref<!tpu.dma_semaphore, #tpu.memory_space<semaphore_mem>>) src(%dma_wait3A_423 : memref<1664xf32, #tpu.memory_space<hbm>>) dst(%dma_wait3A_422 : memref<1664xf32, #tpu.memory_space<vmem>>)
    %dma_wait3A_424 = arith.constant 28288 : i32
    %dma_wait3A_425 = tpu.memref_slice %arg7[%dma_wait3A_424] : memref<66560xf32, #tpu.memory_space<vmem>> -> memref<1664xf32, #tpu.memory_space<vmem>>
    %dma_wait3A_426 = tpu.memref_slice %arg2[%add3A_140] : memref<1600000xf32, #tpu.memory_space<hbm>> -> memref<1664xf32, #tpu.memory_space<hbm>>
    %dma_wait3A_427 = arith.constant 28288 : i32
    %dma_wait3A_428 = tpu.memref_slice %arg7[%dma_wait3A_427] : memref<66560xf32, #tpu.memory_space<vmem>> -> memref<1664xf32, #tpu.memory_space<vmem>>
    %dma_wait3A_429 = tpu.memref_slice %arg2[%add3A_140] : memref<1600000xf32, #tpu.memory_space<hbm>> -> memref<1664xf32, #tpu.memory_space<hbm>>
    tpu.wait_dma2 semaphore(%arg11 : memref<!tpu.dma_semaphore, #tpu.memory_space<semaphore_mem>>) src(%dma_wait3A_429 : memref<1664xf32, #tpu.memory_space<hbm>>) dst(%dma_wait3A_428 : memref<1664xf32, #tpu.memory_space<vmem>>)
    %dma_wait3A_430 = arith.constant 29952 : i32
    %dma_wait3A_431 = tpu.memref_slice %arg7[%dma_wait3A_430] : memref<66560xf32, #tpu.memory_space<vmem>> -> memref<1664xf32, #tpu.memory_space<vmem>>
    %dma_wait3A_432 = tpu.memref_slice %arg2[%add3A_148] : memref<1600000xf32, #tpu.memory_space<hbm>> -> memref<1664xf32, #tpu.memory_space<hbm>>
    %dma_wait3A_433 = arith.constant 29952 : i32
    %dma_wait3A_434 = tpu.memref_slice %arg7[%dma_wait3A_433] : memref<66560xf32, #tpu.memory_space<vmem>> -> memref<1664xf32, #tpu.memory_space<vmem>>
    %dma_wait3A_435 = tpu.memref_slice %arg2[%add3A_148] : memref<1600000xf32, #tpu.memory_space<hbm>> -> memref<1664xf32, #tpu.memory_space<hbm>>
    tpu.wait_dma2 semaphore(%arg11 : memref<!tpu.dma_semaphore, #tpu.memory_space<semaphore_mem>>) src(%dma_wait3A_435 : memref<1664xf32, #tpu.memory_space<hbm>>) dst(%dma_wait3A_434 : memref<1664xf32, #tpu.memory_space<vmem>>)
    %dma_wait3A_436 = arith.constant 31616 : i32
    %dma_wait3A_437 = tpu.memref_slice %arg7[%dma_wait3A_436] : memref<66560xf32, #tpu.memory_space<vmem>> -> memref<1664xf32, #tpu.memory_space<vmem>>
    %dma_wait3A_438 = tpu.memref_slice %arg2[%add3A_156] : memref<1600000xf32, #tpu.memory_space<hbm>> -> memref<1664xf32, #tpu.memory_space<hbm>>
    %dma_wait3A_439 = arith.constant 31616 : i32
    %dma_wait3A_440 = tpu.memref_slice %arg7[%dma_wait3A_439] : memref<66560xf32, #tpu.memory_space<vmem>> -> memref<1664xf32, #tpu.memory_space<vmem>>
    %dma_wait3A_441 = tpu.memref_slice %arg2[%add3A_156] : memref<1600000xf32, #tpu.memory_space<hbm>> -> memref<1664xf32, #tpu.memory_space<hbm>>
    tpu.wait_dma2 semaphore(%arg11 : memref<!tpu.dma_semaphore, #tpu.memory_space<semaphore_mem>>) src(%dma_wait3A_441 : memref<1664xf32, #tpu.memory_space<hbm>>) dst(%dma_wait3A_440 : memref<1664xf32, #tpu.memory_space<vmem>>)
    %dma_wait3A_442 = arith.constant 33280 : i32
    %dma_wait3A_443 = tpu.memref_slice %arg7[%dma_wait3A_442] : memref<66560xf32, #tpu.memory_space<vmem>> -> memref<1664xf32, #tpu.memory_space<vmem>>
    %dma_wait3A_444 = tpu.memref_slice %arg2[%add3A_164] : memref<1600000xf32, #tpu.memory_space<hbm>> -> memref<1664xf32, #tpu.memory_space<hbm>>
    %dma_wait3A_445 = arith.constant 33280 : i32
    %dma_wait3A_446 = tpu.memref_slice %arg7[%dma_wait3A_445] : memref<66560xf32, #tpu.memory_space<vmem>> -> memref<1664xf32, #tpu.memory_space<vmem>>
    %dma_wait3A_447 = tpu.memref_slice %arg2[%add3A_164] : memref<1600000xf32, #tpu.memory_space<hbm>> -> memref<1664xf32, #tpu.memory_space<hbm>>
    tpu.wait_dma2 semaphore(%arg11 : memref<!tpu.dma_semaphore, #tpu.memory_space<semaphore_mem>>) src(%dma_wait3A_447 : memref<1664xf32, #tpu.memory_space<hbm>>) dst(%dma_wait3A_446 : memref<1664xf32, #tpu.memory_space<vmem>>)
    %dma_wait3A_448 = arith.constant 34944 : i32
    %dma_wait3A_449 = tpu.memref_slice %arg7[%dma_wait3A_448] : memref<66560xf32, #tpu.memory_space<vmem>> -> memref<1664xf32, #tpu.memory_space<vmem>>
    %dma_wait3A_450 = tpu.memref_slice %arg2[%add3A_172] : memref<1600000xf32, #tpu.memory_space<hbm>> -> memref<1664xf32, #tpu.memory_space<hbm>>
    %dma_wait3A_451 = arith.constant 34944 : i32
    %dma_wait3A_452 = tpu.memref_slice %arg7[%dma_wait3A_451] : memref<66560xf32, #tpu.memory_space<vmem>> -> memref<1664xf32, #tpu.memory_space<vmem>>
    %dma_wait3A_453 = tpu.memref_slice %arg2[%add3A_172] : memref<1600000xf32, #tpu.memory_space<hbm>> -> memref<1664xf32, #tpu.memory_space<hbm>>
    tpu.wait_dma2 semaphore(%arg11 : memref<!tpu.dma_semaphore, #tpu.memory_space<semaphore_mem>>) src(%dma_wait3A_453 : memref<1664xf32, #tpu.memory_space<hbm>>) dst(%dma_wait3A_452 : memref<1664xf32, #tpu.memory_space<vmem>>)
    %dma_wait3A_454 = arith.constant 36608 : i32
    %dma_wait3A_455 = tpu.memref_slice %arg7[%dma_wait3A_454] : memref<66560xf32, #tpu.memory_space<vmem>> -> memref<1664xf32, #tpu.memory_space<vmem>>
    %dma_wait3A_456 = tpu.memref_slice %arg2[%add3A_180] : memref<1600000xf32, #tpu.memory_space<hbm>> -> memref<1664xf32, #tpu.memory_space<hbm>>
    %dma_wait3A_457 = arith.constant 36608 : i32
    %dma_wait3A_458 = tpu.memref_slice %arg7[%dma_wait3A_457] : memref<66560xf32, #tpu.memory_space<vmem>> -> memref<1664xf32, #tpu.memory_space<vmem>>
    %dma_wait3A_459 = tpu.memref_slice %arg2[%add3A_180] : memref<1600000xf32, #tpu.memory_space<hbm>> -> memref<1664xf32, #tpu.memory_space<hbm>>
    tpu.wait_dma2 semaphore(%arg11 : memref<!tpu.dma_semaphore, #tpu.memory_space<semaphore_mem>>) src(%dma_wait3A_459 : memref<1664xf32, #tpu.memory_space<hbm>>) dst(%dma_wait3A_458 : memref<1664xf32, #tpu.memory_space<vmem>>)
    %dma_wait3A_460 = arith.constant 38272 : i32
    %dma_wait3A_461 = tpu.memref_slice %arg7[%dma_wait3A_460] : memref<66560xf32, #tpu.memory_space<vmem>> -> memref<1664xf32, #tpu.memory_space<vmem>>
    %dma_wait3A_462 = tpu.memref_slice %arg2[%add3A_188] : memref<1600000xf32, #tpu.memory_space<hbm>> -> memref<1664xf32, #tpu.memory_space<hbm>>
    %dma_wait3A_463 = arith.constant 38272 : i32
    %dma_wait3A_464 = tpu.memref_slice %arg7[%dma_wait3A_463] : memref<66560xf32, #tpu.memory_space<vmem>> -> memref<1664xf32, #tpu.memory_space<vmem>>
    %dma_wait3A_465 = tpu.memref_slice %arg2[%add3A_188] : memref<1600000xf32, #tpu.memory_space<hbm>> -> memref<1664xf32, #tpu.memory_space<hbm>>
    tpu.wait_dma2 semaphore(%arg11 : memref<!tpu.dma_semaphore, #tpu.memory_space<semaphore_mem>>) src(%dma_wait3A_465 : memref<1664xf32, #tpu.memory_space<hbm>>) dst(%dma_wait3A_464 : memref<1664xf32, #tpu.memory_space<vmem>>)
    %dma_wait3A_466 = arith.constant 39936 : i32
    %dma_wait3A_467 = tpu.memref_slice %arg7[%dma_wait3A_466] : memref<66560xf32, #tpu.memory_space<vmem>> -> memref<1664xf32, #tpu.memory_space<vmem>>
    %dma_wait3A_468 = tpu.memref_slice %arg2[%add3A_196] : memref<1600000xf32, #tpu.memory_space<hbm>> -> memref<1664xf32, #tpu.memory_space<hbm>>
    %dma_wait3A_469 = arith.constant 39936 : i32
    %dma_wait3A_470 = tpu.memref_slice %arg7[%dma_wait3A_469] : memref<66560xf32, #tpu.memory_space<vmem>> -> memref<1664xf32, #tpu.memory_space<vmem>>
    %dma_wait3A_471 = tpu.memref_slice %arg2[%add3A_196] : memref<1600000xf32, #tpu.memory_space<hbm>> -> memref<1664xf32, #tpu.memory_space<hbm>>
    tpu.wait_dma2 semaphore(%arg11 : memref<!tpu.dma_semaphore, #tpu.memory_space<semaphore_mem>>) src(%dma_wait3A_471 : memref<1664xf32, #tpu.memory_space<hbm>>) dst(%dma_wait3A_470 : memref<1664xf32, #tpu.memory_space<vmem>>)
    %dma_wait3A_472 = arith.constant 41600 : i32
    %dma_wait3A_473 = tpu.memref_slice %arg7[%dma_wait3A_472] : memref<66560xf32, #tpu.memory_space<vmem>> -> memref<1664xf32, #tpu.memory_space<vmem>>
    %dma_wait3A_474 = tpu.memref_slice %arg2[%add3A_204] : memref<1600000xf32, #tpu.memory_space<hbm>> -> memref<1664xf32, #tpu.memory_space<hbm>>
    %dma_wait3A_475 = arith.constant 41600 : i32
    %dma_wait3A_476 = tpu.memref_slice %arg7[%dma_wait3A_475] : memref<66560xf32, #tpu.memory_space<vmem>> -> memref<1664xf32, #tpu.memory_space<vmem>>
    %dma_wait3A_477 = tpu.memref_slice %arg2[%add3A_204] : memref<1600000xf32, #tpu.memory_space<hbm>> -> memref<1664xf32, #tpu.memory_space<hbm>>
    tpu.wait_dma2 semaphore(%arg11 : memref<!tpu.dma_semaphore, #tpu.memory_space<semaphore_mem>>) src(%dma_wait3A_477 : memref<1664xf32, #tpu.memory_space<hbm>>) dst(%dma_wait3A_476 : memref<1664xf32, #tpu.memory_space<vmem>>)
    %dma_wait3A_478 = arith.constant 43264 : i32
    %dma_wait3A_479 = tpu.memref_slice %arg7[%dma_wait3A_478] : memref<66560xf32, #tpu.memory_space<vmem>> -> memref<1664xf32, #tpu.memory_space<vmem>>
    %dma_wait3A_480 = tpu.memref_slice %arg2[%add3A_212] : memref<1600000xf32, #tpu.memory_space<hbm>> -> memref<1664xf32, #tpu.memory_space<hbm>>
    %dma_wait3A_481 = arith.constant 43264 : i32
    %dma_wait3A_482 = tpu.memref_slice %arg7[%dma_wait3A_481] : memref<66560xf32, #tpu.memory_space<vmem>> -> memref<1664xf32, #tpu.memory_space<vmem>>
    %dma_wait3A_483 = tpu.memref_slice %arg2[%add3A_212] : memref<1600000xf32, #tpu.memory_space<hbm>> -> memref<1664xf32, #tpu.memory_space<hbm>>
    tpu.wait_dma2 semaphore(%arg11 : memref<!tpu.dma_semaphore, #tpu.memory_space<semaphore_mem>>) src(%dma_wait3A_483 : memref<1664xf32, #tpu.memory_space<hbm>>) dst(%dma_wait3A_482 : memref<1664xf32, #tpu.memory_space<vmem>>)
    %dma_wait3A_484 = arith.constant 44928 : i32
    %dma_wait3A_485 = tpu.memref_slice %arg7[%dma_wait3A_484] : memref<66560xf32, #tpu.memory_space<vmem>> -> memref<1664xf32, #tpu.memory_space<vmem>>
    %dma_wait3A_486 = tpu.memref_slice %arg2[%add3A_220] : memref<1600000xf32, #tpu.memory_space<hbm>> -> memref<1664xf32, #tpu.memory_space<hbm>>
    %dma_wait3A_487 = arith.constant 44928 : i32
    %dma_wait3A_488 = tpu.memref_slice %arg7[%dma_wait3A_487] : memref<66560xf32, #tpu.memory_space<vmem>> -> memref<1664xf32, #tpu.memory_space<vmem>>
    %dma_wait3A_489 = tpu.memref_slice %arg2[%add3A_220] : memref<1600000xf32, #tpu.memory_space<hbm>> -> memref<1664xf32, #tpu.memory_space<hbm>>
    tpu.wait_dma2 semaphore(%arg11 : memref<!tpu.dma_semaphore, #tpu.memory_space<semaphore_mem>>) src(%dma_wait3A_489 : memref<1664xf32, #tpu.memory_space<hbm>>) dst(%dma_wait3A_488 : memref<1664xf32, #tpu.memory_space<vmem>>)
    %dma_wait3A_490 = arith.constant 46592 : i32
    %dma_wait3A_491 = tpu.memref_slice %arg7[%dma_wait3A_490] : memref<66560xf32, #tpu.memory_space<vmem>> -> memref<1664xf32, #tpu.memory_space<vmem>>
    %dma_wait3A_492 = tpu.memref_slice %arg2[%add3A_228] : memref<1600000xf32, #tpu.memory_space<hbm>> -> memref<1664xf32, #tpu.memory_space<hbm>>
    %dma_wait3A_493 = arith.constant 46592 : i32
    %dma_wait3A_494 = tpu.memref_slice %arg7[%dma_wait3A_493] : memref<66560xf32, #tpu.memory_space<vmem>> -> memref<1664xf32, #tpu.memory_space<vmem>>
    %dma_wait3A_495 = tpu.memref_slice %arg2[%add3A_228] : memref<1600000xf32, #tpu.memory_space<hbm>> -> memref<1664xf32, #tpu.memory_space<hbm>>
    tpu.wait_dma2 semaphore(%arg11 : memref<!tpu.dma_semaphore, #tpu.memory_space<semaphore_mem>>) src(%dma_wait3A_495 : memref<1664xf32, #tpu.memory_space<hbm>>) dst(%dma_wait3A_494 : memref<1664xf32, #tpu.memory_space<vmem>>)
    %dma_wait3A_496 = arith.constant 48256 : i32
    %dma_wait3A_497 = tpu.memref_slice %arg7[%dma_wait3A_496] : memref<66560xf32, #tpu.memory_space<vmem>> -> memref<1664xf32, #tpu.memory_space<vmem>>
    %dma_wait3A_498 = tpu.memref_slice %arg2[%add3A_236] : memref<1600000xf32, #tpu.memory_space<hbm>> -> memref<1664xf32, #tpu.memory_space<hbm>>
    %dma_wait3A_499 = arith.constant 48256 : i32
    %dma_wait3A_500 = tpu.memref_slice %arg7[%dma_wait3A_499] : memref<66560xf32, #tpu.memory_space<vmem>> -> memref<1664xf32, #tpu.memory_space<vmem>>
    %dma_wait3A_501 = tpu.memref_slice %arg2[%add3A_236] : memref<1600000xf32, #tpu.memory_space<hbm>> -> memref<1664xf32, #tpu.memory_space<hbm>>
    tpu.wait_dma2 semaphore(%arg11 : memref<!tpu.dma_semaphore, #tpu.memory_space<semaphore_mem>>) src(%dma_wait3A_501 : memref<1664xf32, #tpu.memory_space<hbm>>) dst(%dma_wait3A_500 : memref<1664xf32, #tpu.memory_space<vmem>>)
    %dma_wait3A_502 = arith.constant 49920 : i32
    %dma_wait3A_503 = tpu.memref_slice %arg7[%dma_wait3A_502] : memref<66560xf32, #tpu.memory_space<vmem>> -> memref<1664xf32, #tpu.memory_space<vmem>>
    %dma_wait3A_504 = tpu.memref_slice %arg2[%add3A_244] : memref<1600000xf32, #tpu.memory_space<hbm>> -> memref<1664xf32, #tpu.memory_space<hbm>>
    %dma_wait3A_505 = arith.constant 49920 : i32
    %dma_wait3A_506 = tpu.memref_slice %arg7[%dma_wait3A_505] : memref<66560xf32, #tpu.memory_space<vmem>> -> memref<1664xf32, #tpu.memory_space<vmem>>
    %dma_wait3A_507 = tpu.memref_slice %arg2[%add3A_244] : memref<1600000xf32, #tpu.memory_space<hbm>> -> memref<1664xf32, #tpu.memory_space<hbm>>
    tpu.wait_dma2 semaphore(%arg11 : memref<!tpu.dma_semaphore, #tpu.memory_space<semaphore_mem>>) src(%dma_wait3A_507 : memref<1664xf32, #tpu.memory_space<hbm>>) dst(%dma_wait3A_506 : memref<1664xf32, #tpu.memory_space<vmem>>)
    %dma_wait3A_508 = arith.constant 51584 : i32
    %dma_wait3A_509 = tpu.memref_slice %arg7[%dma_wait3A_508] : memref<66560xf32, #tpu.memory_space<vmem>> -> memref<1664xf32, #tpu.memory_space<vmem>>
    %dma_wait3A_510 = tpu.memref_slice %arg2[%add3A_252] : memref<1600000xf32, #tpu.memory_space<hbm>> -> memref<1664xf32, #tpu.memory_space<hbm>>
    %dma_wait3A_511 = arith.constant 51584 : i32
    %dma_wait3A_512 = tpu.memref_slice %arg7[%dma_wait3A_511] : memref<66560xf32, #tpu.memory_space<vmem>> -> memref<1664xf32, #tpu.memory_space<vmem>>
    %dma_wait3A_513 = tpu.memref_slice %arg2[%add3A_252] : memref<1600000xf32, #tpu.memory_space<hbm>> -> memref<1664xf32, #tpu.memory_space<hbm>>
    tpu.wait_dma2 semaphore(%arg11 : memref<!tpu.dma_semaphore, #tpu.memory_space<semaphore_mem>>) src(%dma_wait3A_513 : memref<1664xf32, #tpu.memory_space<hbm>>) dst(%dma_wait3A_512 : memref<1664xf32, #tpu.memory_space<vmem>>)
    %dma_wait3A_514 = arith.constant 53248 : i32
    %dma_wait3A_515 = tpu.memref_slice %arg7[%dma_wait3A_514] : memref<66560xf32, #tpu.memory_space<vmem>> -> memref<1664xf32, #tpu.memory_space<vmem>>
    %dma_wait3A_516 = tpu.memref_slice %arg3[%add3A_260] : memref<400000xf32, #tpu.memory_space<hbm>> -> memref<1664xf32, #tpu.memory_space<hbm>>
    %dma_wait3A_517 = arith.constant 53248 : i32
    %dma_wait3A_518 = tpu.memref_slice %arg7[%dma_wait3A_517] : memref<66560xf32, #tpu.memory_space<vmem>> -> memref<1664xf32, #tpu.memory_space<vmem>>
    %dma_wait3A_519 = tpu.memref_slice %arg3[%add3A_260] : memref<400000xf32, #tpu.memory_space<hbm>> -> memref<1664xf32, #tpu.memory_space<hbm>>
    tpu.wait_dma2 semaphore(%arg11 : memref<!tpu.dma_semaphore, #tpu.memory_space<semaphore_mem>>) src(%dma_wait3A_519 : memref<1664xf32, #tpu.memory_space<hbm>>) dst(%dma_wait3A_518 : memref<1664xf32, #tpu.memory_space<vmem>>)
    %dma_wait3A_520 = arith.constant 54912 : i32
    %dma_wait3A_521 = tpu.memref_slice %arg7[%dma_wait3A_520] : memref<66560xf32, #tpu.memory_space<vmem>> -> memref<1664xf32, #tpu.memory_space<vmem>>
    %dma_wait3A_522 = tpu.memref_slice %arg3[%add3A_268] : memref<400000xf32, #tpu.memory_space<hbm>> -> memref<1664xf32, #tpu.memory_space<hbm>>
    %dma_wait3A_523 = arith.constant 54912 : i32
    %dma_wait3A_524 = tpu.memref_slice %arg7[%dma_wait3A_523] : memref<66560xf32, #tpu.memory_space<vmem>> -> memref<1664xf32, #tpu.memory_space<vmem>>
    %dma_wait3A_525 = tpu.memref_slice %arg3[%add3A_268] : memref<400000xf32, #tpu.memory_space<hbm>> -> memref<1664xf32, #tpu.memory_space<hbm>>
    tpu.wait_dma2 semaphore(%arg11 : memref<!tpu.dma_semaphore, #tpu.memory_space<semaphore_mem>>) src(%dma_wait3A_525 : memref<1664xf32, #tpu.memory_space<hbm>>) dst(%dma_wait3A_524 : memref<1664xf32, #tpu.memory_space<vmem>>)
    %dma_wait3A_526 = arith.constant 56576 : i32
    %dma_wait3A_527 = tpu.memref_slice %arg7[%dma_wait3A_526] : memref<66560xf32, #tpu.memory_space<vmem>> -> memref<1664xf32, #tpu.memory_space<vmem>>
    %dma_wait3A_528 = tpu.memref_slice %arg3[%add3A_276] : memref<400000xf32, #tpu.memory_space<hbm>> -> memref<1664xf32, #tpu.memory_space<hbm>>
    %dma_wait3A_529 = arith.constant 56576 : i32
    %dma_wait3A_530 = tpu.memref_slice %arg7[%dma_wait3A_529] : memref<66560xf32, #tpu.memory_space<vmem>> -> memref<1664xf32, #tpu.memory_space<vmem>>
    %dma_wait3A_531 = tpu.memref_slice %arg3[%add3A_276] : memref<400000xf32, #tpu.memory_space<hbm>> -> memref<1664xf32, #tpu.memory_space<hbm>>
    tpu.wait_dma2 semaphore(%arg11 : memref<!tpu.dma_semaphore, #tpu.memory_space<semaphore_mem>>) src(%dma_wait3A_531 : memref<1664xf32, #tpu.memory_space<hbm>>) dst(%dma_wait3A_530 : memref<1664xf32, #tpu.memory_space<vmem>>)
    %dma_wait3A_532 = arith.constant 58240 : i32
    %dma_wait3A_533 = tpu.memref_slice %arg7[%dma_wait3A_532] : memref<66560xf32, #tpu.memory_space<vmem>> -> memref<1664xf32, #tpu.memory_space<vmem>>
    %dma_wait3A_534 = tpu.memref_slice %arg3[%add3A_284] : memref<400000xf32, #tpu.memory_space<hbm>> -> memref<1664xf32, #tpu.memory_space<hbm>>
    %dma_wait3A_535 = arith.constant 58240 : i32
    %dma_wait3A_536 = tpu.memref_slice %arg7[%dma_wait3A_535] : memref<66560xf32, #tpu.memory_space<vmem>> -> memref<1664xf32, #tpu.memory_space<vmem>>
    %dma_wait3A_537 = tpu.memref_slice %arg3[%add3A_284] : memref<400000xf32, #tpu.memory_space<hbm>> -> memref<1664xf32, #tpu.memory_space<hbm>>
    tpu.wait_dma2 semaphore(%arg11 : memref<!tpu.dma_semaphore, #tpu.memory_space<semaphore_mem>>) src(%dma_wait3A_537 : memref<1664xf32, #tpu.memory_space<hbm>>) dst(%dma_wait3A_536 : memref<1664xf32, #tpu.memory_space<vmem>>)
    %dma_wait3A_538 = arith.constant 59904 : i32
    %dma_wait3A_539 = tpu.memref_slice %arg7[%dma_wait3A_538] : memref<66560xf32, #tpu.memory_space<vmem>> -> memref<1664xf32, #tpu.memory_space<vmem>>
    %dma_wait3A_540 = tpu.memref_slice %arg3[%add3A_292] : memref<400000xf32, #tpu.memory_space<hbm>> -> memref<1664xf32, #tpu.memory_space<hbm>>
    %dma_wait3A_541 = arith.constant 59904 : i32
    %dma_wait3A_542 = tpu.memref_slice %arg7[%dma_wait3A_541] : memref<66560xf32, #tpu.memory_space<vmem>> -> memref<1664xf32, #tpu.memory_space<vmem>>
    %dma_wait3A_543 = tpu.memref_slice %arg3[%add3A_292] : memref<400000xf32, #tpu.memory_space<hbm>> -> memref<1664xf32, #tpu.memory_space<hbm>>
    tpu.wait_dma2 semaphore(%arg11 : memref<!tpu.dma_semaphore, #tpu.memory_space<semaphore_mem>>) src(%dma_wait3A_543 : memref<1664xf32, #tpu.memory_space<hbm>>) dst(%dma_wait3A_542 : memref<1664xf32, #tpu.memory_space<vmem>>)
    %dma_wait3A_544 = arith.constant 61568 : i32
    %dma_wait3A_545 = tpu.memref_slice %arg7[%dma_wait3A_544] : memref<66560xf32, #tpu.memory_space<vmem>> -> memref<1664xf32, #tpu.memory_space<vmem>>
    %dma_wait3A_546 = tpu.memref_slice %arg3[%add3A_300] : memref<400000xf32, #tpu.memory_space<hbm>> -> memref<1664xf32, #tpu.memory_space<hbm>>
    %dma_wait3A_547 = arith.constant 61568 : i32
    %dma_wait3A_548 = tpu.memref_slice %arg7[%dma_wait3A_547] : memref<66560xf32, #tpu.memory_space<vmem>> -> memref<1664xf32, #tpu.memory_space<vmem>>
    %dma_wait3A_549 = tpu.memref_slice %arg3[%add3A_300] : memref<400000xf32, #tpu.memory_space<hbm>> -> memref<1664xf32, #tpu.memory_space<hbm>>
    tpu.wait_dma2 semaphore(%arg11 : memref<!tpu.dma_semaphore, #tpu.memory_space<semaphore_mem>>) src(%dma_wait3A_549 : memref<1664xf32, #tpu.memory_space<hbm>>) dst(%dma_wait3A_548 : memref<1664xf32, #tpu.memory_space<vmem>>)
    %dma_wait3A_550 = arith.constant 63232 : i32
    %dma_wait3A_551 = tpu.memref_slice %arg7[%dma_wait3A_550] : memref<66560xf32, #tpu.memory_space<vmem>> -> memref<1664xf32, #tpu.memory_space<vmem>>
    %dma_wait3A_552 = tpu.memref_slice %arg3[%add3A_308] : memref<400000xf32, #tpu.memory_space<hbm>> -> memref<1664xf32, #tpu.memory_space<hbm>>
    %dma_wait3A_553 = arith.constant 63232 : i32
    %dma_wait3A_554 = tpu.memref_slice %arg7[%dma_wait3A_553] : memref<66560xf32, #tpu.memory_space<vmem>> -> memref<1664xf32, #tpu.memory_space<vmem>>
    %dma_wait3A_555 = tpu.memref_slice %arg3[%add3A_308] : memref<400000xf32, #tpu.memory_space<hbm>> -> memref<1664xf32, #tpu.memory_space<hbm>>
    tpu.wait_dma2 semaphore(%arg11 : memref<!tpu.dma_semaphore, #tpu.memory_space<semaphore_mem>>) src(%dma_wait3A_555 : memref<1664xf32, #tpu.memory_space<hbm>>) dst(%dma_wait3A_554 : memref<1664xf32, #tpu.memory_space<vmem>>)
    %dma_wait3A_556 = arith.constant 64896 : i32
    %dma_wait3A_557 = tpu.memref_slice %arg7[%dma_wait3A_556] : memref<66560xf32, #tpu.memory_space<vmem>> -> memref<1664xf32, #tpu.memory_space<vmem>>
    %dma_wait3A_558 = tpu.memref_slice %arg3[%add3A_316] : memref<400000xf32, #tpu.memory_space<hbm>> -> memref<1664xf32, #tpu.memory_space<hbm>>
    %dma_wait3A_559 = arith.constant 64896 : i32
    %dma_wait3A_560 = tpu.memref_slice %arg7[%dma_wait3A_559] : memref<66560xf32, #tpu.memory_space<vmem>> -> memref<1664xf32, #tpu.memory_space<vmem>>
    %dma_wait3A_561 = tpu.memref_slice %arg3[%add3A_316] : memref<400000xf32, #tpu.memory_space<hbm>> -> memref<1664xf32, #tpu.memory_space<hbm>>
    tpu.wait_dma2 semaphore(%arg11 : memref<!tpu.dma_semaphore, #tpu.memory_space<semaphore_mem>>) src(%dma_wait3A_561 : memref<1664xf32, #tpu.memory_space<hbm>>) dst(%dma_wait3A_560 : memref<1664xf32, #tpu.memory_space<vmem>>)
    %get3A = arith.constant 0 : index
    %get3A_562 = tpu.vector_load %arg9[%get3A] {strides = array<i32>} : memref<128xf32, #tpu.memory_space<vmem>>, vector<16xf32>,
    %get3A_563 = arith.constant 16 : index
    %get3A_564 = tpu.vector_load %arg9[%get3A_563] {strides = array<i32>} : memref<128xf32, #tpu.memory_space<vmem>>, vector<16xf32>,
    %get3A_565 = arith.constant 32 : index
    %get3A_566 = tpu.vector_load %arg9[%get3A_565] {strides = array<i32>} : memref<128xf32, #tpu.memory_space<vmem>>, vector<16xf32>,
    %get3A_567 = arith.constant 48 : index
    %get3A_568 = tpu.vector_load %arg9[%get3A_567] {strides = array<i32>} : memref<128xf32, #tpu.memory_space<vmem>>, vector<16xf32>,
    %get3A_569 = arith.constant 64 : index
    %get3A_570 = tpu.vector_load %arg9[%get3A_569] {strides = array<i32>} : memref<128xf32, #tpu.memory_space<vmem>>, vector<16xf32>,
    %get3A_571 = arith.constant 80 : index
    %get3A_572 = tpu.vector_load %arg9[%get3A_571] {strides = array<i32>} : memref<128xf32, #tpu.memory_space<vmem>>, vector<16xf32>,
    %get3A_573 = arith.constant 96 : index
    %get3A_574 = tpu.vector_load %arg9[%get3A_573] {strides = array<i32>} : memref<128xf32, #tpu.memory_space<vmem>>, vector<16xf32>,
    %get3A_575 = arith.constant 112 : index
    %get3A_576 = tpu.vector_load %arg9[%get3A_575] {strides = array<i32>} : memref<128xf32, #tpu.memory_space<vmem>>, vector<16xf32>,
    %get3A_577 = arith.constant 0 : index
    %get3A_578 = tpu.vector_load %arg10[%get3A_577] {strides = array<i32>} : memref<16xf32, #tpu.memory_space<vmem>>, vector<16xf32>,
    %scan3A = arith.constant 0 : i32
    %scan3A_579 = arith.constant 0 : i32
    %scan3A_580 = arith.constant 104 : i32
    %scan3A_581 = arith.addi %scan3A_579, %scan3A_580 : i32
    %scan3A_582 = arith.constant 1 : i32
    scf.for %scan3A_584 = %scan3A_579 to %scan3A_581 step %scan3A_582  : i32 {
      %mul3A_585 = arith.constant 16 : i32
      %mul3A_586 = arith.muli %scan3A_584, %mul3A_585 : i32
      %get3A_587 = arith.index_cast %mul3A_586 : i32 to index
      %get3A_588 = tpu.vector_load %arg7[%get3A_587] {strides = array<i32>} : memref<66560xf32, #tpu.memory_space<vmem>>, vector<16xf32>,
      %mul3A_589 = arith.constant 16 : i32
      %mul3A_590 = arith.muli %scan3A_584, %mul3A_589 : i32
      %add3A_591 = arith.constant 1664 : i32
      %add3A_592 = arith.addi %add3A_591, %mul3A_590 : i32
      %get3A_593 = arith.index_cast %add3A_592 : i32 to index
      %get3A_594 = tpu.vector_load %arg7[%get3A_593] {strides = array<i32>} : memref<66560xf32, #tpu.memory_space<vmem>>, vector<16xf32>,
      %add3A_595 = arith.addf %get3A_588, %get3A_594 : vector<16xf32>
      %mul3A_596 = arith.constant 16 : i32
      %mul3A_597 = arith.muli %scan3A_584, %mul3A_596 : i32
      %add3A_598 = arith.constant 3328 : i32
      %add3A_599 = arith.addi %add3A_598, %mul3A_597 : i32
      %get3A_600 = arith.index_cast %add3A_599 : i32 to index
      %get3A_601 = tpu.vector_load %arg7[%get3A_600] {strides = array<i32>} : memref<66560xf32, #tpu.memory_space<vmem>>, vector<16xf32>,
      %add3A_602 = arith.addf %add3A_595, %get3A_601 : vector<16xf32>
      %mul3A_603 = arith.constant 16 : i32
      %mul3A_604 = arith.muli %scan3A_584, %mul3A_603 : i32
      %add3A_605 = arith.constant 4992 : i32
      %add3A_606 = arith.addi %add3A_605, %mul3A_604 : i32
      %get3A_607 = arith.index_cast %add3A_606 : i32 to index
      %get3A_608 = tpu.vector_load %arg7[%get3A_607] {strides = array<i32>} : memref<66560xf32, #tpu.memory_space<vmem>>, vector<16xf32>,
      %add3A_609 = arith.addf %add3A_602, %get3A_608 : vector<16xf32>
      %mul3A_610 = arith.constant 16 : i32
      %mul3A_611 = arith.muli %scan3A_584, %mul3A_610 : i32
      %add3A_612 = arith.constant 6656 : i32
      %add3A_613 = arith.addi %add3A_612, %mul3A_611 : i32
      %get3A_614 = arith.index_cast %add3A_613 : i32 to index
      %get3A_615 = tpu.vector_load %arg7[%get3A_614] {strides = array<i32>} : memref<66560xf32, #tpu.memory_space<vmem>>, vector<16xf32>,
      %add3A_616 = arith.addf %add3A_609, %get3A_615 : vector<16xf32>
      %mul3A_617 = arith.constant 16 : i32
      %mul3A_618 = arith.muli %scan3A_584, %mul3A_617 : i32
      %add3A_619 = arith.constant 8320 : i32
      %add3A_620 = arith.addi %add3A_619, %mul3A_618 : i32
      %get3A_621 = arith.index_cast %add3A_620 : i32 to index
      %get3A_622 = tpu.vector_load %arg7[%get3A_621] {strides = array<i32>} : memref<66560xf32, #tpu.memory_space<vmem>>, vector<16xf32>,
      %add3A_623 = arith.addf %add3A_616, %get3A_622 : vector<16xf32>
      %mul3A_624 = arith.constant 16 : i32
      %mul3A_625 = arith.muli %scan3A_584, %mul3A_624 : i32
      %add3A_626 = arith.constant 9984 : i32
      %add3A_627 = arith.addi %add3A_626, %mul3A_625 : i32
      %get3A_628 = arith.index_cast %add3A_627 : i32 to index
      %get3A_629 = tpu.vector_load %arg7[%get3A_628] {strides = array<i32>} : memref<66560xf32, #tpu.memory_space<vmem>>, vector<16xf32>,
      %add3A_630 = arith.addf %add3A_623, %get3A_629 : vector<16xf32>
      %mul3A_631 = arith.constant 16 : i32
      %mul3A_632 = arith.muli %scan3A_584, %mul3A_631 : i32
      %add3A_633 = arith.constant 11648 : i32
      %add3A_634 = arith.addi %add3A_633, %mul3A_632 : i32
      %get3A_635 = arith.index_cast %add3A_634 : i32 to index
      %get3A_636 = tpu.vector_load %arg7[%get3A_635] {strides = array<i32>} : memref<66560xf32, #tpu.memory_space<vmem>>, vector<16xf32>,
      %add3A_637 = arith.addf %add3A_630, %get3A_636 : vector<16xf32>
      %mul3A_638 = arith.constant 16 : i32
      %mul3A_639 = arith.muli %scan3A_584, %mul3A_638 : i32
      %add3A_640 = arith.constant 13312 : i32
      %add3A_641 = arith.addi %add3A_640, %mul3A_639 : i32
      %get3A_642 = arith.index_cast %add3A_641 : i32 to index
      %get3A_643 = tpu.vector_load %arg7[%get3A_642] {strides = array<i32>} : memref<66560xf32, #tpu.memory_space<vmem>>, vector<16xf32>,
      %add3A_644 = arith.addf %add3A_637, %get3A_643 : vector<16xf32>
      %mul3A_645 = arith.constant 16 : i32
      %mul3A_646 = arith.muli %scan3A_584, %mul3A_645 : i32
      %add3A_647 = arith.constant 14976 : i32
      %add3A_648 = arith.addi %add3A_647, %mul3A_646 : i32
      %get3A_649 = arith.index_cast %add3A_648 : i32 to index
      %get3A_650 = tpu.vector_load %arg7[%get3A_649] {strides = array<i32>} : memref<66560xf32, #tpu.memory_space<vmem>>, vector<16xf32>,
      %add3A_651 = arith.addf %add3A_644, %get3A_650 : vector<16xf32>
      %mul3A_652 = arith.constant 16 : i32
      %mul3A_653 = arith.muli %scan3A_584, %mul3A_652 : i32
      %add3A_654 = arith.constant 16640 : i32
      %add3A_655 = arith.addi %add3A_654, %mul3A_653 : i32
      %get3A_656 = arith.index_cast %add3A_655 : i32 to index
      %get3A_657 = tpu.vector_load %arg7[%get3A_656] {strides = array<i32>} : memref<66560xf32, #tpu.memory_space<vmem>>, vector<16xf32>,
      %add3A_658 = arith.addf %add3A_651, %get3A_657 : vector<16xf32>
      %mul3A_659 = arith.constant 16 : i32
      %mul3A_660 = arith.muli %scan3A_584, %mul3A_659 : i32
      %add3A_661 = arith.constant 18304 : i32
      %add3A_662 = arith.addi %add3A_661, %mul3A_660 : i32
      %get3A_663 = arith.index_cast %add3A_662 : i32 to index
      %get3A_664 = tpu.vector_load %arg7[%get3A_663] {strides = array<i32>} : memref<66560xf32, #tpu.memory_space<vmem>>, vector<16xf32>,
      %add3A_665 = arith.addf %add3A_658, %get3A_664 : vector<16xf32>
      %mul3A_666 = arith.constant 16 : i32
      %mul3A_667 = arith.muli %scan3A_584, %mul3A_666 : i32
      %add3A_668 = arith.constant 19968 : i32
      %add3A_669 = arith.addi %add3A_668, %mul3A_667 : i32
      %get3A_670 = arith.index_cast %add3A_669 : i32 to index
      %get3A_671 = tpu.vector_load %arg7[%get3A_670] {strides = array<i32>} : memref<66560xf32, #tpu.memory_space<vmem>>, vector<16xf32>,
      %add3A_672 = arith.addf %add3A_665, %get3A_671 : vector<16xf32>
      %mul3A_673 = arith.constant 16 : i32
      %mul3A_674 = arith.muli %scan3A_584, %mul3A_673 : i32
      %add3A_675 = arith.constant 21632 : i32
      %add3A_676 = arith.addi %add3A_675, %mul3A_674 : i32
      %get3A_677 = arith.index_cast %add3A_676 : i32 to index
      %get3A_678 = tpu.vector_load %arg7[%get3A_677] {strides = array<i32>} : memref<66560xf32, #tpu.memory_space<vmem>>, vector<16xf32>,
      %add3A_679 = arith.addf %add3A_672, %get3A_678 : vector<16xf32>
      %mul3A_680 = arith.constant 16 : i32
      %mul3A_681 = arith.muli %scan3A_584, %mul3A_680 : i32
      %add3A_682 = arith.constant 23296 : i32
      %add3A_683 = arith.addi %add3A_682, %mul3A_681 : i32
      %get3A_684 = arith.index_cast %add3A_683 : i32 to index
      %get3A_685 = tpu.vector_load %arg7[%get3A_684] {strides = array<i32>} : memref<66560xf32, #tpu.memory_space<vmem>>, vector<16xf32>,
      %add3A_686 = arith.addf %add3A_679, %get3A_685 : vector<16xf32>
      %mul3A_687 = arith.constant 16 : i32
      %mul3A_688 = arith.muli %scan3A_584, %mul3A_687 : i32
      %add3A_689 = arith.constant 24960 : i32
      %add3A_690 = arith.addi %add3A_689, %mul3A_688 : i32
      %get3A_691 = arith.index_cast %add3A_690 : i32 to index
      %get3A_692 = tpu.vector_load %arg7[%get3A_691] {strides = array<i32>} : memref<66560xf32, #tpu.memory_space<vmem>>, vector<16xf32>,
      %add3A_693 = arith.addf %add3A_686, %get3A_692 : vector<16xf32>
      %mul3A_694 = arith.constant 16 : i32
      %mul3A_695 = arith.muli %scan3A_584, %mul3A_694 : i32
      %add3A_696 = arith.constant 26624 : i32
      %add3A_697 = arith.addi %add3A_696, %mul3A_695 : i32
      %get3A_698 = arith.index_cast %add3A_697 : i32 to index
      %get3A_699 = tpu.vector_load %arg7[%get3A_698] {strides = array<i32>} : memref<66560xf32, #tpu.memory_space<vmem>>, vector<16xf32>,
      %add3A_700 = arith.addf %add3A_693, %get3A_699 : vector<16xf32>
      %mul3A_701 = arith.constant 16 : i32
      %mul3A_702 = arith.muli %scan3A_584, %mul3A_701 : i32
      %add3A_703 = arith.constant 28288 : i32
      %add3A_704 = arith.addi %add3A_703, %mul3A_702 : i32
      %get3A_705 = arith.index_cast %add3A_704 : i32 to index
      %get3A_706 = tpu.vector_load %arg7[%get3A_705] {strides = array<i32>} : memref<66560xf32, #tpu.memory_space<vmem>>, vector<16xf32>,
      %add3A_707 = arith.addf %add3A_700, %get3A_706 : vector<16xf32>
      %mul3A_708 = arith.constant 16 : i32
      %mul3A_709 = arith.muli %scan3A_584, %mul3A_708 : i32
      %add3A_710 = arith.constant 29952 : i32
      %add3A_711 = arith.addi %add3A_710, %mul3A_709 : i32
      %get3A_712 = arith.index_cast %add3A_711 : i32 to index
      %get3A_713 = tpu.vector_load %arg7[%get3A_712] {strides = array<i32>} : memref<66560xf32, #tpu.memory_space<vmem>>, vector<16xf32>,
      %add3A_714 = arith.addf %add3A_707, %get3A_713 : vector<16xf32>
      %mul3A_715 = arith.constant 16 : i32
      %mul3A_716 = arith.muli %scan3A_584, %mul3A_715 : i32
      %add3A_717 = arith.constant 31616 : i32
      %add3A_718 = arith.addi %add3A_717, %mul3A_716 : i32
      %get3A_719 = arith.index_cast %add3A_718 : i32 to index
      %get3A_720 = tpu.vector_load %arg7[%get3A_719] {strides = array<i32>} : memref<66560xf32, #tpu.memory_space<vmem>>, vector<16xf32>,
      %add3A_721 = arith.addf %add3A_714, %get3A_720 : vector<16xf32>
      %mul3A_722 = arith.constant 16 : i32
      %mul3A_723 = arith.muli %scan3A_584, %mul3A_722 : i32
      %add3A_724 = arith.constant 33280 : i32
      %add3A_725 = arith.addi %add3A_724, %mul3A_723 : i32
      %get3A_726 = arith.index_cast %add3A_725 : i32 to index
      %get3A_727 = tpu.vector_load %arg7[%get3A_726] {strides = array<i32>} : memref<66560xf32, #tpu.memory_space<vmem>>, vector<16xf32>,
      %add3A_728 = arith.addf %add3A_721, %get3A_727 : vector<16xf32>
      %mul3A_729 = arith.constant 16 : i32
      %mul3A_730 = arith.muli %scan3A_584, %mul3A_729 : i32
      %add3A_731 = arith.constant 34944 : i32
      %add3A_732 = arith.addi %add3A_731, %mul3A_730 : i32
      %get3A_733 = arith.index_cast %add3A_732 : i32 to index
      %get3A_734 = tpu.vector_load %arg7[%get3A_733] {strides = array<i32>} : memref<66560xf32, #tpu.memory_space<vmem>>, vector<16xf32>,
      %add3A_735 = arith.addf %add3A_728, %get3A_734 : vector<16xf32>
      %mul3A_736 = arith.constant 16 : i32
      %mul3A_737 = arith.muli %scan3A_584, %mul3A_736 : i32
      %add3A_738 = arith.constant 36608 : i32
      %add3A_739 = arith.addi %add3A_738, %mul3A_737 : i32
      %get3A_740 = arith.index_cast %add3A_739 : i32 to index
      %get3A_741 = tpu.vector_load %arg7[%get3A_740] {strides = array<i32>} : memref<66560xf32, #tpu.memory_space<vmem>>, vector<16xf32>,
      %add3A_742 = arith.addf %add3A_735, %get3A_741 : vector<16xf32>
      %mul3A_743 = arith.constant 16 : i32
      %mul3A_744 = arith.muli %scan3A_584, %mul3A_743 : i32
      %add3A_745 = arith.constant 38272 : i32
      %add3A_746 = arith.addi %add3A_745, %mul3A_744 : i32
      %get3A_747 = arith.index_cast %add3A_746 : i32 to index
      %get3A_748 = tpu.vector_load %arg7[%get3A_747] {strides = array<i32>} : memref<66560xf32, #tpu.memory_space<vmem>>, vector<16xf32>,
      %add3A_749 = arith.addf %add3A_742, %get3A_748 : vector<16xf32>
      %mul3A_750 = arith.constant 16 : i32
      %mul3A_751 = arith.muli %scan3A_584, %mul3A_750 : i32
      %add3A_752 = arith.constant 39936 : i32
      %add3A_753 = arith.addi %add3A_752, %mul3A_751 : i32
      %get3A_754 = arith.index_cast %add3A_753 : i32 to index
      %get3A_755 = tpu.vector_load %arg7[%get3A_754] {strides = array<i32>} : memref<66560xf32, #tpu.memory_space<vmem>>, vector<16xf32>,
      %add3A_756 = arith.addf %add3A_749, %get3A_755 : vector<16xf32>
      %mul3A_757 = arith.constant 16 : i32
      %mul3A_758 = arith.muli %scan3A_584, %mul3A_757 : i32
      %add3A_759 = arith.constant 41600 : i32
      %add3A_760 = arith.addi %add3A_759, %mul3A_758 : i32
      %get3A_761 = arith.index_cast %add3A_760 : i32 to index
      %get3A_762 = tpu.vector_load %arg7[%get3A_761] {strides = array<i32>} : memref<66560xf32, #tpu.memory_space<vmem>>, vector<16xf32>,
      %add3A_763 = arith.addf %add3A_756, %get3A_762 : vector<16xf32>
      %mul3A_764 = arith.constant 16 : i32
      %mul3A_765 = arith.muli %scan3A_584, %mul3A_764 : i32
      %add3A_766 = arith.constant 43264 : i32
      %add3A_767 = arith.addi %add3A_766, %mul3A_765 : i32
      %get3A_768 = arith.index_cast %add3A_767 : i32 to index
      %get3A_769 = tpu.vector_load %arg7[%get3A_768] {strides = array<i32>} : memref<66560xf32, #tpu.memory_space<vmem>>, vector<16xf32>,
      %add3A_770 = arith.addf %add3A_763, %get3A_769 : vector<16xf32>
      %mul3A_771 = arith.constant 16 : i32
      %mul3A_772 = arith.muli %scan3A_584, %mul3A_771 : i32
      %add3A_773 = arith.constant 44928 : i32
      %add3A_774 = arith.addi %add3A_773, %mul3A_772 : i32
      %get3A_775 = arith.index_cast %add3A_774 : i32 to index
      %get3A_776 = tpu.vector_load %arg7[%get3A_775] {strides = array<i32>} : memref<66560xf32, #tpu.memory_space<vmem>>, vector<16xf32>,
      %add3A_777 = arith.addf %add3A_770, %get3A_776 : vector<16xf32>
      %mul3A_778 = arith.constant 16 : i32
      %mul3A_779 = arith.muli %scan3A_584, %mul3A_778 : i32
      %add3A_780 = arith.constant 46592 : i32
      %add3A_781 = arith.addi %add3A_780, %mul3A_779 : i32
      %get3A_782 = arith.index_cast %add3A_781 : i32 to index
      %get3A_783 = tpu.vector_load %arg7[%get3A_782] {strides = array<i32>} : memref<66560xf32, #tpu.memory_space<vmem>>, vector<16xf32>,
      %add3A_784 = arith.addf %add3A_777, %get3A_783 : vector<16xf32>
      %mul3A_785 = arith.constant 16 : i32
      %mul3A_786 = arith.muli %scan3A_584, %mul3A_785 : i32
      %add3A_787 = arith.constant 48256 : i32
      %add3A_788 = arith.addi %add3A_787, %mul3A_786 : i32
      %get3A_789 = arith.index_cast %add3A_788 : i32 to index
      %get3A_790 = tpu.vector_load %arg7[%get3A_789] {strides = array<i32>} : memref<66560xf32, #tpu.memory_space<vmem>>, vector<16xf32>,
      %add3A_791 = arith.addf %add3A_784, %get3A_790 : vector<16xf32>
      %mul3A_792 = arith.constant 16 : i32
      %mul3A_793 = arith.muli %scan3A_584, %mul3A_792 : i32
      %add3A_794 = arith.constant 49920 : i32
      %add3A_795 = arith.addi %add3A_794, %mul3A_793 : i32
      %get3A_796 = arith.index_cast %add3A_795 : i32 to index
      %get3A_797 = tpu.vector_load %arg7[%get3A_796] {strides = array<i32>} : memref<66560xf32, #tpu.memory_space<vmem>>, vector<16xf32>,
      %add3A_798 = arith.addf %add3A_791, %get3A_797 : vector<16xf32>
      %mul3A_799 = arith.constant 16 : i32
      %mul3A_800 = arith.muli %scan3A_584, %mul3A_799 : i32
      %add3A_801 = arith.constant 51584 : i32
      %add3A_802 = arith.addi %add3A_801, %mul3A_800 : i32
      %get3A_803 = arith.index_cast %add3A_802 : i32 to index
      %get3A_804 = tpu.vector_load %arg7[%get3A_803] {strides = array<i32>} : memref<66560xf32, #tpu.memory_space<vmem>>, vector<16xf32>,
      %add3A_805 = arith.addf %add3A_798, %get3A_804 : vector<16xf32>
      %mul3A_806 = arith.constant 16 : i32
      %mul3A_807 = arith.muli %scan3A_584, %mul3A_806 : i32
      %add3A_808 = arith.constant 53248 : i32
      %add3A_809 = arith.addi %add3A_808, %mul3A_807 : i32
      %get3A_810 = arith.index_cast %add3A_809 : i32 to index
      %get3A_811 = tpu.vector_load %arg7[%get3A_810] {strides = array<i32>} : memref<66560xf32, #tpu.memory_space<vmem>>, vector<16xf32>,
      %mul3A_812 = arith.mulf %get3A_811, %get3A_562 : vector<16xf32>
      %add3A_813 = arith.addf %add3A_805, %mul3A_812 : vector<16xf32>
      %mul3A_814 = arith.constant 16 : i32
      %mul3A_815 = arith.muli %scan3A_584, %mul3A_814 : i32
      %add3A_816 = arith.constant 54912 : i32
      %add3A_817 = arith.addi %add3A_816, %mul3A_815 : i32
      %get3A_818 = arith.index_cast %add3A_817 : i32 to index
      %get3A_819 = tpu.vector_load %arg7[%get3A_818] {strides = array<i32>} : memref<66560xf32, #tpu.memory_space<vmem>>, vector<16xf32>,
      %mul3A_820 = arith.mulf %get3A_819, %get3A_564 : vector<16xf32>
      %add3A_821 = arith.addf %add3A_813, %mul3A_820 : vector<16xf32>
      %mul3A_822 = arith.constant 16 : i32
      %mul3A_823 = arith.muli %scan3A_584, %mul3A_822 : i32
      %add3A_824 = arith.constant 56576 : i32
      %add3A_825 = arith.addi %add3A_824, %mul3A_823 : i32
      %get3A_826 = arith.index_cast %add3A_825 : i32 to index
      %get3A_827 = tpu.vector_load %arg7[%get3A_826] {strides = array<i32>} : memref<66560xf32, #tpu.memory_space<vmem>>, vector<16xf32>,
      %mul3A_828 = arith.mulf %get3A_827, %get3A_566 : vector<16xf32>
      %add3A_829 = arith.addf %add3A_821, %mul3A_828 : vector<16xf32>
      %mul3A_830 = arith.constant 16 : i32
      %mul3A_831 = arith.muli %scan3A_584, %mul3A_830 : i32
      %add3A_832 = arith.constant 58240 : i32
      %add3A_833 = arith.addi %add3A_832, %mul3A_831 : i32
      %get3A_834 = arith.index_cast %add3A_833 : i32 to index
      %get3A_835 = tpu.vector_load %arg7[%get3A_834] {strides = array<i32>} : memref<66560xf32, #tpu.memory_space<vmem>>, vector<16xf32>,
      %mul3A_836 = arith.mulf %get3A_835, %get3A_568 : vector<16xf32>
      %add3A_837 = arith.addf %add3A_829, %mul3A_836 : vector<16xf32>
      %mul3A_838 = arith.constant 16 : i32
      %mul3A_839 = arith.muli %scan3A_584, %mul3A_838 : i32
      %add3A_840 = arith.constant 59904 : i32
      %add3A_841 = arith.addi %add3A_840, %mul3A_839 : i32
      %get3A_842 = arith.index_cast %add3A_841 : i32 to index
      %get3A_843 = tpu.vector_load %arg7[%get3A_842] {strides = array<i32>} : memref<66560xf32, #tpu.memory_space<vmem>>, vector<16xf32>,
      %mul3A_844 = arith.mulf %get3A_843, %get3A_570 : vector<16xf32>
      %add3A_845 = arith.addf %add3A_837, %mul3A_844 : vector<16xf32>
      %mul3A_846 = arith.constant 16 : i32
      %mul3A_847 = arith.muli %scan3A_584, %mul3A_846 : i32
      %add3A_848 = arith.constant 61568 : i32
      %add3A_849 = arith.addi %add3A_848, %mul3A_847 : i32
      %get3A_850 = arith.index_cast %add3A_849 : i32 to index
      %get3A_851 = tpu.vector_load %arg7[%get3A_850] {strides = array<i32>} : memref<66560xf32, #tpu.memory_space<vmem>>, vector<16xf32>,
      %mul3A_852 = arith.mulf %get3A_851, %get3A_572 : vector<16xf32>
      %add3A_853 = arith.addf %add3A_845, %mul3A_852 : vector<16xf32>
      %mul3A_854 = arith.constant 16 : i32
      %mul3A_855 = arith.muli %scan3A_584, %mul3A_854 : i32
      %add3A_856 = arith.constant 63232 : i32
      %add3A_857 = arith.addi %add3A_856, %mul3A_855 : i32
      %get3A_858 = arith.index_cast %add3A_857 : i32 to index
      %get3A_859 = tpu.vector_load %arg7[%get3A_858] {strides = array<i32>} : memref<66560xf32, #tpu.memory_space<vmem>>, vector<16xf32>,
      %mul3A_860 = arith.mulf %get3A_859, %get3A_574 : vector<16xf32>
      %add3A_861 = arith.addf %add3A_853, %mul3A_860 : vector<16xf32>
      %mul3A_862 = arith.constant 16 : i32
      %mul3A_863 = arith.muli %scan3A_584, %mul3A_862 : i32
      %add3A_864 = arith.constant 64896 : i32
      %add3A_865 = arith.addi %add3A_864, %mul3A_863 : i32
      %get3A_866 = arith.index_cast %add3A_865 : i32 to index
      %get3A_867 = tpu.vector_load %arg7[%get3A_866] {strides = array<i32>} : memref<66560xf32, #tpu.memory_space<vmem>>, vector<16xf32>,
      %mul3A_868 = arith.mulf %get3A_867, %get3A_576 : vector<16xf32>
      %add3A_869 = arith.addf %add3A_861, %mul3A_868 : vector<16xf32>
      %add3A_870 = arith.addf %add3A_869, %get3A_578 : vector<16xf32>
      %gt3A = arith.constant 0.000000e+00 : f32
      %gt3A_871 = vector.broadcast %gt3A : f32 to vector<16xf32>
      %gt3A_872 = arith.cmpf ogt, %add3A_870, %gt3A_871 : vector<16xf32>
      %min3A_873 = arith.constant 0.000000e+00 : f32
      %min3A_874 = vector.broadcast %min3A_873 : f32 to vector<16xf32>
      %min3A_875 = arith.minimumf %add3A_870, %min3A_874 : vector<16xf32>
      %exp3A = math.exp %min3A_875 : vector<16xf32>
      %sub3A = arith.constant 1.000000e+00 : f32
      %sub3A_876 = vector.broadcast %sub3A : f32 to vector<16xf32>
      %sub3A_877 = arith.subf %exp3A, %sub3A_876 : vector<16xf32>
      %select_n3A = arith.select %gt3A_872, %add3A_870, %sub3A_877 : vector<16xi1>, vector<16xf32>
      %mul3A_878 = arith.constant 16 : i32
      %mul3A_879 = arith.muli %scan3A_584, %mul3A_878 : i32
      %swap3A = arith.index_cast %mul3A_879 : i32 to index
      %swap3A_880 = tpu.vector_load %arg8[%swap3A] {strides = array<i32>} : memref<1664xf32, #tpu.memory_space<vmem>>, vector<16xf32>,
      tpu.vector_store %arg8[%swap3A], %select_n3A {strides = array<i32>} : memref<1664xf32, #tpu.memory_space<vmem>>, vector<16xf32>,
    }
    %scan3A_583 = arith.constant 104 : i32
    "tpu.region"() ({
      %run_scoped3A = tpu.sem_alloc : memref<!tpu.dma_semaphore, #tpu.memory_space<semaphore_mem>>
      %dma_start3A_584 = tpu.memref_slice %arg6[%multiple_of3A] : memref<50000xf32, #tpu.memory_space<hbm>> -> memref<1664xf32, #tpu.memory_space<hbm>>
      %dma_start3A_585 = tpu.memref_slice %arg6[%multiple_of3A] : memref<50000xf32, #tpu.memory_space<hbm>> -> memref<1664xf32, #tpu.memory_space<hbm>>
      tpu.enqueue_dma source(%arg8 : memref<1664xf32, #tpu.memory_space<vmem>>) target(%dma_start3A_585 : memref<1664xf32, #tpu.memory_space<hbm>>) target_semaphore(%run_scoped3A : memref<!tpu.dma_semaphore, #tpu.memory_space<semaphore_mem>>)
      %dma_wait3A_586 = tpu.memref_slice %arg6[%multiple_of3A] : memref<50000xf32, #tpu.memory_space<hbm>> -> memref<1664xf32, #tpu.memory_space<hbm>>
      %dma_wait3A_587 = tpu.memref_slice %arg6[%multiple_of3A] : memref<50000xf32, #tpu.memory_space<hbm>> -> memref<1664xf32, #tpu.memory_space<hbm>>
      tpu.wait_dma2 semaphore(%run_scoped3A : memref<!tpu.dma_semaphore, #tpu.memory_space<semaphore_mem>>) src(%arg8 : memref<1664xf32, #tpu.memory_space<vmem>>) dst(%dma_wait3A_587 : memref<1664xf32, #tpu.memory_space<hbm>>)
      tpu.yield
    }) : () -> ()
    return
  }
}

module attributes {stable_mosaic.version = 14 : i64} {
  func.func @_phase_a_body(%arg0: i32, %arg1: memref<3x8192xf32, #tpu.memory_space<vmem>>, %arg2: memref<80x64xf32, #tpu.memory_space<vmem>>, %arg3: memref<8192xf32, #tpu.memory_space<vmem>>, %arg4: memref<8192xf32, #tpu.memory_space<vmem>>, %arg5: memref<8192xf32, #tpu.memory_space<vmem>>, %arg6: memref<8192xf32, #tpu.memory_space<vmem>>, %arg7: memref<8192xf32, #tpu.memory_space<vmem>>, %arg8: memref<8192xf32, #tpu.memory_space<vmem>>, %arg9: memref<8192xf32, #tpu.memory_space<vmem>>, %arg10: memref<8192xf32, #tpu.memory_space<vmem>>, %arg11: memref<8192xf32, #tpu.memory_space<vmem>>, %arg12: memref<8192xf32, #tpu.memory_space<vmem>>, %arg13: memref<8192xf32, #tpu.memory_space<vmem>>, %arg14: memref<8192xf32, #tpu.memory_space<vmem>>, %arg15: memref<8192xf32, #tpu.memory_space<vmem>>, %arg16: memref<8192xf32, #tpu.memory_space<vmem>>, %arg17: memref<8192xf32, #tpu.memory_space<vmem>>, %arg18: memref<8192xf32, #tpu.memory_space<vmem>>) attributes {dimension_semantics = [#tpu.dimension_semantics<arbitrary>], iteration_bounds = array<i64: 100>, scalar_prefetch = 0 : i64, scratch_operands = 0 : i64, tpu.core_type = #tpu.core_type<tc>, window_params = [{transform_indices = @transform_0, window_bounds = array<i64: 3, 8192>}, {pipeline_mode = #tpu.pipeline_mode<synchronous>, transform_indices = @transform_1, window_bounds = array<i64: 80, 64>}, {transform_indices = @transform_2, window_bounds = array<i64: 8192>}, {transform_indices = @transform_3, window_bounds = array<i64: 8192>}, {transform_indices = @transform_4, window_bounds = array<i64: 8192>}, {transform_indices = @transform_5, window_bounds = array<i64: 8192>}, {transform_indices = @transform_6, window_bounds = array<i64: 8192>}, {transform_indices = @transform_7, window_bounds = array<i64: 8192>}, {transform_indices = @transform_8, window_bounds = array<i64: 8192>}, {transform_indices = @transform_9, window_bounds = array<i64: 8192>}, {transform_indices = @transform_10, window_bounds = array<i64: 8192>}, {transform_indices = @transform_11, window_bounds = array<i64: 8192>}, {transform_indices = @transform_12, window_bounds = array<i64: 8192>}, {transform_indices = @transform_13, window_bounds = array<i64: 8192>}, {transform_indices = @transform_14, window_bounds = array<i64: 8192>}, {transform_indices = @transform_15, window_bounds = array<i64: 8192>}, {transform_indices = @transform_16, window_bounds = array<i64: 8192>}, {transform_indices = @transform_17, window_bounds = array<i64: 8192>}]} {
    %get3A = arith.constant 0 : index
    %get3A_0 = arith.constant 0 : index
    %get3A_1 = vector.load %arg1[%get3A, %get3A_0] : memref<3x8192xf32, #tpu.memory_space<vmem>>, vector<3x8192xf32>
    %mul3A = arith.constant 4.000000e+00 : f32
    %mul3A_2 = vector.broadcast %mul3A : f32 to vector<3x8192xf32>
    %mul3A_3 = arith.mulf %get3A_1, %mul3A_2 : vector<3x8192xf32>
    %iota3A = tpu.iota {dimensions = array<i32: 0>} : vector<8x8192xi32>
    %convert_element_type3A = arith.sitofp %iota3A : vector<8x8192xi32> to vector<8x8192xf32>
    %slice3A = vector.extract_strided_slice %mul3A_3 {offsets = [0, 0], sizes = [1, 8192], strides = [1, 1]} : vector<3x8192xf32> to vector<1x8192xf32>
    %sub3A = vector.broadcast %slice3A : vector<1x8192xf32> to vector<8x8192xf32>
    %sub3A_4 = arith.subf %convert_element_type3A, %sub3A : vector<8x8192xf32>
    %abs3A = math.absf %sub3A_4 : vector<8x8192xf32>
    %sub3A_5 = arith.constant 1.000000e+00 : f32
    %sub3A_6 = vector.broadcast %sub3A_5 : f32 to vector<8x8192xf32>
    %sub3A_7 = arith.subf %sub3A_6, %abs3A : vector<8x8192xf32>
    %max3A = arith.constant 0.000000e+00 : f32
    %max3A_8 = vector.broadcast %max3A : f32 to vector<8x8192xf32>
    %max3A_9 = arith.maximumf %sub3A_7, %max3A_8 : vector<8x8192xf32>
    %slice3A_10 = vector.extract_strided_slice %mul3A_3 {offsets = [1, 0], sizes = [1, 8192], strides = [1, 1]} : vector<3x8192xf32> to vector<1x8192xf32>
    %sub3A_11 = vector.broadcast %slice3A_10 : vector<1x8192xf32> to vector<8x8192xf32>
    %sub3A_12 = arith.subf %convert_element_type3A, %sub3A_11 : vector<8x8192xf32>
    %abs3A_13 = math.absf %sub3A_12 : vector<8x8192xf32>
    %sub3A_14 = arith.constant 1.000000e+00 : f32
    %sub3A_15 = vector.broadcast %sub3A_14 : f32 to vector<8x8192xf32>
    %sub3A_16 = arith.subf %sub3A_15, %abs3A_13 : vector<8x8192xf32>
    %max3A_17 = arith.constant 0.000000e+00 : f32
    %max3A_18 = vector.broadcast %max3A_17 : f32 to vector<8x8192xf32>
    %max3A_19 = arith.maximumf %sub3A_16, %max3A_18 : vector<8x8192xf32>
    %slice3A_20 = vector.extract_strided_slice %mul3A_3 {offsets = [2, 0], sizes = [1, 8192], strides = [1, 1]} : vector<3x8192xf32> to vector<1x8192xf32>
    %sub3A_21 = vector.broadcast %slice3A_20 : vector<1x8192xf32> to vector<8x8192xf32>
    %sub3A_22 = arith.subf %convert_element_type3A, %sub3A_21 : vector<8x8192xf32>
    %abs3A_23 = math.absf %sub3A_22 : vector<8x8192xf32>
    %sub3A_24 = arith.constant 1.000000e+00 : f32
    %sub3A_25 = vector.broadcast %sub3A_24 : f32 to vector<8x8192xf32>
    %sub3A_26 = arith.subf %sub3A_25, %abs3A_23 : vector<8x8192xf32>
    %max3A_27 = arith.constant 0.000000e+00 : f32
    %max3A_28 = vector.broadcast %max3A_27 : f32 to vector<8x8192xf32>
    %max3A_29 = arith.maximumf %sub3A_26, %max3A_28 : vector<8x8192xf32>
    %broadcast_in_dim3A = vector.shape_cast %max3A_29 : vector<8x8192xf32> to vector<8x1x8192xf32>
    %broadcast_in_dim3A_30 = vector.shape_cast %max3A_19 : vector<8x8192xf32> to vector<1x8x8192xf32>
    %mul3A_31 = vector.broadcast %broadcast_in_dim3A : vector<8x1x8192xf32> to vector<8x8x8192xf32>
    %mul3A_32 = vector.broadcast %broadcast_in_dim3A_30 : vector<1x8x8192xf32> to vector<8x8x8192xf32>
    %mul3A_33 = arith.mulf %mul3A_31, %mul3A_32 : vector<8x8x8192xf32>
    %reshape3A = vector.shape_cast %mul3A_33 : vector<8x8x8192xf32> to vector<64x8192xf32>
    %get3A_34 = arith.constant 0 : index
    %get3A_35 = arith.constant 0 : index
    %get3A_36 = vector.load %arg2[%get3A_34, %get3A_35] : memref<80x64xf32, #tpu.memory_space<vmem>>, vector<80x64xf32>
    %dot_general3A = arith.constant dense<0.000000e+00> : vector<80x8192xf32>
    %dot_general3A_37 = tpu.matmul %get3A_36, %reshape3A, %dot_general3A {dimension_numbers = #tpu.dot_dimension_numbers<[1], [0], [0], [1], [0, 0, 1, 1], [], []>, transpose_lhs_hint = false} : vector<80x64xf32>, vector<64x8192xf32>, vector<80x8192xf32> -> vector<80x8192xf32>
    %slice3A_38 = vector.extract_strided_slice %dot_general3A_37 {offsets = [0, 0], sizes = [16, 8192], strides = [1, 1]} : vector<80x8192xf32> to vector<16x8192xf32>
    %slice3A_39 = vector.extract_strided_slice %max3A_9 {offsets = [0, 0], sizes = [1, 8192], strides = [1, 1]} : vector<8x8192xf32> to vector<1x8192xf32>
    %mul3A_40 = vector.broadcast %slice3A_39 : vector<1x8192xf32> to vector<16x8192xf32>
    %mul3A_41 = arith.mulf %slice3A_38, %mul3A_40 : vector<16x8192xf32>
    %slice3A_42 = vector.extract_strided_slice %dot_general3A_37 {offsets = [16, 0], sizes = [16, 8192], strides = [1, 1]} : vector<80x8192xf32> to vector<16x8192xf32>
    %slice3A_43 = vector.extract_strided_slice %max3A_9 {offsets = [1, 0], sizes = [1, 8192], strides = [1, 1]} : vector<8x8192xf32> to vector<1x8192xf32>
    %mul3A_44 = vector.broadcast %slice3A_43 : vector<1x8192xf32> to vector<16x8192xf32>
    %mul3A_45 = arith.mulf %slice3A_42, %mul3A_44 : vector<16x8192xf32>
    %add3A = arith.addf %mul3A_41, %mul3A_45 : vector<16x8192xf32>
    %slice3A_46 = vector.extract_strided_slice %dot_general3A_37 {offsets = [32, 0], sizes = [16, 8192], strides = [1, 1]} : vector<80x8192xf32> to vector<16x8192xf32>
    %slice3A_47 = vector.extract_strided_slice %max3A_9 {offsets = [2, 0], sizes = [1, 8192], strides = [1, 1]} : vector<8x8192xf32> to vector<1x8192xf32>
    %mul3A_48 = vector.broadcast %slice3A_47 : vector<1x8192xf32> to vector<16x8192xf32>
    %mul3A_49 = arith.mulf %slice3A_46, %mul3A_48 : vector<16x8192xf32>
    %add3A_50 = arith.addf %add3A, %mul3A_49 : vector<16x8192xf32>
    %slice3A_51 = vector.extract_strided_slice %dot_general3A_37 {offsets = [48, 0], sizes = [16, 8192], strides = [1, 1]} : vector<80x8192xf32> to vector<16x8192xf32>
    %slice3A_52 = vector.extract_strided_slice %max3A_9 {offsets = [3, 0], sizes = [1, 8192], strides = [1, 1]} : vector<8x8192xf32> to vector<1x8192xf32>
    %mul3A_53 = vector.broadcast %slice3A_52 : vector<1x8192xf32> to vector<16x8192xf32>
    %mul3A_54 = arith.mulf %slice3A_51, %mul3A_53 : vector<16x8192xf32>
    %add3A_55 = arith.addf %add3A_50, %mul3A_54 : vector<16x8192xf32>
    %slice3A_56 = vector.extract_strided_slice %dot_general3A_37 {offsets = [64, 0], sizes = [16, 8192], strides = [1, 1]} : vector<80x8192xf32> to vector<16x8192xf32>
    %slice3A_57 = vector.extract_strided_slice %max3A_9 {offsets = [4, 0], sizes = [1, 8192], strides = [1, 1]} : vector<8x8192xf32> to vector<1x8192xf32>
    %mul3A_58 = vector.broadcast %slice3A_57 : vector<1x8192xf32> to vector<16x8192xf32>
    %mul3A_59 = arith.mulf %slice3A_56, %mul3A_58 : vector<16x8192xf32>
    %add3A_60 = arith.addf %add3A_55, %mul3A_59 : vector<16x8192xf32>
    %slice3A_61 = vector.extract_strided_slice %add3A_60 {offsets = [0, 0], sizes = [1, 8192], strides = [1, 1]} : vector<16x8192xf32> to vector<1x8192xf32>
    %squeeze3A = vector.shape_cast %slice3A_61 : vector<1x8192xf32> to vector<8192xf32>
    %swap3A = arith.constant 0 : index
    %swap3A_62 = vector.load %arg3[%swap3A] : memref<8192xf32, #tpu.memory_space<vmem>>, vector<8192xf32>
    tpu.vector_store %arg3[%swap3A], %squeeze3A {strides = array<i32>} : memref<8192xf32, #tpu.memory_space<vmem>>, vector<8192xf32>,
    %slice3A_63 = vector.extract_strided_slice %add3A_60 {offsets = [1, 0], sizes = [1, 8192], strides = [1, 1]} : vector<16x8192xf32> to vector<1x8192xf32>
    %squeeze3A_64 = vector.shape_cast %slice3A_63 : vector<1x8192xf32> to vector<8192xf32>
    %swap3A_65 = arith.constant 0 : index
    %swap3A_66 = vector.load %arg4[%swap3A_65] : memref<8192xf32, #tpu.memory_space<vmem>>, vector<8192xf32>
    tpu.vector_store %arg4[%swap3A_65], %squeeze3A_64 {strides = array<i32>} : memref<8192xf32, #tpu.memory_space<vmem>>, vector<8192xf32>,
    %slice3A_67 = vector.extract_strided_slice %add3A_60 {offsets = [2, 0], sizes = [1, 8192], strides = [1, 1]} : vector<16x8192xf32> to vector<1x8192xf32>
    %squeeze3A_68 = vector.shape_cast %slice3A_67 : vector<1x8192xf32> to vector<8192xf32>
    %swap3A_69 = arith.constant 0 : index
    %swap3A_70 = vector.load %arg5[%swap3A_69] : memref<8192xf32, #tpu.memory_space<vmem>>, vector<8192xf32>
    tpu.vector_store %arg5[%swap3A_69], %squeeze3A_68 {strides = array<i32>} : memref<8192xf32, #tpu.memory_space<vmem>>, vector<8192xf32>,
    %slice3A_71 = vector.extract_strided_slice %add3A_60 {offsets = [3, 0], sizes = [1, 8192], strides = [1, 1]} : vector<16x8192xf32> to vector<1x8192xf32>
    %squeeze3A_72 = vector.shape_cast %slice3A_71 : vector<1x8192xf32> to vector<8192xf32>
    %swap3A_73 = arith.constant 0 : index
    %swap3A_74 = vector.load %arg6[%swap3A_73] : memref<8192xf32, #tpu.memory_space<vmem>>, vector<8192xf32>
    tpu.vector_store %arg6[%swap3A_73], %squeeze3A_72 {strides = array<i32>} : memref<8192xf32, #tpu.memory_space<vmem>>, vector<8192xf32>,
    %slice3A_75 = vector.extract_strided_slice %add3A_60 {offsets = [4, 0], sizes = [1, 8192], strides = [1, 1]} : vector<16x8192xf32> to vector<1x8192xf32>
    %squeeze3A_76 = vector.shape_cast %slice3A_75 : vector<1x8192xf32> to vector<8192xf32>
    %swap3A_77 = arith.constant 0 : index
    %swap3A_78 = vector.load %arg7[%swap3A_77] : memref<8192xf32, #tpu.memory_space<vmem>>, vector<8192xf32>
    tpu.vector_store %arg7[%swap3A_77], %squeeze3A_76 {strides = array<i32>} : memref<8192xf32, #tpu.memory_space<vmem>>, vector<8192xf32>,
    %slice3A_79 = vector.extract_strided_slice %add3A_60 {offsets = [5, 0], sizes = [1, 8192], strides = [1, 1]} : vector<16x8192xf32> to vector<1x8192xf32>
    %squeeze3A_80 = vector.shape_cast %slice3A_79 : vector<1x8192xf32> to vector<8192xf32>
    %swap3A_81 = arith.constant 0 : index
    %swap3A_82 = vector.load %arg8[%swap3A_81] : memref<8192xf32, #tpu.memory_space<vmem>>, vector<8192xf32>
    tpu.vector_store %arg8[%swap3A_81], %squeeze3A_80 {strides = array<i32>} : memref<8192xf32, #tpu.memory_space<vmem>>, vector<8192xf32>,
    %slice3A_83 = vector.extract_strided_slice %add3A_60 {offsets = [6, 0], sizes = [1, 8192], strides = [1, 1]} : vector<16x8192xf32> to vector<1x8192xf32>
    %squeeze3A_84 = vector.shape_cast %slice3A_83 : vector<1x8192xf32> to vector<8192xf32>
    %swap3A_85 = arith.constant 0 : index
    %swap3A_86 = vector.load %arg9[%swap3A_85] : memref<8192xf32, #tpu.memory_space<vmem>>, vector<8192xf32>
    tpu.vector_store %arg9[%swap3A_85], %squeeze3A_84 {strides = array<i32>} : memref<8192xf32, #tpu.memory_space<vmem>>, vector<8192xf32>,
    %slice3A_87 = vector.extract_strided_slice %add3A_60 {offsets = [7, 0], sizes = [1, 8192], strides = [1, 1]} : vector<16x8192xf32> to vector<1x8192xf32>
    %squeeze3A_88 = vector.shape_cast %slice3A_87 : vector<1x8192xf32> to vector<8192xf32>
    %swap3A_89 = arith.constant 0 : index
    %swap3A_90 = vector.load %arg10[%swap3A_89] : memref<8192xf32, #tpu.memory_space<vmem>>, vector<8192xf32>
    tpu.vector_store %arg10[%swap3A_89], %squeeze3A_88 {strides = array<i32>} : memref<8192xf32, #tpu.memory_space<vmem>>, vector<8192xf32>,
    %slice3A_91 = vector.extract_strided_slice %add3A_60 {offsets = [8, 0], sizes = [1, 8192], strides = [1, 1]} : vector<16x8192xf32> to vector<1x8192xf32>
    %squeeze3A_92 = vector.shape_cast %slice3A_91 : vector<1x8192xf32> to vector<8192xf32>
    %swap3A_93 = arith.constant 0 : index
    %swap3A_94 = vector.load %arg11[%swap3A_93] : memref<8192xf32, #tpu.memory_space<vmem>>, vector<8192xf32>
    tpu.vector_store %arg11[%swap3A_93], %squeeze3A_92 {strides = array<i32>} : memref<8192xf32, #tpu.memory_space<vmem>>, vector<8192xf32>,
    %slice3A_95 = vector.extract_strided_slice %add3A_60 {offsets = [9, 0], sizes = [1, 8192], strides = [1, 1]} : vector<16x8192xf32> to vector<1x8192xf32>
    %squeeze3A_96 = vector.shape_cast %slice3A_95 : vector<1x8192xf32> to vector<8192xf32>
    %swap3A_97 = arith.constant 0 : index
    %swap3A_98 = vector.load %arg12[%swap3A_97] : memref<8192xf32, #tpu.memory_space<vmem>>, vector<8192xf32>
    tpu.vector_store %arg12[%swap3A_97], %squeeze3A_96 {strides = array<i32>} : memref<8192xf32, #tpu.memory_space<vmem>>, vector<8192xf32>,
    %slice3A_99 = vector.extract_strided_slice %add3A_60 {offsets = [10, 0], sizes = [1, 8192], strides = [1, 1]} : vector<16x8192xf32> to vector<1x8192xf32>
    %squeeze3A_100 = vector.shape_cast %slice3A_99 : vector<1x8192xf32> to vector<8192xf32>
    %swap3A_101 = arith.constant 0 : index
    %swap3A_102 = vector.load %arg13[%swap3A_101] : memref<8192xf32, #tpu.memory_space<vmem>>, vector<8192xf32>
    tpu.vector_store %arg13[%swap3A_101], %squeeze3A_100 {strides = array<i32>} : memref<8192xf32, #tpu.memory_space<vmem>>, vector<8192xf32>,
    %slice3A_103 = vector.extract_strided_slice %add3A_60 {offsets = [11, 0], sizes = [1, 8192], strides = [1, 1]} : vector<16x8192xf32> to vector<1x8192xf32>
    %squeeze3A_104 = vector.shape_cast %slice3A_103 : vector<1x8192xf32> to vector<8192xf32>
    %swap3A_105 = arith.constant 0 : index
    %swap3A_106 = vector.load %arg14[%swap3A_105] : memref<8192xf32, #tpu.memory_space<vmem>>, vector<8192xf32>
    tpu.vector_store %arg14[%swap3A_105], %squeeze3A_104 {strides = array<i32>} : memref<8192xf32, #tpu.memory_space<vmem>>, vector<8192xf32>,
    %slice3A_107 = vector.extract_strided_slice %add3A_60 {offsets = [12, 0], sizes = [1, 8192], strides = [1, 1]} : vector<16x8192xf32> to vector<1x8192xf32>
    %squeeze3A_108 = vector.shape_cast %slice3A_107 : vector<1x8192xf32> to vector<8192xf32>
    %swap3A_109 = arith.constant 0 : index
    %swap3A_110 = vector.load %arg15[%swap3A_109] : memref<8192xf32, #tpu.memory_space<vmem>>, vector<8192xf32>
    tpu.vector_store %arg15[%swap3A_109], %squeeze3A_108 {strides = array<i32>} : memref<8192xf32, #tpu.memory_space<vmem>>, vector<8192xf32>,
    %slice3A_111 = vector.extract_strided_slice %add3A_60 {offsets = [13, 0], sizes = [1, 8192], strides = [1, 1]} : vector<16x8192xf32> to vector<1x8192xf32>
    %squeeze3A_112 = vector.shape_cast %slice3A_111 : vector<1x8192xf32> to vector<8192xf32>
    %swap3A_113 = arith.constant 0 : index
    %swap3A_114 = vector.load %arg16[%swap3A_113] : memref<8192xf32, #tpu.memory_space<vmem>>, vector<8192xf32>
    tpu.vector_store %arg16[%swap3A_113], %squeeze3A_112 {strides = array<i32>} : memref<8192xf32, #tpu.memory_space<vmem>>, vector<8192xf32>,
    %slice3A_115 = vector.extract_strided_slice %add3A_60 {offsets = [14, 0], sizes = [1, 8192], strides = [1, 1]} : vector<16x8192xf32> to vector<1x8192xf32>
    %squeeze3A_116 = vector.shape_cast %slice3A_115 : vector<1x8192xf32> to vector<8192xf32>
    %swap3A_117 = arith.constant 0 : index
    %swap3A_118 = vector.load %arg17[%swap3A_117] : memref<8192xf32, #tpu.memory_space<vmem>>, vector<8192xf32>
    tpu.vector_store %arg17[%swap3A_117], %squeeze3A_116 {strides = array<i32>} : memref<8192xf32, #tpu.memory_space<vmem>>, vector<8192xf32>,
    %slice3A_119 = vector.extract_strided_slice %add3A_60 {offsets = [15, 0], sizes = [1, 8192], strides = [1, 1]} : vector<16x8192xf32> to vector<1x8192xf32>
    %squeeze3A_120 = vector.shape_cast %slice3A_119 : vector<1x8192xf32> to vector<8192xf32>
    %swap3A_121 = arith.constant 0 : index
    %swap3A_122 = vector.load %arg18[%swap3A_121] : memref<8192xf32, #tpu.memory_space<vmem>>, vector<8192xf32>
    tpu.vector_store %arg18[%swap3A_121], %squeeze3A_120 {strides = array<i32>} : memref<8192xf32, #tpu.memory_space<vmem>>, vector<8192xf32>,
    return
  }
  func.func @transform_0(%arg0: i32) -> (i32, i32) {
    %c0_i32 = arith.constant 0 : i32
    %c0_i32_0 = arith.constant 0 : i32
    return %c0_i32, %arg0 : i32, i32
  }
  func.func @transform_1(%arg0: i32) -> (i32, i32) {
    %c0_i32 = arith.constant 0 : i32
    %c0_i32_0 = arith.constant 0 : i32
    %c0_i32_1 = arith.constant 0 : i32
    return %c0_i32, %c0_i32_0 : i32, i32
  }
  func.func @transform_2(%arg0: i32) -> i32 {
    %c0_i32 = arith.constant 0 : i32
    return %arg0 : i32
  }
  func.func @transform_3(%arg0: i32) -> i32 {
    %c0_i32 = arith.constant 0 : i32
    return %arg0 : i32
  }
  func.func @transform_4(%arg0: i32) -> i32 {
    %c0_i32 = arith.constant 0 : i32
    return %arg0 : i32
  }
  func.func @transform_5(%arg0: i32) -> i32 {
    %c0_i32 = arith.constant 0 : i32
    return %arg0 : i32
  }
  func.func @transform_6(%arg0: i32) -> i32 {
    %c0_i32 = arith.constant 0 : i32
    return %arg0 : i32
  }
  func.func @transform_7(%arg0: i32) -> i32 {
    %c0_i32 = arith.constant 0 : i32
    return %arg0 : i32
  }
  func.func @transform_8(%arg0: i32) -> i32 {
    %c0_i32 = arith.constant 0 : i32
    return %arg0 : i32
  }
  func.func @transform_9(%arg0: i32) -> i32 {
    %c0_i32 = arith.constant 0 : i32
    return %arg0 : i32
  }
  func.func @transform_10(%arg0: i32) -> i32 {
    %c0_i32 = arith.constant 0 : i32
    return %arg0 : i32
  }
  func.func @transform_11(%arg0: i32) -> i32 {
    %c0_i32 = arith.constant 0 : i32
    return %arg0 : i32
  }
  func.func @transform_12(%arg0: i32) -> i32 {
    %c0_i32 = arith.constant 0 : i32
    return %arg0 : i32
  }
  func.func @transform_13(%arg0: i32) -> i32 {
    %c0_i32 = arith.constant 0 : i32
    return %arg0 : i32
  }
  func.func @transform_14(%arg0: i32) -> i32 {
    %c0_i32 = arith.constant 0 : i32
    return %arg0 : i32
  }
  func.func @transform_15(%arg0: i32) -> i32 {
    %c0_i32 = arith.constant 0 : i32
    return %arg0 : i32
  }
  func.func @transform_16(%arg0: i32) -> i32 {
    %c0_i32 = arith.constant 0 : i32
    return %arg0 : i32
  }
  func.func @transform_17(%arg0: i32) -> i32 {
    %c0_i32 = arith.constant 0 : i32
    return %arg0 : i32
  }
}

</mosaic_0001>

<sc_bundles>
// kernel: kernel.10.cloned.1.call-start
scs
__scs_entry_jumppad:
0x0: {  	(pc) =	sbr.rel $0x88, $3  }
0x1: {  	(tag) =	ssettag $0x0;
	lr =	simm.s32 $0x1  }
0x2: {  	[smem:$0x3F98] =	sst lr;
	_ =	strace $0xD0000000  }
0x3: {  	_ = 	snop  }
0x4: {  	_ = 	snop  }
0x5: {  	_ = 	snop  }
0x6: {  	_ = 	snop  }
0x7: {  	_ = 	snop  }
__scs_overlays_trampoline_lowered:
0x8: {  	[smem:$0x3FA7] =	sst s0  }
0x9: {  	[smem:$0x3FA8] =	sst s1  }
0xa: {  	[smem:$0x3FA9] =	sst s2  }
0xb: {  	[smem:$0x3FAA] =	sst s3  }
0xc: {  	[smem:$0x3FAB] =	sst s4  }
0xd: {  	[smem:$0x3FAC] =	sst s5  }
0xe: {  	[smem:$0x3FAD] =	sst s6  }
0xf: {  	[smem:$0x3FAE] =	sst s7  }
0x10: {  	[smem:$0x3FAF] =	sst s8  }
0x11: {  	[smem:$0x3FB0] =	sst s9;
	s0 =	simm.s32 @!p0 $0x0  }
0x12: {  	s1 =	sld [smem:$0x3F96];
	s0 =	simm.s32 @p0 $0x1  }
0x13: {  	[smem:$0x3FB1] =	sst s0;
	s0 =	simm.s32 @!p1 $0x0  }
0x14: {  	s2 =	sld [smem:$0x3F95];
	s0 =	simm.s32 @p1 $0x1  }
0x15: {  	[smem:$0x3FB2] =	sst s0;
	s0 =	simm.s32 @!p2 $0x0  }
0x16: {  	s3 =	sld [smem:$0x3FDB];
	s0 =	simm.s32 @p2 $0x1  }
0x17: {  	s4 =	simm.s32 $0x1BF5;
	[smem:$0x3FB4] =	sst s0  }
0x18: {  	s0 =	sld [smem:$0x3F97];
	_ =	swait.ge [sflag:s4], $0x0  }
0x19: {  	s7 =	sld [smem:$0x3F98]  }
0x1a: {  	s8 =	sadd.s32 $0xFFFFE003, lr  }
0x1b: {  	s9 =	sadd.s32 $0xFFFFFEF7, lr;
	s5 =	simm.s32 $0xFFFFFFFF;
	p2 =	slt.u32 s8, $0xFFFFF086  }
0x1c: {  	p1 =	slt.u32 s9, $0xF7A;
	s5 =	simm.s32 @!p2 $0x0  }
0x1d: {  	s5 =	simm.s32 @p1 $0x1;
	p0 =	seq.s32 s7, s2  }
0x1e: {  	s7 =	smul.u32 @!p0 $0xF7A, s2;
	p2 =	seq.s32 @!p0 s5, $0x0  }
0x1f: {  	s9 =	smul.u32 $0xF7A, s1;
	s8 =	simm.s32 @!p0 $0x1BF5;
	p2 =	por !p2, p0  }
0x20: {  	[sflag:s8] =	ssyncset.s32 @!p0 $0xFFFFF086;
	s6 =	sadd.s32 @!p0 s3, s7;
	s7 =	simm.s32 @!p0 $0x108  }
0x21: {  	s3 =	sadd.s32 s3, s9;
	s6 =	sadd.s32 @!p0 $0x88, s6;
	s7 =	simm.s32 @p2 $0x1082  }
0x22: {  	[simem:s7], [sflag:s8] =	dma.local @!p0 [hbm:s6], $0xF7A  }
0x23: {  	s9 =	sor.u32 $0xD0000000, s2;
	s6 =	simm.s32 $0x108;
	_ =	swait.ge @!p0 [sflag:s8], $0x0  }
0x24: {  	s3 =	sadd.s32 $0x88, s3;
	s6 =	simm.s32 @!p1 $0x1082;
	[sflag:s4] =	ssyncset.s32 $0xFFFFF086  }
0x25: {  	[simem:s6], [sflag:s4] =	dma.local [hbm:s3], $0xF7A  }
0x26: {  	[smem:$0x3F98] =	sst s1;
	(tag) =	ssettag s2;
	_ =	strace s9  }
0x27: {  	s1 =	sld [smem:$0x3FA8]  }
0x28: {  	s2 =	sld [smem:$0x3FA9]  }
0x29: {  	s4 =	sld [smem:$0x3FAB]  }
0x2a: {  	p0 =	seq.s32 s5, $0x0;
	s5 =	sld [smem:$0x3FAC]  }
0x2b: {  	s6 =	sld [smem:$0x3FAD]  }
0x2c: {  	s7 =	sld [smem:$0x3FAE]  }
0x2d: {  	s3 =	simm.s32 $0x108;
	s8 =	sld [smem:$0x3FAF]  }
0x2e: {  	s3 =	simm.s32 @!p0 $0x1082;
	s9 =	sld [smem:$0x3FB0]  }
0x2f: {  	lr =	sadd.s32 s0, s3;
	s0 =	sld [smem:$0x3FA7]  }
0x30: {  	s3 =	sld [smem:$0x3FAA]  }
0x31: {  	[smem:$0x3FB3] =	sst s10  }
0x32: {  	s10 =	sld [smem:$0x3FB1];
	_ =	sdelay $0x3  }
0x33: {  	p0 =	seq.s32 s10, $0x1;
	s10 =	sld [smem:$0x3FB3];
	_ =	sdelay $0x3  }
0x34: {  	[smem:$0x3FB3] =	sst s10  }
0x35: {  	s10 =	sld [smem:$0x3FB2];
	_ =	sdelay $0x3  }
0x36: {  	p1 =	seq.s32 s10, $0x1;
	s10 =	sld [smem:$0x3FB3];
	_ =	sdelay $0x3  }
0x37: {  	[smem:$0x3FB3] =	sst s10  }
0x38: {  	s10 =	sld [smem:$0x3FB4]  }
0x39: {  	_ = 	snop;
	(pc) =	sbr.ind lr, $3  }
0x3a: {  	_ = 	snop  }
0x3b: {  	_ = 	snop  }
0x3c: {  	p2 =	seq.s32 s10, $0x1;
	s10 =	sld [smem:$0x3FB3]  }
0x3d: {  	_ =	shalt  }
0x3e: {  	_ =	shalt  }
0x3f: {  	_ =	shalt  }
0x40: {  	_ =	shalt  }
0x41: {  	_ =	shalt  }
0x42: {  	_ =	shalt  }
0x43: {  	_ =	shalt  }
0x44: {  	_ =	shalt  }
0x45: {  	_ =	shalt  }
0x46: {  	_ =	shalt  }
0x47: {  	_ =	shalt  }
0x48: {  	_ =	shalt  }
0x49: {  	_ =	shalt  }
0x4a: {  	_ =	shalt  }
0x4b: {  	_ =	shalt  }
0x4c: {  	_ =	shalt  }
0x4d: {  	_ =	shalt  }
0x4e: {  	_ =	shalt  }
0x4f: {  	_ =	shalt  }
0x50: {  	_ =	shalt  }
0x51: {  	_ =	shalt  }
0x52: {  	_ =	shalt  }
0x53: {  	_ =	shalt  }
0x54: {  	_ =	shalt  }
0x55: {  	_ =	shalt  }
0x56: {  	_ =	shalt  }
0x57: {  	_ =	shalt  }
0x58: {  	_ =	shalt  }
0x59: {  	_ =	shalt  }
0x5a: {  	_ =	shalt  }
0x5b: {  	_ =	shalt  }
0x5c: {  	_ =	shalt  }
0x5d: {  	_ =	shalt  }
0x5e: {  	_ =	shalt  }
0x5f: {  	_ =	shalt  }
0x60: {  	_ =	shalt  }
0x61: {  	_ =	shalt  }
0x62: {  	_ =	shalt  }
0x63: {  	_ =	shalt  }
0x64: {  	_ =	shalt  }
0x65: {  	_ =	shalt  }
0x66: {  	_ =	shalt  }
0x67: {  	_ =	shalt  }
0x68: {  	_ =	shalt  }
0x69: {  	_ =	shalt  }
0x6a: {  	_ =	shalt  }
0x6b: {  	_ =	shalt  }
0x6c: {  	_ =	shalt  }
0x6d: {  	_ =	shalt  }
0x6e: {  	_ =	shalt  }
0x6f: {  	_ =	shalt  }
0x70: {  	_ =	shalt  }
0x71: {  	_ =	shalt  }
0x72: {  	_ =	shalt  }
0x73: {  	_ =	shalt  }
0x74: {  	_ =	shalt  }
0x75: {  	_ =	shalt  }
0x76: {  	_ =	shalt  }
0x77: {  	_ =	shalt  }
0x78: {  	_ =	shalt  }
0x79: {  	_ =	shalt  }
0x7a: {  	_ =	shalt  }
0x7b: {  	_ =	shalt  }
0x7c: {  	_ =	shalt  }
0x7d: {  	_ =	shalt  }
0x7e: {  	_ =	shalt  }
0x7f: {  	_ =	shalt  }
0x80: {  	_ =	shalt  }
0x81: {  	_ =	shalt  }
0x82: {  	_ =	shalt  }
0x83: {  	_ =	shalt  }
0x84: {  	_ =	shalt  }
0x85: {  	_ =	shalt  }
0x86: {  	_ =	shalt  }
0x87: {  	_ =	shalt  }
.Lfunc_end0:
.L_simem_size_0:
called_computation.1_lowered:
.L_overlay_start_0:
0x88: {  	s2 =	sld [smem:$0x3FD9]  }
0x89: {  	s3 =	sld [smem:$0x3FFE];
	_ =	sdelay $0x1  }
0x8a: {  	s1 =	srdreg.scid  }
0x8b: {  	s0 =	sand.u32 $0x1, s1  }
0x8c: {  	s17 =	sshll.u32 s0, $0xA;
	s2 =	sadd.s32 s3, s2  }
0x8d: {  	s2 =	sadd.s32 s2, s17  }
0x8e: {  	[smem:$0x3FBF] =	sst s2  }
0x8f: {  	_ = 	snop  }
0x90: {  	s2 =	sld [smem:$0x3FD0];
	(tm) =	ssettm $0x1  }
0x91: {  	s18 =	sld [smem:$0x3FFB];
	_ =	sdelay $0x3  }
0x92: {  	_ =	strace s18  }
0x93: {  	s3 =	sld [smem:$0x3FFC];
	_ =	sdelay $0x3  }
0x94: {  	_ =	strace s3  }
0x95: {  	s3 =	sld [smem:$0x3FFD];
	_ =	sdelay $0x3  }
0x96: {  	_ =	strace s3  }
0x97: {  	_ =	strace $0x8FFFFFFF  }
0x98: {  	s19 =	sld [smem:$0x3FDB];
	_ =	sdelay $0x1  }
0x99: {  	s4 =	simm.s32 $_scs_section_size  }
0x9a: {  	s5 =	simm.s32 $_size__tile_overlayer_lowered;
	s6 =	simm.s32 $_tile_overlayer_lowered  }
0x9b: {  	s22 =	simm.s32 $0x1BFF;
	s21 =	sshll.u32 s6, $0x1;
	s3 =	sadd.s32 s4, s19  }
0x9c: {  	s7 =	simm.s32 $0x0;
	s20 =	sshll.u32 s5, $0x1;
	s5 =	sadd.s32 s21, s3  }
0x9d: {  	[timem:s7], [sflag:s22] =	dma.local [hbm:s5], s20  }
0x9e: {  	_ =	swait.ge [sflag:s22], s20  }
0x9f: {  	s4 =	ssub.s32 $0x0, s20;
	[sflag:s22] =	ssyncset.done $0x0  }
0xa0: {  	[sflag:s22] =	ssyncadd.s32 s4;
	_ =	sdelay $0x1  }
0xa1: {  	s23 =	simm.s32 $0x1B8B  }
0xa2: {  	_ =	swait.ge [sflag:s23], $0x1  }
0xa3: {  	[sflag:s23] =	ssyncset.done $0x0  }
0xa4: {  	s25 =	simm.s32 $0x1B8E;
	s24 =	sld [smem:$0x3FFE];
	[sflag:s23] =	ssyncadd.s32 $0xFFFFFFFF  }
0xa5: {  	s26 =	simm.s32 $execute0_lowered;
	[smem:$0x3FD2] =	sst s25  }
0xa6: {  	s5 =	sshll.u32 s26, $0x1;
	_ =	strace $0x80000049;
	[dreg:$0x1] =	wrdreg $0xFFFFFFFF  }
0xa7: {  	s28 =	simm.s32 $_size_execute0_lowered;
	s3 =	sadd.s32 s3, s5;
	[dreg:$0x0] =	wrdreg $0x0  }
0xa8: {  	s5 =	sshll.u32 s28, $0x1;
	[dreg:$0x2] =	wrdreg s3  }
0xa9: {  	[dreg:$0x3] =	wrdreg s5  }
0xaa: {  	[dreg:$0x4] =	wrdreg $0xC0  }
0xab: {  	_ =	task [dreg:s7], $0x5FFFF  }
0xac: {  	[dreg:$0x1] =	wrdreg $0xFFFFFFFF  }
0xad: {  	[dreg:$0x0] =	wrdreg $0x60  }
0xae: {  	[dreg:$0x2] =	wrdreg s24  }
0xaf: {  	[dreg:$0x3] =	wrdreg s2  }
0xb0: {  	[dreg:$0x4] =	wrdreg $0x9  }
0xb1: {  	_ =	task.clear_ibuf [dreg:s7], $0x5FFFF;
	_ =	strace $0x90000049  }
0xb2: {  	s29 =	simm.s32 $0x9;
	_ =	strace $0x8000004B  }
0xb3: {  	_ =	swait.ge [sflag:s29], $0x1  }
0xb4: {  	[sflag:s29] =	ssyncadd.s32 $0xFFFFFFFF  }
0xb5: {  	_ =	strace $0x9000004B  }
0xb6: {  	_ =	sfence  }
0xb7: {  	s30 =	sld [smem:$0x0];
	_ =	sdelay $0x2  }
0xb8: {  	s31 =	sshll.u32 s1, $0xD;
	s1 =	sshrl.u32 s1, $0x2  }
0xb9: {  	s3 =	sand.u32 $0x4000, s31;
	s1 =	sadd.s32 s1, s30  }
0xba: {  	s0 =	sor.u32 s3, s0;
	s1 =	sshll.u32 s1, $0x11  }
0xbb: {  	s0 =	sor.u32 s1, s0  }
0xbc: {  	s0 =	sadd.s32 $0x8F2B, s0  }
0xbd: {  	[sflag:s0] =	ssyncadd.remote.s32 $0x1  }
0xbe: {  	_ =	sfence.sel $0xFFFF  }
0xbf: {  	[dreg:$0x0] =	wrdreg $0xFFFFFFFF;
	(pc) =	sbr.abs _section_cstart, $3  }
0xc0: {  	[dreg:$0x1] =	wrdreg $0xFFFFFFFF  }
0xc1: {  	_ =	task.clear_ibuf [dreg:s7], $0x2FFFF;
	_ =	strace $0x9FFFFFFF  }
0xc2: {  	(tm) =	ssettm $0x7FFFFFFF  }
0xc3: {  	_ =	shalt  }
tec
execute0_lowered:
.L_overlay_start_1:
0x0: {  	(tag) =	ssettag $0x1  }
0x1: {  	s0 =	stileid.u32;
	s3 =	rddreg [dreg:$0x0]  }
0x2: {  	s1 =	srdreg.scid;
	s9 =	rddreg [dreg:$0x1];
	s13 =	simm.s32 $0x2  }
0x3: {  	s14 =	simm.s32 $0x12680;
	s15 =	simm.s32 $0x3100;
	s16 =	simm.s32 $0x6200  }
0x4: {  	s17 =	simm.s32 $0x9300;
	s18 =	simm.s32 $0xC400;
	s19 =	simm.s32 $0x1  }
0x5: {  	s20 =	simm.s32 $0xF500;
	s2 =	sshll.u32 s0, $0x1;
	s4 =	sand.u32 $0x1, s1  }
0x6: {  	s30 =	sshrl.u32 s0, $0x2;
	s1 =	rddreg [dreg:$0x2];
	s29 =	sand.u32 $0x6, s2  }
0x7: {  	s6 =	smul.u32 $0x3100, s30;
	s2 =	simm.s32 $0x0;
	s5 =	sor.u32 s4, s29  }
0x8: {  	s21 =	simm.s32 $0x0;
	[smem:$0x7FF] =	sst s2;
	s7 =	smul.u32 $0xC350, s5  }
0x9: {  	s4 =	ssub.s32 $0x2, s4;
	s8 =	smin.u32 s6, $0x9250;
	_ =	strace $0x8000004A  }
0xa: {  	s5 =	sshll.u32 s5, $0x1;
	s31 =	sshrl.u32 s4, $0x1;
	s6 =	sadd.s32 s8, s7  }
0xb: {  	s5 =	sadd.s32 s5, s3;
	s11 =	ssub.s32 s4, s31;
	s6 =	sshrl.u32 s6, $0x3  }
0xc: {  	s12 =	sshrl.u32 s8, $0x3;
	s4 =	sadd.s32 $0x1F3E00, s5;
	s10 =	sadd.s32 s6, s3  }
0xd: {  	s9 =	sadd.s32 s9, s12;
	s3 =	sadd.s32 $0x1F3C00, s5;
	s5 =	sadd.s32 $0x1C2E00, s10  }
0xe: {  	s11 =	smax.u32 s11, $0x1;
	s6 =	sadd.s32 $0x1CF150, s10;
	s7 =	sadd.s32 $0x1DB4A0, s10  }
0xf: {  	s12 =	simm.s32 $0x12600;
	s8 =	sadd.s32 $0x1E77F0, s10;
	s10 =	sadd.s32 $0x96E00, s10  }
.LBB2_1:
0x10: {  	[tilespmem:s12], [sflag:$0x2] =	stream.linear.gather [hbm4b:s3+s2], $0x10, $0x38;
	[tilespmem:$0x12700] =	vst v63  }
0x11: {  	_ =	swait.ge [sflag:s13], $0x10  }
0x12: {  	[sflag:s13] =	ssyncset.done $0x0  }
0x13: {  	[sflag:s13] =	ssyncadd.s32 $0xFFFFFFF0  }
0x14: {  	[tilespmem:s14], [sflag:$0x2] =	stream.linear.gather [hbm4b:s4+s2], $0x10, $0x38;
	[tilespmem:$0x12700] =	vst v63  }
0x15: {  	_ =	swait.ge [sflag:s13], $0x10  }
0x16: {  	[sflag:s13] =	ssyncset.done $0x0  }
0x17: {  	[sflag:s13] =	ssyncadd.s32 $0xFFFFFFF0  }
0x18: {  	[tilespmem:s2], [sflag:$0x1] =	stream.linear.gather [hbm4b:s5+s2], $0x3100, $0x38;
	[tilespmem:$0x12700] =	vst v63  }
0x19: {  	_ = 	snop  }
0x1a: {  	[tilespmem:s15], [sflag:$0x1] =	stream.linear.gather [hbm4b:s6+s2], $0x3100, $0x38;
	[tilespmem:$0x12700] =	vst v63  }
0x1b: {  	_ = 	snop  }
0x1c: {  	[tilespmem:s16], [sflag:$0x1] =	stream.linear.gather [hbm4b:s7+s2], $0x3100, $0x38;
	[tilespmem:$0x12700] =	vst v63  }
0x1d: {  	_ = 	snop  }
0x1e: {  	[tilespmem:s17], [sflag:$0x1] =	stream.linear.gather [hbm4b:s8+s2], $0x3100, $0x38;
	[tilespmem:$0x12700] =	vst v63  }
0x1f: {  	_ = 	snop  }
0x20: {  	[tilespmem:s18], [sflag:$0x1] =	stream.linear.gather [hbm4b:s9+s2], $0x3100, $0x38;
	[tilespmem:$0x12700] =	vst v63  }
0x21: {  	_ =	swait.ge [sflag:s19], $0x3100  }
0x22: {  	[sflag:s19] =	ssyncset.done $0x0  }
0x23: {  	[sflag:s19] =	ssyncadd.s32 $0xFFFFCF00  }
0x24: {  	_ =	swait.ge [sflag:s19], $0x3100  }
0x25: {  	[sflag:s19] =	ssyncset.done $0x0  }
0x26: {  	[sflag:s19] =	ssyncadd.s32 $0xFFFFCF00  }
0x27: {  	_ =	swait.ge [sflag:s19], $0x3100  }
0x28: {  	[sflag:s19] =	ssyncset.done $0x0  }
0x29: {  	[sflag:s19] =	ssyncadd.s32 $0xFFFFCF00  }
0x2a: {  	_ =	swait.ge [sflag:s19], $0x3100  }
0x2b: {  	[sflag:s19] =	ssyncset.done $0x0  }
0x2c: {  	[sflag:s19] =	ssyncadd.s32 $0xFFFFCF00  }
0x2d: {  	_ =	swait.ge [sflag:s19], $0x3100  }
0x2e: {  	[sflag:s19] =	ssyncset.done $0x0  }
0x2f: {  	[sflag:s19] =	ssyncadd.s32 $0xFFFFCF00  }
0x30: {  	s22 =	simm.s32 $0x0;
	v0 =	vld [tilespmem:$0x12600]  }
0x31: {  	v2 =	vld [tilespmem:s22+$0x9330]  }
0x32: {  	v3 =	vld [tilespmem:s22+$0x9320]  }
0x33: {  	v4 =	vld [tilespmem:s22+$0x6230]  }
0x34: {  	v1 =	vld [tilespmem:s22+$0x6220]  }
0x35: {  	v5 =	vld [tilespmem:s22+$0x0]  }
0x36: {  	v6 =	vld [tilespmem:s22+$0xC420]  }
0x37: {  	v7 =	vld [tilespmem:s22+$0x3130]  }
0x38: {  	v8 =	vld [tilespmem:s22+$0x3120]  }
0x39: {  	v9 =	vld [tilespmem:s22+$0x3110]  }
0x3a: {  	v10 =	vld [tilespmem:s22+$0x20]  }
0x3b: {  	v11 =	vld [tilespmem:s22+$0x30]  }
0x3c: {  	v12 =	vld [tilespmem:s22+$0x10]  }
0x3d: {  	v13 =	vld [tilespmem:s22+$0x6210]  }
0x3e: {  	v14 =	vld [tilespmem:s22+$0x9310]  }
0x3f: {  	v57 =	vld [tilespmem:s22+$0xC430];
	v8 =	vadd.f32 v8, v10  }
0x40: {  	s23 =	sand.u32 $0x3FC0, s2;
	v15 =	vld [tilespmem:s22+$0xC410];
	v7 =	vadd.f32 v7, v11  }
0x41: {  	v58 =	vld [tilespmem:s23+$0x3100];
	v9 =	vadd.f32 v9, v12;
	v8 =	vadd.f32 v1, v8  }
0x42: {  	v1 =	vld [tilespmem:$0x12680];
	v4 =	vadd.f32 v4, v7  }
0x43: {  	v6 =	vmul.f32 v6, v0;
	v7 =	vld [tilespmem:s23+$0x6200];
	v9 =	vadd.f32 v13, v9;
	v3 =	vadd.f32 v3, v8  }
0x44: {  	v59 =	vld [tilespmem:s23+$0xC400];
	v2 =	vadd.f32 v2, v4;
	v4 =	vmul.f32 v57, v0  }
0x45: {  	v60 =	vld [tilespmem:s23+$0x9300];
	v61 =	vmul.f32 v15, v0;
	v9 =	vadd.f32 v14, v9;
	v3 =	vadd.f32 v6, v3  }
0x46: {  	v5 =	vadd.f32 v58, v5;
	v4 =	vadd.f32 v4, v2  }
0x47: {  	v6 =	vadd.f32 v61, v9;
	v2 =	vadd.f32 v3, v1  }
0x48: {  	v3 =	vadd.f32 v7, v5;
	v5 =	vadd.f32 v4, v1  }
0x49: {  	v7 =	vmul.f32 v59, v0;
	v4 =	vadd.f32 v6, v1;
	v6 =	vmin.f32 v2, $0.0e+00  }
0x4a: {  	v3 =	vadd.f32 v60, v3;
	v62 =	vmin.f32 v5, $0.0e+00;
	v6 =	vmul.f32 $1.442695020e+00, v6  }
0x4b: {  	v63 =	vmin.f32 v4, $0.0e+00;
	v8 =	vmul.f32 $1.442695020e+00, v62  }
0x4c: {  	v3 =	vadd.f32 v7, v3;
	v7 =	vmul.f32 $1.442695020e+00, v63;
	(erf) = vpow2.f32 v6  }
0x4d: {  	(erf) = vpow2.f32 v8  }
0x4e: {  	s24 =	simm.s32 $0x4;
	s25 =	simm.s32 $0x100;
	s23 =	simm.s32 $0x40;
	v3 =	vadd.f32 v3, v1;
	(erf) = vpow2.f32 v7  }
.LBB2_2:
0x4f: {  	s24 =	sadd.s32 $0x4, s24;
	s28 =	sshra.s32 s25, $0x2;
	s26 =	sand.u32 $0x3FC0, s23  }
0x50: {  	p0 =	slt.u32 s24, $0x30C;
	v6 =	vld [tilespmem:s28+$0x9330];
	v7 =	vmin.f32 v3, $0.0e+00  }
0x51: {  	v8 =	vld [tilespmem:s28+$0x9320];
	v7 =	vmul.f32 $1.442695020e+00, v7  }
0x52: {  	v9 =	vld [tilespmem:s28+$0x6230]  }
0x53: {  	v10 =	vld [tilespmem:s28+$0x6220];
	(erf) = vpow2.f32 v7  }
0x54: {  	v7 =	vld [tilespmem:s28+$0x0]  }
0x55: {  	v11 =	vld [tilespmem:s28+$0xC420];
	v12 =	vpop (erf)  }
0x56: {  	v13 =	vld [tilespmem:s28+$0x3130];
	v14 =	vpop (erf)  }
0x57: {  	v15 =	vld [tilespmem:s28+$0x3120];
	v14 =	vadd.f32 $-1.000000000e+00, v14;
	v16 =	vpop (erf)  }
0x58: {  	vm0 =	vgt.f32 v5, $0.0e+00;
	v12 =	vadd.f32 $-1.000000000e+00, v12;
	v17 =	vld [tilespmem:s28+$0x3110];
	v16 =	vadd.f32 $-1.000000000e+00, v16  }
0x59: {  	vm1 =	vgt.f32 v4, $0.0e+00;
	vm2 =	vgt.f32 v2, $0.0e+00;
	v18 =	vld [tilespmem:s28+$0x20];
	v5 =	vsel vm0, v5, v14  }
0x5a: {  	v12 =	vsel vm2, v2, v12;
	v14 =	vld [tilespmem:s28+$0x30];
	v4 =	vsel vm1, v4, v16;
	[tilespmem:s22+$0xF530] =	vst v5  }
0x5b: {  	v5 =	vld [tilespmem:s28+$0x10];
	[tilespmem:s22+$0xF510] =	vst v4  }
0x5c: {  	v4 =	vld [tilespmem:s28+$0x6210];
	[tilespmem:s22+$0xF520] =	vst v12;
	v2 =	vpop (erf)  }
0x5d: {  	vm0 =	vgt.f32 v3, $0.0e+00;
	v11 =	vmul.f32 v11, v0;
	v12 =	vld [tilespmem:s28+$0x9310];
	v2 =	vadd.f32 $-1.000000000e+00, v2  }
0x5e: {  	v15 =	vadd.f32 v15, v18;
	v16 =	vld [tilespmem:s28+$0xC430]  }
0x5f: {  	v18 =	vld [tilespmem:s28+$0xC410];
	v13 =	vadd.f32 v13, v14;
	v2 =	vsel vm0, v3, v2  }
0x60: {  	v3 =	vadd.f32 v17, v5;
	v5 =	vadd.f32 v10, v15;
	[tilespmem:s22+$0xF500] =	vst v2;
	s22 =	smov.u32 s28  }
0x61: {  	v2 =	vld [tilespmem:s26+$0x3100];
	v9 =	vadd.f32 v9, v13  }
0x62: {  	v10 =	vld [tilespmem:s26+$0x6200];
	v3 =	vadd.f32 v4, v3  }
0x63: {  	v5 =	vadd.f32 v8, v5;
	v4 =	vld [tilespmem:s26+$0xC400]  }
0x64: {  	v6 =	vadd.f32 v6, v9;
	v9 =	vmul.f32 v16, v0;
	v8 =	vld [tilespmem:s26+$0x9300];
	v3 =	vadd.f32 v12, v3  }
0x65: {  	v12 =	vmul.f32 v18, v0;
	v5 =	vadd.f32 v11, v5  }
0x66: {  	v6 =	vadd.f32 v9, v6;
	v7 =	vadd.f32 v2, v7  }
0x67: {  	v3 =	vadd.f32 v12, v3;
	v2 =	vadd.f32 v5, v1  }
0x68: {  	v5 =	vadd.f32 v6, v1;
	v7 =	vadd.f32 v10, v7  }
0x69: {  	v6 =	vmul.f32 v4, v0;
	v4 =	vadd.f32 v3, v1;
	v3 =	vmin.f32 v2, $0.0e+00  }
.Ltmp0:
0x6a: {  	v3 =	vmul.f32 $1.442695020e+00, v3;
	v7 =	vadd.f32 v8, v7;
	v8 =	vmin.f32 v5, $0.0e+00;
	(pc) =	sbr.rel @p0 .LBB2_2-.Ltmp0, $4  }
0x6b: {  	v9 =	vmin.f32 v4, $0.0e+00;
	v8 =	vmul.f32 $1.442695020e+00, v8  }
0x6c: {  	v6 =	vadd.f32 v6, v7;
	v7 =	vmul.f32 $1.442695020e+00, v9;
	(erf) = vpow2.f32 v3  }
0x6d: {  	(erf) = vpow2.f32 v8  }
0x6e: {  	s25 =	sadd.s32 $0x100, s25;
	s23 =	sadd.s32 $0x40, s23;
	v3 =	vadd.f32 v6, v1;
	(erf) = vpow2.f32 v7  }
0x6f: {  	_ = 	snop  }
0x70: {  	s24 =	sshra.s32 s25, $0x2;
	v9 =	vmin.f32 v3, $0.0e+00  }
0x71: {  	v6 =	vld [tilespmem:s24+$0x9330];
	v9 =	vmul.f32 $1.442695020e+00, v9  }
0x72: {  	v7 =	vld [tilespmem:s24+$0x9320]  }
0x73: {  	v8 =	vld [tilespmem:s24+$0x6230];
	(erf) = vpow2.f32 v9  }
0x74: {  	v10 =	vld [tilespmem:s24+$0x6220]  }
0x75: {  	v11 =	vld [tilespmem:s24+$0x0]  }
0x76: {  	v12 =	vld [tilespmem:s24+$0xC420];
	v34 =	vpop (erf)  }
0x77: {  	v13 =	vld [tilespmem:s24+$0x3130];
	v14 =	vpop (erf)  }
0x78: {  	v15 =	vld [tilespmem:s24+$0x3120];
	v14 =	vadd.f32 $-1.000000000e+00, v14;
	v17 =	vpop (erf)  }
0x79: {  	vm0 =	vgt.f32 v5, $0.0e+00;
	v16 =	vld [tilespmem:s24+$0x3110];
	v17 =	vadd.f32 $-1.000000000e+00, v17  }
0x7a: {  	vm10 =	vgt.f32 v4, $0.0e+00;
	v18 =	vld [tilespmem:s24+$0x20];
	v36 =	vadd.f32 $-1.000000000e+00, v34;
	v5 =	vsel vm0, v5, v14  }
0x7b: {  	vm11 =	vgt.f32 v2, $0.0e+00;
	v35 =	vld [tilespmem:s24+$0x30];
	[tilespmem:s22+$0xF530] =	vst v5;
	v4 =	vsel vm10, v4, v17  }
0x7c: {  	v2 =	vsel vm11, v2, v36;
	v37 =	vld [tilespmem:s24+$0x10];
	[tilespmem:s22+$0xF510] =	vst v4;
	v38 =	vpop (erf)  }
0x7d: {  	v4 =	vld [tilespmem:s24+$0x6210];
	[tilespmem:s22+$0xF520] =	vst v2;
	v2 =	vadd.f32 $-1.000000000e+00, v38  }
0x7e: {  	vm12 =	vgt.f32 v3, $0.0e+00;
	v39 =	vld [tilespmem:s24+$0x9310]  }
0x7f: {  	v40 =	vld [tilespmem:s24+$0xC430];
	v2 =	vsel vm12, v3, v2  }
0x80: {  	s23 =	sand.u32 $0x3FC0, s23;
	v41 =	vld [tilespmem:s24+$0xC410];
	[tilespmem:s22+$0xF500] =	vst v2  }
0x81: {  	v43 =	vld [tilespmem:s23+$0x3100];
	_ =	sdelay $0x1  }
0x82: {  	v42 =	vadd.f32 v15, v18;
	v44 =	vld [tilespmem:s23+$0x6200]  }
0x83: {  	v13 =	vadd.f32 v13, v35;
	v45 =	vld [tilespmem:s23+$0xC400]  }
0x84: {  	v9 =	vadd.f32 v16, v37;
	v2 =	vadd.f32 v10, v42;
	v46 =	vld [tilespmem:s23+$0x9300]  }
0x85: {  	v8 =	vadd.f32 v8, v13;
	v47 =	vadd.f32 v43, v11  }
0x86: {  	v12 =	vmul.f32 v12, v0;
	v4 =	vadd.f32 v4, v9;
	v2 =	vadd.f32 v7, v2  }
0x87: {  	v6 =	vadd.f32 v6, v8;
	v48 =	vmul.f32 v40, v0;
	v5 =	vadd.f32 v44, v47  }
0x88: {  	v3 =	vmul.f32 v41, v0;
	v4 =	vadd.f32 v39, v4;
	v2 =	vadd.f32 v12, v2  }
0x89: {  	v6 =	vadd.f32 v48, v6;
	v49 =	vmul.f32 v45, v0;
	v50 =	vadd.f32 v46, v5  }
0x8a: {  	v3 =	vadd.f32 v3, v4;
	v2 =	vadd.f32 v2, v1  }
0x8b: {  	v51 =	vadd.f32 v6, v1;
	v0 =	vadd.f32 v49, v50  }
0x8c: {  	v3 =	vadd.f32 v3, v1;
	v52 =	vmin.f32 v2, $0.0e+00  }
0x8d: {  	v54 =	vmin.f32 v51, $0.0e+00;
	v53 =	vmul.f32 $1.442695020e+00, v52;
	v0 =	vadd.f32 v0, v1  }
0x8e: {  	v6 =	vmul.f32 $1.442695020e+00, v54;
	v55 =	vmin.f32 v3, $0.0e+00  }
0x8f: {  	v56 =	vmul.f32 $1.442695020e+00, v55;
	(erf) = vpow2.f32 v53;
	v57 =	vmin.f32 v0, $0.0e+00  }
0x90: {  	(erf) = vpow2.f32 v6;
	v58 =	vmul.f32 $1.442695020e+00, v57  }
0x91: {  	(erf) = vpow2.f32 v56  }
0x92: {  	(erf) = vpow2.f32 v58;
	_ =	sdelay $0x5  }
0x93: {  	v59 =	vpop (erf)  }
0x94: {  	v60 =	vpop (erf);
	v1 =	vadd.f32 $-1.000000000e+00, v59  }
0x95: {  	vm14 =	vgt.f32 v2, $0.0e+00;
	v4 =	vadd.f32 $-1.000000000e+00, v60;
	v61 =	vpop (erf)  }
0x96: {  	vm13 =	vgt.f32 v51, $0.0e+00;
	v6 =	vadd.f32 $-1.000000000e+00, v61;
	v1 =	vsel vm14, v2, v1;
	v62 =	vpop (erf)  }
0x97: {  	vm1 =	vgt.f32 v3, $0.0e+00;
	v4 =	vsel vm13, v51, v4;
	[tilespmem:s24+$0xF520] =	vst v1;
	v63 =	vadd.f32 $-1.000000000e+00, v62  }
0x98: {  	s21 =	sadd.s32 $0x1, s21;
	vm15 =	vgt.f32 v0, $0.0e+00;
	v3 =	vsel vm1, v3, v6;
	[tilespmem:s24+$0xF530] =	vst v4  }
0x99: {  	p0 =	sne.s32 s21, s11;
	[tilespmem:s24+$0xF510] =	vst v3;
	v0 =	vsel vm15, v0, v63  }
.Ltmp1:
0x9a: {  	[tilespmem:s24+$0xF500] =	vst v0;
	(pc) =	sbr.rel @p0 .LBB2_1-.Ltmp1, $4  }
0x9b: {  	[hbm4b:s10+s2] =	stream.linear.scatter [tilespmem:s20], [sflag:$0x2], $0x3100, $0x38;
	[tilespmem:$0x12700] =	vst v63  }
0x9c: {  	_ =	swait.ge [sflag:s13], $0x3100  }
0x9d: {  	[sflag:s13] =	ssyncset.done $0x0  }
0x9e: {  	[sflag:s13] =	ssyncadd.s32 $0xFFFFCF00  }
0x9f: {  	_ =	sfence.sel $0x180000  }
0xa0: {  	[bflag:$0x0] =	sbarrier.arrive $0xFFFF  }
0xa1: {  	p0 =	sne.s32 s0, $0x0;
	_ =	strace $0x9000004A  }
0xa2: {  	s0 =	sadd.s32 @!p0 $0x100000, s1;
	[bflag:$0x2] =	sbarrier.arrive $0xFFFF  }
0xa3: {  	[sflag:s0] =	ssyncadd.tile.s32 @!p0 $0x1;
	_ =	shalt  }
.Lfunc_end2:
_tile_overlayer_lowered:
.L_overlay_start_2:
0xa4: {  	(tag) =	ssettag $0x2  }
0xa5: {  	s0 =	rddreg [dreg:$0x0];
	s2 =	stileid.u32  }
0xa6: {  	s1 =	rddreg [dreg:$0x1];
	p0 =	sne.s32 s2, $0x0  }
0xa7: {  	s3 =	rddreg [dreg:$0x2];
	[bflag:$0x3] =	sbarrier.arrive $0xFFFF;
	s2 =	simm.s32 @!p0 $0x1C02  }
0xa8: {  	[timem:s3], [sflag:s2] =	dma.local @!p0 [hbm:s0], s1  }
0xa9: {  	s0 =	simm.s32 @!p0 $0x2  }
0xaa: {  	_ =	swait.ge @!p0 [sflag:s0], s1  }
0xab: {  	s1 =	ssub.s32 @!p0 $0x0, s1;
	[sflag:s0] =	ssyncset.done @!p0 $0x0  }
0xac: {  	[sflag:s0] =	ssyncadd.s32 @!p0 s1  }
0xad: {  	[bflag:$0x3] =	sbarrier.arrive $0xFFFF  }
0xae: {  	_ =	shalt  }

// kernel: kernel.13.cloned.1.call-start
scs
__scs_entry_jumppad:
0x0: {  	(pc) =	sbr.rel $0x88, $3  }
0x1: {  	(tag) =	ssettag $0x0;
	lr =	simm.s32 $0x1  }
0x2: {  	[smem:$0x3F98] =	sst lr;
	_ =	strace $0xD0000000  }
0x3: {  	_ = 	snop  }
0x4: {  	_ = 	snop  }
0x5: {  	_ = 	snop  }
0x6: {  	_ = 	snop  }
0x7: {  	_ = 	snop  }
__scs_overlays_trampoline_lowered:
0x8: {  	[smem:$0x3FA7] =	sst s0  }
0x9: {  	[smem:$0x3FA8] =	sst s1  }
0xa: {  	[smem:$0x3FA9] =	sst s2  }
0xb: {  	[smem:$0x3FAA] =	sst s3  }
0xc: {  	[smem:$0x3FAB] =	sst s4  }
0xd: {  	[smem:$0x3FAC] =	sst s5  }
0xe: {  	[smem:$0x3FAD] =	sst s6  }
0xf: {  	[smem:$0x3FAE] =	sst s7  }
0x10: {  	[smem:$0x3FAF] =	sst s8  }
0x11: {  	[smem:$0x3FB0] =	sst s9;
	s0 =	simm.s32 @!p0 $0x0  }
0x12: {  	s1 =	sld [smem:$0x3F96];
	s0 =	simm.s32 @p0 $0x1  }
0x13: {  	[smem:$0x3FB1] =	sst s0;
	s0 =	simm.s32 @!p1 $0x0  }
0x14: {  	s2 =	sld [smem:$0x3F95];
	s0 =	simm.s32 @p1 $0x1  }
0x15: {  	[smem:$0x3FB2] =	sst s0;
	s0 =	simm.s32 @!p2 $0x0  }
0x16: {  	s3 =	sld [smem:$0x3FDB];
	s0 =	simm.s32 @p2 $0x1  }
0x17: {  	s4 =	simm.s32 $0x1BF5;
	[smem:$0x3FB4] =	sst s0  }
0x18: {  	s0 =	sld [smem:$0x3F97];
	_ =	swait.ge [sflag:s4], $0x0  }
0x19: {  	s7 =	sld [smem:$0x3F98]  }
0x1a: {  	s8 =	sadd.s32 $0xFFFFE003, lr  }
0x1b: {  	s9 =	sadd.s32 $0xFFFFFEF7, lr;
	s5 =	simm.s32 $0xFFFFFFFF;
	p2 =	slt.u32 s8, $0xFFFFF086  }
0x1c: {  	p1 =	slt.u32 s9, $0xF7A;
	s5 =	simm.s32 @!p2 $0x0  }
0x1d: {  	s5 =	simm.s32 @p1 $0x1;
	p0 =	seq.s32 s7, s2  }
0x1e: {  	s7 =	smul.u32 @!p0 $0xF7A, s2;
	p2 =	seq.s32 @!p0 s5, $0x0  }
0x1f: {  	s9 =	smul.u32 $0xF7A, s1;
	s8 =	simm.s32 @!p0 $0x1BF5;
	p2 =	por !p2, p0  }
0x20: {  	[sflag:s8] =	ssyncset.s32 @!p0 $0xFFFFF086;
	s6 =	sadd.s32 @!p0 s3, s7;
	s7 =	simm.s32 @!p0 $0x108  }
0x21: {  	s3 =	sadd.s32 s3, s9;
	s6 =	sadd.s32 @!p0 $0x88, s6;
	s7 =	simm.s32 @p2 $0x1082  }
0x22: {  	[simem:s7], [sflag:s8] =	dma.local @!p0 [hbm:s6], $0xF7A  }
0x23: {  	s9 =	sor.u32 $0xD0000000, s2;
	s6 =	simm.s32 $0x108;
	_ =	swait.ge @!p0 [sflag:s8], $0x0  }
0x24: {  	s3 =	sadd.s32 $0x88, s3;
	s6 =	simm.s32 @!p1 $0x1082;
	[sflag:s4] =	ssyncset.s32 $0xFFFFF086  }
0x25: {  	[simem:s6], [sflag:s4] =	dma.local [hbm:s3], $0xF7A  }
0x26: {  	[smem:$0x3F98] =	sst s1;
	(tag) =	ssettag s2;
	_ =	strace s9  }
0x27: {  	s1 =	sld [smem:$0x3FA8]  }
0x28: {  	s2 =	sld [smem:$0x3FA9]  }
0x29: {  	s4 =	sld [smem:$0x3FAB]  }
0x2a: {  	p0 =	seq.s32 s5, $0x0;
	s5 =	sld [smem:$0x3FAC]  }
0x2b: {  	s6 =	sld [smem:$0x3FAD]  }
0x2c: {  	s7 =	sld [smem:$0x3FAE]  }
0x2d: {  	s3 =	simm.s32 $0x108;
	s8 =	sld [smem:$0x3FAF]  }
0x2e: {  	s3 =	simm.s32 @!p0 $0x1082;
	s9 =	sld [smem:$0x3FB0]  }
0x2f: {  	lr =	sadd.s32 s0, s3;
	s0 =	sld [smem:$0x3FA7]  }
0x30: {  	s3 =	sld [smem:$0x3FAA]  }
0x31: {  	[smem:$0x3FB3] =	sst s10  }
0x32: {  	s10 =	sld [smem:$0x3FB1];
	_ =	sdelay $0x3  }
0x33: {  	p0 =	seq.s32 s10, $0x1;
	s10 =	sld [smem:$0x3FB3];
	_ =	sdelay $0x3  }
0x34: {  	[smem:$0x3FB3] =	sst s10  }
0x35: {  	s10 =	sld [smem:$0x3FB2];
	_ =	sdelay $0x3  }
0x36: {  	p1 =	seq.s32 s10, $0x1;
	s10 =	sld [smem:$0x3FB3];
	_ =	sdelay $0x3  }
0x37: {  	[smem:$0x3FB3] =	sst s10  }
0x38: {  	s10 =	sld [smem:$0x3FB4]  }
0x39: {  	_ = 	snop;
	(pc) =	sbr.ind lr, $3  }
0x3a: {  	_ = 	snop  }
0x3b: {  	_ = 	snop  }
0x3c: {  	p2 =	seq.s32 s10, $0x1;
	s10 =	sld [smem:$0x3FB3]  }
0x3d: {  	_ =	shalt  }
0x3e: {  	_ =	shalt  }
0x3f: {  	_ =	shalt  }
0x40: {  	_ =	shalt  }
0x41: {  	_ =	shalt  }
0x42: {  	_ =	shalt  }
0x43: {  	_ =	shalt  }
0x44: {  	_ =	shalt  }
0x45: {  	_ =	shalt  }
0x46: {  	_ =	shalt  }
0x47: {  	_ =	shalt  }
0x48: {  	_ =	shalt  }
0x49: {  	_ =	shalt  }
0x4a: {  	_ =	shalt  }
0x4b: {  	_ =	shalt  }
0x4c: {  	_ =	shalt  }
0x4d: {  	_ =	shalt  }
0x4e: {  	_ =	shalt  }
0x4f: {  	_ =	shalt  }
0x50: {  	_ =	shalt  }
0x51: {  	_ =	shalt  }
0x52: {  	_ =	shalt  }
0x53: {  	_ =	shalt  }
0x54: {  	_ =	shalt  }
0x55: {  	_ =	shalt  }
0x56: {  	_ =	shalt  }
0x57: {  	_ =	shalt  }
0x58: {  	_ =	shalt  }
0x59: {  	_ =	shalt  }
0x5a: {  	_ =	shalt  }
0x5b: {  	_ =	shalt  }
0x5c: {  	_ =	shalt  }
0x5d: {  	_ =	shalt  }
0x5e: {  	_ =	shalt  }
0x5f: {  	_ =	shalt  }
0x60: {  	_ =	shalt  }
0x61: {  	_ =	shalt  }
0x62: {  	_ =	shalt  }
0x63: {  	_ =	shalt  }
0x64: {  	_ =	shalt  }
0x65: {  	_ =	shalt  }
0x66: {  	_ =	shalt  }
0x67: {  	_ =	shalt  }
0x68: {  	_ =	shalt  }
0x69: {  	_ =	shalt  }
0x6a: {  	_ =	shalt  }
0x6b: {  	_ =	shalt  }
0x6c: {  	_ =	shalt  }
0x6d: {  	_ =	shalt  }
0x6e: {  	_ =	shalt  }
0x6f: {  	_ =	shalt  }
0x70: {  	_ =	shalt  }
0x71: {  	_ =	shalt  }
0x72: {  	_ =	shalt  }
0x73: {  	_ =	shalt  }
0x74: {  	_ =	shalt  }
0x75: {  	_ =	shalt  }
0x76: {  	_ =	shalt  }
0x77: {  	_ =	shalt  }
0x78: {  	_ =	shalt  }
0x79: {  	_ =	shalt  }
0x7a: {  	_ =	shalt  }
0x7b: {  	_ =	shalt  }
0x7c: {  	_ =	shalt  }
0x7d: {  	_ =	shalt  }
0x7e: {  	_ =	shalt  }
0x7f: {  	_ =	shalt  }
0x80: {  	_ =	shalt  }
0x81: {  	_ =	shalt  }
0x82: {  	_ =	shalt  }
0x83: {  	_ =	shalt  }
0x84: {  	_ =	shalt  }
0x85: {  	_ =	shalt  }
0x86: {  	_ =	shalt  }
0x87: {  	_ =	shalt  }
.Lfunc_end0:
.L_simem_size_0:
called_computation.2_lowered:
.L_overlay_start_0:
0x88: {  	s2 =	sld [smem:$0x3FD9]  }
0x89: {  	s3 =	sld [smem:$0x3FFE];
	_ =	sdelay $0x1  }
0x8a: {  	s1 =	srdreg.scid  }
0x8b: {  	s0 =	sand.u32 $0x1, s1  }
0x8c: {  	s16 =	sshll.u32 s0, $0xA;
	s2 =	sadd.s32 s3, s2  }
0x8d: {  	s2 =	sadd.s32 s2, s16  }
0x8e: {  	[smem:$0x3FBF] =	sst s2  }
0x8f: {  	_ = 	snop  }
0x90: {  	(tm) =	ssettm $0x1  }
0x91: {  	s17 =	sld [smem:$0x3FFB];
	_ =	sdelay $0x3  }
0x92: {  	_ =	strace s17  }
0x93: {  	s2 =	sld [smem:$0x3FFC];
	_ =	sdelay $0x3  }
0x94: {  	_ =	strace s2  }
0x95: {  	s2 =	sld [smem:$0x3FFD];
	_ =	sdelay $0x3  }
0x96: {  	_ =	strace s2  }
0x97: {  	_ =	strace $0x8FFFFFFF  }
0x98: {  	s18 =	sld [smem:$0x3FDB];
	_ =	sdelay $0x1  }
0x99: {  	s19 =	simm.s32 $_scs_section_size  }
0x9a: {  	s4 =	simm.s32 $_size__tile_overlayer_lowered;
	s5 =	simm.s32 $_tile_overlayer_lowered  }
0x9b: {  	s22 =	simm.s32 $0x1BFF;
	s21 =	sshll.u32 s5, $0x1;
	s2 =	sadd.s32 s19, s18  }
0x9c: {  	s6 =	simm.s32 $0x0;
	s20 =	sshll.u32 s4, $0x1;
	s4 =	sadd.s32 s21, s2  }
0x9d: {  	[timem:s6], [sflag:s22] =	dma.local [hbm:s4], s20  }
0x9e: {  	_ =	swait.ge [sflag:s22], s20  }
0x9f: {  	s3 =	ssub.s32 $0x0, s20;
	[sflag:s22] =	ssyncset.done $0x0  }
0xa0: {  	[sflag:s22] =	ssyncadd.s32 s3;
	_ =	sdelay $0x1  }
0xa1: {  	s23 =	simm.s32 $0x1B8B  }
0xa2: {  	_ =	swait.ge [sflag:s23], $0x1  }
0xa3: {  	[sflag:s23] =	ssyncset.done $0x0  }
0xa4: {  	s25 =	simm.s32 $0x1B8E;
	s24 =	sld [smem:$0x3FFE];
	[sflag:s23] =	ssyncadd.s32 $0xFFFFFFFF  }
0xa5: {  	s26 =	simm.s32 $execute0_lowered;
	[smem:$0x3FD2] =	sst s25  }
0xa6: {  	s4 =	sshll.u32 s26, $0x1;
	_ =	strace $0x8000004C;
	[dreg:$0x1] =	wrdreg $0xFFFFFFFF  }
0xa7: {  	s28 =	simm.s32 $_size_execute0_lowered;
	s2 =	sadd.s32 s2, s4;
	[dreg:$0x0] =	wrdreg $0x0  }
0xa8: {  	s4 =	sshll.u32 s28, $0x1;
	[dreg:$0x2] =	wrdreg s2  }
0xa9: {  	[dreg:$0x3] =	wrdreg s4  }
0xaa: {  	[dreg:$0x4] =	wrdreg $0xC0  }
0xab: {  	_ =	task [dreg:s6], $0x5FFFF  }
0xac: {  	[dreg:$0x1] =	wrdreg $0xFFFFFFFF  }
0xad: {  	[dreg:$0x0] =	wrdreg $0x60  }
0xae: {  	[dreg:$0x2] =	wrdreg s24  }
0xaf: {  	[dreg:$0x3] =	wrdreg $0x9  }
0xb0: {  	_ =	task.clear_ibuf [dreg:s6], $0x4FFFF;
	_ =	strace $0x9000004C  }
0xb1: {  	s29 =	simm.s32 $0x9;
	_ =	strace $0x8000004E  }
0xb2: {  	_ =	swait.ge [sflag:s29], $0x1  }
0xb3: {  	[sflag:s29] =	ssyncadd.s32 $0xFFFFFFFF  }
0xb4: {  	_ =	strace $0x9000004E  }
0xb5: {  	_ =	sfence  }
0xb6: {  	s30 =	sld [smem:$0x0];
	_ =	sdelay $0x2  }
0xb7: {  	s31 =	sshll.u32 s1, $0xD;
	s1 =	sshrl.u32 s1, $0x2  }
0xb8: {  	s3 =	sand.u32 $0x4000, s31;
	s1 =	sadd.s32 s1, s30  }
0xb9: {  	s0 =	sor.u32 s3, s0;
	s1 =	sshll.u32 s1, $0x11  }
0xba: {  	s0 =	sor.u32 s1, s0  }
0xbb: {  	s0 =	sadd.s32 $0x8F2B, s0  }
0xbc: {  	[sflag:s0] =	ssyncadd.remote.s32 $0x1  }
0xbd: {  	_ =	sfence.sel $0xFFFF  }
0xbe: {  	[dreg:$0x0] =	wrdreg $0xFFFFFFFF;
	(pc) =	sbr.abs _section_cstart, $3  }
0xbf: {  	[dreg:$0x1] =	wrdreg $0xFFFFFFFF  }
0xc0: {  	_ =	task.clear_ibuf [dreg:s6], $0x2FFFF;
	_ =	strace $0x9FFFFFFF  }
0xc1: {  	(tm) =	ssettm $0x7FFFFFFF  }
tec
execute0_lowered:
.L_overlay_start_1:
0x0: {  	(tag) =	ssettag $0x1  }
0x1: {  	s0 =	srdreg.scid;
	s10 =	stileid.u32  }
0x2: {  	s0 =	sand.u32 $0x1, s0;
	s1 =	sshll.u32 s10, $0x1  }
0x3: {  	s2 =	sor.u32 s0, s1  }
0x4: {  	s1 =	sand.u32 $0x7, s2  }
0x5: {  	p0 =	sgt.s32 s1, $0x3  }
0x6: {  	p1 =	sgt.s32 @p0 s1, $0x5  }
0x7: {  	p2 =	por !p1, !p0  }
0x8: {  	s3 =	simm.s32 @!p2 $0x0;
	p3 =	seq.s32 @!p2 s1, $0x6  }
0x9: {  	s3 =	simm.s32 @p2 $0x1;
	p2 =	por @p0 !p3, !p1  }
0xa: {  	[smem:$0x7E6] =	sst s3;
	s3 =	simm.s32 @!p2 $0x0  }
0xb: {  	p4 =	por p1, !p0;
	s3 =	simm.s32 @p2 $0x1;
	p2 =	por @p0 p3, !p1  }
0xc: {  	p4 =	seq.s32 @!p4 s1, $0x4;
	[smem:$0x7EC] =	sst s3;
	s3 =	simm.s32 @!p2 $0x0  }
0xd: {  	s3 =	simm.s32 @p2 $0x1;
	p2 =	por @p0 !p4, p1  }
0xe: {  	[smem:$0x7EB] =	sst s3;
	s3 =	simm.s32 @!p2 $0x0  }
0xf: {  	p5 =	sgt.s32 @!p0 s1, $0x1;
	p1 =	por @p0 p4, p1;
	s3 =	simm.s32 @p2 $0x1  }
0x10: {  	p4 =	por p5, p0;
	[smem:$0x7F3] =	sst s3;
	s3 =	simm.s32 @!p1 $0x0  }
0x11: {  	p4 =	seq.s32 @!p4 s1, $0x0;
	s3 =	simm.s32 @p1 $0x1;
	p1 =	por !p5, p0  }
0x12: {  	p6 =	por @!p0 p4, p5;
	s5 =	simm.s32 @!p1 $0x0  }
0x13: {  	p4 =	por @!p0 !p4, p5;
	p2 =	por p6, p0;
	s5 =	simm.s32 @p1 $0x1  }
0x14: {  	p3 =	por !p4, p0;
	[smem:$0x7E7] =	sst s5;
	s5 =	simm.s32 @!p2 $0x0  }
0x15: {  	p6 =	seq.s32 @!p1 s1, $0x2;
	p1 =	por $0x0, $0x0;
	s5 =	simm.s32 @p2 $0x1  }
0x16: {  	p2 =	por @!p2 $0x1, $0x1;
	[smem:$0x7E8] =	sst s5;
	s5 =	simm.s32 @!p3 $0x0  }
0x17: {  	[smem:$0x7F2] =	sst s3;
	p1 =	por @!p3 p2, p2;
	s5 =	simm.s32 @p3 $0x1  }
0x18: {  	s3 =	simm.s32 $0x0;
	[smem:$0x7E9] =	sst s5;
	s5 =	simm.s32 @!p1 $0x0  }
0x19: {  	[smem:$0x7FF] =	sst s3;
	s5 =	simm.s32 @p1 $0x1  }
0x1a: {  	[smem:$0x7EA] =	sst s5  }
0x1b: {  	s14 =	rddreg [dreg:$0x0];
	_ =	strace $0x8000004D  }
0x1c: {  	s24 =	sld [smem:$0x7EC]  }
0x1d: {  	s28 =	simm.s32 $0x1C700;
	s29 =	simm.s32 $0x1;
	s0 =	ssub.s32 $0x2, s0  }
0x1e: {  	s30 =	simm.s32 $0xC380;
	s17 =	sshrl.u32 s0, $0x1;
	s23 =	sld [smem:$0x7EB]  }
0x1f: {  	p4 =	por @!p0 !p6, !p5;
	p5 =	por @!p0 p6, !p5;
	p6 =	seq.s32 s24, $0x1  }
0x20: {  	s31 =	simm.s32 $0x2;
	s0 =	ssub.s32 s0, s17;
	p2 =	por p6, !p0  }
0x21: {  	s21 =	smax.u32 s0, $0x1;
	p3 =	seq.s32 s23, $0x1;
	s0 =	simm.s32 @!p2 $0x0  }
0x22: {  	s6 =	sadd.s32 $0xAFE00, s14;
	p1 =	por p3, !p0;
	s0 =	simm.s32 @p2 $0x1  }
0x23: {  	s7 =	sadd.s32 $0xC8E00, s14;
	[smem:$0x7ED] =	sst s0;
	s0 =	simm.s32 @!p1 $0x0  }
0x24: {  	s8 =	sadd.s32 $0xE1E00, s14;
	p3 =	por !p6, !p0;
	s0 =	simm.s32 @p1 $0x1  }
0x25: {  	s9 =	sadd.s32 $0x113E00, s14;
	[smem:$0x7EE] =	sst s0;
	s0 =	simm.s32 @!p3 $0x0  }
0x26: {  	s26 =	sld [smem:$0x7F3];
	p1 =	por @!p1 $0x0, $0x0;
	s0 =	simm.s32 @p3 $0x1  }
0x27: {  	p2 =	por @!p2 $0x1, $0x1;
	[smem:$0x7EF] =	sst s0;
	s0 =	simm.s32 @!p1 $0x0  }
0x28: {  	s12 =	sshrl.u32 s10, $0x2;
	p2 =	por @!p3 p1, p1;
	s0 =	simm.s32 @p1 $0x1  }
0x29: {  	p6 =	seq.s32 s26, $0x1;
	[smem:$0x7F0] =	sst s0;
	s0 =	simm.s32 @!p2 $0x0  }
0x2a: {  	s25 =	sld [smem:$0x7F2];
	s0 =	simm.s32 @p2 $0x1;
	p2 =	por p6, !p0  }
0x2b: {  	s10 =	sadd.s32 $0xFAE00, s14;
	[smem:$0x7F1] =	sst s0;
	s0 =	simm.s32 @!p2 $0x0  }
0x2c: {  	s11 =	sadd.s32 $0x12CE00, s14;
	s0 =	simm.s32 @p2 $0x1;
	p2 =	por !p6, !p0  }
0x2d: {  	p3 =	seq.s32 s25, $0x1;
	[smem:$0x7F4] =	sst s0;
	s0 =	simm.s32 @!p2 $0x0  }
0x2e: {  	p1 =	por p3, !p0;
	p3 =	por p4, p0;
	s0 =	simm.s32 @p2 $0x1  }
0x2f: {  	s13 =	sadd.s32 $0x15EE00, s14;
	[smem:$0x7F5] =	sst s0;
	s0 =	simm.s32 @!p3 $0x0  }
0x30: {  	s16 =	smul.u32 $0x30D40, s12;
	s12 =	sadd.s32 $0x145E00, s14;
	s0 =	simm.s32 @p3 $0x1  }
0x31: {  	s2 =	smul.u32 $0x186A, s2;
	[smem:$0x7F6] =	sst s0;
	s0 =	simm.s32 @!p0 $0x0  }
0x32: {  	p2 =	por p5, p0;
	s0 =	simm.s32 @p0 $0x1;
	p0 =	por !p4, p0  }
0x33: {  	s4 =	smul.u32 $0x186A, s1;
	[smem:$0x7F7] =	sst s0;
	s0 =	simm.s32 @!p0 $0x0  }
0x34: {  	s18 =	sadd.s32 $0xFA0, s16;
	s19 =	sadd.s32 $0x1F40, s16;
	s0 =	simm.s32 @p0 $0x1  }
0x35: {  	s2 =	sadd.s32 s2, s14;
	[smem:$0x7F8] =	sst s0;
	s0 =	simm.s32 @!p1 $0x0  }
0x36: {  	s15 =	sadd.s32 s4, s14;
	p0 =	por @!p1 $0x1, $0x1;
	s0 =	simm.s32 @p1 $0x1  }
0x37: {  	s4 =	sadd.s32 $0x7E600, s14;
	[smem:$0x7F9] =	sst s0;
	s0 =	simm.s32 @!p0 $0x0  }
0x38: {  	s20 =	sadd.s32 $0x1E00, s2;
	s2 =	simm.s32 $0x0;
	s0 =	simm.s32 @p0 $0x1  }
0x39: {  	s15 =	sadd.s32 $0x96E00, s15;
	[smem:$0x7FA] =	sst s0;
	s0 =	simm.s32 @!p2 $0x0  }
0x3a: {  	s5 =	sadd.s32 $0x65E00, s14;
	p0 =	por @!p2 $0x1, $0x1;
	s0 =	simm.s32 @p2 $0x1  }
0x3b: {  	s14 =	sshrl.u32 s16, $0x3;
	[smem:$0x7FB] =	sst s0;
	s0 =	simm.s32 @!p0 $0x0  }
0x3c: {  	[dreg:$0x2] =	wrdreg s15;
	s0 =	simm.s32 @p0 $0x1;
	p0 =	sne.s32 s1, $0x0  }
0x3d: {  	s22 =	sadd.s32 s4, s14;
	[smem:$0x7FC] =	sst s0;
	s0 =	simm.s32 @!p0 $0x0  }
0x3e: {  	s17 =	sadd.s32 s5, s14;
	[dreg:$0x3] =	wrdreg s22;
	s0 =	simm.s32 @p0 $0x1  }
0x3f: {  	v0 =	vimm.f32 $0.0e+00;
	s22 =	simm.s32 $0x3;
	s26 =	simm.s32 $0x1B700;
	[smem:$0x7FD] =	sst s0  }
.LBB2_1:
0x40: {  	s0 =	rddreg [dreg:$0x2]  }
0x41: {  	[tilespmem:s3], [sflag:$0x3] =	stream.linear.gather [hbm4b:s0+s3], $0xC350, $0x38;
	[tilespmem:$0x1E700] =	vst v63  }
0x42: {  	_ =	swait.ge [sflag:s22], $0xC350  }
0x43: {  	[sflag:s22] =	ssyncset.done $0x0  }
0x44: {  	s0 =	simm.s32 $0xC3C0;
	[sflag:s22] =	ssyncadd.s32 $0xFFFF3CB0  }
0x45: {  	[tilespmem:s0+$0xFFFFFFC0] =	vst v0  }
0x46: {  	[tilespmem:s0+$0x30] =	vst v0  }
0x47: {  	[tilespmem:s0+$0x20] =	vst v0  }
0x48: {  	[tilespmem:s0+$0x10] =	vst v0  }
0x49: {  	[tilespmem:s0+$0x0] =	vst v0  }
0x4a: {  	[tilespmem:s0+$0xFFFFFFF0] =	vst v0  }
0x4b: {  	s23 =	simm.s32 $0x0;
	s15 =	simm.s32 $0x18680;
	[tilespmem:s0+$0xFFFFFFE0] =	vst v0  }
.LBB2_2:
0x4c: {  	s23 =	sadd.s32 $0x80, s23;
	[tilespmem:s0+$0xFFFFFFD0] =	vst v0;
	s0 =	sadd.s32 $0x80, s0;
	s16 =	simm.s32 $0xC2F0  }
0x4d: {  	[tilespmem:s0+$0xFFFFFFC0] =	vst v0;
	p0 =	slt.u32 s23, $0xC280  }
0x4e: {  	[tilespmem:s0+$0x30] =	vst v0  }
.Ltmp0:
0x4f: {  	[tilespmem:s0+$0x20] =	vst v0;
	(pc) =	sbr.rel @p0 .LBB2_2-.Ltmp0, $4  }
0x50: {  	[tilespmem:s0+$0x10] =	vst v0  }
0x51: {  	[tilespmem:s0+$0x0] =	vst v0  }
0x52: {  	[tilespmem:s0+$0xFFFFFFF0] =	vst v0  }
0x53: {  	[tilespmem:s0+$0xFFFFFFE0] =	vst v0  }
0x54: {  	[tilespmem:s0+$0xFFFFFFD0] =	vst v0  }
.LBB2_4:
0x55: {  	s16 =	sadd.s32 $0x10, s16  }
0x56: {  	p0 =	slt.u32 s16, $0xC340  }
.Ltmp1:
0x57: {  	_ = 	snop;
	(pc) =	sbr.rel @p0 .LBB2_4-.Ltmp1, $2  }
0x58: {  	_ =	sdelay $0x2  }
0x59: {  	[tilespmem:s15+$0x0] =	vst v0;
	s15 =	sadd.s32 $0x10, s15  }
0x5a: {  	s0 =	sld [smem:$0x7EE]  }
0x5b: {  	s24 =	sld [smem:$0x7ED]  }
0x5c: {  	s25 =	sld [smem:$0x7EF]  }
0x5d: {  	s15 =	sld [smem:$0x7F0]  }
0x5e: {  	s16 =	sld [smem:$0x7F9]  }
0x5f: {  	s23 =	sld [smem:$0x7F4]  }
0x60: {  	p2 =	seq.s32 s24, $0x1;
	s24 =	sld [smem:$0x7F5]  }
0x61: {  	p0 =	seq.s32 s0, $0x1;
	p3 =	seq.s32 s25, $0x1;
	s25 =	sld [smem:$0x7FA]  }
0x62: {  	p4 =	seq.s32 s23, $0x1;
	s23 =	sld [smem:$0x7E8];
	p0 =	por @!p0 $0x1, $0x1  }
0x63: {  	p1 =	por @!p2 $0x0, $0x0;
	p2 =	por @!p2 $0x0, $0x0;
	p5 =	por @!p4 $0x0, $0x0  }
0x64: {  	p6 =	por @!p4 $0x1, $0x1;
	p1 =	por @!p3 p0, p0;
	p0 =	seq.s32 s15, $0x1  }
0x65: {  	s0 =	simm.s32 @!p1 $0x0;
	p2 =	por @!p3 p0, p0;
	p0 =	seq.s32 s16, $0x1  }
0x66: {  	s15 =	sld [smem:$0x7E6];
	s0 =	simm.s32 @p1 $0x1;
	p3 =	por @!p0 $0x0, $0x0  }
0x67: {  	p0 =	por @!p4 $0x0, $0x0;
	p4 =	seq.s32 s25, $0x1;
	s25 =	sld [smem:$0x7E6]  }
0x68: {  	p1 =	seq.s32 s24, $0x1;
	[smem:$0x7DB] =	sst s0  }
0x69: {  	p0 =	por @!p1 p3, p3;
	p6 =	por @!p1 p3, p3;
	s16 =	sld [smem:$0x7DB]  }
0x6a: {  	p5 =	por @!p1 p4, p4;
	p3 =	seq.s32 s15, $0x1;
	s0 =	simm.s32 @!p6 $0x0  }
0x6b: {  	s15 =	sld [smem:$0x7E9];
	p4 =	por p0, p0;
	s0 =	simm.s32 @p6 $0x1  }
0x6c: {  	p5 =	por @!p3 p2, p2;
	[smem:$0x7E4] =	sst s0;
	p1 =	seq.s32 s16, $0x1  }
0x6d: {  	s24 =	sld [smem:$0x7E4];
	p4 =	por @!p3 p1, p1;
	p1 =	por p0, p0  }
0x6e: {  	s16 =	sld [smem:$0x7F6];
	s0 =	simm.s32 @!p4 $0x0;
	p1 =	por @!p3 p2, p2  }
0x6f: {  	p3 =	seq.s32 s23, $0x1;
	s23 =	sld [smem:$0x7FB];
	s0 =	simm.s32 @p4 $0x1  }
0x70: {  	p6 =	por @!p3 $0x0, $0x0;
	p3 =	seq.s32 s25, $0x1;
	s25 =	sld [smem:$0x7FC]  }
0x71: {  	p4 =	por $0x0, $0x0;
	[smem:$0x7E2] =	sst s0;
	s0 =	simm.s32 @!p5 $0x0  }
0x72: {  	s0 =	simm.s32 @p5 $0x1;
	p5 =	seq.s32 s24, $0x1;
	s24 =	sld [smem:$0x7F8]  }
0x73: {  	[smem:$0x7E3] =	sst s0;
	p5 =	por @!p3 p2, p2;
	p2 =	seq.s32 s15, $0x1  }
0x74: {  	p3 =	seq.s32 s16, $0x1;
	s15 =	sld [smem:$0x7F8];
	s0 =	simm.s32 @!p5 $0x0  }
0x75: {  	p4 =	por @!p2 p6, p6;
	p2 =	por @!p3 $0x0, $0x0;
	s0 =	simm.s32 @p5 $0x1  }
0x76: {  	[smem:$0x7E4] =	sst s0;
	s0 =	simm.s32 @!p2 $0x0  }
0x77: {  	s0 =	simm.s32 @p2 $0x1;
	p2 =	seq.s32 s23, $0x1;
	s23 =	sld [smem:$0x7F6]  }
0x78: {  	[smem:$0x7DD] =	sst s0;
	p5 =	por @!p2 $0x0, $0x0;
	p2 =	por @!p3 $0x0, $0x0  }
0x79: {  	p3 =	seq.s32 s24, $0x1;
	s0 =	simm.s32 @!p5 $0x0;
	s16 =	sld [smem:$0x7DD]  }
0x7a: {  	s24 =	sld [smem:$0x7F8];
	p2 =	por @!p3 p5, p5;
	s0 =	simm.s32 @p5 $0x1  }
0x7b: {  	p3 =	seq.s32 s25, $0x1;
	[smem:$0x7DC] =	sst s0;
	s0 =	simm.s32 @!p2 $0x0  }
0x7c: {  	p5 =	seq.s32 s15, $0x1;
	s0 =	simm.s32 @p2 $0x1;
	p2 =	seq.s32 s16, $0x1  }
0x7d: {  	s15 =	sld [smem:$0x7E7];
	p2 =	por @!p5 p3, p3  }
0x7e: {  	[smem:$0x7DE] =	sst s0;
	s0 =	simm.s32 @!p2 $0x0  }
0x7f: {  	s25 =	sld [smem:$0x7DC];
	s0 =	simm.s32 @p2 $0x1  }
0x80: {  	p3 =	seq.s32 s24, $0x1;
	[smem:$0x7DD] =	sst s0;
	s0 =	simm.s32 @!p4 $0x0  }
0x81: {  	p2 =	seq.s32 s23, $0x1;
	s0 =	simm.s32 @p4 $0x1;
	s23 =	sld [smem:$0x7DD]  }
0x82: {  	p5 =	por @!p2 $0x1, $0x1;
	p2 =	seq.s32 s25, $0x1;
	[smem:$0x7E0] =	sst s0  }
0x83: {  	p5 =	por @!p3 p2, p2;
	s16 =	sld [smem:$0x7E0]  }
0x84: {  	s0 =	simm.s32 @!p5 $0x0  }
0x85: {  	s24 =	sld [smem:$0x7EA];
	s0 =	simm.s32 @p5 $0x1  }
0x86: {  	p5 =	seq.s32 s15, $0x1;
	p2 =	seq.s32 s23, $0x1;
	p3 =	seq.s32 s16, $0x1  }
0x87: {  	p3 =	por @!p5 p2, p2  }
0x88: {  	[smem:$0x7DF] =	sst s0;
	s0 =	simm.s32 @!p3 $0x0  }
0x89: {  	s25 =	sld [smem:$0x7DE];
	p2 =	seq.s32 s24, $0x1;
	s0 =	simm.s32 @p3 $0x1  }
0x8a: {  	[smem:$0x7E0] =	sst s0;
	s0 =	simm.s32 @!p2 $0x0  }
0x8b: {  	s0 =	simm.s32 @p2 $0x1  }
0x8c: {  	[smem:$0x7E1] =	sst s0  }
0x8d: {  	p3 =	por p4, p4;
	p2 =	seq.s32 s25, $0x1;
	s15 =	sld [smem:$0x7E1]  }
0x8e: {  	p3 =	por @!p5 p2, p2  }
0x8f: {  	s23 =	sld [smem:$0x7F7];
	s0 =	simm.s32 @!p3 $0x0  }
0x90: {  	s16 =	sld [smem:$0x7DF];
	s0 =	simm.s32 @p3 $0x1;
	p3 =	seq.s32 s15, $0x1  }
0x91: {  	s25 =	rddreg [dreg:$0x3];
	s15 =	simm.s32 $0x18700;
	p3 =	por @!p5 p2, p2  }
0x92: {  	[tilespmem:s15], [sflag:$0x1] =	stream.linear.gather [hbm4b:s25+s3], $0xFA0, $0x38;
	[tilespmem:$0x1E700] =	vst v63  }
0x93: {  	[smem:$0x7E5] =	sst s0;
	s0 =	simm.s32 @!p3 $0x0  }
0x94: {  	s24 =	sld [smem:$0x7E0];
	s0 =	simm.s32 @p3 $0x1  }
0x95: {  	[smem:$0x7E1] =	sst s0  }
0x96: {  	p2 =	seq.s32 s16, $0x1;
	s16 =	sld [smem:$0x7E1]  }
0x97: {  	p6 =	seq.s32 s23, $0x1;
	s23 =	simm.s32 $0x19700;
	s25 =	sld [smem:$0x7E6]  }
0x98: {  	p4 =	por @!p5 p2, p2;
	p2 =	seq.s32 s24, $0x1;
	s24 =	sld [smem:$0x7F5]  }
0x99: {  	p3 =	por p1, p1;
	p5 =	seq.s32 s16, $0x1;
	s16 =	sld [smem:$0x7EF]  }
0x9a: {  	[tilespmem:s23], [sflag:$0x1] =	stream.linear.gather [hbm4b:s17+s3], $0xFA0, $0x38;
	[tilespmem:$0x1E700] =	vst v63  }
0x9b: {  	s15 =	smov.u32 s13;
	s23 =	sld [smem:$0x7F1];
	p3 =	por @!p6 p2, p2  }
0x9c: {  	p2 =	por p1, p1;
	p1 =	por @!p6 p4, p4;
	p4 =	seq.s32 s16, $0x1  }
0x9d: {  	s0 =	smov.u32 s11;
	s15 =	smov.u32 @p4 s12;
	p4 =	seq.s32 s24, $0x1  }
0x9e: {  	s24 =	sld [smem:$0x7E6];
	s0 =	smov.u32 @p4 s9;
	p4 =	seq.s32 s25, $0x1  }
0x9f: {  	s15 =	smov.u32 @p4 s0;
	p4 =	seq.s32 s23, $0x1;
	s23 =	sld [smem:$0x7F8]  }
0xa0: {  	p2 =	por @!p6 p5, p5;
	s16 =	smov.u32 s7;
	s25 =	sld [smem:$0x7E9]  }
0xa1: {  	s0 =	smov.u32 s10;
	p5 =	seq.s32 s24, $0x1;
	s24 =	sld [smem:$0x7E7]  }
0xa2: {  	p0 =	por @!p5 p4, p4;
	p4 =	seq.s32 s23, $0x1;
	s23 =	sld [smem:$0x7F7]  }
0xa3: {  	s0 =	smov.u32 @p4 s8;
	p4 =	seq.s32 s25, $0x1;
	s25 =	sld [smem:$0x7E5]  }
0xa4: {  	s16 =	smov.u32 @p4 s6;
	p4 =	seq.s32 s24, $0x1;
	s24 =	sld [smem:$0x7E2]  }
0xa5: {  	s0 =	smov.u32 @p4 s16;
	p4 =	seq.s32 s23, $0x1;
	s23 =	sld [smem:$0x7F7]  }
0xa6: {  	p5 =	seq.s32 s25, $0x1;
	s25 =	sld [smem:$0x7E3]  }
0xa7: {  	p6 =	seq.s32 s24, $0x1;
	s24 =	sld [smem:$0x7E5]  }
0xa8: {  	p6 =	por @!p4 p5, p5;
	p5 =	seq.s32 s23, $0x1  }
0xa9: {  	s23 =	sld [smem:$0x7F7];
	s16 =	simm.s32 @!p6 $0x0;
	p4 =	seq.s32 s25, $0x1  }
0xaa: {  	s25 =	sld [smem:$0x7E4];
	s16 =	simm.s32 @p6 $0x1;
	p6 =	seq.s32 s24, $0x1  }
0xab: {  	s24 =	sld [smem:$0x7E5];
	p4 =	por @!p5 p6, p6  }
0xac: {  	[smem:$0x7E2] =	sst s16;
	s16 =	simm.s32 @!p4 $0x0  }
0xad: {  	p5 =	seq.s32 s23, $0x1;
	s16 =	simm.s32 @p4 $0x1  }
0xae: {  	p4 =	seq.s32 s25, $0x1;
	p6 =	seq.s32 s24, $0x1;
	s25 =	sld [smem:$0x7F7]  }
0xaf: {  	s23 =	sld [smem:$0x7E5];
	p4 =	por @!p5 p6, p6  }
0xb0: {  	[smem:$0x7E3] =	sst s16;
	s16 =	simm.s32 @!p4 $0x0  }
0xb1: {  	s16 =	simm.s32 @p4 $0x1;
	p4 =	seq.s32 s25, $0x1  }
0xb2: {  	s24 =	simm.s32 $0x1A700;
	s25 =	sld [smem:$0x7E2];
	s0 =	smov.u32 @p4 s15  }
0xb3: {  	p5 =	seq.s32 s23, $0x1;
	s15 =	sadd.s32 s0, s14;
	s0 =	simm.s32 $0x0  }
0xb4: {  	[tilespmem:s24], [sflag:$0x1] =	stream.linear.gather [hbm4b:s15+s0], $0xFA0, $0x38;
	[tilespmem:$0x1E700] =	vst v63  }
0xb5: {  	[smem:$0x7E4] =	sst s16;
	p0 =	por @!p4 p5, p5;
	p6 =	seq.s32 s25, $0x1  }
.LBB2_6:
0xb6: {  	s23 =	smul.u32 $0x1F40, s0;
	_ =	sdelay $0x1  }
0xb7: {  	s15 =	sadd.s32 s23, s18  }
0xb8: {  	s24 =	sld [smem:$0x7FD];
	s15 =	sshrl.u32 s15, $0x3  }
0xb9: {  	s16 =	sadd.s32 s4, s15  }
0xba: {  	[tilespmem:s26], [sflag:$0x2] =	stream.linear.gather [hbm4b:s16+s3], $0xFA0, $0x38;
	[tilespmem:$0x1E700] =	vst v63  }
0xbb: {  	p4 =	seq.s32 s24, $0x1;
	s25 =	sadd.s32 s5, s15  }
0xbc: {  	[tilespmem:s28], [sflag:$0x2] =	stream.linear.gather [hbm4b:s25+s3], $0xFA0, $0x38;
	[tilespmem:$0x1E700] =	vst v63  }
0xbd: {  	s24 =	simm.s32 @!p4 $0x0;
	s16 =	sadd.s32 @!p4 s6, s15;
	s25 =	simm.s32 @!p4 $0x1D700  }
0xbe: {  	[tilespmem:s25], [sflag:$0x2] =	stream.linear.gather @!p4 [hbm4b:s16+s24], $0xFA0, $0x38;
	[tilespmem:$0x1E700] =	vst v63  }
0xbf: {  	s16 =	sadd.s32 @p2 s7, s15;
	s24 =	simm.s32 @p2 $0x0;
	s25 =	simm.s32 @p2 $0x1D700  }
0xc0: {  	[tilespmem:s25], [sflag:$0x2] =	stream.linear.gather @p2 [hbm4b:s16+s24], $0xFA0, $0x38;
	[tilespmem:$0x1E700] =	vst v63  }
0xc1: {  	s16 =	sadd.s32 @p1 s8, s15;
	s24 =	simm.s32 @p1 $0x0;
	s25 =	simm.s32 @p1 $0x1D700  }
0xc2: {  	[tilespmem:s25], [sflag:$0x2] =	stream.linear.gather @p1 [hbm4b:s16+s24], $0xFA0, $0x38;
	[tilespmem:$0x1E700] =	vst v63  }
0xc3: {  	s16 =	sadd.s32 @p3 s10, s15;
	s24 =	simm.s32 @p3 $0x0;
	s25 =	simm.s32 @p3 $0x1D700  }
0xc4: {  	[tilespmem:s25], [sflag:$0x2] =	stream.linear.gather @p3 [hbm4b:s16+s24], $0xFA0, $0x38;
	[tilespmem:$0x1E700] =	vst v63  }
0xc5: {  	s25 =	sld [smem:$0x7E4];
	_ =	sdelay $0x2  }
0xc6: {  	p4 =	seq.s32 s25, $0x1  }
0xc7: {  	s16 =	sadd.s32 @p4 s9, s15;
	s24 =	simm.s32 @p4 $0x0;
	s25 =	simm.s32 @p4 $0x1D700  }
0xc8: {  	[tilespmem:s25], [sflag:$0x2] =	stream.linear.gather @p4 [hbm4b:s16+s24], $0xFA0, $0x38;
	[tilespmem:$0x1E700] =	vst v63  }
0xc9: {  	s24 =	sld [smem:$0x7E3];
	_ =	sdelay $0x2  }
0xca: {  	p4 =	seq.s32 s24, $0x1  }
0xcb: {  	s16 =	sadd.s32 @p4 s11, s15;
	s24 =	simm.s32 @p4 $0x0;
	s25 =	simm.s32 @p4 $0x1D700  }
0xcc: {  	[tilespmem:s25], [sflag:$0x2] =	stream.linear.gather @p4 [hbm4b:s16+s24], $0xFA0, $0x38;
	[tilespmem:$0x1E700] =	vst v63  }
0xcd: {  	s16 =	sadd.s32 @p0 s12, s15;
	s24 =	simm.s32 @p0 $0x0;
	s25 =	simm.s32 @p0 $0x1D700  }
0xce: {  	[tilespmem:s25], [sflag:$0x2] =	stream.linear.gather @p0 [hbm4b:s16+s24], $0xFA0, $0x38;
	[tilespmem:$0x1E700] =	vst v63  }
0xcf: {  	s15 =	sadd.s32 @p6 s13, s15;
	s16 =	simm.s32 @p6 $0x0;
	s24 =	simm.s32 @p6 $0x1D700  }
0xd0: {  	[tilespmem:s24], [sflag:$0x2] =	stream.linear.gather @p6 [hbm4b:s15+s16], $0xFA0, $0x38;
	[tilespmem:$0x1E700] =	vst v63  }
0xd1: {  	_ =	swait.ge [sflag:s29], $0xFA0  }
0xd2: {  	[sflag:s29] =	ssyncset.done $0x0  }
0xd3: {  	[sflag:s29] =	ssyncadd.s32 $0xFFFFF060  }
0xd4: {  	_ =	swait.ge [sflag:s29], $0xFA0  }
0xd5: {  	[sflag:s29] =	ssyncset.done $0x0  }
0xd6: {  	[sflag:s29] =	ssyncadd.s32 $0xFFFFF060  }
0xd7: {  	_ =	swait.ge [sflag:s29], $0xFA0  }
0xd8: {  	[sflag:s29] =	ssyncset.done $0x0  }
0xd9: {  	s25 =	simm.s32 $0x18720;
	[sflag:s29] =	ssyncadd.s32 $0xFFFFF060  }
0xda: {  	v1 =	vld [tilespmem:s25+$0x20]  }
0xdb: {  	v2 =	vld [tilespmem:s25+$0xFFFFFFF0]  }
0xdc: {  	v3 =	vld [tilespmem:s25+$0x0]  }
0xdd: {  	v4 =	vld [tilespmem:s25+$0xFFFFFFE0]  }
0xde: {  	s24 =	simm.s32 $0x19720;
	v5 =	vld [tilespmem:s25+$0x10]  }
0xdf: {  	v6 =	vld [tilespmem:s24+$0x20];
	s25 =	simm.s32 $0x1A720  }
0xe0: {  	v7 =	vld [tilespmem:s25+$0x20]  }
0xe1: {  	v11 =	vld [tilespmem:s25+$0xFFFFFFF0]  }
0xe2: {  	v12 =	vld [tilespmem:s25+$0x10]  }
0xe3: {  	v1 =	vld.idx.msk [tilespmem:v1+s3+$0x0], $0xffff  }
0xe4: {  	v9 =	vld.idx.msk [tilespmem:v3+s3+$0x0], $0xffff  }
0xe5: {  	v4 =	vld.idx.msk [tilespmem:v4+s3+$0x0], $0xffff  }
0xe6: {  	v10 =	vld.idx.msk [tilespmem:v5+s3+$0x0], $0xffff  }
0xe7: {  	v5 =	vld [tilespmem:s25+$0xFFFFFFE0]  }
0xe8: {  	v1 =	vmul.f32 v7, v1;
	v7 =	vld [tilespmem:s25+$0x0]  }
0xe9: {  	v8 =	vld.idx.msk [tilespmem:v2+s3+$0x0], $0xffff  }
0xea: {  	v2 =	vld [tilespmem:s24+$0xFFFFFFE0]  }
0xeb: {  	[tilespmem:v6+s30+$0x0] =	vst.idx.add.f32.msk $0xffff, v1  }
0xec: {  	v6 =	vld [tilespmem:s24+$0x0]  }
0xed: {  	v4 =	vmul.f32 v5, v4;
	v1 =	vmul.f32 v7, v9;
	v7 =	vld [tilespmem:s24+$0x10]  }
0xee: {  	v3 =	vld [tilespmem:s24+$0xFFFFFFF0];
	v5 =	vmul.f32 v11, v8;
	v8 =	vmul.f32 v12, v10  }
0xef: {  	s15 =	simm.s32 $0x0;
	s16 =	simm.s32 $0x18770  }
.LBB2_7:
0xf0: {  	v9 =	vld [tilespmem:s16+$0x20];
	s15 =	sadd.s32 $0x50, s15;
	v10 =	vmov v8  }
0xf1: {  	v8 =	vld [tilespmem:s16+$0xFFFFFFF0];
	p4 =	slt.u32 s15, $0xF50;
	v11 =	vmov v6  }
0xf2: {  	v6 =	vld [tilespmem:s16+$0x0];
	v12 =	vmov v7  }
0xf3: {  	v7 =	vld [tilespmem:s16+$0x10]  }
0xf4: {  	v13 =	vld [tilespmem:s16+$0xFFFFFFE0]  }
0xf5: {  	[tilespmem:v2+s30+$0x0] =	vst.idx.add.f32.msk $0xffff, v4  }
0xf6: {  	s24 =	sadd.s32 $0x50, s24;
	[tilespmem:v3+s30+$0x0] =	vst.idx.add.f32.msk $0xffff, v5  }
0xf7: {  	v2 =	vld [tilespmem:s24+$0x20]  }
0xf8: {  	s25 =	sadd.s32 $0x50, s25;
	v3 =	vld.idx.msk [tilespmem:v9+s3+$0x0], $0xffff  }
0xf9: {  	v4 =	vld [tilespmem:s25+$0x20]  }
0xfa: {  	v5 =	vld.idx.msk [tilespmem:v8+s3+$0x0], $0xffff  }
0xfb: {  	v8 =	vld.idx.msk [tilespmem:v6+s3+$0x0], $0xffff  }
0xfc: {  	v6 =	vld.idx.msk [tilespmem:v13+s3+$0x0], $0xffff  }
0xfd: {  	v9 =	vld.idx.msk [tilespmem:v7+s3+$0x0], $0xffff  }
0xfe: {  	v7 =	vld [tilespmem:s25+$0xFFFFFFE0];
	v3 =	vmul.f32 v4, v3  }
0xff: {  	v13 =	vld [tilespmem:s25+$0xFFFFFFF0]  }
0x100: {  	[tilespmem:v2+s30+$0x0] =	vst.idx.add.f32.msk $0xffff, v3  }
0x101: {  	v14 =	vld [tilespmem:s25+$0x0]  }
0x102: {  	v15 =	vld [tilespmem:s25+$0x10]  }
0x103: {  	v4 =	vmul.f32 v7, v6;
	v2 =	vld [tilespmem:s24+$0xFFFFFFE0]  }
.Ltmp2:
0x104: {  	v5 =	vmul.f32 v13, v5;
	v3 =	vld [tilespmem:s24+$0xFFFFFFF0];
	(pc) =	sbr.rel @p4 .LBB2_7-.Ltmp2, $4  }
0x105: {  	v6 =	vld [tilespmem:s24+$0x0]  }
0x106: {  	v13 =	vmul.f32 v14, v8;
	v7 =	vld [tilespmem:s24+$0x10]  }
0x107: {  	v8 =	vmul.f32 v15, v9;
	[tilespmem:v11+s30+$0x0] =	vst.idx.add.f32.msk $0xffff, v1  }
0x108: {  	s16 =	sadd.s32 $0x50, s16;
	[tilespmem:v12+s30+$0x0] =	vst.idx.add.f32.msk $0xffff, v10;
	v1 =	vmov v13  }
0x109: {  	_ =	sdelay $0x3  }
0x10a: {  	[tilespmem:v2+s30+$0x0] =	vst.idx.add.f32.msk $0xffff, v4;
	p4 =	seq.s32 s0, $0x18  }
0x10b: {  	[tilespmem:v3+s30+$0x0] =	vst.idx.add.f32.msk $0xffff, v5;
	s15 =	sadd.s32 @!p4 s23, s19  }
0x10c: {  	[tilespmem:v6+s30+$0x0] =	vst.idx.add.f32.msk $0xffff, v1;
	s23 =	simm.s32 @!p4 $0x0;
	s15 =	sshrl.u32 @!p4 s15, $0x3  }
0x10d: {  	s24 =	simm.s32 @!p4 $0x18700;
	p5 =	sne.s32 @!p4 s1, $0x0;
	[tilespmem:v7+s30+$0x0] =	vst.idx.add.f32.msk $0xffff, v8;
	s16 =	sadd.s32 @!p4 s4, s15  }
0x10e: {  	[tilespmem:s24], [sflag:$0x1] =	stream.linear.gather @!p4 [hbm4b:s16+s23], $0xFA0, $0x38;
	[tilespmem:$0x1E700] =	vst v63  }
0x10f: {  	p5 =	por p5, p4;
	s16 =	sadd.s32 @!p4 s5, s15;
	s24 =	simm.s32 @!p4 $0x19700  }
0x110: {  	[tilespmem:s24], [sflag:$0x1] =	stream.linear.gather @!p4 [hbm4b:s16+s23], $0xFA0, $0x38;
	[tilespmem:$0x1E700] =	vst v63  }
0x111: {  	s16 =	sadd.s32 @!p5 s6, s15;
	s23 =	simm.s32 @!p5 $0x0;
	s24 =	simm.s32 @!p5 $0x1A700  }
0x112: {  	[tilespmem:s24], [sflag:$0x1] =	stream.linear.gather @!p5 [hbm4b:s16+s23], $0xFA0, $0x38;
	[tilespmem:$0x1E700] =	vst v63  }
0x113: {  	p5 =	por !p2, p4  }
0x114: {  	s16 =	sadd.s32 @!p5 s7, s15;
	s23 =	simm.s32 @!p5 $0x0;
	s24 =	simm.s32 @!p5 $0x1A700  }
0x115: {  	[tilespmem:s24], [sflag:$0x1] =	stream.linear.gather @!p5 [hbm4b:s16+s23], $0xFA0, $0x38;
	[tilespmem:$0x1E700] =	vst v63  }
0x116: {  	p5 =	por !p1, p4  }
0x117: {  	s16 =	sadd.s32 @!p5 s8, s15;
	s23 =	simm.s32 @!p5 $0x0;
	s24 =	simm.s32 @!p5 $0x1A700  }
0x118: {  	[tilespmem:s24], [sflag:$0x1] =	stream.linear.gather @!p5 [hbm4b:s16+s23], $0xFA0, $0x38;
	[tilespmem:$0x1E700] =	vst v63  }
0x119: {  	p5 =	por !p3, p4  }
0x11a: {  	s16 =	sadd.s32 @!p5 s10, s15;
	s23 =	simm.s32 @!p5 $0x0;
	s24 =	simm.s32 @!p5 $0x1A700  }
0x11b: {  	[tilespmem:s24], [sflag:$0x1] =	stream.linear.gather @!p5 [hbm4b:s16+s23], $0xFA0, $0x38;
	[tilespmem:$0x1E700] =	vst v63  }
0x11c: {  	s23 =	sld [smem:$0x7E4];
	_ =	sdelay $0x2  }
0x11d: {  	p5 =	seq.s32 s23, $0x1  }
0x11e: {  	p5 =	por !p5, p4  }
0x11f: {  	s16 =	sadd.s32 @!p5 s9, s15;
	s23 =	simm.s32 @!p5 $0x0;
	s24 =	simm.s32 @!p5 $0x1A700  }
0x120: {  	[tilespmem:s24], [sflag:$0x1] =	stream.linear.gather @!p5 [hbm4b:s16+s23], $0xFA0, $0x38;
	[tilespmem:$0x1E700] =	vst v63  }
0x121: {  	s24 =	sld [smem:$0x7E3];
	_ =	sdelay $0x2  }
0x122: {  	p5 =	seq.s32 s24, $0x1  }
0x123: {  	p5 =	por !p5, p4  }
0x124: {  	s16 =	sadd.s32 @!p5 s11, s15;
	s23 =	simm.s32 @!p5 $0x0;
	s24 =	simm.s32 @!p5 $0x1A700  }
0x125: {  	[tilespmem:s24], [sflag:$0x1] =	stream.linear.gather @!p5 [hbm4b:s16+s23], $0xFA0, $0x38;
	[tilespmem:$0x1E700] =	vst v63  }
0x126: {  	p5 =	por !p0, p4;
	p4 =	por !p6, p4  }
0x127: {  	s16 =	sadd.s32 @!p5 s12, s15;
	s23 =	simm.s32 @!p5 $0x0;
	s24 =	simm.s32 @!p5 $0x1A700  }
0x128: {  	[tilespmem:s24], [sflag:$0x1] =	stream.linear.gather @!p5 [hbm4b:s16+s23], $0xFA0, $0x38;
	[tilespmem:$0x1E700] =	vst v63  }
0x129: {  	s15 =	sadd.s32 @!p4 s13, s15;
	s16 =	simm.s32 @!p4 $0x0;
	s23 =	simm.s32 @!p4 $0x1A700  }
0x12a: {  	[tilespmem:s23], [sflag:$0x1] =	stream.linear.gather @!p4 [hbm4b:s15+s16], $0xFA0, $0x38;
	[tilespmem:$0x1E700] =	vst v63  }
0x12b: {  	_ =	swait.ge [sflag:s31], $0xFA0  }
0x12c: {  	[sflag:s31] =	ssyncset.done $0x0  }
0x12d: {  	[sflag:s31] =	ssyncadd.s32 $0xFFFFF060  }
0x12e: {  	_ =	swait.ge [sflag:s31], $0xFA0  }
0x12f: {  	[sflag:s31] =	ssyncset.done $0x0  }
0x130: {  	[sflag:s31] =	ssyncadd.s32 $0xFFFFF060  }
0x131: {  	_ =	swait.ge [sflag:s31], $0xFA0  }
0x132: {  	[sflag:s31] =	ssyncset.done $0x0  }
0x133: {  	s25 =	simm.s32 $0x1B720;
	[sflag:s31] =	ssyncadd.s32 $0xFFFFF060  }
0x134: {  	v1 =	vld [tilespmem:s25+$0x20]  }
0x135: {  	v2 =	vld [tilespmem:s25+$0xFFFFFFF0]  }
0x136: {  	v3 =	vld [tilespmem:s25+$0x0]  }
0x137: {  	v4 =	vld [tilespmem:s25+$0xFFFFFFE0]  }
0x138: {  	s23 =	simm.s32 $0x1C720;
	v5 =	vld [tilespmem:s25+$0x10]  }
0x139: {  	s24 =	simm.s32 $0x1D720;
	v6 =	vld [tilespmem:s23+$0x20]  }
0x13a: {  	v7 =	vld [tilespmem:s24+$0x20]  }
0x13b: {  	v11 =	vld [tilespmem:s24+$0xFFFFFFF0]  }
0x13c: {  	v12 =	vld [tilespmem:s24+$0x10]  }
0x13d: {  	v1 =	vld.idx.msk [tilespmem:v1+s3+$0x0], $0xffff  }
0x13e: {  	v9 =	vld.idx.msk [tilespmem:v3+s3+$0x0], $0xffff  }
0x13f: {  	v3 =	vld.idx.msk [tilespmem:v4+s3+$0x0], $0xffff  }
0x140: {  	v10 =	vld.idx.msk [tilespmem:v5+s3+$0x0], $0xffff  }
0x141: {  	v5 =	vld [tilespmem:s24+$0xFFFFFFE0]  }
0x142: {  	v1 =	vmul.f32 v7, v1;
	v7 =	vld [tilespmem:s24+$0x0]  }
0x143: {  	v8 =	vld.idx.msk [tilespmem:v2+s3+$0x0], $0xffff  }
0x144: {  	v2 =	vld [tilespmem:s23+$0xFFFFFFE0]  }
0x145: {  	[tilespmem:v6+s30+$0x0] =	vst.idx.add.f32.msk $0xffff, v1  }
0x146: {  	v6 =	vld [tilespmem:s23+$0x0]  }
0x147: {  	v3 =	vmul.f32 v5, v3;
	v1 =	vmul.f32 v7, v9;
	v7 =	vld [tilespmem:s23+$0x10]  }
0x148: {  	v4 =	vld [tilespmem:s23+$0xFFFFFFF0];
	v5 =	vmul.f32 v11, v8;
	v8 =	vmul.f32 v12, v10  }
0x149: {  	s15 =	simm.s32 $0x0;
	s16 =	simm.s32 $0x1B770  }
.LBB2_9:
0x14a: {  	v9 =	vld [tilespmem:s16+$0x20];
	s15 =	sadd.s32 $0x50, s15;
	v10 =	vmov v8  }
0x14b: {  	v8 =	vld [tilespmem:s16+$0xFFFFFFF0];
	p4 =	slt.u32 s15, $0xF50;
	v11 =	vmov v6  }
0x14c: {  	v6 =	vld [tilespmem:s16+$0x0];
	v12 =	vmov v7  }
0x14d: {  	v7 =	vld [tilespmem:s16+$0x10]  }
0x14e: {  	v13 =	vld [tilespmem:s16+$0xFFFFFFE0]  }
0x14f: {  	[tilespmem:v2+s30+$0x0] =	vst.idx.add.f32.msk $0xffff, v3  }
0x150: {  	s23 =	sadd.s32 $0x50, s23;
	[tilespmem:v4+s30+$0x0] =	vst.idx.add.f32.msk $0xffff, v5  }
0x151: {  	v2 =	vld [tilespmem:s23+$0x20]  }
0x152: {  	s24 =	sadd.s32 $0x50, s24;
	v3 =	vld.idx.msk [tilespmem:v9+s3+$0x0], $0xffff  }
0x153: {  	v4 =	vld [tilespmem:s24+$0x20]  }
0x154: {  	v5 =	vld.idx.msk [tilespmem:v8+s3+$0x0], $0xffff  }
0x155: {  	v8 =	vld.idx.msk [tilespmem:v6+s3+$0x0], $0xffff  }
0x156: {  	v6 =	vld.idx.msk [tilespmem:v13+s3+$0x0], $0xffff  }
0x157: {  	v9 =	vld.idx.msk [tilespmem:v7+s3+$0x0], $0xffff  }
0x158: {  	v7 =	vld [tilespmem:s24+$0xFFFFFFE0];
	v3 =	vmul.f32 v4, v3  }
0x159: {  	v4 =	vld [tilespmem:s24+$0xFFFFFFF0]  }
0x15a: {  	[tilespmem:v2+s30+$0x0] =	vst.idx.add.f32.msk $0xffff, v3  }
0x15b: {  	v13 =	vld [tilespmem:s24+$0x0]  }
0x15c: {  	v14 =	vld [tilespmem:s24+$0x10]  }
0x15d: {  	v3 =	vmul.f32 v7, v6;
	v2 =	vld [tilespmem:s23+$0xFFFFFFE0]  }
.Ltmp3:
0x15e: {  	v5 =	vmul.f32 v4, v5;
	v4 =	vld [tilespmem:s23+$0xFFFFFFF0];
	(pc) =	sbr.rel @p4 .LBB2_9-.Ltmp3, $4  }
0x15f: {  	v6 =	vld [tilespmem:s23+$0x0]  }
0x160: {  	v13 =	vmul.f32 v13, v8;
	v7 =	vld [tilespmem:s23+$0x10]  }
0x161: {  	v8 =	vmul.f32 v14, v9;
	[tilespmem:v11+s30+$0x0] =	vst.idx.add.f32.msk $0xffff, v1  }
0x162: {  	s16 =	sadd.s32 $0x50, s16;
	[tilespmem:v12+s30+$0x0] =	vst.idx.add.f32.msk $0xffff, v10;
	v1 =	vmov v13  }
0x163: {  	_ = 	snop  }
0x164: {  	s0 =	sadd.s32 $0x1, s0  }
0x165: {  	p4 =	sne.s32 s0, $0x19  }
.Ltmp4:
0x166: {  	_ = 	snop;
	(pc) =	sbr.rel @p4 .LBB2_6-.Ltmp4, $4  }
0x167: {  	[tilespmem:v2+s30+$0x0] =	vst.idx.add.f32.msk $0xffff, v3  }
0x168: {  	[tilespmem:v4+s30+$0x0] =	vst.idx.add.f32.msk $0xffff, v5  }
0x169: {  	[tilespmem:v6+s30+$0x0] =	vst.idx.add.f32.msk $0xffff, v1  }
0x16a: {  	[tilespmem:v7+s30+$0x0] =	vst.idx.add.f32.msk $0xffff, v8  }
0x16b: {  	s2 =	sadd.s32 $0x1, s2  }
0x16c: {  	p0 =	sne.s32 s2, s21  }
.Ltmp5:
0x16d: {  	_ = 	snop;
	(pc) =	sbr.rel @p0 .LBB2_1-.Ltmp5, $4  }
0x16e: {  	[hbm4b:s20+s3] =	stream.linear.scatter [tilespmem:s30], [sflag:$0x3], $0xC350, $0x38;
	[tilespmem:$0x1E700] =	vst v63  }
0x16f: {  	_ =	swait.ge [sflag:s22], $0xC350  }
0x170: {  	[sflag:s22] =	ssyncset.done $0x0  }
0x171: {  	[sflag:s22] =	ssyncadd.s32 $0xFFFF3CB0  }
0x172: {  	_ =	sfence.sel $0x180000  }
0x173: {  	[bflag:$0x0] =	sbarrier.arrive $0xFFFF  }
0x174: {  	_ =	strace $0x9000004D  }
0x175: {  	s0 =	stileid.u32;
	[bflag:$0x2] =	sbarrier.arrive $0xFFFF  }
0x176: {  	p0 =	sne.s32 s0, $0x0;
	s0 =	rddreg [dreg:$0x1]  }
0x177: {  	s0 =	sadd.s32 @!p0 $0x100000, s0  }
0x178: {  	[sflag:s0] =	ssyncadd.tile.s32 @!p0 $0x1;
	_ =	shalt  }
.Lfunc_end2:
_tile_overlayer_lowered:
.L_overlay_start_2:
0x179: {  	(tag) =	ssettag $0x2  }
0x17a: {  	s0 =	rddreg [dreg:$0x0];
	s2 =	stileid.u32  }
0x17b: {  	s1 =	rddreg [dreg:$0x1];
	p0 =	sne.s32 s2, $0x0  }
0x17c: {  	s3 =	rddreg [dreg:$0x2];
	[bflag:$0x3] =	sbarrier.arrive $0xFFFF;
	s2 =	simm.s32 @!p0 $0x1C03  }
0x17d: {  	[timem:s3], [sflag:s2] =	dma.local @!p0 [hbm:s0], s1  }
0x17e: {  	s0 =	simm.s32 @!p0 $0x3  }
0x17f: {  	_ =	swait.ge @!p0 [sflag:s0], s1  }
0x180: {  	s1 =	ssub.s32 @!p0 $0x0, s1;
	[sflag:s0] =	ssyncset.done @!p0 $0x0  }
0x181: {  	[sflag:s0] =	ssyncadd.s32 @!p0 s1  }
0x182: {  	[bflag:$0x3] =	sbarrier.arrive $0xFFFF  }
0x183: {  	_ =	shalt  }

// kernel: kernel.16.cloned.1.call-start
scs
__scs_entry_jumppad:
0x0: {  	(pc) =	sbr.rel $0x88, $3  }
0x1: {  	(tag) =	ssettag $0x0;
	lr =	simm.s32 $0x1  }
0x2: {  	[smem:$0x3F98] =	sst lr;
	_ =	strace $0xD0000000  }
0x3: {  	_ = 	snop  }
0x4: {  	_ = 	snop  }
0x5: {  	_ = 	snop  }
0x6: {  	_ = 	snop  }
0x7: {  	_ = 	snop  }
__scs_overlays_trampoline_lowered:
0x8: {  	[smem:$0x3FA7] =	sst s0  }
0x9: {  	[smem:$0x3FA8] =	sst s1  }
0xa: {  	[smem:$0x3FA9] =	sst s2  }
0xb: {  	[smem:$0x3FAA] =	sst s3  }
0xc: {  	[smem:$0x3FAB] =	sst s4  }
0xd: {  	[smem:$0x3FAC] =	sst s5  }
0xe: {  	[smem:$0x3FAD] =	sst s6  }
0xf: {  	[smem:$0x3FAE] =	sst s7  }
0x10: {  	[smem:$0x3FAF] =	sst s8  }
0x11: {  	[smem:$0x3FB0] =	sst s9;
	s0 =	simm.s32 @!p0 $0x0  }
0x12: {  	s1 =	sld [smem:$0x3F96];
	s0 =	simm.s32 @p0 $0x1  }
0x13: {  	[smem:$0x3FB1] =	sst s0;
	s0 =	simm.s32 @!p1 $0x0  }
0x14: {  	s2 =	sld [smem:$0x3F95];
	s0 =	simm.s32 @p1 $0x1  }
0x15: {  	[smem:$0x3FB2] =	sst s0;
	s0 =	simm.s32 @!p2 $0x0  }
0x16: {  	s3 =	sld [smem:$0x3FDB];
	s0 =	simm.s32 @p2 $0x1  }
0x17: {  	s4 =	simm.s32 $0x1BF5;
	[smem:$0x3FB4] =	sst s0  }
0x18: {  	s0 =	sld [smem:$0x3F97];
	_ =	swait.ge [sflag:s4], $0x0  }
0x19: {  	s7 =	sld [smem:$0x3F98]  }
0x1a: {  	s8 =	sadd.s32 $0xFFFFE003, lr  }
0x1b: {  	s9 =	sadd.s32 $0xFFFFFEF7, lr;
	s5 =	simm.s32 $0xFFFFFFFF;
	p2 =	slt.u32 s8, $0xFFFFF086  }
0x1c: {  	p1 =	slt.u32 s9, $0xF7A;
	s5 =	simm.s32 @!p2 $0x0  }
0x1d: {  	s5 =	simm.s32 @p1 $0x1;
	p0 =	seq.s32 s7, s2  }
0x1e: {  	s7 =	smul.u32 @!p0 $0xF7A, s2;
	p2 =	seq.s32 @!p0 s5, $0x0  }
0x1f: {  	s9 =	smul.u32 $0xF7A, s1;
	s8 =	simm.s32 @!p0 $0x1BF5;
	p2 =	por !p2, p0  }
0x20: {  	[sflag:s8] =	ssyncset.s32 @!p0 $0xFFFFF086;
	s6 =	sadd.s32 @!p0 s3, s7;
	s7 =	simm.s32 @!p0 $0x108  }
0x21: {  	s3 =	sadd.s32 s3, s9;
	s6 =	sadd.s32 @!p0 $0x88, s6;
	s7 =	simm.s32 @p2 $0x1082  }
0x22: {  	[simem:s7], [sflag:s8] =	dma.local @!p0 [hbm:s6], $0xF7A  }
0x23: {  	s9 =	sor.u32 $0xD0000000, s2;
	s6 =	simm.s32 $0x108;
	_ =	swait.ge @!p0 [sflag:s8], $0x0  }
0x24: {  	s3 =	sadd.s32 $0x88, s3;
	s6 =	simm.s32 @!p1 $0x1082;
	[sflag:s4] =	ssyncset.s32 $0xFFFFF086  }
0x25: {  	[simem:s6], [sflag:s4] =	dma.local [hbm:s3], $0xF7A  }
0x26: {  	[smem:$0x3F98] =	sst s1;
	(tag) =	ssettag s2;
	_ =	strace s9  }
0x27: {  	s1 =	sld [smem:$0x3FA8]  }
0x28: {  	s2 =	sld [smem:$0x3FA9]  }
0x29: {  	s4 =	sld [smem:$0x3FAB]  }
0x2a: {  	p0 =	seq.s32 s5, $0x0;
	s5 =	sld [smem:$0x3FAC]  }
0x2b: {  	s6 =	sld [smem:$0x3FAD]  }
0x2c: {  	s7 =	sld [smem:$0x3FAE]  }
0x2d: {  	s3 =	simm.s32 $0x108;
	s8 =	sld [smem:$0x3FAF]  }
0x2e: {  	s3 =	simm.s32 @!p0 $0x1082;
	s9 =	sld [smem:$0x3FB0]  }
0x2f: {  	lr =	sadd.s32 s0, s3;
	s0 =	sld [smem:$0x3FA7]  }
0x30: {  	s3 =	sld [smem:$0x3FAA]  }
0x31: {  	[smem:$0x3FB3] =	sst s10  }
0x32: {  	s10 =	sld [smem:$0x3FB1];
	_ =	sdelay $0x3  }
0x33: {  	p0 =	seq.s32 s10, $0x1;
	s10 =	sld [smem:$0x3FB3];
	_ =	sdelay $0x3  }
0x34: {  	[smem:$0x3FB3] =	sst s10  }
0x35: {  	s10 =	sld [smem:$0x3FB2];
	_ =	sdelay $0x3  }
0x36: {  	p1 =	seq.s32 s10, $0x1;
	s10 =	sld [smem:$0x3FB3];
	_ =	sdelay $0x3  }
0x37: {  	[smem:$0x3FB3] =	sst s10  }
0x38: {  	s10 =	sld [smem:$0x3FB4]  }
0x39: {  	_ = 	snop;
	(pc) =	sbr.ind lr, $3  }
0x3a: {  	_ = 	snop  }
0x3b: {  	_ = 	snop  }
0x3c: {  	p2 =	seq.s32 s10, $0x1;
	s10 =	sld [smem:$0x3FB3]  }
0x3d: {  	_ =	shalt  }
0x3e: {  	_ =	shalt  }
0x3f: {  	_ =	shalt  }
0x40: {  	_ =	shalt  }
0x41: {  	_ =	shalt  }
0x42: {  	_ =	shalt  }
0x43: {  	_ =	shalt  }
0x44: {  	_ =	shalt  }
0x45: {  	_ =	shalt  }
0x46: {  	_ =	shalt  }
0x47: {  	_ =	shalt  }
0x48: {  	_ =	shalt  }
0x49: {  	_ =	shalt  }
0x4a: {  	_ =	shalt  }
0x4b: {  	_ =	shalt  }
0x4c: {  	_ =	shalt  }
0x4d: {  	_ =	shalt  }
0x4e: {  	_ =	shalt  }
0x4f: {  	_ =	shalt  }
0x50: {  	_ =	shalt  }
0x51: {  	_ =	shalt  }
0x52: {  	_ =	shalt  }
0x53: {  	_ =	shalt  }
0x54: {  	_ =	shalt  }
0x55: {  	_ =	shalt  }
0x56: {  	_ =	shalt  }
0x57: {  	_ =	shalt  }
0x58: {  	_ =	shalt  }
0x59: {  	_ =	shalt  }
0x5a: {  	_ =	shalt  }
0x5b: {  	_ =	shalt  }
0x5c: {  	_ =	shalt  }
0x5d: {  	_ =	shalt  }
0x5e: {  	_ =	shalt  }
0x5f: {  	_ =	shalt  }
0x60: {  	_ =	shalt  }
0x61: {  	_ =	shalt  }
0x62: {  	_ =	shalt  }
0x63: {  	_ =	shalt  }
0x64: {  	_ =	shalt  }
0x65: {  	_ =	shalt  }
0x66: {  	_ =	shalt  }
0x67: {  	_ =	shalt  }
0x68: {  	_ =	shalt  }
0x69: {  	_ =	shalt  }
0x6a: {  	_ =	shalt  }
0x6b: {  	_ =	shalt  }
0x6c: {  	_ =	shalt  }
0x6d: {  	_ =	shalt  }
0x6e: {  	_ =	shalt  }
0x6f: {  	_ =	shalt  }
0x70: {  	_ =	shalt  }
0x71: {  	_ =	shalt  }
0x72: {  	_ =	shalt  }
0x73: {  	_ =	shalt  }
0x74: {  	_ =	shalt  }
0x75: {  	_ =	shalt  }
0x76: {  	_ =	shalt  }
0x77: {  	_ =	shalt  }
0x78: {  	_ =	shalt  }
0x79: {  	_ =	shalt  }
0x7a: {  	_ =	shalt  }
0x7b: {  	_ =	shalt  }
0x7c: {  	_ =	shalt  }
0x7d: {  	_ =	shalt  }
0x7e: {  	_ =	shalt  }
0x7f: {  	_ =	shalt  }
0x80: {  	_ =	shalt  }
0x81: {  	_ =	shalt  }
0x82: {  	_ =	shalt  }
0x83: {  	_ =	shalt  }
0x84: {  	_ =	shalt  }
0x85: {  	_ =	shalt  }
0x86: {  	_ =	shalt  }
0x87: {  	_ =	shalt  }
.Lfunc_end0:
.L_simem_size_0:
called_computation.3_lowered:
.L_overlay_start_0:
0x88: {  	s2 =	sld [smem:$0x3FD9]  }
0x89: {  	s3 =	sld [smem:$0x3FFE];
	_ =	sdelay $0x1  }
0x8a: {  	s1 =	srdreg.scid  }
0x8b: {  	s0 =	sand.u32 $0x1, s1  }
0x8c: {  	s17 =	sshll.u32 s0, $0xA;
	s2 =	sadd.s32 s3, s2  }
0x8d: {  	s2 =	sadd.s32 s2, s17  }
0x8e: {  	[smem:$0x3FBF] =	sst s2  }
0x8f: {  	_ = 	snop  }
0x90: {  	s2 =	sld [smem:$0x3FD0];
	(tm) =	ssettm $0x1  }
0x91: {  	s18 =	sld [smem:$0x3FFB];
	_ =	sdelay $0x3  }
0x92: {  	_ =	strace s18  }
0x93: {  	s3 =	sld [smem:$0x3FFC];
	_ =	sdelay $0x3  }
0x94: {  	_ =	strace s3  }
0x95: {  	s3 =	sld [smem:$0x3FFD];
	_ =	sdelay $0x3  }
0x96: {  	_ =	strace s3  }
0x97: {  	_ =	strace $0x8FFFFFFF  }
0x98: {  	s19 =	sld [smem:$0x3FDB];
	_ =	sdelay $0x1  }
0x99: {  	s4 =	simm.s32 $_scs_section_size  }
0x9a: {  	s5 =	simm.s32 $_size__tile_overlayer_lowered;
	s6 =	simm.s32 $_tile_overlayer_lowered  }
0x9b: {  	s22 =	simm.s32 $0x1BFF;
	s21 =	sshll.u32 s6, $0x1;
	s3 =	sadd.s32 s4, s19  }
0x9c: {  	s7 =	simm.s32 $0x0;
	s20 =	sshll.u32 s5, $0x1;
	s5 =	sadd.s32 s21, s3  }
0x9d: {  	[timem:s7], [sflag:s22] =	dma.local [hbm:s5], s20  }
0x9e: {  	_ =	swait.ge [sflag:s22], s20  }
0x9f: {  	s4 =	ssub.s32 $0x0, s20;
	[sflag:s22] =	ssyncset.done $0x0  }
0xa0: {  	[sflag:s22] =	ssyncadd.s32 s4;
	_ =	sdelay $0x1  }
0xa1: {  	s23 =	simm.s32 $0x1B8B  }
0xa2: {  	_ =	swait.ge [sflag:s23], $0x1  }
0xa3: {  	[sflag:s23] =	ssyncset.done $0x0  }
0xa4: {  	s25 =	simm.s32 $0x1B8E;
	s24 =	sld [smem:$0x3FFE];
	[sflag:s23] =	ssyncadd.s32 $0xFFFFFFFF  }
0xa5: {  	s26 =	simm.s32 $execute0_lowered;
	[smem:$0x3FD2] =	sst s25  }
0xa6: {  	s5 =	sshll.u32 s26, $0x1;
	_ =	strace $0x8000004F;
	[dreg:$0x1] =	wrdreg $0xFFFFFFFF  }
0xa7: {  	s28 =	simm.s32 $_size_execute0_lowered;
	s3 =	sadd.s32 s3, s5;
	[dreg:$0x0] =	wrdreg $0x0  }
0xa8: {  	s5 =	sshll.u32 s28, $0x1;
	[dreg:$0x2] =	wrdreg s3  }
0xa9: {  	[dreg:$0x3] =	wrdreg s5  }
0xaa: {  	[dreg:$0x4] =	wrdreg $0xC0  }
0xab: {  	_ =	task [dreg:s7], $0x5FFFF  }
0xac: {  	[dreg:$0x1] =	wrdreg $0xFFFFFFFF  }
0xad: {  	[dreg:$0x0] =	wrdreg $0x60  }
0xae: {  	[dreg:$0x2] =	wrdreg s24  }
0xaf: {  	[dreg:$0x3] =	wrdreg s2  }
0xb0: {  	[dreg:$0x4] =	wrdreg $0x9  }
0xb1: {  	_ =	task.clear_ibuf [dreg:s7], $0x5FFFF;
	_ =	strace $0x9000004F  }
0xb2: {  	s29 =	simm.s32 $0x9;
	_ =	strace $0x80000051  }
0xb3: {  	_ =	swait.ge [sflag:s29], $0x1  }
0xb4: {  	[sflag:s29] =	ssyncadd.s32 $0xFFFFFFFF  }
0xb5: {  	_ =	strace $0x90000051  }
0xb6: {  	_ =	sfence  }
0xb7: {  	s30 =	sld [smem:$0x0];
	_ =	sdelay $0x2  }
0xb8: {  	s31 =	sshll.u32 s1, $0xD;
	s1 =	sshrl.u32 s1, $0x2  }
0xb9: {  	s3 =	sand.u32 $0x4000, s31;
	s1 =	sadd.s32 s1, s30  }
0xba: {  	s0 =	sor.u32 s3, s0;
	s1 =	sshll.u32 s1, $0x11  }
0xbb: {  	s0 =	sor.u32 s1, s0  }
0xbc: {  	s0 =	sadd.s32 $0x8F2B, s0  }
0xbd: {  	[sflag:s0] =	ssyncadd.remote.s32 $0x1  }
0xbe: {  	_ =	sfence.sel $0xFFFF  }
0xbf: {  	[dreg:$0x0] =	wrdreg $0xFFFFFFFF;
	(pc) =	sbr.abs _section_cstart, $3  }
0xc0: {  	[dreg:$0x1] =	wrdreg $0xFFFFFFFF  }
0xc1: {  	_ =	task.clear_ibuf [dreg:s7], $0x2FFFF;
	_ =	strace $0x9FFFFFFF  }
0xc2: {  	(tm) =	ssettm $0x7FFFFFFF  }
0xc3: {  	_ =	shalt  }
tec
execute0_lowered:
.L_overlay_start_1:
0x0: {  	(tag) =	ssettag $0x1  }
0x1: {  	s0 =	rddreg [dreg:$0x0]  }
0x2: {  	s1 =	srdreg.scid;
	s2 =	stileid.u32  }
0x3: {  	s3 =	rddreg [dreg:$0x1];
	s1 =	sand.u32 $0x1, s1;
	s4 =	sshll.u32 s2, $0x1  }
0x4: {  	s2 =	simm.s32 $0x0;
	s6 =	sadd.s32 $0x1E00, s0;
	s4 =	sor.u32 s1, s4  }
0x5: {  	s7 =	sadd.s32 $0x96E00, s0;
	s5 =	sadd.s32 $0xA3200, s0;
	s4 =	smul.u32 $0x680, s4  }
0x6: {  	s0 =	sadd.s32 $0x32C00, s0;
	[smem:$0x7FF] =	sst s2;
	s1 =	ssub.s32 $0x2, s1  }
0x7: {  	_ =	strace $0x80000050;
	s21 =	sshrl.u32 s1, $0x1;
	s4 =	smin.u32 s4, $0xBCD0  }
0x8: {  	[dreg:$0x4] =	wrdreg s0;
	s0 =	ssub.s32 s1, s21;
	s4 =	sshrl.u32 s4, $0x3  }
0x9: {  	[dreg:$0x3] =	wrdreg s5;
	s0 =	smax.u32 s0, $0x1;
	s22 =	sadd.s32 $0x186A, s4  }
0xa: {  	[dreg:$0x18] =	wrdreg s0;
	s23 =	sadd.s32 $0x30D4, s4;
	s8 =	sadd.s32 s6, s22  }
0xb: {  	s24 =	sadd.s32 $0x493E, s4;
	s9 =	sadd.s32 s6, s23;
	[dreg:$0x5] =	wrdreg s8  }
0xc: {  	s10 =	sadd.s32 $0x61A8, s4;
	s11 =	sadd.s32 s6, s24;
	[dreg:$0x6] =	wrdreg s9  }
0xd: {  	s26 =	sadd.s32 $0x7A12, s4;
	s25 =	sadd.s32 s6, s10;
	[dreg:$0x7] =	wrdreg s11  }
0xe: {  	s15 =	sadd.s32 $0x927C, s4;
	s12 =	sadd.s32 s6, s26;
	[dreg:$0x8] =	wrdreg s25  }
0xf: {  	s13 =	sadd.s32 $0xAAE6, s4;
	s14 =	sadd.s32 s6, s15;
	[dreg:$0x9] =	wrdreg s12  }
0x10: {  	s5 =	sadd.s32 s6, s4;
	s6 =	sadd.s32 s6, s13;
	[dreg:$0xa] =	wrdreg s14  }
0x11: {  	s16 =	sadd.s32 $0xC350, s5;
	[dreg:$0xb] =	wrdreg s6  }
0x12: {  	s17 =	sadd.s32 $0xDBBA, s5;
	s1 =	sadd.s32 s7, s22;
	[dreg:$0xc] =	wrdreg s16  }
0x13: {  	s18 =	sadd.s32 s7, s23;
	s19 =	sadd.s32 s7, s24;
	[dreg:$0xd] =	wrdreg s17  }
0x14: {  	s20 =	sadd.s32 s7, s10;
	s21 =	sadd.s32 s7, s26;
	[dreg:$0xe] =	wrdreg s1  }
0x15: {  	s22 =	sadd.s32 s7, s15;
	s23 =	sadd.s32 s7, s13;
	[dreg:$0xf] =	wrdreg s18  }
0x16: {  	s24 =	sadd.s32 s7, s4;
	s26 =	sadd.s32 $0xF424, s5;
	[dreg:$0x10] =	wrdreg s19  }
0x17: {  	s28 =	sadd.s32 $0x124F8, s5;
	s29 =	sadd.s32 $0x13D62, s5;
	[dreg:$0x11] =	wrdreg s20  }
0x18: {  	s30 =	sadd.s32 $0x155CC, s5;
	s31 =	sadd.s32 $0x16E36, s5;
	[dreg:$0x12] =	wrdreg s21  }
0x19: {  	s0 =	sadd.s32 $0x19F0A, s5;
	s7 =	sadd.s32 $0x200B2, s5;
	[dreg:$0x13] =	wrdreg s22  }
0x1a: {  	s10 =	sadd.s32 $0x249F0, s5;
	s13 =	sadd.s32 $0x2932E, s5;
	[dreg:$0x14] =	wrdreg s23  }
0x1b: {  	s15 =	sadd.s32 $0x2C402, s5;
	[dreg:$0x15] =	wrdreg s24;
	s25 =	sadd.s32 s3, s4  }
0x1c: {  	[dreg:$0x17] =	wrdreg s26;
	s26 =	sadd.s32 $0x10C8E, s5;
	s1 =	sadd.s32 $0x186A0, s5  }
0x1d: {  	s3 =	sadd.s32 $0x1B774, s5;
	s4 =	sadd.s32 $0x1CFDE, s5;
	s6 =	sadd.s32 $0x1E848, s5  }
0x1e: {  	s8 =	sadd.s32 $0x2191C, s5;
	s9 =	sadd.s32 $0x23186, s5;
	s11 =	sadd.s32 $0x2625A, s5  }
0x1f: {  	s12 =	sadd.s32 $0x27AC4, s5;
	s14 =	sadd.s32 $0x2AB98, s5;
	s16 =	sadd.s32 $0x2DC6C, s5  }
0x20: {  	s17 =	sadd.s32 $0x2F4D6, s5;
	s18 =	simm.s32 $0x2;
	s19 =	simm.s32 $0x1  }
0x21: {  	s20 =	simm.s32 $0x10400;
	s21 =	simm.s32 $0x0;
	[dreg:$0x16] =	wrdreg s25  }
.LBB2_1:
0x22: {  	s22 =	rddreg [dreg:$0x3];
	s23 =	simm.s32 $0x10A80  }
0x23: {  	[tilespmem:s23], [sflag:$0x2] =	stream.linear.gather [hbm4b:s22+s2], $0x80, $0x38;
	[tilespmem:$0x10B80] =	vst v63  }
0x24: {  	_ =	swait.ge [sflag:s18], $0x80  }
0x25: {  	[sflag:s18] =	ssyncset.done $0x0  }
0x26: {  	s25 =	simm.s32 $0x10B00;
	s24 =	rddreg [dreg:$0x4];
	[sflag:s18] =	ssyncadd.s32 $0xFFFFFF80  }
0x27: {  	[tilespmem:s25], [sflag:$0x2] =	stream.linear.gather [hbm4b:s24+s2], $0x80, $0x38;
	[tilespmem:$0x10B80] =	vst v63  }
0x28: {  	_ =	swait.ge [sflag:s18], $0x80  }
0x29: {  	[sflag:s18] =	ssyncset.done $0x0  }
0x2a: {  	[sflag:s18] =	ssyncadd.s32 $0xFFFFFF80  }
0x2b: {  	[tilespmem:s2], [sflag:$0x1] =	stream.linear.gather [hbm4b:s5+s2], $0x680, $0x38;
	[tilespmem:$0x10B80] =	vst v63  }
0x2c: {  	s25 =	simm.s32 $0x680;
	s24 =	rddreg [dreg:$0x5]  }
0x2d: {  	[tilespmem:s25], [sflag:$0x1] =	stream.linear.gather [hbm4b:s24+s2], $0x680, $0x38;
	[tilespmem:$0x10B80] =	vst v63  }
0x2e: {  	s24 =	rddreg [dreg:$0x6];
	s25 =	simm.s32 $0xD00  }
0x2f: {  	[tilespmem:s25], [sflag:$0x1] =	stream.linear.gather [hbm4b:s24+s2], $0x680, $0x38;
	[tilespmem:$0x10B80] =	vst v63  }
0x30: {  	s24 =	rddreg [dreg:$0x7];
	s25 =	simm.s32 $0x1380  }
0x31: {  	[tilespmem:s25], [sflag:$0x1] =	stream.linear.gather [hbm4b:s24+s2], $0x680, $0x38;
	[tilespmem:$0x10B80] =	vst v63  }
0x32: {  	s24 =	rddreg [dreg:$0x8];
	s25 =	simm.s32 $0x1A00  }
0x33: {  	[tilespmem:s25], [sflag:$0x1] =	stream.linear.gather [hbm4b:s24+s2], $0x680, $0x38;
	[tilespmem:$0x10B80] =	vst v63  }
0x34: {  	s24 =	rddreg [dreg:$0x9];
	s25 =	simm.s32 $0x2080  }
0x35: {  	[tilespmem:s25], [sflag:$0x1] =	stream.linear.gather [hbm4b:s24+s2], $0x680, $0x38;
	[tilespmem:$0x10B80] =	vst v63  }
0x36: {  	s24 =	rddreg [dreg:$0xa];
	s25 =	simm.s32 $0x2700  }
0x37: {  	[tilespmem:s25], [sflag:$0x1] =	stream.linear.gather [hbm4b:s24+s2], $0x680, $0x38;
	[tilespmem:$0x10B80] =	vst v63  }
0x38: {  	s24 =	rddreg [dreg:$0xb];
	s25 =	simm.s32 $0x2D80  }
0x39: {  	[tilespmem:s25], [sflag:$0x1] =	stream.linear.gather [hbm4b:s24+s2], $0x680, $0x38;
	[tilespmem:$0x10B80] =	vst v63  }
0x3a: {  	s24 =	rddreg [dreg:$0xc];
	s25 =	simm.s32 $0x3400  }
0x3b: {  	[tilespmem:s25], [sflag:$0x1] =	stream.linear.gather [hbm4b:s24+s2], $0x680, $0x38;
	[tilespmem:$0x10B80] =	vst v63  }
0x3c: {  	s24 =	rddreg [dreg:$0xd];
	s25 =	simm.s32 $0x3A80  }
0x3d: {  	[tilespmem:s25], [sflag:$0x1] =	stream.linear.gather [hbm4b:s24+s2], $0x680, $0x38;
	[tilespmem:$0x10B80] =	vst v63  }
0x3e: {  	s24 =	rddreg [dreg:$0x17];
	s25 =	simm.s32 $0x4100  }
0x3f: {  	[tilespmem:s25], [sflag:$0x1] =	stream.linear.gather [hbm4b:s24+s2], $0x680, $0x38;
	[tilespmem:$0x10B80] =	vst v63  }
0x40: {  	s24 =	simm.s32 $0x4780  }
0x41: {  	[tilespmem:s24], [sflag:$0x1] =	stream.linear.gather [hbm4b:s26+s2], $0x680, $0x38;
	[tilespmem:$0x10B80] =	vst v63  }
0x42: {  	s25 =	simm.s32 $0x4E00  }
0x43: {  	[tilespmem:s25], [sflag:$0x1] =	stream.linear.gather [hbm4b:s28+s2], $0x680, $0x38;
	[tilespmem:$0x10B80] =	vst v63  }
0x44: {  	s23 =	simm.s32 $0x5480  }
0x45: {  	[tilespmem:s23], [sflag:$0x1] =	stream.linear.gather [hbm4b:s29+s2], $0x680, $0x38;
	[tilespmem:$0x10B80] =	vst v63  }
0x46: {  	s24 =	simm.s32 $0x5B00  }
0x47: {  	[tilespmem:s24], [sflag:$0x1] =	stream.linear.gather [hbm4b:s30+s2], $0x680, $0x38;
	[tilespmem:$0x10B80] =	vst v63  }
0x48: {  	s25 =	simm.s32 $0x6180  }
0x49: {  	[tilespmem:s25], [sflag:$0x1] =	stream.linear.gather [hbm4b:s31+s2], $0x680, $0x38;
	[tilespmem:$0x10B80] =	vst v63  }
0x4a: {  	s23 =	simm.s32 $0x6800  }
0x4b: {  	[tilespmem:s23], [sflag:$0x1] =	stream.linear.gather [hbm4b:s1+s2], $0x680, $0x38;
	[tilespmem:$0x10B80] =	vst v63  }
0x4c: {  	s24 =	simm.s32 $0x6E80  }
0x4d: {  	[tilespmem:s24], [sflag:$0x1] =	stream.linear.gather [hbm4b:s0+s2], $0x680, $0x38;
	[tilespmem:$0x10B80] =	vst v63  }
0x4e: {  	s25 =	simm.s32 $0x7500  }
0x4f: {  	[tilespmem:s25], [sflag:$0x1] =	stream.linear.gather [hbm4b:s3+s2], $0x680, $0x38;
	[tilespmem:$0x10B80] =	vst v63  }
0x50: {  	s23 =	simm.s32 $0x7B80  }
0x51: {  	[tilespmem:s23], [sflag:$0x1] =	stream.linear.gather [hbm4b:s4+s2], $0x680, $0x38;
	[tilespmem:$0x10B80] =	vst v63  }
0x52: {  	s24 =	simm.s32 $0x8200  }
0x53: {  	[tilespmem:s24], [sflag:$0x1] =	stream.linear.gather [hbm4b:s6+s2], $0x680, $0x38;
	[tilespmem:$0x10B80] =	vst v63  }
0x54: {  	s25 =	simm.s32 $0x8880  }
0x55: {  	[tilespmem:s25], [sflag:$0x1] =	stream.linear.gather [hbm4b:s7+s2], $0x680, $0x38;
	[tilespmem:$0x10B80] =	vst v63  }
0x56: {  	s23 =	simm.s32 $0x8F00  }
0x57: {  	[tilespmem:s23], [sflag:$0x1] =	stream.linear.gather [hbm4b:s8+s2], $0x680, $0x38;
	[tilespmem:$0x10B80] =	vst v63  }
0x58: {  	s24 =	simm.s32 $0x9580  }
0x59: {  	[tilespmem:s24], [sflag:$0x1] =	stream.linear.gather [hbm4b:s9+s2], $0x680, $0x38;
	[tilespmem:$0x10B80] =	vst v63  }
0x5a: {  	s25 =	simm.s32 $0x9C00  }
0x5b: {  	[tilespmem:s25], [sflag:$0x1] =	stream.linear.gather [hbm4b:s10+s2], $0x680, $0x38;
	[tilespmem:$0x10B80] =	vst v63  }
0x5c: {  	s23 =	simm.s32 $0xA280  }
0x5d: {  	[tilespmem:s23], [sflag:$0x1] =	stream.linear.gather [hbm4b:s11+s2], $0x680, $0x38;
	[tilespmem:$0x10B80] =	vst v63  }
0x5e: {  	s24 =	simm.s32 $0xA900  }
0x5f: {  	[tilespmem:s24], [sflag:$0x1] =	stream.linear.gather [hbm4b:s12+s2], $0x680, $0x38;
	[tilespmem:$0x10B80] =	vst v63  }
0x60: {  	s25 =	simm.s32 $0xAF80  }
0x61: {  	[tilespmem:s25], [sflag:$0x1] =	stream.linear.gather [hbm4b:s13+s2], $0x680, $0x38;
	[tilespmem:$0x10B80] =	vst v63  }
0x62: {  	s23 =	simm.s32 $0xB600  }
0x63: {  	[tilespmem:s23], [sflag:$0x1] =	stream.linear.gather [hbm4b:s14+s2], $0x680, $0x38;
	[tilespmem:$0x10B80] =	vst v63  }
0x64: {  	s24 =	simm.s32 $0xBC80  }
0x65: {  	[tilespmem:s24], [sflag:$0x1] =	stream.linear.gather [hbm4b:s15+s2], $0x680, $0x38;
	[tilespmem:$0x10B80] =	vst v63  }
0x66: {  	s25 =	simm.s32 $0xC300  }
0x67: {  	[tilespmem:s25], [sflag:$0x1] =	stream.linear.gather [hbm4b:s16+s2], $0x680, $0x38;
	[tilespmem:$0x10B80] =	vst v63  }
0x68: {  	s23 =	simm.s32 $0xC980  }
0x69: {  	[tilespmem:s23], [sflag:$0x1] =	stream.linear.gather [hbm4b:s17+s2], $0x680, $0x38;
	[tilespmem:$0x10B80] =	vst v63  }
0x6a: {  	s24 =	rddreg [dreg:$0x15];
	s25 =	simm.s32 $0xD000  }
0x6b: {  	[tilespmem:s25], [sflag:$0x1] =	stream.linear.gather [hbm4b:s24+s2], $0x680, $0x38;
	[tilespmem:$0x10B80] =	vst v63  }
0x6c: {  	s24 =	rddreg [dreg:$0xe];
	s25 =	simm.s32 $0xD680  }
0x6d: {  	[tilespmem:s25], [sflag:$0x1] =	stream.linear.gather [hbm4b:s24+s2], $0x680, $0x38;
	[tilespmem:$0x10B80] =	vst v63  }
0x6e: {  	s24 =	rddreg [dreg:$0xf];
	s25 =	simm.s32 $0xDD00  }
0x6f: {  	[tilespmem:s25], [sflag:$0x1] =	stream.linear.gather [hbm4b:s24+s2], $0x680, $0x38;
	[tilespmem:$0x10B80] =	vst v63  }
0x70: {  	s24 =	rddreg [dreg:$0x10];
	s25 =	simm.s32 $0xE380  }
0x71: {  	[tilespmem:s25], [sflag:$0x1] =	stream.linear.gather [hbm4b:s24+s2], $0x680, $0x38;
	[tilespmem:$0x10B80] =	vst v63  }
0x72: {  	s24 =	rddreg [dreg:$0x11];
	s25 =	simm.s32 $0xEA00  }
0x73: {  	[tilespmem:s25], [sflag:$0x1] =	stream.linear.gather [hbm4b:s24+s2], $0x680, $0x38;
	[tilespmem:$0x10B80] =	vst v63  }
0x74: {  	s24 =	rddreg [dreg:$0x12];
	s25 =	simm.s32 $0xF080  }
0x75: {  	[tilespmem:s25], [sflag:$0x1] =	stream.linear.gather [hbm4b:s24+s2], $0x680, $0x38;
	[tilespmem:$0x10B80] =	vst v63  }
0x76: {  	s24 =	rddreg [dreg:$0x13];
	s25 =	simm.s32 $0xF700  }
0x77: {  	[tilespmem:s25], [sflag:$0x1] =	stream.linear.gather [hbm4b:s24+s2], $0x680, $0x38;
	[tilespmem:$0x10B80] =	vst v63  }
0x78: {  	s23 =	rddreg [dreg:$0x14];
	s24 =	simm.s32 $0xFD80  }
0x79: {  	[tilespmem:s24], [sflag:$0x1] =	stream.linear.gather [hbm4b:s23+s2], $0x680, $0x38;
	[tilespmem:$0x10B80] =	vst v63  }
0x7a: {  	_ =	swait.ge [sflag:s19], $0x680  }
0x7b: {  	[sflag:s19] =	ssyncset.done $0x0  }
0x7c: {  	[sflag:s19] =	ssyncadd.s32 $0xFFFFF980  }
0x7d: {  	_ =	swait.ge [sflag:s19], $0x680  }
0x7e: {  	[sflag:s19] =	ssyncset.done $0x0  }
0x7f: {  	[sflag:s19] =	ssyncadd.s32 $0xFFFFF980  }
0x80: {  	_ =	swait.ge [sflag:s19], $0x680  }
0x81: {  	[sflag:s19] =	ssyncset.done $0x0  }
0x82: {  	[sflag:s19] =	ssyncadd.s32 $0xFFFFF980  }
0x83: {  	_ =	swait.ge [sflag:s19], $0x680  }
0x84: {  	[sflag:s19] =	ssyncset.done $0x0  }
0x85: {  	[sflag:s19] =	ssyncadd.s32 $0xFFFFF980  }
0x86: {  	_ =	swait.ge [sflag:s19], $0x680  }
0x87: {  	[sflag:s19] =	ssyncset.done $0x0  }
0x88: {  	[sflag:s19] =	ssyncadd.s32 $0xFFFFF980  }
0x89: {  	_ =	swait.ge [sflag:s19], $0x680  }
0x8a: {  	[sflag:s19] =	ssyncset.done $0x0  }
0x8b: {  	[sflag:s19] =	ssyncadd.s32 $0xFFFFF980  }
0x8c: {  	_ =	swait.ge [sflag:s19], $0x680  }
0x8d: {  	[sflag:s19] =	ssyncset.done $0x0  }
0x8e: {  	[sflag:s19] =	ssyncadd.s32 $0xFFFFF980  }
0x8f: {  	_ =	swait.ge [sflag:s19], $0x680  }
0x90: {  	[sflag:s19] =	ssyncset.done $0x0  }
0x91: {  	[sflag:s19] =	ssyncadd.s32 $0xFFFFF980  }
0x92: {  	_ =	swait.ge [sflag:s19], $0x680  }
0x93: {  	[sflag:s19] =	ssyncset.done $0x0  }
0x94: {  	[sflag:s19] =	ssyncadd.s32 $0xFFFFF980  }
0x95: {  	_ =	swait.ge [sflag:s19], $0x680  }
0x96: {  	[sflag:s19] =	ssyncset.done $0x0  }
0x97: {  	[sflag:s19] =	ssyncadd.s32 $0xFFFFF980  }
0x98: {  	_ =	swait.ge [sflag:s19], $0x680  }
0x99: {  	[sflag:s19] =	ssyncset.done $0x0  }
0x9a: {  	[sflag:s19] =	ssyncadd.s32 $0xFFFFF980  }
0x9b: {  	_ =	swait.ge [sflag:s19], $0x680  }
0x9c: {  	[sflag:s19] =	ssyncset.done $0x0  }
0x9d: {  	[sflag:s19] =	ssyncadd.s32 $0xFFFFF980  }
0x9e: {  	_ =	swait.ge [sflag:s19], $0x680  }
0x9f: {  	[sflag:s19] =	ssyncset.done $0x0  }
0xa0: {  	[sflag:s19] =	ssyncadd.s32 $0xFFFFF980  }
0xa1: {  	_ =	swait.ge [sflag:s19], $0x680  }
0xa2: {  	[sflag:s19] =	ssyncset.done $0x0  }
0xa3: {  	[sflag:s19] =	ssyncadd.s32 $0xFFFFF980  }
0xa4: {  	_ =	swait.ge [sflag:s19], $0x680  }
0xa5: {  	[sflag:s19] =	ssyncset.done $0x0  }
0xa6: {  	[sflag:s19] =	ssyncadd.s32 $0xFFFFF980  }
0xa7: {  	_ =	swait.ge [sflag:s19], $0x680  }
0xa8: {  	[sflag:s19] =	ssyncset.done $0x0  }
0xa9: {  	[sflag:s19] =	ssyncadd.s32 $0xFFFFF980  }
0xaa: {  	_ =	swait.ge [sflag:s19], $0x680  }
0xab: {  	[sflag:s19] =	ssyncset.done $0x0  }
0xac: {  	[sflag:s19] =	ssyncadd.s32 $0xFFFFF980  }
0xad: {  	_ =	swait.ge [sflag:s19], $0x680  }
0xae: {  	[sflag:s19] =	ssyncset.done $0x0  }
0xaf: {  	[sflag:s19] =	ssyncadd.s32 $0xFFFFF980  }
0xb0: {  	_ =	swait.ge [sflag:s19], $0x680  }
0xb1: {  	[sflag:s19] =	ssyncset.done $0x0  }
0xb2: {  	[sflag:s19] =	ssyncadd.s32 $0xFFFFF980  }
0xb3: {  	_ =	swait.ge [sflag:s19], $0x680  }
0xb4: {  	[sflag:s19] =	ssyncset.done $0x0  }
0xb5: {  	[sflag:s19] =	ssyncadd.s32 $0xFFFFF980  }
0xb6: {  	_ =	swait.ge [sflag:s19], $0x680  }
0xb7: {  	[sflag:s19] =	ssyncset.done $0x0  }
0xb8: {  	[sflag:s19] =	ssyncadd.s32 $0xFFFFF980  }
0xb9: {  	_ =	swait.ge [sflag:s19], $0x680  }
0xba: {  	[sflag:s19] =	ssyncset.done $0x0  }
0xbb: {  	[sflag:s19] =	ssyncadd.s32 $0xFFFFF980  }
0xbc: {  	_ =	swait.ge [sflag:s19], $0x680  }
0xbd: {  	[sflag:s19] =	ssyncset.done $0x0  }
0xbe: {  	[sflag:s19] =	ssyncadd.s32 $0xFFFFF980  }
0xbf: {  	_ =	swait.ge [sflag:s19], $0x680  }
0xc0: {  	[sflag:s19] =	ssyncset.done $0x0  }
0xc1: {  	[sflag:s19] =	ssyncadd.s32 $0xFFFFF980  }
0xc2: {  	_ =	swait.ge [sflag:s19], $0x680  }
0xc3: {  	[sflag:s19] =	ssyncset.done $0x0  }
0xc4: {  	[sflag:s19] =	ssyncadd.s32 $0xFFFFF980  }
0xc5: {  	_ =	swait.ge [sflag:s19], $0x680  }
0xc6: {  	[sflag:s19] =	ssyncset.done $0x0  }
0xc7: {  	[sflag:s19] =	ssyncadd.s32 $0xFFFFF980  }
0xc8: {  	_ =	swait.ge [sflag:s19], $0x680  }
0xc9: {  	[sflag:s19] =	ssyncset.done $0x0  }
0xca: {  	[sflag:s19] =	ssyncadd.s32 $0xFFFFF980  }
0xcb: {  	_ =	swait.ge [sflag:s19], $0x680  }
0xcc: {  	[sflag:s19] =	ssyncset.done $0x0  }
0xcd: {  	[sflag:s19] =	ssyncadd.s32 $0xFFFFF980  }
0xce: {  	_ =	swait.ge [sflag:s19], $0x680  }
0xcf: {  	[sflag:s19] =	ssyncset.done $0x0  }
0xd0: {  	[sflag:s19] =	ssyncadd.s32 $0xFFFFF980  }
0xd1: {  	_ =	swait.ge [sflag:s19], $0x680  }
0xd2: {  	[sflag:s19] =	ssyncset.done $0x0  }
0xd3: {  	[sflag:s19] =	ssyncadd.s32 $0xFFFFF980  }
0xd4: {  	_ =	swait.ge [sflag:s19], $0x680  }
0xd5: {  	[sflag:s19] =	ssyncset.done $0x0  }
0xd6: {  	[sflag:s19] =	ssyncadd.s32 $0xFFFFF980  }
0xd7: {  	_ =	swait.ge [sflag:s19], $0x680  }
0xd8: {  	[sflag:s19] =	ssyncset.done $0x0  }
0xd9: {  	[sflag:s19] =	ssyncadd.s32 $0xFFFFF980  }
0xda: {  	_ =	swait.ge [sflag:s19], $0x680  }
0xdb: {  	[sflag:s19] =	ssyncset.done $0x0  }
0xdc: {  	[sflag:s19] =	ssyncadd.s32 $0xFFFFF980  }
0xdd: {  	_ =	swait.ge [sflag:s19], $0x680  }
0xde: {  	[sflag:s19] =	ssyncset.done $0x0  }
0xdf: {  	[sflag:s19] =	ssyncadd.s32 $0xFFFFF980  }
0xe0: {  	_ =	swait.ge [sflag:s19], $0x680  }
0xe1: {  	[sflag:s19] =	ssyncset.done $0x0  }
0xe2: {  	[sflag:s19] =	ssyncadd.s32 $0xFFFFF980  }
0xe3: {  	_ =	swait.ge [sflag:s19], $0x680  }
0xe4: {  	[sflag:s19] =	ssyncset.done $0x0  }
0xe5: {  	[sflag:s19] =	ssyncadd.s32 $0xFFFFF980  }
0xe6: {  	_ =	swait.ge [sflag:s19], $0x680  }
0xe7: {  	[sflag:s19] =	ssyncset.done $0x0  }
0xe8: {  	[sflag:s19] =	ssyncadd.s32 $0xFFFFF980  }
0xe9: {  	_ =	swait.ge [sflag:s19], $0x680  }
0xea: {  	[sflag:s19] =	ssyncset.done $0x0  }
0xeb: {  	[sflag:s19] =	ssyncadd.s32 $0xFFFFF980  }
0xec: {  	_ =	swait.ge [sflag:s19], $0x680  }
0xed: {  	[sflag:s19] =	ssyncset.done $0x0  }
0xee: {  	[sflag:s19] =	ssyncadd.s32 $0xFFFFF980  }
0xef: {  	_ =	swait.ge [sflag:s19], $0x680  }
0xf0: {  	[sflag:s19] =	ssyncset.done $0x0  }
0xf1: {  	s25 =	sand.u32 $0x7F0, s2;
	[sflag:s19] =	ssyncadd.s32 $0xFFFFF980  }
0xf2: {  	v0 =	vld [tilespmem:s25+$0x680]  }
0xf3: {  	v1 =	vld [tilespmem:s2+$0x0];
	_ =	sdelay $0x1  }
0xf4: {  	v2 =	vld [tilespmem:s25+$0xD00];
	_ =	sdelay $0x1  }
0xf5: {  	v3 =	vld [tilespmem:s25+$0x1380]  }
0xf6: {  	v0 =	vadd.f32 v0, v1  }
0xf7: {  	v1 =	vld [tilespmem:s25+$0x1A00]  }
0xf8: {  	v0 =	vadd.f32 v2, v0  }
0xf9: {  	v2 =	vld [tilespmem:s25+$0x2080]  }
0xfa: {  	v0 =	vadd.f32 v3, v0  }
0xfb: {  	v3 =	vld [tilespmem:s25+$0x2700]  }
0xfc: {  	v0 =	vadd.f32 v1, v0  }
0xfd: {  	v1 =	vld [tilespmem:s25+$0x2D80]  }
0xfe: {  	v0 =	vadd.f32 v2, v0  }
0xff: {  	v2 =	vld [tilespmem:s25+$0x3400]  }
0x100: {  	v0 =	vadd.f32 v3, v0  }
0x101: {  	v3 =	vld [tilespmem:s25+$0x3A80]  }
0x102: {  	v0 =	vadd.f32 v1, v0  }
0x103: {  	v1 =	vld [tilespmem:s25+$0x4100]  }
0x104: {  	v0 =	vadd.f32 v2, v0  }
0x105: {  	v2 =	vld [tilespmem:s25+$0x4780]  }
0x106: {  	v0 =	vadd.f32 v3, v0  }
0x107: {  	v3 =	vld [tilespmem:s25+$0x4E00]  }
0x108: {  	v0 =	vadd.f32 v1, v0  }
0x109: {  	v1 =	vld [tilespmem:s25+$0x5480]  }
0x10a: {  	v0 =	vadd.f32 v2, v0  }
0x10b: {  	v2 =	vld [tilespmem:s25+$0x5B00]  }
0x10c: {  	v0 =	vadd.f32 v3, v0  }
0x10d: {  	v3 =	vld [tilespmem:s25+$0x6180]  }
0x10e: {  	v0 =	vadd.f32 v1, v0  }
0x10f: {  	v1 =	vld [tilespmem:s25+$0x6800]  }
0x110: {  	v0 =	vadd.f32 v2, v0  }
0x111: {  	v2 =	vld [tilespmem:s25+$0x6E80]  }
0x112: {  	v0 =	vadd.f32 v3, v0  }
0x113: {  	v3 =	vld [tilespmem:s25+$0x7500]  }
0x114: {  	v0 =	vadd.f32 v1, v0  }
0x115: {  	v1 =	vld [tilespmem:s25+$0x7B80]  }
0x116: {  	v0 =	vadd.f32 v2, v0  }
0x117: {  	v2 =	vld [tilespmem:s25+$0x8200]  }
0x118: {  	v0 =	vadd.f32 v3, v0  }
0x119: {  	v3 =	vld [tilespmem:s25+$0x8880]  }
0x11a: {  	v0 =	vadd.f32 v1, v0  }
0x11b: {  	v1 =	vld [tilespmem:s25+$0x8F00]  }
0x11c: {  	v0 =	vadd.f32 v2, v0  }
0x11d: {  	v2 =	vld [tilespmem:s25+$0x9580]  }
0x11e: {  	v0 =	vadd.f32 v3, v0  }
0x11f: {  	v3 =	vld [tilespmem:s25+$0x9C00]  }
0x120: {  	v0 =	vadd.f32 v1, v0  }
0x121: {  	v1 =	vld [tilespmem:s25+$0xA280]  }
0x122: {  	v0 =	vadd.f32 v2, v0  }
0x123: {  	v2 =	vld [tilespmem:s25+$0xA900]  }
0x124: {  	v0 =	vadd.f32 v3, v0  }
0x125: {  	v3 =	vld [tilespmem:s25+$0xAF80]  }
0x126: {  	v0 =	vadd.f32 v1, v0  }
0x127: {  	v1 =	vld [tilespmem:s25+$0xB600]  }
0x128: {  	v2 =	vadd.f32 v2, v0  }
0x129: {  	v4 =	vld [tilespmem:s25+$0xBC80]  }
0x12a: {  	v5 =	vld [tilespmem:s25+$0xD000];
	v2 =	vadd.f32 v3, v2  }
0x12b: {  	v3 =	vld [tilespmem:s25+$0xC300]  }
0x12c: {  	v6 =	vld [tilespmem:s25+$0xC980];
	v2 =	vadd.f32 v1, v2  }
0x12d: {  	v0 =	vld [tilespmem:$0x10A80]  }
0x12e: {  	v7 =	vld [tilespmem:s25+$0xD680];
	v4 =	vadd.f32 v4, v2  }
0x12f: {  	v1 =	vld [tilespmem:$0x10A90]  }
0x130: {  	v8 =	vld [tilespmem:s25+$0xDD00];
	v4 =	vadd.f32 v3, v4  }
0x131: {  	v2 =	vld [tilespmem:$0x10AA0]  }
0x132: {  	v9 =	vld [tilespmem:s25+$0xE380];
	v5 =	vmul.f32 v5, v0;
	v6 =	vadd.f32 v6, v4  }
0x133: {  	v3 =	vld [tilespmem:$0x10AB0]  }
0x134: {  	v10 =	vld [tilespmem:s25+$0xEA00];
	v7 =	vmul.f32 v7, v1;
	v6 =	vadd.f32 v5, v6  }
0x135: {  	v4 =	vld [tilespmem:$0x10AC0]  }
0x136: {  	v11 =	vld [tilespmem:s25+$0xF080];
	v8 =	vmul.f32 v8, v2;
	v7 =	vadd.f32 v7, v6  }
0x137: {  	v5 =	vld [tilespmem:$0x10AD0]  }
0x138: {  	v12 =	vld [tilespmem:s25+$0xF700];
	v9 =	vmul.f32 v9, v3;
	v8 =	vadd.f32 v8, v7  }
0x139: {  	v6 =	vld [tilespmem:$0x10AE0]  }
0x13a: {  	v7 =	vld [tilespmem:$0x10AF0];
	v8 =	vadd.f32 v9, v8;
	v9 =	vmul.f32 v10, v4  }
0x13b: {  	v10 =	vld [tilespmem:s25+$0xFD80]  }
0x13c: {  	v8 =	vadd.f32 v9, v8;
	v9 =	vmul.f32 v11, v5;
	_ =	sdelay $0x1  }
0x13d: {  	v11 =	vmul.f32 v12, v6;
	v9 =	vadd.f32 v9, v8  }
0x13e: {  	v8 =	vld [tilespmem:$0x10B00]  }
0x13f: {  	v10 =	vmul.f32 v10, v7;
	v9 =	vadd.f32 v11, v9;
	_ =	sdelay $0x1  }
0x140: {  	v9 =	vadd.f32 v10, v9;
	_ =	sdelay $0x1  }
0x141: {  	v9 =	vadd.f32 v9, v8;
	_ =	sdelay $0x1  }
0x142: {  	v10 =	vmin.f32 v9, $0.0e+00  }
0x143: {  	v10 =	vmul.f32 $1.442695020e+00, v10;
	_ =	sdelay $0x1  }
0x144: {  	(erf) = vpow2.f32 v10;
	_ =	sdelay $0x8  }
0x145: {  	v10 =	vpop (erf)  }
0x146: {  	v10 =	vadd.f32 $-1.000000000e+00, v10  }
0x147: {  	vm0 =	vgt.f32 v9, $0.0e+00  }
0x148: {  	s24 =	simm.s32 $0x10;
	v9 =	vsel vm0, v9, v10  }
0x149: {  	s23 =	sand.u32 $0x7F0, s24;
	[tilespmem:s20+$0x0] =	vst v9  }
0x14a: {  	s22 =	simm.s32 $0x10400;
	s25 =	simm.s32 $0x20;
	v9 =	vld [tilespmem:s23+$0x680]  }
.LBB2_2:
0x14b: {  	p0 =	sne.s32 s25, $0x670;
	v10 =	vld [tilespmem:s24+$0x0];
	_ =	sdelay $0x1  }
0x14c: {  	v11 =	vld [tilespmem:s23+$0xD00];
	_ =	sdelay $0x1  }
0x14d: {  	v12 =	vld [tilespmem:s23+$0x1380]  }
0x14e: {  	v9 =	vadd.f32 v9, v10  }
0x14f: {  	v10 =	vld [tilespmem:s23+$0x1A00]  }
0x150: {  	v9 =	vadd.f32 v11, v9  }
0x151: {  	v11 =	vld [tilespmem:s23+$0x2080]  }
0x152: {  	v9 =	vadd.f32 v12, v9  }
0x153: {  	v12 =	vld [tilespmem:s23+$0x2700]  }
0x154: {  	v9 =	vadd.f32 v10, v9  }
0x155: {  	v10 =	vld [tilespmem:s23+$0x2D80]  }
0x156: {  	v9 =	vadd.f32 v11, v9  }
0x157: {  	v11 =	vld [tilespmem:s23+$0x3400]  }
0x158: {  	v9 =	vadd.f32 v12, v9  }
0x159: {  	v12 =	vld [tilespmem:s23+$0x3A80]  }
0x15a: {  	v9 =	vadd.f32 v10, v9  }
0x15b: {  	v10 =	vld [tilespmem:s23+$0x4100]  }
0x15c: {  	v9 =	vadd.f32 v11, v9  }
0x15d: {  	v11 =	vld [tilespmem:s23+$0x4780]  }
0x15e: {  	v9 =	vadd.f32 v12, v9  }
0x15f: {  	v12 =	vld [tilespmem:s23+$0x4E00]  }
0x160: {  	v9 =	vadd.f32 v10, v9  }
0x161: {  	v10 =	vld [tilespmem:s23+$0x5480]  }
0x162: {  	v9 =	vadd.f32 v11, v9  }
0x163: {  	v11 =	vld [tilespmem:s23+$0x5B00]  }
0x164: {  	v9 =	vadd.f32 v12, v9  }
0x165: {  	v12 =	vld [tilespmem:s23+$0x6180]  }
0x166: {  	v9 =	vadd.f32 v10, v9  }
0x167: {  	v10 =	vld [tilespmem:s23+$0x6800]  }
0x168: {  	v9 =	vadd.f32 v11, v9  }
0x169: {  	v11 =	vld [tilespmem:s23+$0x6E80]  }
0x16a: {  	v9 =	vadd.f32 v12, v9  }
0x16b: {  	v12 =	vld [tilespmem:s23+$0x7500]  }
0x16c: {  	v9 =	vadd.f32 v10, v9  }
0x16d: {  	v10 =	vld [tilespmem:s23+$0x7B80]  }
0x16e: {  	v9 =	vadd.f32 v11, v9  }
0x16f: {  	v11 =	vld [tilespmem:s23+$0x8200]  }
0x170: {  	v9 =	vadd.f32 v12, v9  }
0x171: {  	v12 =	vld [tilespmem:s23+$0x8880]  }
0x172: {  	v9 =	vadd.f32 v10, v9  }
0x173: {  	v10 =	vld [tilespmem:s23+$0x8F00]  }
0x174: {  	v9 =	vadd.f32 v11, v9  }
0x175: {  	v11 =	vld [tilespmem:s23+$0x9580]  }
0x176: {  	v9 =	vadd.f32 v12, v9  }
0x177: {  	v12 =	vld [tilespmem:s23+$0x9C00]  }
0x178: {  	v9 =	vadd.f32 v10, v9  }
0x179: {  	v10 =	vld [tilespmem:s23+$0xA280]  }
0x17a: {  	v9 =	vadd.f32 v11, v9  }
0x17b: {  	v11 =	vld [tilespmem:s23+$0xA900]  }
0x17c: {  	v9 =	vadd.f32 v12, v9  }
0x17d: {  	v12 =	vld [tilespmem:s23+$0xAF80]  }
0x17e: {  	v9 =	vadd.f32 v10, v9  }
0x17f: {  	v10 =	vld [tilespmem:s23+$0xB600]  }
0x180: {  	v9 =	vadd.f32 v11, v9  }
0x181: {  	v11 =	vld [tilespmem:s23+$0xBC80]  }
0x182: {  	v9 =	vadd.f32 v12, v9  }
0x183: {  	v12 =	vld [tilespmem:s23+$0xC300]  }
0x184: {  	v9 =	vadd.f32 v10, v9;
	v10 =	vld [tilespmem:s23+$0xD000]  }
0x185: {  	v13 =	vld [tilespmem:s23+$0xC980]  }
0x186: {  	v9 =	vadd.f32 v11, v9  }
0x187: {  	v11 =	vld [tilespmem:s23+$0xD680]  }
0x188: {  	v9 =	vadd.f32 v12, v9  }
0x189: {  	v12 =	vld [tilespmem:s23+$0xDD00]  }
0x18a: {  	v10 =	vmul.f32 v10, v0;
	v9 =	vadd.f32 v13, v9  }
0x18b: {  	v13 =	vld [tilespmem:s23+$0xE380]  }
0x18c: {  	v9 =	vadd.f32 v10, v9;
	v10 =	vmul.f32 v11, v1  }
0x18d: {  	v11 =	vld [tilespmem:s23+$0xEA00]  }
0x18e: {  	v9 =	vadd.f32 v10, v9;
	v10 =	vmul.f32 v12, v2  }
0x18f: {  	v12 =	vld [tilespmem:s23+$0xF080]  }
0x190: {  	v9 =	vadd.f32 v10, v9;
	v10 =	vmul.f32 v13, v3  }
0x191: {  	v13 =	vld [tilespmem:s23+$0xF700]  }
0x192: {  	v9 =	vadd.f32 v10, v9;
	v10 =	vmul.f32 v11, v4  }
0x193: {  	v11 =	vld [tilespmem:s23+$0xFD80]  }
0x194: {  	v9 =	vadd.f32 v10, v9;
	v10 =	vmul.f32 v12, v5;
	_ =	sdelay $0x1  }
0x195: {  	v9 =	vadd.f32 v10, v9;
	v10 =	vmul.f32 v13, v6;
	_ =	sdelay $0x1  }
0x196: {  	v9 =	vadd.f32 v10, v9;
	v10 =	vmul.f32 v11, v7;
	_ =	sdelay $0x1  }
0x197: {  	v9 =	vadd.f32 v10, v9;
	_ =	sdelay $0x1  }
0x198: {  	v9 =	vadd.f32 v9, v8;
	_ =	sdelay $0x1  }
0x199: {  	v10 =	vmin.f32 v9, $0.0e+00  }
0x19a: {  	v10 =	vmul.f32 $1.442695020e+00, v10;
	_ =	sdelay $0x1  }
0x19b: {  	(erf) = vpow2.f32 v10;
	_ =	sdelay $0x8  }
0x19c: {  	v10 =	vpop (erf)  }
.Ltmp0:
0x19d: {  	v10 =	vadd.f32 $-1.000000000e+00, v10;
	(pc) =	sbr.rel @p0 .LBB2_2-.Ltmp0, $4  }
0x19e: {  	vm0 =	vgt.f32 v9, $0.0e+00  }
0x19f: {  	s22 =	sadd.s32 $0x10, s22;
	v9 =	vsel vm0, v9, v10  }
0x1a0: {  	s23 =	sand.u32 $0x7F0, s25;
	[tilespmem:s22+$0x0] =	vst v9  }
0x1a1: {  	s24 =	sadd.s32 $0x10, s24;
	s25 =	sadd.s32 $0x10, s25;
	v9 =	vld [tilespmem:s23+$0x680]  }
0x1a2: {  	v10 =	vld [tilespmem:s24+$0x0];
	_ =	sdelay $0x1  }
0x1a3: {  	v11 =	vld [tilespmem:s23+$0xD00];
	_ =	sdelay $0x1  }
0x1a4: {  	v12 =	vld [tilespmem:s23+$0x1380]  }
0x1a5: {  	v9 =	vadd.f32 v9, v10  }
0x1a6: {  	v22 =	vld [tilespmem:s23+$0x1A00]  }
0x1a7: {  	v9 =	vadd.f32 v11, v9  }
0x1a8: {  	v23 =	vld [tilespmem:s23+$0x2080]  }
0x1a9: {  	v9 =	vadd.f32 v12, v9  }
0x1aa: {  	v24 =	vld [tilespmem:s23+$0x2700]  }
0x1ab: {  	v9 =	vadd.f32 v22, v9  }
0x1ac: {  	v25 =	vld [tilespmem:s23+$0x2D80]  }
0x1ad: {  	v9 =	vadd.f32 v23, v9  }
0x1ae: {  	v26 =	vld [tilespmem:s23+$0x3400]  }
0x1af: {  	v9 =	vadd.f32 v24, v9  }
0x1b0: {  	v27 =	vld [tilespmem:s23+$0x3A80]  }
0x1b1: {  	v9 =	vadd.f32 v25, v9  }
0x1b2: {  	v28 =	vld [tilespmem:s23+$0x4100]  }
0x1b3: {  	v9 =	vadd.f32 v26, v9  }
0x1b4: {  	v29 =	vld [tilespmem:s23+$0x4780]  }
0x1b5: {  	v9 =	vadd.f32 v27, v9  }
0x1b6: {  	v30 =	vld [tilespmem:s23+$0x4E00]  }
0x1b7: {  	v9 =	vadd.f32 v28, v9  }
0x1b8: {  	v31 =	vld [tilespmem:s23+$0x5480]  }
0x1b9: {  	v9 =	vadd.f32 v29, v9  }
0x1ba: {  	v32 =	vld [tilespmem:s23+$0x5B00]  }
0x1bb: {  	v9 =	vadd.f32 v30, v9  }
0x1bc: {  	v33 =	vld [tilespmem:s23+$0x6180]  }
0x1bd: {  	v9 =	vadd.f32 v31, v9  }
0x1be: {  	v34 =	vld [tilespmem:s23+$0x6800]  }
0x1bf: {  	v9 =	vadd.f32 v32, v9  }
0x1c0: {  	v35 =	vld [tilespmem:s23+$0x6E80]  }
0x1c1: {  	v9 =	vadd.f32 v33, v9  }
0x1c2: {  	v36 =	vld [tilespmem:s23+$0x7500]  }
0x1c3: {  	v9 =	vadd.f32 v34, v9  }
0x1c4: {  	v37 =	vld [tilespmem:s23+$0x7B80]  }
0x1c5: {  	v9 =	vadd.f32 v35, v9  }
0x1c6: {  	v38 =	vld [tilespmem:s23+$0x8200]  }
0x1c7: {  	v9 =	vadd.f32 v36, v9  }
0x1c8: {  	v39 =	vld [tilespmem:s23+$0x8880]  }
0x1c9: {  	v9 =	vadd.f32 v37, v9  }
0x1ca: {  	v40 =	vld [tilespmem:s23+$0x8F00]  }
0x1cb: {  	v9 =	vadd.f32 v38, v9  }
0x1cc: {  	v41 =	vld [tilespmem:s23+$0x9580]  }
0x1cd: {  	v9 =	vadd.f32 v39, v9  }
0x1ce: {  	v42 =	vld [tilespmem:s23+$0x9C00]  }
0x1cf: {  	v9 =	vadd.f32 v40, v9  }
0x1d0: {  	v43 =	vld [tilespmem:s23+$0xA280]  }
0x1d1: {  	v9 =	vadd.f32 v41, v9  }
0x1d2: {  	v44 =	vld [tilespmem:s23+$0xA900]  }
0x1d3: {  	v9 =	vadd.f32 v42, v9  }
0x1d4: {  	v45 =	vld [tilespmem:s23+$0xAF80]  }
0x1d5: {  	v9 =	vadd.f32 v43, v9  }
0x1d6: {  	v46 =	vld [tilespmem:s23+$0xB600]  }
0x1d7: {  	v9 =	vadd.f32 v44, v9  }
0x1d8: {  	v47 =	vld [tilespmem:s23+$0xBC80]  }
0x1d9: {  	v9 =	vadd.f32 v45, v9  }
0x1da: {  	v48 =	vld [tilespmem:s23+$0xC300]  }
0x1db: {  	v49 =	vld [tilespmem:s23+$0xD000];
	v9 =	vadd.f32 v46, v9  }
0x1dc: {  	v13 =	vld [tilespmem:s23+$0xC980]  }
0x1dd: {  	v9 =	vadd.f32 v47, v9  }
0x1de: {  	v50 =	vld [tilespmem:s23+$0xD680]  }
0x1df: {  	v9 =	vadd.f32 v48, v9  }
0x1e0: {  	v51 =	vld [tilespmem:s23+$0xDD00]  }
0x1e1: {  	v0 =	vmul.f32 v49, v0;
	v9 =	vadd.f32 v13, v9  }
0x1e2: {  	v52 =	vld [tilespmem:s23+$0xE380]  }
0x1e3: {  	v1 =	vmul.f32 v50, v1;
	v0 =	vadd.f32 v0, v9  }
0x1e4: {  	v53 =	vld [tilespmem:s23+$0xEA00]  }
0x1e5: {  	v54 =	vmul.f32 v51, v2;
	v0 =	vadd.f32 v1, v0  }
0x1e6: {  	v55 =	vld [tilespmem:s23+$0xF080]  }
0x1e7: {  	v56 =	vmul.f32 v52, v3;
	v0 =	vadd.f32 v54, v0  }
0x1e8: {  	v57 =	vld [tilespmem:s23+$0xF700]  }
0x1e9: {  	v58 =	vmul.f32 v53, v4;
	v0 =	vadd.f32 v56, v0  }
0x1ea: {  	v59 =	vld [tilespmem:s23+$0xFD80]  }
0x1eb: {  	v60 =	vmul.f32 v55, v5;
	v0 =	vadd.f32 v58, v0;
	_ =	sdelay $0x1  }
0x1ec: {  	v61 =	vmul.f32 v57, v6;
	v0 =	vadd.f32 v60, v0;
	_ =	sdelay $0x1  }
0x1ed: {  	v62 =	vmul.f32 v59, v7;
	v0 =	vadd.f32 v61, v0;
	_ =	sdelay $0x1  }
0x1ee: {  	v0 =	vadd.f32 v62, v0;
	_ =	sdelay $0x1  }
0x1ef: {  	v0 =	vadd.f32 v0, v8;
	_ =	sdelay $0x1  }
0x1f0: {  	v63 =	vmin.f32 v0, $0.0e+00  }
0x1f1: {  	v1 =	vmul.f32 $1.442695020e+00, v63;
	_ =	sdelay $0x1  }
0x1f2: {  	(erf) = vpow2.f32 v1;
	_ =	sdelay $0x8  }
0x1f3: {  	v1 =	vpop (erf)  }
0x1f4: {  	v1 =	vadd.f32 $-1.000000000e+00, v1  }
0x1f5: {  	vm0 =	vgt.f32 v0, $0.0e+00  }
0x1f6: {  	s22 =	sadd.s32 $0x10, s22;
	v0 =	vsel vm0, v0, v1  }
0x1f7: {  	s24 =	rddreg [dreg:$0x16];
	[tilespmem:s22+$0x0] =	vst v0  }
0x1f8: {  	[hbm4b:s24+s2] =	stream.linear.scatter [tilespmem:s20], [sflag:$0x2], $0x680, $0x38;
	[tilespmem:$0x10B80] =	vst v63  }
0x1f9: {  	_ =	swait.ge [sflag:s18], $0x680  }
0x1fa: {  	s21 =	sadd.s32 $0x1, s21;
	s25 =	rddreg [dreg:$0x18]  }
0x1fb: {  	p0 =	sne.s32 s21, s25  }
.Ltmp1:
0x1fc: {  	_ = 	snop;
	(pc) =	sbr.rel @p0 .LBB2_1-.Ltmp1, $3  }
0x1fd: {  	_ =	sdelay $0x1  }
0x1fe: {  	[sflag:s18] =	ssyncset.done $0x0  }
0x1ff: {  	[sflag:s18] =	ssyncadd.s32 $0xFFFFF980  }
0x200: {  	_ =	sfence.sel $0x180000  }
0x201: {  	[bflag:$0x0] =	sbarrier.arrive $0xFFFF  }
0x202: {  	_ =	strace $0x90000050  }
0x203: {  	s0 =	stileid.u32;
	[bflag:$0x2] =	sbarrier.arrive $0xFFFF  }
0x204: {  	p0 =	sne.s32 s0, $0x0;
	s0 =	rddreg [dreg:$0x2]  }
0x205: {  	s0 =	sadd.s32 @!p0 $0x100000, s0  }
0x206: {  	[sflag:s0] =	ssyncadd.tile.s32 @!p0 $0x1;
	_ =	shalt  }
.Lfunc_end2:
_tile_overlayer_lowered:
.L_overlay_start_2:
0x207: {  	(tag) =	ssettag $0x2  }
0x208: {  	s0 =	rddreg [dreg:$0x0];
	s2 =	stileid.u32  }
0x209: {  	s1 =	rddreg [dreg:$0x1];
	p0 =	sne.s32 s2, $0x0  }
0x20a: {  	s3 =	rddreg [dreg:$0x2];
	[bflag:$0x3] =	sbarrier.arrive $0xFFFF;
	s2 =	simm.s32 @!p0 $0x1C02  }
0x20b: {  	[timem:s3], [sflag:s2] =	dma.local @!p0 [hbm:s0], s1  }
0x20c: {  	s0 =	simm.s32 @!p0 $0x2  }
0x20d: {  	_ =	swait.ge @!p0 [sflag:s0], s1  }
0x20e: {  	s1 =	ssub.s32 @!p0 $0x0, s1;
	[sflag:s0] =	ssyncset.done @!p0 $0x0  }
0x20f: {  	[sflag:s0] =	ssyncadd.s32 @!p0 s1  }
0x210: {  	[bflag:$0x3] =	sbarrier.arrive $0xFFFF  }
0x211: {  	_ =	shalt  }

// kernel: kernel.7.cloned.1.call-start
scs
__scs_entry_jumppad:
0x0: {  	(pc) =	sbr.rel $0x88, $3  }
0x1: {  	(tag) =	ssettag $0x0;
	lr =	simm.s32 $0x1  }
0x2: {  	[smem:$0x3F98] =	sst lr;
	_ =	strace $0xD0000000  }
0x3: {  	_ = 	snop  }
0x4: {  	_ = 	snop  }
0x5: {  	_ = 	snop  }
0x6: {  	_ = 	snop  }
0x7: {  	_ = 	snop  }
__scs_overlays_trampoline_lowered:
0x8: {  	[smem:$0x3FA7] =	sst s0  }
0x9: {  	[smem:$0x3FA8] =	sst s1  }
0xa: {  	[smem:$0x3FA9] =	sst s2  }
0xb: {  	[smem:$0x3FAA] =	sst s3  }
0xc: {  	[smem:$0x3FAB] =	sst s4  }
0xd: {  	[smem:$0x3FAC] =	sst s5  }
0xe: {  	[smem:$0x3FAD] =	sst s6  }
0xf: {  	[smem:$0x3FAE] =	sst s7  }
0x10: {  	[smem:$0x3FAF] =	sst s8  }
0x11: {  	[smem:$0x3FB0] =	sst s9;
	s0 =	simm.s32 @!p0 $0x0  }
0x12: {  	s1 =	sld [smem:$0x3F96];
	s0 =	simm.s32 @p0 $0x1  }
0x13: {  	[smem:$0x3FB1] =	sst s0;
	s0 =	simm.s32 @!p1 $0x0  }
0x14: {  	s2 =	sld [smem:$0x3F95];
	s0 =	simm.s32 @p1 $0x1  }
0x15: {  	[smem:$0x3FB2] =	sst s0;
	s0 =	simm.s32 @!p2 $0x0  }
0x16: {  	s3 =	sld [smem:$0x3FDB];
	s0 =	simm.s32 @p2 $0x1  }
0x17: {  	s4 =	simm.s32 $0x1BF5;
	[smem:$0x3FB4] =	sst s0  }
0x18: {  	s0 =	sld [smem:$0x3F97];
	_ =	swait.ge [sflag:s4], $0x0  }
0x19: {  	s7 =	sld [smem:$0x3F98]  }
0x1a: {  	s8 =	sadd.s32 $0xFFFFE003, lr  }
0x1b: {  	s9 =	sadd.s32 $0xFFFFFEF7, lr;
	s5 =	simm.s32 $0xFFFFFFFF;
	p2 =	slt.u32 s8, $0xFFFFF086  }
0x1c: {  	p1 =	slt.u32 s9, $0xF7A;
	s5 =	simm.s32 @!p2 $0x0  }
0x1d: {  	s5 =	simm.s32 @p1 $0x1;
	p0 =	seq.s32 s7, s2  }
0x1e: {  	s7 =	smul.u32 @!p0 $0xF7A, s2;
	p2 =	seq.s32 @!p0 s5, $0x0  }
0x1f: {  	s9 =	smul.u32 $0xF7A, s1;
	s8 =	simm.s32 @!p0 $0x1BF5;
	p2 =	por !p2, p0  }
0x20: {  	[sflag:s8] =	ssyncset.s32 @!p0 $0xFFFFF086;
	s6 =	sadd.s32 @!p0 s3, s7;
	s7 =	simm.s32 @!p0 $0x108  }
0x21: {  	s3 =	sadd.s32 s3, s9;
	s6 =	sadd.s32 @!p0 $0x88, s6;
	s7 =	simm.s32 @p2 $0x1082  }
0x22: {  	[simem:s7], [sflag:s8] =	dma.local @!p0 [hbm:s6], $0xF7A  }
0x23: {  	s9 =	sor.u32 $0xD0000000, s2;
	s6 =	simm.s32 $0x108;
	_ =	swait.ge @!p0 [sflag:s8], $0x0  }
0x24: {  	s3 =	sadd.s32 $0x88, s3;
	s6 =	simm.s32 @!p1 $0x1082;
	[sflag:s4] =	ssyncset.s32 $0xFFFFF086  }
0x25: {  	[simem:s6], [sflag:s4] =	dma.local [hbm:s3], $0xF7A  }
0x26: {  	[smem:$0x3F98] =	sst s1;
	(tag) =	ssettag s2;
	_ =	strace s9  }
0x27: {  	s1 =	sld [smem:$0x3FA8]  }
0x28: {  	s2 =	sld [smem:$0x3FA9]  }
0x29: {  	s4 =	sld [smem:$0x3FAB]  }
0x2a: {  	p0 =	seq.s32 s5, $0x0;
	s5 =	sld [smem:$0x3FAC]  }
0x2b: {  	s6 =	sld [smem:$0x3FAD]  }
0x2c: {  	s7 =	sld [smem:$0x3FAE]  }
0x2d: {  	s3 =	simm.s32 $0x108;
	s8 =	sld [smem:$0x3FAF]  }
0x2e: {  	s3 =	simm.s32 @!p0 $0x1082;
	s9 =	sld [smem:$0x3FB0]  }
0x2f: {  	lr =	sadd.s32 s0, s3;
	s0 =	sld [smem:$0x3FA7]  }
0x30: {  	s3 =	sld [smem:$0x3FAA]  }
0x31: {  	[smem:$0x3FB3] =	sst s10  }
0x32: {  	s10 =	sld [smem:$0x3FB1];
	_ =	sdelay $0x3  }
0x33: {  	p0 =	seq.s32 s10, $0x1;
	s10 =	sld [smem:$0x3FB3];
	_ =	sdelay $0x3  }
0x34: {  	[smem:$0x3FB3] =	sst s10  }
0x35: {  	s10 =	sld [smem:$0x3FB2];
	_ =	sdelay $0x3  }
0x36: {  	p1 =	seq.s32 s10, $0x1;
	s10 =	sld [smem:$0x3FB3];
	_ =	sdelay $0x3  }
0x37: {  	[smem:$0x3FB3] =	sst s10  }
0x38: {  	s10 =	sld [smem:$0x3FB4]  }
0x39: {  	_ = 	snop;
	(pc) =	sbr.ind lr, $3  }
0x3a: {  	_ = 	snop  }
0x3b: {  	_ = 	snop  }
0x3c: {  	p2 =	seq.s32 s10, $0x1;
	s10 =	sld [smem:$0x3FB3]  }
0x3d: {  	_ =	shalt  }
0x3e: {  	_ =	shalt  }
0x3f: {  	_ =	shalt  }
0x40: {  	_ =	shalt  }
0x41: {  	_ =	shalt  }
0x42: {  	_ =	shalt  }
0x43: {  	_ =	shalt  }
0x44: {  	_ =	shalt  }
0x45: {  	_ =	shalt  }
0x46: {  	_ =	shalt  }
0x47: {  	_ =	shalt  }
0x48: {  	_ =	shalt  }
0x49: {  	_ =	shalt  }
0x4a: {  	_ =	shalt  }
0x4b: {  	_ =	shalt  }
0x4c: {  	_ =	shalt  }
0x4d: {  	_ =	shalt  }
0x4e: {  	_ =	shalt  }
0x4f: {  	_ =	shalt  }
0x50: {  	_ =	shalt  }
0x51: {  	_ =	shalt  }
0x52: {  	_ =	shalt  }
0x53: {  	_ =	shalt  }
0x54: {  	_ =	shalt  }
0x55: {  	_ =	shalt  }
0x56: {  	_ =	shalt  }
0x57: {  	_ =	shalt  }
0x58: {  	_ =	shalt  }
0x59: {  	_ =	shalt  }
0x5a: {  	_ =	shalt  }
0x5b: {  	_ =	shalt  }
0x5c: {  	_ =	shalt  }
0x5d: {  	_ =	shalt  }
0x5e: {  	_ =	shalt  }
0x5f: {  	_ =	shalt  }
0x60: {  	_ =	shalt  }
0x61: {  	_ =	shalt  }
0x62: {  	_ =	shalt  }
0x63: {  	_ =	shalt  }
0x64: {  	_ =	shalt  }
0x65: {  	_ =	shalt  }
0x66: {  	_ =	shalt  }
0x67: {  	_ =	shalt  }
0x68: {  	_ =	shalt  }
0x69: {  	_ =	shalt  }
0x6a: {  	_ =	shalt  }
0x6b: {  	_ =	shalt  }
0x6c: {  	_ =	shalt  }
0x6d: {  	_ =	shalt  }
0x6e: {  	_ =	shalt  }
0x6f: {  	_ =	shalt  }
0x70: {  	_ =	shalt  }
0x71: {  	_ =	shalt  }
0x72: {  	_ =	shalt  }
0x73: {  	_ =	shalt  }
0x74: {  	_ =	shalt  }
0x75: {  	_ =	shalt  }
0x76: {  	_ =	shalt  }
0x77: {  	_ =	shalt  }
0x78: {  	_ =	shalt  }
0x79: {  	_ =	shalt  }
0x7a: {  	_ =	shalt  }
0x7b: {  	_ =	shalt  }
0x7c: {  	_ =	shalt  }
0x7d: {  	_ =	shalt  }
0x7e: {  	_ =	shalt  }
0x7f: {  	_ =	shalt  }
0x80: {  	_ =	shalt  }
0x81: {  	_ =	shalt  }
0x82: {  	_ =	shalt  }
0x83: {  	_ =	shalt  }
0x84: {  	_ =	shalt  }
0x85: {  	_ =	shalt  }
0x86: {  	_ =	shalt  }
0x87: {  	_ =	shalt  }
.Lfunc_end0:
.L_simem_size_0:
called_computation_lowered:
.L_overlay_start_0:
0x88: {  	s2 =	sld [smem:$0x3FD9]  }
0x89: {  	s3 =	sld [smem:$0x3FFE];
	_ =	sdelay $0x1  }
0x8a: {  	s1 =	srdreg.scid  }
0x8b: {  	s0 =	sand.u32 $0x1, s1  }
0x8c: {  	s17 =	sshll.u32 s0, $0xA;
	s2 =	sadd.s32 s3, s2  }
0x8d: {  	s2 =	sadd.s32 s2, s17  }
0x8e: {  	[smem:$0x3FBF] =	sst s2  }
0x8f: {  	_ = 	snop  }
0x90: {  	s2 =	sld [smem:$0x3FD0];
	(tm) =	ssettm $0x1  }
0x91: {  	s18 =	sld [smem:$0x3FFB];
	_ =	sdelay $0x3  }
0x92: {  	_ =	strace s18  }
0x93: {  	s3 =	sld [smem:$0x3FFC];
	_ =	sdelay $0x3  }
0x94: {  	_ =	strace s3  }
0x95: {  	s3 =	sld [smem:$0x3FFD];
	_ =	sdelay $0x3  }
0x96: {  	_ =	strace s3  }
0x97: {  	_ =	strace $0x8FFFFFFF  }
0x98: {  	s19 =	sld [smem:$0x3FDB];
	_ =	sdelay $0x1  }
0x99: {  	s4 =	simm.s32 $_scs_section_size  }
0x9a: {  	s5 =	simm.s32 $_size__tile_overlayer_lowered;
	s6 =	simm.s32 $_tile_overlayer_lowered  }
0x9b: {  	s22 =	simm.s32 $0x1BFF;
	s21 =	sshll.u32 s6, $0x1;
	s3 =	sadd.s32 s4, s19  }
0x9c: {  	s7 =	simm.s32 $0x0;
	s20 =	sshll.u32 s5, $0x1;
	s5 =	sadd.s32 s21, s3  }
0x9d: {  	[timem:s7], [sflag:s22] =	dma.local [hbm:s5], s20  }
0x9e: {  	_ =	swait.ge [sflag:s22], s20  }
0x9f: {  	s4 =	ssub.s32 $0x0, s20;
	[sflag:s22] =	ssyncset.done $0x0  }
0xa0: {  	[sflag:s22] =	ssyncadd.s32 s4;
	_ =	sdelay $0x1  }
0xa1: {  	s23 =	simm.s32 $0x1B8B  }
0xa2: {  	_ =	swait.ge [sflag:s23], $0x1  }
0xa3: {  	[sflag:s23] =	ssyncset.done $0x0  }
0xa4: {  	s25 =	simm.s32 $0x1B8E;
	s24 =	sld [smem:$0x3FFE];
	[sflag:s23] =	ssyncadd.s32 $0xFFFFFFFF  }
0xa5: {  	s26 =	simm.s32 $execute0_lowered;
	[smem:$0x3FD2] =	sst s25  }
0xa6: {  	s5 =	sshll.u32 s26, $0x1;
	_ =	strace $0x80000046;
	[dreg:$0x1] =	wrdreg $0xFFFFFFFF  }
0xa7: {  	s28 =	simm.s32 $_size_execute0_lowered;
	s3 =	sadd.s32 s3, s5;
	[dreg:$0x0] =	wrdreg $0x0  }
0xa8: {  	s5 =	sshll.u32 s28, $0x1;
	[dreg:$0x2] =	wrdreg s3  }
0xa9: {  	[dreg:$0x3] =	wrdreg s5  }
0xaa: {  	[dreg:$0x4] =	wrdreg $0xC0  }
0xab: {  	_ =	task [dreg:s7], $0x5FFFF  }
0xac: {  	[dreg:$0x1] =	wrdreg $0xFFFFFFFF  }
0xad: {  	[dreg:$0x0] =	wrdreg $0x60  }
0xae: {  	[dreg:$0x2] =	wrdreg s2  }
0xaf: {  	[dreg:$0x3] =	wrdreg s24  }
0xb0: {  	[dreg:$0x4] =	wrdreg $0x9  }
0xb1: {  	_ =	task.clear_ibuf [dreg:s7], $0x5FFFF;
	_ =	strace $0x90000046  }
0xb2: {  	s29 =	simm.s32 $0x9;
	_ =	strace $0x80000048  }
0xb3: {  	_ =	swait.ge [sflag:s29], $0x1  }
0xb4: {  	[sflag:s29] =	ssyncadd.s32 $0xFFFFFFFF  }
0xb5: {  	_ =	strace $0x90000048  }
0xb6: {  	_ =	sfence  }
0xb7: {  	s30 =	sld [smem:$0x0];
	_ =	sdelay $0x2  }
0xb8: {  	s31 =	sshll.u32 s1, $0xD;
	s1 =	sshrl.u32 s1, $0x2  }
0xb9: {  	s3 =	sand.u32 $0x4000, s31;
	s1 =	sadd.s32 s1, s30  }
0xba: {  	s0 =	sor.u32 s3, s0;
	s1 =	sshll.u32 s1, $0x11  }
0xbb: {  	s0 =	sor.u32 s1, s0  }
0xbc: {  	s0 =	sadd.s32 $0x8F2B, s0  }
0xbd: {  	[sflag:s0] =	ssyncadd.remote.s32 $0x1  }
0xbe: {  	_ =	sfence.sel $0xFFFF  }
0xbf: {  	[dreg:$0x0] =	wrdreg $0xFFFFFFFF;
	(pc) =	sbr.abs _section_cstart, $3  }
0xc0: {  	[dreg:$0x1] =	wrdreg $0xFFFFFFFF  }
0xc1: {  	_ =	task.clear_ibuf [dreg:s7], $0x2FFFF;
	_ =	strace $0x9FFFFFFF  }
0xc2: {  	(tm) =	ssettm $0x7FFFFFFF  }
0xc3: {  	_ =	shalt  }
tec
execute0_lowered:
.L_overlay_start_1:
0x0: {  	(tag) =	ssettag $0x1  }
0x1: {  	s0 =	srdreg.scid;
	s11 =	stileid.u32  }
0x2: {  	s0 =	sand.u32 $0x1, s0;
	s1 =	sshll.u32 s11, $0x1  }
0x3: {  	s2 =	sor.u32 s0, s1  }
0x4: {  	s1 =	sand.u32 $0x7, s2  }
0x5: {  	p1 =	sgt.s32 s1, $0x3  }
0x6: {  	p5 =	sgt.s32 @p1 s1, $0x5  }
0x7: {  	p0 =	por !p5, !p1  }
0x8: {  	s4 =	simm.s32 @!p0 $0x0  }
0x9: {  	s4 =	simm.s32 @p0 $0x1;
	p0 =	seq.s32 @!p0 s1, $0x6  }
0xa: {  	p3 =	por p5, !p1;
	p4 =	por @p1 !p0, !p5;
	p0 =	por @p1 p0, !p5  }
0xb: {  	p3 =	seq.s32 @!p3 s1, $0x4;
	[smem:$0x7E7] =	sst s4;
	s4 =	simm.s32 @!p0 $0x0  }
0xc: {  	p6 =	sgt.s32 @!p1 s1, $0x1;
	s4 =	simm.s32 @p0 $0x1;
	p0 =	por @p1 !p3, p5  }
0xd: {  	p2 =	por !p6, p1;
	[smem:$0x7EC] =	sst s4;
	s4 =	simm.s32 @!p0 $0x0  }
0xe: {  	s5 =	simm.s32 @!p2 $0x0;
	s4 =	simm.s32 @p0 $0x1;
	p0 =	por @p1 p3, p5  }
0xf: {  	p3 =	por p6, p1;
	[smem:$0x7F3] =	sst s4;
	s4 =	simm.s32 @!p0 $0x0  }
0x10: {  	p5 =	seq.s32 @!p2 s1, $0x2;
	s4 =	simm.s32 @p0 $0x1;
	p0 =	seq.s32 @!p3 s1, $0x0  }
0x11: {  	s5 =	simm.s32 @p2 $0x1;
	p3 =	por @!p1 !p5, !p6;
	p2 =	por @!p1 p0, p6  }
0x12: {  	p5 =	por @!p1 p5, !p6;
	p6 =	por @!p1 !p0, p6;
	p0 =	por p2, p1  }
0x13: {  	[smem:$0x7E8] =	sst s5;
	s5 =	simm.s32 @!p0 $0x0  }
0x14: {  	p6 =	por !p6, p1;
	p2 =	por $0x0, $0x0;
	s5 =	simm.s32 @p0 $0x1  }
0x15: {  	p0 =	por @!p0 $0x1, $0x1;
	[smem:$0x7E9] =	sst s5;
	s5 =	simm.s32 @!p6 $0x0  }
0x16: {  	[smem:$0x7F2] =	sst s4;
	p2 =	por @!p6 p0, p0;
	s5 =	simm.s32 @p6 $0x1  }
0x17: {  	s4 =	simm.s32 $0x0;
	[smem:$0x7EA] =	sst s5;
	s5 =	simm.s32 @!p2 $0x0  }
0x18: {  	[smem:$0x7FF] =	sst s4;
	s5 =	simm.s32 @p2 $0x1  }
0x19: {  	[smem:$0x7EB] =	sst s5  }
0x1a: {  	s3 =	rddreg [dreg:$0x1];
	_ =	strace $0x80000047  }
0x1b: {  	s24 =	sld [smem:$0x7EC];
	_ =	sdelay $0x1  }
0x1c: {  	s0 =	ssub.s32 $0x2, s0  }
0x1d: {  	s17 =	sshrl.u32 s0, $0x1;
	p2 =	seq.s32 s24, $0x1  }
0x1e: {  	s0 =	ssub.s32 s0, s17;
	p0 =	por p2, !p1;
	p2 =	por p4, !p1  }
0x1f: {  	s21 =	smax.u32 s0, $0x1;
	s0 =	simm.s32 @!p2 $0x0  }
0x20: {  	s22 =	simm.s32 $0x3;
	s0 =	simm.s32 @p2 $0x1  }
0x21: {  	s28 =	simm.s32 $0x1C700;
	[smem:$0x7ED] =	sst s0;
	s0 =	simm.s32 @!p0 $0x0  }
0x22: {  	s29 =	simm.s32 $0x1;
	p4 =	por !p4, !p1;
	s0 =	simm.s32 @p0 $0x1  }
0x23: {  	s30 =	simm.s32 $0xC380;
	[smem:$0x7EE] =	sst s0;
	s0 =	simm.s32 @!p4 $0x0  }
0x24: {  	s26 =	sld [smem:$0x7F3];
	p0 =	por @!p0 $0x0, $0x0;
	s0 =	simm.s32 @p4 $0x1  }
0x25: {  	p2 =	por @!p2 $0x1, $0x1;
	[smem:$0x7EF] =	sst s0;
	s0 =	simm.s32 @!p0 $0x0  }
0x26: {  	s31 =	simm.s32 $0x2;
	p2 =	por @!p4 p0, p0;
	s0 =	simm.s32 @p0 $0x1  }
0x27: {  	p6 =	seq.s32 s26, $0x1;
	[smem:$0x7F0] =	sst s0;
	s0 =	simm.s32 @!p2 $0x0  }
0x28: {  	s25 =	sld [smem:$0x7F2];
	s0 =	simm.s32 @p2 $0x1;
	p2 =	por p6, !p1  }
0x29: {  	s6 =	sadd.s32 $0x65E00, s3;
	[smem:$0x7F1] =	sst s0;
	s0 =	simm.s32 @!p2 $0x0  }
0x2a: {  	s7 =	sadd.s32 $0x1E00, s3;
	s0 =	simm.s32 @p2 $0x1;
	p2 =	por !p6, !p1  }
0x2b: {  	p4 =	seq.s32 s25, $0x1;
	[smem:$0x7F4] =	sst s0;
	s0 =	simm.s32 @!p2 $0x0  }
0x2c: {  	p0 =	por p4, !p1;
	p4 =	por p3, p1;
	s0 =	simm.s32 @p2 $0x1  }
0x2d: {  	s8 =	sadd.s32 $0x1AE00, s3;
	[smem:$0x7F5] =	sst s0;
	s0 =	simm.s32 @!p4 $0x0  }
0x2e: {  	s9 =	sadd.s32 $0x33E00, s3;
	s10 =	sadd.s32 $0x177E00, s3;
	s0 =	simm.s32 @p4 $0x1  }
0x2f: {  	s13 =	sshrl.u32 s11, $0x2;
	[smem:$0x7F6] =	sst s0;
	s0 =	simm.s32 @!p1 $0x0  }
0x30: {  	p2 =	por p5, p1;
	s0 =	simm.s32 @p1 $0x1;
	p1 =	por !p3, p1  }
0x31: {  	s11 =	sadd.s32 $0x4CE00, s3;
	[smem:$0x7F7] =	sst s0;
	s0 =	simm.s32 @!p1 $0x0  }
0x32: {  	s12 =	sadd.s32 $0x190E00, s3;
	s14 =	sadd.s32 $0x96E00, s3;
	s0 =	simm.s32 @p1 $0x1  }
0x33: {  	s16 =	smul.u32 $0x30D40, s13;
	[smem:$0x7F8] =	sst s0;
	s0 =	simm.s32 @!p0 $0x0  }
0x34: {  	s13 =	sadd.s32 $0x1A9E00, s3;
	s0 =	simm.s32 @p0 $0x1;
	p0 =	por @!p0 $0x1, $0x1  }
0x35: {  	s2 =	smul.u32 $0x186A, s2;
	[smem:$0x7F9] =	sst s0;
	s0 =	simm.s32 @!p0 $0x0  }
0x36: {  	s15 =	sshrl.u32 s16, $0x3;
	s18 =	sadd.s32 $0xFA0, s16;
	s0 =	simm.s32 @p0 $0x1  }
0x37: {  	s19 =	sadd.s32 $0x1F40, s16;
	[smem:$0x7FA] =	sst s0;
	s0 =	simm.s32 @!p2 $0x0  }
0x38: {  	s2 =	sadd.s32 s2, s3;
	p0 =	por @!p2 $0x1, $0x1;
	s0 =	simm.s32 @p2 $0x1  }
0x39: {  	s17 =	sadd.s32 s6, s15;
	[smem:$0x7FB] =	sst s0;
	s0 =	simm.s32 @!p0 $0x0  }
0x3a: {  	s5 =	sadd.s32 $0x7E600, s3;
	s0 =	simm.s32 @p0 $0x1;
	p0 =	sne.s32 s1, $0x0  }
0x3b: {  	s23 =	sadd.s32 s5, s15;
	[smem:$0x7FC] =	sst s0;
	s0 =	simm.s32 @!p0 $0x0  }
0x3c: {  	s20 =	sadd.s32 $0x1C2E00, s2;
	[dreg:$0x3] =	wrdreg s23;
	s0 =	simm.s32 @p0 $0x1  }
0x3d: {  	v0 =	vimm.f32 $0.0e+00;
	s3 =	simm.s32 $0x0;
	s26 =	simm.s32 $0x1B700;
	[smem:$0x7FD] =	sst s0  }
.LBB2_1:
0x3e: {  	s0 =	rddreg [dreg:$0x0]  }
0x3f: {  	[tilespmem:s4], [sflag:$0x3] =	stream.linear.gather [hbm4b:s0+s4], $0xC380, $0x38;
	[tilespmem:$0x1E700] =	vst v63  }
0x40: {  	_ =	swait.ge [sflag:s22], $0xC380  }
0x41: {  	[sflag:s22] =	ssyncset.done $0x0  }
0x42: {  	s0 =	simm.s32 $0xC3C0;
	[sflag:s22] =	ssyncadd.s32 $0xFFFF3C80  }
0x43: {  	[tilespmem:s0+$0xFFFFFFC0] =	vst v0  }
0x44: {  	[tilespmem:s0+$0x30] =	vst v0  }
0x45: {  	[tilespmem:s0+$0x20] =	vst v0  }
0x46: {  	[tilespmem:s0+$0x10] =	vst v0  }
0x47: {  	[tilespmem:s0+$0x0] =	vst v0  }
0x48: {  	[tilespmem:s0+$0xFFFFFFF0] =	vst v0  }
0x49: {  	s23 =	simm.s32 $0x0;
	s2 =	simm.s32 $0x18680;
	[tilespmem:s0+$0xFFFFFFE0] =	vst v0  }
.LBB2_2:
0x4a: {  	s23 =	sadd.s32 $0x80, s23;
	[tilespmem:s0+$0xFFFFFFD0] =	vst v0;
	s0 =	sadd.s32 $0x80, s0;
	s16 =	simm.s32 $0xC2F0  }
0x4b: {  	[tilespmem:s0+$0xFFFFFFC0] =	vst v0;
	p0 =	slt.u32 s23, $0xC280  }
0x4c: {  	[tilespmem:s0+$0x30] =	vst v0  }
.Ltmp0:
0x4d: {  	[tilespmem:s0+$0x20] =	vst v0;
	(pc) =	sbr.rel @p0 .LBB2_2-.Ltmp0, $4  }
0x4e: {  	[tilespmem:s0+$0x10] =	vst v0  }
0x4f: {  	[tilespmem:s0+$0x0] =	vst v0  }
0x50: {  	[tilespmem:s0+$0xFFFFFFF0] =	vst v0  }
0x51: {  	[tilespmem:s0+$0xFFFFFFE0] =	vst v0  }
0x52: {  	[tilespmem:s0+$0xFFFFFFD0] =	vst v0  }
.LBB2_4:
0x53: {  	s16 =	sadd.s32 $0x10, s16  }
0x54: {  	p0 =	slt.u32 s16, $0xC340  }
.Ltmp1:
0x55: {  	_ = 	snop;
	(pc) =	sbr.rel @p0 .LBB2_4-.Ltmp1, $2  }
0x56: {  	_ =	sdelay $0x2  }
0x57: {  	[tilespmem:s2+$0x0] =	vst v0;
	s2 =	sadd.s32 $0x10, s2  }
0x58: {  	s0 =	sld [smem:$0x7EE]  }
0x59: {  	s24 =	sld [smem:$0x7ED]  }
0x5a: {  	s25 =	sld [smem:$0x7EF]  }
0x5b: {  	s2 =	sld [smem:$0x7F0]  }
0x5c: {  	s16 =	sld [smem:$0x7F9]  }
0x5d: {  	s23 =	sld [smem:$0x7F4]  }
0x5e: {  	p2 =	seq.s32 s24, $0x1;
	s24 =	sld [smem:$0x7F5]  }
0x5f: {  	p0 =	seq.s32 s0, $0x1;
	p3 =	seq.s32 s25, $0x1;
	s25 =	sld [smem:$0x7FA]  }
0x60: {  	p4 =	seq.s32 s23, $0x1;
	s23 =	sld [smem:$0x7E9];
	p0 =	por @!p0 $0x1, $0x1  }
0x61: {  	p1 =	por @!p2 $0x0, $0x0;
	p2 =	por @!p2 $0x0, $0x0;
	p5 =	por @!p4 $0x0, $0x0  }
0x62: {  	p6 =	por @!p4 $0x1, $0x1;
	p1 =	por @!p3 p0, p0;
	p0 =	seq.s32 s2, $0x1  }
0x63: {  	s0 =	simm.s32 @!p1 $0x0;
	p2 =	por @!p3 p0, p0;
	p0 =	seq.s32 s16, $0x1  }
0x64: {  	s2 =	sld [smem:$0x7E7];
	s0 =	simm.s32 @p1 $0x1;
	p3 =	por @!p0 $0x0, $0x0  }
0x65: {  	p0 =	por @!p4 $0x0, $0x0;
	p4 =	seq.s32 s25, $0x1;
	s25 =	sld [smem:$0x7E7]  }
0x66: {  	p1 =	seq.s32 s24, $0x1;
	[smem:$0x7DC] =	sst s0  }
0x67: {  	p0 =	por @!p1 p3, p3;
	p6 =	por @!p1 p3, p3;
	s16 =	sld [smem:$0x7DC]  }
0x68: {  	p5 =	por @!p1 p4, p4;
	p3 =	seq.s32 s2, $0x1;
	s0 =	simm.s32 @!p6 $0x0  }
0x69: {  	s2 =	sld [smem:$0x7EA];
	p4 =	por p0, p0;
	s0 =	simm.s32 @p6 $0x1  }
0x6a: {  	p5 =	por @!p3 p2, p2;
	[smem:$0x7E5] =	sst s0;
	p1 =	seq.s32 s16, $0x1  }
0x6b: {  	s24 =	sld [smem:$0x7E5];
	p4 =	por @!p3 p1, p1;
	p1 =	por p0, p0  }
0x6c: {  	s16 =	sld [smem:$0x7F6];
	s0 =	simm.s32 @!p4 $0x0;
	p1 =	por @!p3 p2, p2  }
0x6d: {  	p3 =	seq.s32 s23, $0x1;
	s23 =	sld [smem:$0x7FB];
	s0 =	simm.s32 @p4 $0x1  }
0x6e: {  	p6 =	por @!p3 $0x0, $0x0;
	p3 =	seq.s32 s25, $0x1;
	s25 =	sld [smem:$0x7FC]  }
0x6f: {  	p4 =	por $0x0, $0x0;
	[smem:$0x7E3] =	sst s0;
	s0 =	simm.s32 @!p5 $0x0  }
0x70: {  	s0 =	simm.s32 @p5 $0x1;
	p5 =	seq.s32 s24, $0x1;
	s24 =	sld [smem:$0x7F8]  }
0x71: {  	[smem:$0x7E4] =	sst s0;
	p5 =	por @!p3 p2, p2;
	p2 =	seq.s32 s2, $0x1  }
0x72: {  	p3 =	seq.s32 s16, $0x1;
	s2 =	sld [smem:$0x7F8];
	s0 =	simm.s32 @!p5 $0x0  }
0x73: {  	p4 =	por @!p2 p6, p6;
	p2 =	por @!p3 $0x0, $0x0;
	s0 =	simm.s32 @p5 $0x1  }
0x74: {  	[smem:$0x7E5] =	sst s0;
	s0 =	simm.s32 @!p2 $0x0  }
0x75: {  	s0 =	simm.s32 @p2 $0x1;
	p2 =	seq.s32 s23, $0x1;
	s23 =	sld [smem:$0x7F6]  }
0x76: {  	[smem:$0x7DE] =	sst s0;
	p5 =	por @!p2 $0x0, $0x0;
	p2 =	por @!p3 $0x0, $0x0  }
0x77: {  	p3 =	seq.s32 s24, $0x1;
	s0 =	simm.s32 @!p5 $0x0;
	s16 =	sld [smem:$0x7DE]  }
0x78: {  	s24 =	sld [smem:$0x7F8];
	p2 =	por @!p3 p5, p5;
	s0 =	simm.s32 @p5 $0x1  }
0x79: {  	p3 =	seq.s32 s25, $0x1;
	[smem:$0x7DD] =	sst s0;
	s0 =	simm.s32 @!p2 $0x0  }
0x7a: {  	p5 =	seq.s32 s2, $0x1;
	s0 =	simm.s32 @p2 $0x1;
	p2 =	seq.s32 s16, $0x1  }
0x7b: {  	s2 =	sld [smem:$0x7E8];
	p2 =	por @!p5 p3, p3  }
0x7c: {  	[smem:$0x7DF] =	sst s0;
	s0 =	simm.s32 @!p2 $0x0  }
0x7d: {  	s25 =	sld [smem:$0x7DD];
	s0 =	simm.s32 @p2 $0x1  }
0x7e: {  	p3 =	seq.s32 s24, $0x1;
	[smem:$0x7DE] =	sst s0;
	s0 =	simm.s32 @!p4 $0x0  }
0x7f: {  	p2 =	seq.s32 s23, $0x1;
	s0 =	simm.s32 @p4 $0x1;
	s23 =	sld [smem:$0x7DE]  }
0x80: {  	p5 =	por @!p2 $0x1, $0x1;
	p2 =	seq.s32 s25, $0x1;
	[smem:$0x7E1] =	sst s0  }
0x81: {  	p5 =	por @!p3 p2, p2;
	s16 =	sld [smem:$0x7E1]  }
0x82: {  	s0 =	simm.s32 @!p5 $0x0  }
0x83: {  	s24 =	sld [smem:$0x7EB];
	s0 =	simm.s32 @p5 $0x1  }
0x84: {  	p5 =	seq.s32 s2, $0x1;
	p2 =	seq.s32 s23, $0x1;
	p3 =	seq.s32 s16, $0x1  }
0x85: {  	p3 =	por @!p5 p2, p2  }
0x86: {  	[smem:$0x7E0] =	sst s0;
	s0 =	simm.s32 @!p3 $0x0  }
0x87: {  	s25 =	sld [smem:$0x7DF];
	p2 =	seq.s32 s24, $0x1;
	s0 =	simm.s32 @p3 $0x1  }
0x88: {  	[smem:$0x7E1] =	sst s0;
	s0 =	simm.s32 @!p2 $0x0  }
0x89: {  	s0 =	simm.s32 @p2 $0x1  }
0x8a: {  	[smem:$0x7E2] =	sst s0  }
0x8b: {  	p3 =	por p4, p4;
	p2 =	seq.s32 s25, $0x1;
	s2 =	sld [smem:$0x7E2]  }
0x8c: {  	p3 =	por @!p5 p2, p2  }
0x8d: {  	s23 =	sld [smem:$0x7F7];
	s0 =	simm.s32 @!p3 $0x0  }
0x8e: {  	s16 =	sld [smem:$0x7E0];
	s0 =	simm.s32 @p3 $0x1;
	p3 =	seq.s32 s2, $0x1  }
0x8f: {  	s25 =	rddreg [dreg:$0x3];
	s2 =	simm.s32 $0x18700;
	p3 =	por @!p5 p2, p2  }
0x90: {  	[tilespmem:s2], [sflag:$0x1] =	stream.linear.gather [hbm4b:s25+s4], $0xFA0, $0x38;
	[tilespmem:$0x1E700] =	vst v63  }
0x91: {  	[smem:$0x7E6] =	sst s0;
	s0 =	simm.s32 @!p3 $0x0  }
0x92: {  	s24 =	sld [smem:$0x7E1];
	s0 =	simm.s32 @p3 $0x1  }
0x93: {  	[smem:$0x7E2] =	sst s0  }
0x94: {  	p2 =	seq.s32 s16, $0x1;
	s16 =	sld [smem:$0x7E2]  }
0x95: {  	p6 =	seq.s32 s23, $0x1;
	s23 =	simm.s32 $0x19700;
	s25 =	sld [smem:$0x7E7]  }
0x96: {  	p4 =	por @!p5 p2, p2;
	p2 =	seq.s32 s24, $0x1;
	s24 =	sld [smem:$0x7F5]  }
0x97: {  	p3 =	por p1, p1;
	p5 =	seq.s32 s16, $0x1;
	s16 =	sld [smem:$0x7EF]  }
0x98: {  	[tilespmem:s23], [sflag:$0x1] =	stream.linear.gather [hbm4b:s17+s4], $0xFA0, $0x38;
	[tilespmem:$0x1E700] =	vst v63  }
0x99: {  	s2 =	smov.u32 s14;
	s23 =	sld [smem:$0x7F1];
	p3 =	por @!p6 p2, p2  }
0x9a: {  	p2 =	por p1, p1;
	p1 =	por @!p6 p4, p4;
	p4 =	seq.s32 s16, $0x1  }
0x9b: {  	s0 =	smov.u32 s12;
	s2 =	smov.u32 @p4 s13;
	p4 =	seq.s32 s24, $0x1  }
0x9c: {  	s24 =	sld [smem:$0x7E7];
	s0 =	smov.u32 @p4 s10;
	p4 =	seq.s32 s25, $0x1  }
0x9d: {  	s2 =	smov.u32 @p4 s0;
	p4 =	seq.s32 s23, $0x1;
	s23 =	sld [smem:$0x7F8]  }
0x9e: {  	p2 =	por @!p6 p5, p5;
	s16 =	smov.u32 s8;
	s25 =	sld [smem:$0x7EA]  }
0x9f: {  	s0 =	smov.u32 s11;
	p5 =	seq.s32 s24, $0x1;
	s24 =	sld [smem:$0x7E8]  }
0xa0: {  	p0 =	por @!p5 p4, p4;
	p4 =	seq.s32 s23, $0x1;
	s23 =	sld [smem:$0x7F7]  }
0xa1: {  	s0 =	smov.u32 @p4 s9;
	p4 =	seq.s32 s25, $0x1;
	s25 =	sld [smem:$0x7E6]  }
0xa2: {  	s16 =	smov.u32 @p4 s7;
	p4 =	seq.s32 s24, $0x1;
	s24 =	sld [smem:$0x7E3]  }
0xa3: {  	s0 =	smov.u32 @p4 s16;
	p4 =	seq.s32 s23, $0x1;
	s23 =	sld [smem:$0x7F7]  }
0xa4: {  	p5 =	seq.s32 s25, $0x1;
	s25 =	sld [smem:$0x7E4]  }
0xa5: {  	p6 =	seq.s32 s24, $0x1;
	s24 =	sld [smem:$0x7E6]  }
0xa6: {  	p6 =	por @!p4 p5, p5;
	p5 =	seq.s32 s23, $0x1  }
0xa7: {  	s23 =	sld [smem:$0x7F7];
	s16 =	simm.s32 @!p6 $0x0;
	p4 =	seq.s32 s25, $0x1  }
0xa8: {  	s25 =	sld [smem:$0x7E5];
	s16 =	simm.s32 @p6 $0x1;
	p6 =	seq.s32 s24, $0x1  }
0xa9: {  	s24 =	sld [smem:$0x7E6];
	p4 =	por @!p5 p6, p6  }
0xaa: {  	[smem:$0x7E3] =	sst s16;
	s16 =	simm.s32 @!p4 $0x0  }
0xab: {  	p5 =	seq.s32 s23, $0x1;
	s16 =	simm.s32 @p4 $0x1  }
0xac: {  	p4 =	seq.s32 s25, $0x1;
	p6 =	seq.s32 s24, $0x1;
	s25 =	sld [smem:$0x7F7]  }
0xad: {  	s23 =	sld [smem:$0x7E6];
	p4 =	por @!p5 p6, p6  }
0xae: {  	[smem:$0x7E4] =	sst s16;
	s16 =	simm.s32 @!p4 $0x0  }
0xaf: {  	s16 =	simm.s32 @p4 $0x1;
	p4 =	seq.s32 s25, $0x1  }
0xb0: {  	s24 =	simm.s32 $0x1A700;
	s25 =	sld [smem:$0x7E3];
	s0 =	smov.u32 @p4 s2  }
0xb1: {  	p5 =	seq.s32 s23, $0x1;
	s2 =	sadd.s32 s0, s15;
	s0 =	simm.s32 $0x0  }
0xb2: {  	[tilespmem:s24], [sflag:$0x1] =	stream.linear.gather [hbm4b:s2+s0], $0xFA0, $0x38;
	[tilespmem:$0x1E700] =	vst v63  }
0xb3: {  	[smem:$0x7E5] =	sst s16;
	p0 =	por @!p4 p5, p5;
	p6 =	seq.s32 s25, $0x1  }
.LBB2_6:
0xb4: {  	s2 =	smul.u32 $0x1F40, s0;
	_ =	sdelay $0x1  }
0xb5: {  	s16 =	sadd.s32 s2, s18  }
0xb6: {  	s24 =	sld [smem:$0x7FD];
	s16 =	sshrl.u32 s16, $0x3  }
0xb7: {  	s23 =	sadd.s32 s5, s16  }
0xb8: {  	[tilespmem:s26], [sflag:$0x2] =	stream.linear.gather [hbm4b:s23+s4], $0xFA0, $0x38;
	[tilespmem:$0x1E700] =	vst v63  }
0xb9: {  	p4 =	seq.s32 s24, $0x1;
	s25 =	sadd.s32 s6, s16  }
0xba: {  	[tilespmem:s28], [sflag:$0x2] =	stream.linear.gather [hbm4b:s25+s4], $0xFA0, $0x38;
	[tilespmem:$0x1E700] =	vst v63  }
0xbb: {  	s24 =	simm.s32 @!p4 $0x0;
	s23 =	sadd.s32 @!p4 s7, s16;
	s25 =	simm.s32 @!p4 $0x1D700  }
0xbc: {  	[tilespmem:s25], [sflag:$0x2] =	stream.linear.gather @!p4 [hbm4b:s23+s24], $0xFA0, $0x38;
	[tilespmem:$0x1E700] =	vst v63  }
0xbd: {  	s23 =	sadd.s32 @p2 s8, s16;
	s24 =	simm.s32 @p2 $0x0;
	s25 =	simm.s32 @p2 $0x1D700  }
0xbe: {  	[tilespmem:s25], [sflag:$0x2] =	stream.linear.gather @p2 [hbm4b:s23+s24], $0xFA0, $0x38;
	[tilespmem:$0x1E700] =	vst v63  }
0xbf: {  	s23 =	sadd.s32 @p1 s9, s16;
	s24 =	simm.s32 @p1 $0x0;
	s25 =	simm.s32 @p1 $0x1D700  }
0xc0: {  	[tilespmem:s25], [sflag:$0x2] =	stream.linear.gather @p1 [hbm4b:s23+s24], $0xFA0, $0x38;
	[tilespmem:$0x1E700] =	vst v63  }
0xc1: {  	s23 =	sadd.s32 @p3 s11, s16;
	s24 =	simm.s32 @p3 $0x0;
	s25 =	simm.s32 @p3 $0x1D700  }
0xc2: {  	[tilespmem:s25], [sflag:$0x2] =	stream.linear.gather @p3 [hbm4b:s23+s24], $0xFA0, $0x38;
	[tilespmem:$0x1E700] =	vst v63  }
0xc3: {  	s25 =	sld [smem:$0x7E5];
	_ =	sdelay $0x2  }
0xc4: {  	p4 =	seq.s32 s25, $0x1  }
0xc5: {  	s23 =	sadd.s32 @p4 s10, s16;
	s24 =	simm.s32 @p4 $0x0;
	s25 =	simm.s32 @p4 $0x1D700  }
0xc6: {  	[tilespmem:s25], [sflag:$0x2] =	stream.linear.gather @p4 [hbm4b:s23+s24], $0xFA0, $0x38;
	[tilespmem:$0x1E700] =	vst v63  }
0xc7: {  	s24 =	sld [smem:$0x7E4];
	_ =	sdelay $0x2  }
0xc8: {  	p4 =	seq.s32 s24, $0x1  }
0xc9: {  	s23 =	sadd.s32 @p4 s12, s16;
	s24 =	simm.s32 @p4 $0x0;
	s25 =	simm.s32 @p4 $0x1D700  }
0xca: {  	[tilespmem:s25], [sflag:$0x2] =	stream.linear.gather @p4 [hbm4b:s23+s24], $0xFA0, $0x38;
	[tilespmem:$0x1E700] =	vst v63  }
0xcb: {  	s23 =	sadd.s32 @p0 s13, s16;
	s24 =	simm.s32 @p0 $0x0;
	s25 =	simm.s32 @p0 $0x1D700  }
0xcc: {  	[tilespmem:s25], [sflag:$0x2] =	stream.linear.gather @p0 [hbm4b:s23+s24], $0xFA0, $0x38;
	[tilespmem:$0x1E700] =	vst v63  }
0xcd: {  	s16 =	sadd.s32 @p6 s14, s16;
	s23 =	simm.s32 @p6 $0x0;
	s24 =	simm.s32 @p6 $0x1D700  }
0xce: {  	[tilespmem:s24], [sflag:$0x2] =	stream.linear.gather @p6 [hbm4b:s16+s23], $0xFA0, $0x38;
	[tilespmem:$0x1E700] =	vst v63  }
0xcf: {  	_ =	swait.ge [sflag:s29], $0xFA0  }
0xd0: {  	[sflag:s29] =	ssyncset.done $0x0  }
0xd1: {  	[sflag:s29] =	ssyncadd.s32 $0xFFFFF060  }
0xd2: {  	_ =	swait.ge [sflag:s29], $0xFA0  }
0xd3: {  	[sflag:s29] =	ssyncset.done $0x0  }
0xd4: {  	[sflag:s29] =	ssyncadd.s32 $0xFFFFF060  }
0xd5: {  	_ =	swait.ge [sflag:s29], $0xFA0  }
0xd6: {  	[sflag:s29] =	ssyncset.done $0x0  }
0xd7: {  	s25 =	simm.s32 $0x18720;
	[sflag:s29] =	ssyncadd.s32 $0xFFFFF060  }
0xd8: {  	v1 =	vld [tilespmem:s25+$0x20]  }
0xd9: {  	v2 =	vld [tilespmem:s25+$0xFFFFFFF0]  }
0xda: {  	v3 =	vld [tilespmem:s25+$0x0]  }
0xdb: {  	v4 =	vld [tilespmem:s25+$0xFFFFFFE0]  }
0xdc: {  	s23 =	simm.s32 $0x19720;
	v5 =	vld [tilespmem:s25+$0x10]  }
0xdd: {  	s24 =	simm.s32 $0x1A720;
	v6 =	vld [tilespmem:s23+$0x20]  }
0xde: {  	v7 =	vld [tilespmem:s24+$0x20]  }
0xdf: {  	v11 =	vld [tilespmem:s24+$0xFFFFFFF0]  }
0xe0: {  	v12 =	vld [tilespmem:s24+$0x10]  }
0xe1: {  	v1 =	vld.idx.msk [tilespmem:v1+s4+$0x0], $0xffff  }
0xe2: {  	v9 =	vld.idx.msk [tilespmem:v3+s4+$0x0], $0xffff  }
0xe3: {  	v4 =	vld.idx.msk [tilespmem:v4+s4+$0x0], $0xffff  }
0xe4: {  	v10 =	vld.idx.msk [tilespmem:v5+s4+$0x0], $0xffff  }
0xe5: {  	v5 =	vld [tilespmem:s24+$0xFFFFFFE0]  }
0xe6: {  	v1 =	vmul.f32 v7, v1;
	v7 =	vld [tilespmem:s24+$0x0]  }
0xe7: {  	v8 =	vld.idx.msk [tilespmem:v2+s4+$0x0], $0xffff  }
0xe8: {  	v2 =	vld [tilespmem:s23+$0xFFFFFFE0]  }
0xe9: {  	[tilespmem:v6+s30+$0x0] =	vst.idx.add.f32.msk $0xffff, v1  }
0xea: {  	v6 =	vld [tilespmem:s23+$0x0]  }
0xeb: {  	v4 =	vmul.f32 v5, v4;
	v1 =	vmul.f32 v7, v9;
	v7 =	vld [tilespmem:s23+$0x10]  }
0xec: {  	v3 =	vld [tilespmem:s23+$0xFFFFFFF0];
	v5 =	vmul.f32 v11, v8;
	v8 =	vmul.f32 v12, v10  }
0xed: {  	s16 =	simm.s32 $0x18770;
	s25 =	simm.s32 $0x0  }
.LBB2_7:
0xee: {  	v9 =	vld [tilespmem:s16+$0x20];
	s25 =	sadd.s32 $0x50, s25;
	v10 =	vmov v8  }
0xef: {  	v8 =	vld [tilespmem:s16+$0xFFFFFFF0];
	p4 =	slt.u32 s25, $0xF50;
	v11 =	vmov v6  }
0xf0: {  	v6 =	vld [tilespmem:s16+$0x0];
	v12 =	vmov v7  }
0xf1: {  	v7 =	vld [tilespmem:s16+$0x10]  }
0xf2: {  	v13 =	vld [tilespmem:s16+$0xFFFFFFE0]  }
0xf3: {  	[tilespmem:v2+s30+$0x0] =	vst.idx.add.f32.msk $0xffff, v4  }
0xf4: {  	s23 =	sadd.s32 $0x50, s23;
	[tilespmem:v3+s30+$0x0] =	vst.idx.add.f32.msk $0xffff, v5  }
0xf5: {  	v2 =	vld [tilespmem:s23+$0x20]  }
0xf6: {  	s24 =	sadd.s32 $0x50, s24;
	v3 =	vld.idx.msk [tilespmem:v9+s4+$0x0], $0xffff  }
0xf7: {  	v4 =	vld [tilespmem:s24+$0x20]  }
0xf8: {  	v5 =	vld.idx.msk [tilespmem:v8+s4+$0x0], $0xffff  }
0xf9: {  	v8 =	vld.idx.msk [tilespmem:v6+s4+$0x0], $0xffff  }
0xfa: {  	v6 =	vld.idx.msk [tilespmem:v13+s4+$0x0], $0xffff  }
0xfb: {  	v9 =	vld.idx.msk [tilespmem:v7+s4+$0x0], $0xffff  }
0xfc: {  	v7 =	vld [tilespmem:s24+$0xFFFFFFE0];
	v3 =	vmul.f32 v4, v3  }
0xfd: {  	v13 =	vld [tilespmem:s24+$0xFFFFFFF0]  }
0xfe: {  	[tilespmem:v2+s30+$0x0] =	vst.idx.add.f32.msk $0xffff, v3  }
0xff: {  	v14 =	vld [tilespmem:s24+$0x0]  }
0x100: {  	v15 =	vld [tilespmem:s24+$0x10]  }
0x101: {  	v4 =	vmul.f32 v7, v6;
	v2 =	vld [tilespmem:s23+$0xFFFFFFE0]  }
.Ltmp2:
0x102: {  	v5 =	vmul.f32 v13, v5;
	v3 =	vld [tilespmem:s23+$0xFFFFFFF0];
	(pc) =	sbr.rel @p4 .LBB2_7-.Ltmp2, $4  }
0x103: {  	v6 =	vld [tilespmem:s23+$0x0]  }
0x104: {  	v13 =	vmul.f32 v14, v8;
	v7 =	vld [tilespmem:s23+$0x10]  }
0x105: {  	v8 =	vmul.f32 v15, v9;
	[tilespmem:v11+s30+$0x0] =	vst.idx.add.f32.msk $0xffff, v1  }
0x106: {  	s16 =	sadd.s32 $0x50, s16;
	[tilespmem:v12+s30+$0x0] =	vst.idx.add.f32.msk $0xffff, v10;
	v1 =	vmov v13  }
0x107: {  	_ =	sdelay $0x3  }
0x108: {  	[tilespmem:v2+s30+$0x0] =	vst.idx.add.f32.msk $0xffff, v4;
	p4 =	seq.s32 s0, $0x18  }
0x109: {  	[tilespmem:v3+s30+$0x0] =	vst.idx.add.f32.msk $0xffff, v5;
	s2 =	sadd.s32 @!p4 s2, s19  }
0x10a: {  	[tilespmem:v6+s30+$0x0] =	vst.idx.add.f32.msk $0xffff, v1;
	s23 =	simm.s32 @!p4 $0x0;
	s2 =	sshrl.u32 @!p4 s2, $0x3  }
0x10b: {  	s24 =	simm.s32 @!p4 $0x18700;
	p5 =	sne.s32 @!p4 s1, $0x0;
	[tilespmem:v7+s30+$0x0] =	vst.idx.add.f32.msk $0xffff, v8;
	s16 =	sadd.s32 @!p4 s5, s2  }
0x10c: {  	[tilespmem:s24], [sflag:$0x1] =	stream.linear.gather @!p4 [hbm4b:s16+s23], $0xFA0, $0x38;
	[tilespmem:$0x1E700] =	vst v63  }
0x10d: {  	p5 =	por p5, p4;
	s16 =	sadd.s32 @!p4 s6, s2;
	s24 =	simm.s32 @!p4 $0x19700  }
0x10e: {  	[tilespmem:s24], [sflag:$0x1] =	stream.linear.gather @!p4 [hbm4b:s16+s23], $0xFA0, $0x38;
	[tilespmem:$0x1E700] =	vst v63  }
0x10f: {  	s16 =	sadd.s32 @!p5 s7, s2;
	s23 =	simm.s32 @!p5 $0x0;
	s24 =	simm.s32 @!p5 $0x1A700  }
0x110: {  	[tilespmem:s24], [sflag:$0x1] =	stream.linear.gather @!p5 [hbm4b:s16+s23], $0xFA0, $0x38;
	[tilespmem:$0x1E700] =	vst v63  }
0x111: {  	p5 =	por !p2, p4  }
0x112: {  	s16 =	sadd.s32 @!p5 s8, s2;
	s23 =	simm.s32 @!p5 $0x0;
	s24 =	simm.s32 @!p5 $0x1A700  }
0x113: {  	[tilespmem:s24], [sflag:$0x1] =	stream.linear.gather @!p5 [hbm4b:s16+s23], $0xFA0, $0x38;
	[tilespmem:$0x1E700] =	vst v63  }
0x114: {  	p5 =	por !p1, p4  }
0x115: {  	s16 =	sadd.s32 @!p5 s9, s2;
	s23 =	simm.s32 @!p5 $0x0;
	s24 =	simm.s32 @!p5 $0x1A700  }
0x116: {  	[tilespmem:s24], [sflag:$0x1] =	stream.linear.gather @!p5 [hbm4b:s16+s23], $0xFA0, $0x38;
	[tilespmem:$0x1E700] =	vst v63  }
0x117: {  	p5 =	por !p3, p4  }
0x118: {  	s16 =	sadd.s32 @!p5 s11, s2;
	s23 =	simm.s32 @!p5 $0x0;
	s24 =	simm.s32 @!p5 $0x1A700  }
0x119: {  	[tilespmem:s24], [sflag:$0x1] =	stream.linear.gather @!p5 [hbm4b:s16+s23], $0xFA0, $0x38;
	[tilespmem:$0x1E700] =	vst v63  }
0x11a: {  	s23 =	sld [smem:$0x7E5];
	_ =	sdelay $0x2  }
0x11b: {  	p5 =	seq.s32 s23, $0x1  }
0x11c: {  	p5 =	por !p5, p4  }
0x11d: {  	s16 =	sadd.s32 @!p5 s10, s2;
	s23 =	simm.s32 @!p5 $0x0;
	s24 =	simm.s32 @!p5 $0x1A700  }
0x11e: {  	[tilespmem:s24], [sflag:$0x1] =	stream.linear.gather @!p5 [hbm4b:s16+s23], $0xFA0, $0x38;
	[tilespmem:$0x1E700] =	vst v63  }
0x11f: {  	s24 =	sld [smem:$0x7E4];
	_ =	sdelay $0x2  }
0x120: {  	p5 =	seq.s32 s24, $0x1  }
0x121: {  	p5 =	por !p5, p4  }
0x122: {  	s16 =	sadd.s32 @!p5 s12, s2;
	s23 =	simm.s32 @!p5 $0x0;
	s24 =	simm.s32 @!p5 $0x1A700  }
0x123: {  	[tilespmem:s24], [sflag:$0x1] =	stream.linear.gather @!p5 [hbm4b:s16+s23], $0xFA0, $0x38;
	[tilespmem:$0x1E700] =	vst v63  }
0x124: {  	p5 =	por !p0, p4;
	p4 =	por !p6, p4  }
0x125: {  	s16 =	sadd.s32 @!p5 s13, s2;
	s23 =	simm.s32 @!p5 $0x0;
	s24 =	simm.s32 @!p5 $0x1A700  }
0x126: {  	[tilespmem:s24], [sflag:$0x1] =	stream.linear.gather @!p5 [hbm4b:s16+s23], $0xFA0, $0x38;
	[tilespmem:$0x1E700] =	vst v63  }
0x127: {  	s2 =	sadd.s32 @!p4 s14, s2;
	s16 =	simm.s32 @!p4 $0x0;
	s23 =	simm.s32 @!p4 $0x1A700  }
0x128: {  	[tilespmem:s23], [sflag:$0x1] =	stream.linear.gather @!p4 [hbm4b:s2+s16], $0xFA0, $0x38;
	[tilespmem:$0x1E700] =	vst v63  }
0x129: {  	_ =	swait.ge [sflag:s31], $0xFA0  }
0x12a: {  	[sflag:s31] =	ssyncset.done $0x0  }
0x12b: {  	[sflag:s31] =	ssyncadd.s32 $0xFFFFF060  }
0x12c: {  	_ =	swait.ge [sflag:s31], $0xFA0  }
0x12d: {  	[sflag:s31] =	ssyncset.done $0x0  }
0x12e: {  	[sflag:s31] =	ssyncadd.s32 $0xFFFFF060  }
0x12f: {  	_ =	swait.ge [sflag:s31], $0xFA0  }
0x130: {  	[sflag:s31] =	ssyncset.done $0x0  }
0x131: {  	s25 =	simm.s32 $0x1B720;
	[sflag:s31] =	ssyncadd.s32 $0xFFFFF060  }
0x132: {  	v1 =	vld [tilespmem:s25+$0x20]  }
0x133: {  	v2 =	vld [tilespmem:s25+$0xFFFFFFF0]  }
0x134: {  	v3 =	vld [tilespmem:s25+$0x0]  }
0x135: {  	v4 =	vld [tilespmem:s25+$0xFFFFFFE0]  }
0x136: {  	s2 =	simm.s32 $0x1C720;
	v5 =	vld [tilespmem:s25+$0x10]  }
0x137: {  	s23 =	simm.s32 $0x1D720;
	v6 =	vld [tilespmem:s2+$0x20]  }
0x138: {  	v7 =	vld [tilespmem:s23+$0x20]  }
0x139: {  	v11 =	vld [tilespmem:s23+$0xFFFFFFF0]  }
0x13a: {  	v12 =	vld [tilespmem:s23+$0x10]  }
0x13b: {  	v1 =	vld.idx.msk [tilespmem:v1+s4+$0x0], $0xffff  }
0x13c: {  	v9 =	vld.idx.msk [tilespmem:v3+s4+$0x0], $0xffff  }
0x13d: {  	v3 =	vld.idx.msk [tilespmem:v4+s4+$0x0], $0xffff  }
0x13e: {  	v10 =	vld.idx.msk [tilespmem:v5+s4+$0x0], $0xffff  }
0x13f: {  	v5 =	vld [tilespmem:s23+$0xFFFFFFE0]  }
0x140: {  	v1 =	vmul.f32 v7, v1;
	v7 =	vld [tilespmem:s23+$0x0]  }
0x141: {  	v8 =	vld.idx.msk [tilespmem:v2+s4+$0x0], $0xffff  }
0x142: {  	v2 =	vld [tilespmem:s2+$0xFFFFFFE0]  }
0x143: {  	[tilespmem:v6+s30+$0x0] =	vst.idx.add.f32.msk $0xffff, v1  }
0x144: {  	v6 =	vld [tilespmem:s2+$0x0]  }
0x145: {  	v3 =	vmul.f32 v5, v3;
	v1 =	vmul.f32 v7, v9;
	v7 =	vld [tilespmem:s2+$0x10]  }
0x146: {  	v4 =	vld [tilespmem:s2+$0xFFFFFFF0];
	v5 =	vmul.f32 v11, v8;
	v8 =	vmul.f32 v12, v10  }
0x147: {  	s24 =	simm.s32 $0x0;
	s16 =	simm.s32 $0x1B770  }
.LBB2_9:
0x148: {  	v9 =	vld [tilespmem:s16+$0x20];
	s24 =	sadd.s32 $0x50, s24;
	v10 =	vmov v8  }
0x149: {  	v8 =	vld [tilespmem:s16+$0xFFFFFFF0];
	p4 =	slt.u32 s24, $0xF50;
	v11 =	vmov v6  }
0x14a: {  	v6 =	vld [tilespmem:s16+$0x0];
	v12 =	vmov v7  }
0x14b: {  	v7 =	vld [tilespmem:s16+$0x10]  }
0x14c: {  	v13 =	vld [tilespmem:s16+$0xFFFFFFE0]  }
0x14d: {  	[tilespmem:v2+s30+$0x0] =	vst.idx.add.f32.msk $0xffff, v3  }
0x14e: {  	s2 =	sadd.s32 $0x50, s2;
	[tilespmem:v4+s30+$0x0] =	vst.idx.add.f32.msk $0xffff, v5  }
0x14f: {  	v2 =	vld [tilespmem:s2+$0x20]  }
0x150: {  	s23 =	sadd.s32 $0x50, s23;
	v3 =	vld.idx.msk [tilespmem:v9+s4+$0x0], $0xffff  }
0x151: {  	v4 =	vld [tilespmem:s23+$0x20]  }
0x152: {  	v5 =	vld.idx.msk [tilespmem:v8+s4+$0x0], $0xffff  }
0x153: {  	v8 =	vld.idx.msk [tilespmem:v6+s4+$0x0], $0xffff  }
0x154: {  	v6 =	vld.idx.msk [tilespmem:v13+s4+$0x0], $0xffff  }
0x155: {  	v9 =	vld.idx.msk [tilespmem:v7+s4+$0x0], $0xffff  }
0x156: {  	v7 =	vld [tilespmem:s23+$0xFFFFFFE0];
	v3 =	vmul.f32 v4, v3  }
0x157: {  	v4 =	vld [tilespmem:s23+$0xFFFFFFF0]  }
0x158: {  	[tilespmem:v2+s30+$0x0] =	vst.idx.add.f32.msk $0xffff, v3  }
0x159: {  	v13 =	vld [tilespmem:s23+$0x0]  }
0x15a: {  	v14 =	vld [tilespmem:s23+$0x10]  }
0x15b: {  	v3 =	vmul.f32 v7, v6;
	v2 =	vld [tilespmem:s2+$0xFFFFFFE0]  }
.Ltmp3:
0x15c: {  	v5 =	vmul.f32 v4, v5;
	v4 =	vld [tilespmem:s2+$0xFFFFFFF0];
	(pc) =	sbr.rel @p4 .LBB2_9-.Ltmp3, $4  }
0x15d: {  	v6 =	vld [tilespmem:s2+$0x0]  }
0x15e: {  	v13 =	vmul.f32 v13, v8;
	v7 =	vld [tilespmem:s2+$0x10]  }
0x15f: {  	v8 =	vmul.f32 v14, v9;
	[tilespmem:v11+s30+$0x0] =	vst.idx.add.f32.msk $0xffff, v1  }
0x160: {  	s16 =	sadd.s32 $0x50, s16;
	[tilespmem:v12+s30+$0x0] =	vst.idx.add.f32.msk $0xffff, v10;
	v1 =	vmov v13  }
0x161: {  	_ = 	snop  }
0x162: {  	s0 =	sadd.s32 $0x1, s0  }
0x163: {  	p4 =	sne.s32 s0, $0x19  }
.Ltmp4:
0x164: {  	_ = 	snop;
	(pc) =	sbr.rel @p4 .LBB2_6-.Ltmp4, $4  }
0x165: {  	[tilespmem:v2+s30+$0x0] =	vst.idx.add.f32.msk $0xffff, v3  }
0x166: {  	[tilespmem:v4+s30+$0x0] =	vst.idx.add.f32.msk $0xffff, v5  }
0x167: {  	[tilespmem:v6+s30+$0x0] =	vst.idx.add.f32.msk $0xffff, v1  }
0x168: {  	[tilespmem:v7+s30+$0x0] =	vst.idx.add.f32.msk $0xffff, v8  }
0x169: {  	s3 =	sadd.s32 $0x1, s3  }
0x16a: {  	p0 =	sne.s32 s3, s21  }
.Ltmp5:
0x16b: {  	_ = 	snop;
	(pc) =	sbr.rel @p0 .LBB2_1-.Ltmp5, $4  }
0x16c: {  	[hbm4b:s20+s4] =	stream.linear.scatter [tilespmem:s30], [sflag:$0x3], $0xC350, $0x38;
	[tilespmem:$0x1E700] =	vst v63  }
0x16d: {  	_ =	swait.ge [sflag:s22], $0xC350  }
0x16e: {  	[sflag:s22] =	ssyncset.done $0x0  }
0x16f: {  	[sflag:s22] =	ssyncadd.s32 $0xFFFF3CB0  }
0x170: {  	_ =	sfence.sel $0x180000  }
0x171: {  	[bflag:$0x0] =	sbarrier.arrive $0xFFFF  }
0x172: {  	_ =	strace $0x90000047  }
0x173: {  	s0 =	stileid.u32;
	[bflag:$0x2] =	sbarrier.arrive $0xFFFF  }
0x174: {  	p0 =	sne.s32 s0, $0x0;
	s0 =	rddreg [dreg:$0x2]  }
0x175: {  	s0 =	sadd.s32 @!p0 $0x100000, s0  }
0x176: {  	[sflag:s0] =	ssyncadd.tile.s32 @!p0 $0x1;
	_ =	shalt  }
.Lfunc_end2:
_tile_overlayer_lowered:
.L_overlay_start_2:
0x177: {  	(tag) =	ssettag $0x2  }
0x178: {  	s0 =	rddreg [dreg:$0x0];
	s2 =	stileid.u32  }
0x179: {  	s1 =	rddreg [dreg:$0x1];
	p0 =	sne.s32 s2, $0x0  }
0x17a: {  	s3 =	rddreg [dreg:$0x2];
	[bflag:$0x3] =	sbarrier.arrive $0xFFFF;
	s2 =	simm.s32 @!p0 $0x1C03  }
0x17b: {  	[timem:s3], [sflag:s2] =	dma.local @!p0 [hbm:s0], s1  }
0x17c: {  	s0 =	simm.s32 @!p0 $0x3  }
0x17d: {  	_ =	swait.ge @!p0 [sflag:s0], s1  }
0x17e: {  	s1 =	ssub.s32 @!p0 $0x0, s1;
	[sflag:s0] =	ssyncset.done @!p0 $0x0  }
0x17f: {  	[sflag:s0] =	ssyncadd.s32 @!p0 s1  }
0x180: {  	[bflag:$0x3] =	sbarrier.arrive $0xFFFF  }
0x181: {  	_ =	shalt  }

</sc_bundles>
